<compile_context>
chip_gen: v7x
topology: tpu7x:2x2x1
jax: 0.10.2.dev20260603
libtpu: 0.0.44.dev20260713+nightly
codegen_flags: <defaults>
</compile_context>

<pallas_src>
import functools

import jax
import jax.numpy as jnp
from jax import lax
from jax.experimental import pallas as pl
from jax.experimental.pallas import tpu as pltpu
from jax.experimental.pallas import tpu_sc as plsc

N_NODES = 10000
N_EDGES = 320000
B = 64

_NC = 2
_NS = 16
_NW = _NC * _NS


def _make_sc_seg_sum(n, w, e, compute_deg, halves):
    C = 128
    SEG = 8
    NSEG = 20 if halves else 10
    P = SEG // 2
    rps = 1000
    n_drain = n // rps

    mesh = plsc.VectorSubcoreMesh(core_axis_name="c", subcore_axis_name="s")
    out_type = [jax.ShapeDtypeStruct((_NC, n, w), jnp.float32)]
    scratch = [
        pltpu.VMEM_SHARED((n + 8, w), jnp.float32),
        pltpu.VMEM((SEG, C), jnp.int32),
        pltpu.VMEM((SEG, C), jnp.int32),
        pltpu.VMEM((C, w), jnp.float32),
        pltpu.VMEM((C, w), jnp.float32),
        pltpu.VMEM((C,), jnp.int32),
        pltpu.SemaphoreType.DMA,
        pltpu.SemaphoreType.DMA,
    ]
    if compute_deg:
        out_type.append(jax.ShapeDtypeStruct((_NC * n,), jnp.float32))
        scratch += [
            pltpu.VMEM_SHARED((n + 8,), jnp.float32),
            pltpu.VMEM((C,), jnp.float32),
            pltpu.VMEM((rps,), jnp.float32),
        ]

    @functools.partial(
        pl.kernel, mesh=mesh, out_type=tuple(out_type), scratch_types=scratch)
    def k(ha_hbm, hb_hbm, src_hbm, dst_hbm, zrow_hbm, zdeg_hbm, *rest):
        if compute_deg:
            (acc_out, deg_out, shared_acc, src_tab, dst_tab, buf0, buf1,
             dst_v, sem0, sem1, shared_deg, ones_v, degbuf) = rest
        else:
            (acc_out, shared_acc, src_tab, dst_tab, buf0, buf1,
             dst_v, sem0, sem1) = rest
        cid = lax.axis_index("c")
        sid = lax.axis_index("s")
        wid = sid * _NC + cid
        tab_id = sid if halves else wid

        @pl.when(sid < n_drain)
        def _():
            pltpu.sync_copy(zrow_hbm, buf0)
            for t in range(7):
                pltpu.sync_copy(buf0,
                                shared_acc.at[pl.ds(sid * rps + t * 128, 128)])
            pltpu.sync_copy(buf0.at[pl.ds(0, 104)],
                            shared_acc.at[pl.ds(sid * rps + 896, 104)])
        if compute_deg:
            @pl.when(sid < n_drain)
            def _():
                pltpu.sync_copy(zdeg_hbm, degbuf)
                pltpu.sync_copy(degbuf, shared_deg.at[pl.ds(sid * rps, rps)])
            for i in range(C // 16):
                ones_v[pl.ds(i * 16, 16)] = jnp.full((16,), 1.0, jnp.float32)
        plsc.subcore_barrier()

        def run_edges(h_hbm):
            def seg(s, carry):
                pltpu.sync_copy(src_hbm.at[tab_id, s], src_tab)
                pltpu.sync_copy(dst_hbm.at[tab_id, s], dst_tab)
                pltpu.async_copy(h_hbm.at[src_tab.at[0]], buf0, sem0)

                def pair(i, carry2):
                    j0 = 2 * i
                    pltpu.async_copy(h_hbm.at[src_tab.at[j0 + 1]], buf1, sem1)
                    for q in range(C // 16):
                        dst_v[pl.ds(q * 16, 16)] = dst_tab[j0,
                                                           pl.ds(q * 16, 16)]
                    pltpu.make_async_copy(h_hbm.at[src_tab.at[j0]], buf0,
                                          sem0).wait()
                    pltpu.sync_copy(buf0, shared_acc.at[dst_v], add=True)
                    if compute_deg:
                        pltpu.sync_copy(ones_v, shared_deg.at[dst_v],
                                        add=True)

                    @pl.when(i < P - 1)
                    def _():
                        pltpu.async_copy(h_hbm.at[src_tab.at[j0 + 2]], buf0,
                                         sem0)

                    for q in range(C // 16):
                        dst_v[pl.ds(q * 16, 16)] = dst_tab[j0 + 1,
                                                           pl.ds(q * 16, 16)]
                    pltpu.make_async_copy(h_hbm.at[src_tab.at[j0 + 1]], buf1,
                                          sem1).wait()
                    pltpu.sync_copy(buf1, shared_acc.at[dst_v], add=True)
                    if compute_deg:
                        pltpu.sync_copy(ones_v, shared_deg.at[dst_v],
                                        add=True)
                    return carry2

                lax.fori_loop(0, P, pair, 0)
                return carry

            lax.fori_loop(0, NSEG, seg, 0)

        if halves:
            @pl.when(cid == 0)
            def _():
                run_edges(ha_hbm)

            @pl.when(cid == 1)
            def _():
                run_edges(hb_hbm)
        else:
            run_edges(ha_hbm)
        plsc.subcore_barrier()

        r0 = sid * rps

        @pl.when(sid < n_drain)
        def _():
            for t in range(7):
                pltpu.sync_copy(shared_acc.at[pl.ds(r0 + t * 128, 128)], buf0)
                pltpu.sync_copy(buf0, acc_out.at[cid, pl.ds(r0 + t * 128, 128)])
            pltpu.sync_copy(shared_acc.at[pl.ds(r0 + 896, 104)],
                            buf0.at[pl.ds(0, 104)])
            pltpu.sync_copy(buf0.at[pl.ds(0, 104)],
                            acc_out.at[cid, pl.ds(r0 + 896, 104)])
            if compute_deg:
                pltpu.sync_copy(shared_deg.at[pl.ds(r0, rps)], degbuf)
                pltpu.sync_copy(degbuf, deg_out.at[pl.ds(cid * n + r0, rps)])

    return k


def _pad_tables(src, dst, n, nworkers, nseg):
    e = src.shape[0]
    epw = e // nworkers
    pad = nseg * 8 * 128 - epw
    s2 = src.reshape(nworkers, epw)
    d2 = dst.reshape(nworkers, epw)
    s2 = jnp.concatenate(
        [s2, jnp.zeros((nworkers, pad), jnp.int32)], axis=1)
    d2 = jnp.concatenate(
        [d2, jnp.full((nworkers, pad), n, jnp.int32)], axis=1)
    return (s2.reshape(nworkers, nseg, 8, 128),
            d2.reshape(nworkers, nseg, 8, 128))


def _sc_seg_sum(h, src, dst, compute_deg):
    n, w = h.shape
    zrow = jnp.zeros((128, w), jnp.float32)
    zdeg = jnp.zeros((1000,), jnp.float32)
    src4, dst4 = _pad_tables(src, dst, n, _NW, 10)
    k = _make_sc_seg_sum(n, w, src.shape[0], compute_deg, halves=False)
    return k(h, h, src4, dst4, zrow, zdeg)


def _sc_seg_sum_halves(ha, hb, src, dst):
    n, w = ha.shape
    zrow = jnp.zeros((128, w), jnp.float32)
    zdeg = jnp.zeros((1000,), jnp.float32)
    src4, dst4 = _pad_tables(src, dst, n, _NS, 20)
    k = _make_sc_seg_sum(n, w, src.shape[0], compute_deg=False, halves=True)
    return k(ha, hb, src4, dst4, zrow, zdeg)


_RB = 400


def _tc_layer1(acc, deg, x, WlT, WrT, b):
    n, w = x.shape
    dout = WlT.shape[1]
    grid = (n // _RB,)

    def body(acc_ref, deg_ref, x_ref, wl_ref, wr_ref, b_ref, h_ref, inv_ref):
        d = jnp.maximum(deg_ref[0] + deg_ref[1], 1.0)
        inv = 1.0 / d
        inv_ref[...] = inv
        agg = (acc_ref[0] + acc_ref[1]) * inv
        h = jnp.dot(agg, wl_ref[...], preferred_element_type=jnp.float32)
        h += jnp.dot(x_ref[...], wr_ref[...], preferred_element_type=jnp.float32)
        h_ref[...] = jnp.maximum(h + b_ref[...], 0.0)

    return pl.pallas_call(
        body,
        grid=grid,
        in_specs=[
            pl.BlockSpec((2, _RB, w), lambda i: (0, i, 0)),
            pl.BlockSpec((2, _RB, 1), lambda i: (0, i, 0)),
            pl.BlockSpec((_RB, w), lambda i: (i, 0)),
            pl.BlockSpec(WlT.shape, lambda i: (0, 0)),
            pl.BlockSpec(WrT.shape, lambda i: (0, 0)),
            pl.BlockSpec((1, dout), lambda i: (0, 0)),
        ],
        out_specs=[
            pl.BlockSpec((_RB, dout), lambda i: (i, 0)),
            pl.BlockSpec((_RB, 1), lambda i: (i, 0)),
        ],
        out_shape=[
            jax.ShapeDtypeStruct((n, dout), jnp.float32),
            jax.ShapeDtypeStruct((n, 1), jnp.float32),
        ],
    )(acc, deg.reshape(2, n, 1), x, WlT, WrT, b.reshape(1, dout))


def _tc_layer(acc, inv_deg, x, WlT, WrT, b, merge):
    n = x.shape[0]
    din = x.shape[1]
    dout = WlT.shape[1]
    w_each = acc.shape[2]
    grid = (n // _RB,)

    def body(acc_ref, inv_ref, x_ref, wl_ref, wr_ref, b_ref, h_ref):
        inv = inv_ref[...]
        if merge:
            agg = (acc_ref[0] + acc_ref[1]) * inv
        else:
            agg = jnp.concatenate([acc_ref[0] * inv, acc_ref[1] * inv], axis=1)
        h = jnp.dot(agg, wl_ref[...], preferred_element_type=jnp.float32)
        h += jnp.dot(x_ref[...], wr_ref[...], preferred_element_type=jnp.float32)
        h_ref[...] = jnp.maximum(h + b_ref[...], 0.0)

    in_specs = [pl.BlockSpec((2, _RB, w_each), lambda i: (0, i, 0))]
    in_specs += [
        pl.BlockSpec((_RB, 1), lambda i: (i, 0)),
        pl.BlockSpec((_RB, din), lambda i: (i, 0)),
        pl.BlockSpec(WlT.shape, lambda i: (0, 0)),
        pl.BlockSpec(WrT.shape, lambda i: (0, 0)),
        pl.BlockSpec((1, dout), lambda i: (0, 0)),
    ]
    return pl.pallas_call(
        body,
        grid=grid,
        in_specs=in_specs,
        out_specs=pl.BlockSpec((_RB, dout), lambda i: (i, 0)),
        out_shape=jax.ShapeDtypeStruct((n, dout), jnp.float32),
    )(acc, inv_deg, x, WlT, WrT, b.reshape(1, dout))


def _tc_segment_max(h, batch2d, nseg):
    n, d = h.shape
    grid = (n // _RB,)

    def body(h_ref, b_ref, g_ref):
        i = pl.program_id(0)

        @pl.when(i == 0)
        def _():
            g_ref[...] = jnp.full((nseg, d), -jnp.inf, jnp.float32)

        bmin = b_ref[0, 0]
        bmax = b_ref[_RB - 1, 0]
        hv = h_ref[...]
        bv = b_ref[...]

        def seg_body(s, carry):
            vals = jnp.where(bv == s, hv, -jnp.inf)
            m = jnp.max(vals, axis=0, keepdims=True)
            g_ref[pl.ds(s, 1), :] = jnp.maximum(g_ref[pl.ds(s, 1), :], m)
            return carry

        lax.fori_loop(bmin, bmax + 1, seg_body, 0)

    return pl.pallas_call(
        body,
        grid=grid,
        in_specs=[
            pl.BlockSpec((_RB, d), lambda i: (i, 0)),
            pl.BlockSpec((_RB, 1), lambda i: (i, 0)),
        ],
        out_specs=pl.BlockSpec((nseg, d), lambda i: (0, 0)),
        out_shape=jax.ShapeDtypeStruct((nseg, d), jnp.float32),
    )(h, batch2d)


def _phase_weights(w):
    cout, cin, _ = w.shape
    rows = []
    for rr in range(12):
        blocks = []
        for j in range(3):
            t = rr - j
            if 0 <= t < 8:
                blocks.append(w[:, :, t].T)
            else:
                blocks.append(jnp.zeros((cin, cout), jnp.float32))
        rows.append(jnp.concatenate(blocks, axis=1))
    return jnp.concatenate(rows, axis=0)


def _tc_conv_phase(xg, wp, bp, lp, cout):
    _, G, M = xg.shape

    def body(x_ref, w_ref, b_ref, o_ref):
        xr = x_ref[...].reshape(G, M)
        cols = jnp.concatenate([xr[s:s + lp] for s in range(4)], axis=1)
        pre = jnp.dot(cols, w_ref[...], preferred_element_type=jnp.float32)
        pre = jnp.maximum(pre + b_ref[...], 0.0)
        y = jnp.maximum(jnp.maximum(pre[:, :cout], pre[:, cout:2 * cout]),
                        pre[:, 2 * cout:])
        o_ref[...] = y[None]

    return pl.pallas_call(
        body,
        grid=(B,),
        in_specs=[
            pl.BlockSpec((1, G, M), lambda n: (n, 0, 0)),
            pl.BlockSpec(wp.shape, lambda n: (0, 0)),
            pl.BlockSpec((1, 3 * cout), lambda n: (0, 0)),
        ],
        out_specs=pl.BlockSpec((1, lp, cout), lambda n: (n, 0, 0)),
        out_shape=jax.ShapeDtypeStruct((B, lp, cout), jnp.float32),
    )(xg, wp, bp)


def _tc_conv_stage(x, wT, b):
    _, L, cin = x.shape
    cout = wT.shape[2]
    lo = L - 7
    lp = lo // 3

    def body(x_ref, w_ref, b_ref, o_ref):
        xc = x_ref[...].reshape(L, cin)
        pre = b_ref[...]
        for t in range(8):
            pre = pre + jnp.dot(xc[t:t + lo, :], w_ref[t],
                                preferred_element_type=jnp.float32)
        pre = jnp.maximum(pre, 0.0)
        pre = pre[:lp * 3].reshape(lp, 3, cout)
        o_ref[...] = jnp.max(pre, axis=1)[None]

    return pl.pallas_call(
        body,
        grid=(B,),
        in_specs=[
            pl.BlockSpec((1, L, cin), lambda n: (n, 0, 0)),
            pl.BlockSpec(wT.shape, lambda n: (0, 0, 0)),
            pl.BlockSpec((1, cout), lambda n: (0, 0)),
        ],
        out_specs=pl.BlockSpec((1, lp, cout), lambda n: (n, 0, 0)),
        out_shape=jax.ShapeDtypeStruct((B, lp, cout), jnp.float32),
    )(x, wT, b.reshape(1, cout))


def _tc_proj(flat, WxtT, bxt):
    k = flat.shape[1]
    kb = 8832
    steps = k // kb
    dout = WxtT.shape[1]

    def body(a_ref, w_ref, b_ref, o_ref):
        j = pl.program_id(0)

        @pl.when(j == 0)
        def _():
            o_ref[...] = jnp.broadcast_to(b_ref[...], (B, dout))

        o_ref[...] += jnp.dot(a_ref[...], w_ref[...],
                              preferred_element_type=jnp.float32)

    return pl.pallas_call(
        body,
        grid=(steps,),
        in_specs=[
            pl.BlockSpec((B, kb), lambda j: (0, j)),
            pl.BlockSpec((kb, dout), lambda j: (j, 0)),
            pl.BlockSpec((1, dout), lambda j: (0, 0)),
        ],
        out_specs=pl.BlockSpec((B, dout), lambda j: (0, 0)),
        out_shape=jax.ShapeDtypeStruct((B, dout), jnp.float32),
    )(flat, WxtT, bxt.reshape(1, dout))


def _tc_heads(g_raw, xt, Wg1T, bg1, Wg2T, bg2, Wf1T, bf1, Wf2T, bf2,
              WoutT, bout):
    def body(g_ref, xt_ref, wg1, bg1r, wg2, bg2r, wf1, bf1r, wf2, bf2r,
             wo, bor, o_ref):
        g = jnp.maximum(jnp.dot(g_ref[...], wg1[...],
                                preferred_element_type=jnp.float32)
                        + bg1r[...], 0.0)
        g = jnp.dot(g, wg2[...], preferred_element_type=jnp.float32) + bg2r[...]
        xc = jnp.concatenate([g, xt_ref[...]], axis=1)
        f = jnp.maximum(jnp.dot(xc, wf1[...],
                                preferred_element_type=jnp.float32)
                        + bf1r[...], 0.0)
        f = jnp.maximum(jnp.dot(f, wf2[...],
                                preferred_element_type=jnp.float32)
                        + bf2r[...], 0.0)
        z = jnp.dot(f, wo[...], preferred_element_type=jnp.float32) + bor[...]
        o_ref[...] = jax.nn.sigmoid(z)

    args = [g_raw, xt, Wg1T, bg1.reshape(1, -1), Wg2T, bg2.reshape(1, -1),
            Wf1T, bf1.reshape(1, -1), Wf2T, bf2.reshape(1, -1),
            WoutT, bout.reshape(1, -1)]
    return pl.pallas_call(
        body,
        out_shape=jax.ShapeDtypeStruct((B, 1), jnp.float32),
    )(*args)


def kernel(x, edge_index, batch, x_cell_mut, edge_feat, W_l1, W_r1, b1,
           W_l2, W_r2, b2, W_l3, W_r3, b3, Wg1, bg1, Wg2, bg2, Wc1, bc1,
           Wc2, bc2, Wc3, bc3, Wxt, bxt, Wf1, bf1, Wf2, bf2, Wout, bout):
    src = edge_index[0]
    dst = edge_index[1]

    acc1, deg = _sc_seg_sum(x, src, dst, compute_deg=True)
    h1, inv_deg = _tc_layer1(acc1, deg, x, W_l1.T, W_r1.T, b1)

    acc2 = _sc_seg_sum(h1, src, dst, compute_deg=False)[0]
    h2 = _tc_layer(acc2, inv_deg, h1, W_l2.T, W_r2.T, b2, merge=True)

    acc3 = _sc_seg_sum_halves(h2[:, :128], h2[:, 128:], src, dst)[0]
    h3 = _tc_layer(acc3, inv_deg, h2, W_l3.T, W_r3.T, b3, merge=False)

    g_raw = _tc_segment_max(h3, batch.reshape(N_NODES, 1), B)

    c1 = _tc_conv_phase(x_cell_mut.reshape(B, 4380, 3),
                        _phase_weights(Wc1), jnp.tile(bc1, 3)[None], 4377, 32)
    c2 = _tc_conv_phase(c1.reshape(B, 1459, 96),
                        _phase_weights(Wc2), jnp.tile(bc2, 3)[None], 1456, 64)
    w3T = jnp.transpose(Wc3, (2, 1, 0))
    c3 = _tc_conv_stage(c2, w3T, bc3)

    flat = c3.reshape(B, -1)
    WxtT = jnp.transpose(Wxt.reshape(128, 128, 483), (2, 1, 0)).reshape(61824, 128)
    xt = _tc_proj(flat, WxtT, bxt)

    return _tc_heads(g_raw, xt, Wg1.T, bg1, Wg2.T, bg2, Wf1.T, bf1,
                     Wf2.T, bf2, Wout.T, bout)

# --- scband reference (transcript-rebuilt; emitter-appended) ---
"""Pipeline reference for scband-sagenet-28707561406529 (READ-ONLY COPY).

The authoritative reference and input builder live on the scoring server;
editing this copy changes nothing except your own understanding.
"""

import jax, jax.numpy as jnp
import numpy as np

N_NODES = 10000
N_EDGES = 320000
D = 128
B = 64
L = 13140


def _sage(x, src, dst, Wl, Wr, b, n):
    # PyG SAGEConv (aggr='mean'): out = lin_l(mean_{j->i} x_j) + lin_r(x_i) + bias
    msg = jnp.take(x, src, axis=0)
    s = jax.ops.segment_sum(msg, dst, num_segments=n)
    deg = jax.ops.segment_sum(jnp.ones((src.shape[0],), dtype=x.dtype), dst, num_segments=n)
    agg = s / jnp.maximum(deg, 1.0)[:, None]
    return agg @ Wl.T + x @ Wr.T + b


def _conv1d(x, w, b):
    out = jax.lax.conv_general_dilated(x, w, window_strides=(1,), padding='VALID', dimension_numbers=('NCH', 'OIH', 'NCH'))
    return out + b[None, :, None]


def _maxpool3(x):
    return jax.lax.reduce_window(x, -np.inf, jax.lax.max, (1, 1, 3), (1, 1, 3), 'VALID')


def setup_inputs(seed: int = 0):
    key = jax.random.key(seed)
    ks = jax.random.split(key, 24)

    def rn(i, shape, scale=0.05):
        return jax.random.normal(ks[i], shape, dtype=jnp.float32) * scale

    inp = {}
    inp['x'] = jax.random.normal(ks[0], (N_NODES, D), dtype=jnp.float32)
    inp['edge_index'] = jax.random.randint(ks[1], (2, N_EDGES), 0, N_NODES, dtype=jnp.int32)
    inp['batch'] = jnp.sort(jax.random.randint(ks[2], (N_NODES,), 0, B, dtype=jnp.int32))
    inp['x_cell_mut'] = jax.random.normal(ks[3], (B, 1, L), dtype=jnp.float32)
    inp['edge_feat'] = jax.random.normal(ks[4], (N_EDGES, 16), dtype=jnp.float32)
    inp['W_l1'] = rn(5, (D, D)); inp['W_r1'] = rn(6, (D, D)); inp['b1'] = jnp.zeros((D,), jnp.float32)
    inp['W_l2'] = rn(7, (2 * D, D)); inp['W_r2'] = rn(8, (2 * D, D)); inp['b2'] = jnp.zeros((2 * D,), jnp.float32)
    inp['W_l3'] = rn(9, (4 * D, 2 * D)); inp['W_r3'] = rn(10, (4 * D, 2 * D)); inp['b3'] = jnp.zeros((4 * D,), jnp.float32)
    inp['Wg1'] = rn(11, (1024, 4 * D)); inp['bg1'] = jnp.zeros((1024,), jnp.float32)
    inp['Wg2'] = rn(12, (128, 1024)); inp['bg2'] = jnp.zeros((128,), jnp.float32)
    inp['Wc1'] = rn(13, (32, 1, 8)); inp['bc1'] = jnp.zeros((32,), jnp.float32)
    inp['Wc2'] = rn(14, (64, 32, 8)); inp['bc2'] = jnp.zeros((64,), jnp.float32)
    inp['Wc3'] = rn(15, (128, 64, 8)); inp['bc3'] = jnp.zeros((128,), jnp.float32)
    inp['Wxt'] = rn(16, (128, 61824), 0.01); inp['bxt'] = jnp.zeros((128,), jnp.float32)
    inp['Wf1'] = rn(17, (1024, 256)); inp['bf1'] = jnp.zeros((1024,), jnp.float32)
    inp['Wf2'] = rn(18, (128, 1024)); inp['bf2'] = jnp.zeros((128,), jnp.float32)
    inp['Wout'] = rn(19, (1, 128)); inp['bout'] = jnp.zeros((1,), jnp.float32)
    return inp


def reference(x, edge_index, batch, x_cell_mut, edge_feat, W_l1, W_r1, b1, W_l2, W_r2, b2, W_l3, W_r3, b3, Wg1, bg1, Wg2, bg2, Wc1, bc1, Wc2, bc2, Wc3, bc3, Wxt, bxt, Wf1, bf1, Wf2, bf2, Wout, bout):
    # edge_feat is accepted but unused, matching the torch forward.
    src, dst = edge_index[0], edge_index[1]
    h = jax.nn.relu(_sage(x, src, dst, W_l1, W_r1, b1, N_NODES))
    h = jax.nn.relu(_sage(h, src, dst, W_l2, W_r2, b2, N_NODES))
    h = jax.nn.relu(_sage(h, src, dst, W_l3, W_r3, b3, N_NODES))
    g = jax.ops.segment_max(h, batch, num_segments=B)  # global max pool
    g = jax.nn.relu(g @ Wg1.T + bg1)
    g = g @ Wg2.T + bg2  # dropout is identity in eval mode
    c = _maxpool3(jax.nn.relu(_conv1d(x_cell_mut, Wc1, bc1)))
    c = _maxpool3(jax.nn.relu(_conv1d(c, Wc2, bc2)))
    c = _maxpool3(jax.nn.relu(_conv1d(c, Wc3, bc3)))
    xt = c.reshape(c.shape[0], -1) @ Wxt.T + bxt
    xc = jnp.concatenate([g, xt], axis=1)
    xc = jax.nn.relu(xc @ Wf1.T + bf1)
    xc = jax.nn.relu(xc @ Wf2.T + bf2)
    return jax.nn.sigmoid(xc @ Wout.T + bout)

if __name__ == "__main__":
    import jax
    _d = setup_inputs()
    print(jax.jit(kernel)(*tuple(_d.values())))

</pallas_src>

<mosaic_0001>
#map = affine_map<(d0, d1) -> (0, 0)>
#map1 = affine_map<(d0, d1) -> (0, 0, 0, 0)>
#map2 = affine_map<(d0, d1) -> (0)>
#map3 = affine_map<(d0, d1) -> (0, 0, 0)>
module attributes {stable_mosaic.version = 14 : i64} {
  func.func @k(%arg0: i32, %arg1: i32, %arg2: memref<10000x128xf32, #tpu.memory_space<hbm>>, %arg3: memref<10000x128xf32, #tpu.memory_space<hbm>>, %arg4: memref<32x10x8x128xi32, #tpu.memory_space<hbm>>, %arg5: memref<32x10x8x128xi32, #tpu.memory_space<hbm>>, %arg6: memref<128x128xf32, #tpu.memory_space<hbm>>, %arg7: memref<1000xf32, #tpu.memory_space<hbm>>, %arg8: memref<2x10000x128xf32, #tpu.memory_space<hbm>>, %arg9: memref<20000xf32, #tpu.memory_space<hbm>>, %arg10: memref<10008x128xf32, #tpu.memory_space<vmem_shared>>, %arg11: memref<8x128xi32, #tpu.memory_space<vmem>>, %arg12: memref<8x128xi32, #tpu.memory_space<vmem>>, %arg13: memref<128x128xf32, #tpu.memory_space<vmem>>, %arg14: memref<128x128xf32, #tpu.memory_space<vmem>>, %arg15: memref<128xi32, #tpu.memory_space<vmem>>, %arg16: memref<!tpu.dma_semaphore, #tpu.memory_space<semaphore_mem>>, %arg17: memref<!tpu.dma_semaphore, #tpu.memory_space<semaphore_mem>>, %arg18: memref<10008xf32, #tpu.memory_space<vmem_shared>>, %arg19: memref<128xf32, #tpu.memory_space<vmem>>, %arg20: memref<1000xf32, #tpu.memory_space<vmem>>) attributes {dimension_semantics = [#tpu.dimension_semantics<core_parallel>, #tpu.dimension_semantics<subcore_parallel>], iteration_bounds = array<i64: 2, 16>, scalar_prefetch = 0 : i64, scratch_operands = 11 : i64, tpu.core_type = #tpu.core_type<sc_vector_subcore>, window_params = [{transform_indices = #map}, {transform_indices = #map}, {transform_indices = #map1}, {transform_indices = #map1}, {transform_indices = #map}, {transform_indices = #map2}, {transform_indices = #map3}, {transform_indices = #map2}]} {
    %mul3A = arith.constant 2 : i32
    %mul3A_0 = arith.muli %arg1, %mul3A : i32
    %add3A = arith.addi %mul3A_0, %arg0 : i32
    %lt3A = arith.constant 10 : i32
    %lt3A_1 = arith.cmpi slt, %arg1, %lt3A : i32
    %convert_element_type3A = arith.extui %lt3A_1 : i1 to i32
    %cond3A = arith.constant 0 : i32
    %cond3A_2 = arith.cmpi ne, %convert_element_type3A, %cond3A : i32
    scf.if %cond3A_2 {
      "tpu.region"() ({
        %run_scoped3A = tpu.sem_alloc : memref<!tpu.dma_semaphore, #tpu.memory_space<semaphore_mem>>
        tpu.enqueue_dma source(%arg6 : memref<128x128xf32, #tpu.memory_space<hbm>>) target(%arg13 : memref<128x128xf32, #tpu.memory_space<vmem>>) target_semaphore(%run_scoped3A : memref<!tpu.dma_semaphore, #tpu.memory_space<semaphore_mem>>)
        tpu.wait_dma2 semaphore(%run_scoped3A : memref<!tpu.dma_semaphore, #tpu.memory_space<semaphore_mem>>) src(%arg6 : memref<128x128xf32, #tpu.memory_space<hbm>>) dst(%arg13 : memref<128x128xf32, #tpu.memory_space<vmem>>)
        tpu.yield
      }) : () -> ()
      %mul3A_67 = arith.constant 1000 : i32
      %mul3A_68 = arith.muli %arg1, %mul3A_67 : i32
      %add3A_69 = arith.constant 0 : i32
      %add3A_70 = arith.addi %mul3A_68, %add3A_69 : i32
      "tpu.region"() ({
        %run_scoped3A = tpu.sem_alloc : memref<!tpu.dma_semaphore, #tpu.memory_space<semaphore_mem>>
        %dma_start3A = arith.constant 0 : i32
        %dma_start3A_99 = tpu.memref_slice %arg10[%add3A_70, %dma_start3A] : memref<10008x128xf32, #tpu.memory_space<vmem_shared>> -> memref<128x128xf32, #tpu.memory_space<vmem_shared>>
        %dma_start3A_100 = arith.constant 0 : i32
        %dma_start3A_101 = tpu.memref_slice %arg10[%add3A_70, %dma_start3A_100] : memref<10008x128xf32, #tpu.memory_space<vmem_shared>> -> memref<128x128xf32, #tpu.memory_space<vmem_shared>>
        tpu.enqueue_dma source(%arg13 : memref<128x128xf32, #tpu.memory_space<vmem>>) target(%dma_start3A_101 : memref<128x128xf32, #tpu.memory_space<vmem_shared>>) target_semaphore(%run_scoped3A : memref<!tpu.dma_semaphore, #tpu.memory_space<semaphore_mem>>)
        %dma_wait3A = arith.constant 0 : i32
        %dma_wait3A_102 = tpu.memref_slice %arg10[%add3A_70, %dma_wait3A] : memref<10008x128xf32, #tpu.memory_space<vmem_shared>> -> memref<128x128xf32, #tpu.memory_space<vmem_shared>>
        %dma_wait3A_103 = arith.constant 0 : i32
        %dma_wait3A_104 = tpu.memref_slice %arg10[%add3A_70, %dma_wait3A_103] : memref<10008x128xf32, #tpu.memory_space<vmem_shared>> -> memref<128x128xf32, #tpu.memory_space<vmem_shared>>
        tpu.wait_dma2 semaphore(%run_scoped3A : memref<!tpu.dma_semaphore, #tpu.memory_space<semaphore_mem>>) src(%arg13 : memref<128x128xf32, #tpu.memory_space<vmem>>) dst(%dma_wait3A_104 : memref<128x128xf32, #tpu.memory_space<vmem_shared>>)
        tpu.yield
      }) : () -> ()
      %mul3A_71 = arith.constant 1000 : i32
      %mul3A_72 = arith.muli %arg1, %mul3A_71 : i32
      %add3A_73 = arith.constant 128 : i32
      %add3A_74 = arith.addi %mul3A_72, %add3A_73 : i32
      "tpu.region"() ({
        %run_scoped3A = tpu.sem_alloc : memref<!tpu.dma_semaphore, #tpu.memory_space<semaphore_mem>>
        %dma_start3A = arith.constant 0 : i32
        %dma_start3A_99 = tpu.memref_slice %arg10[%add3A_74, %dma_start3A] : memref<10008x128xf32, #tpu.memory_space<vmem_shared>> -> memref<128x128xf32, #tpu.memory_space<vmem_shared>>
        %dma_start3A_100 = arith.constant 0 : i32
        %dma_start3A_101 = tpu.memref_slice %arg10[%add3A_74, %dma_start3A_100] : memref<10008x128xf32, #tpu.memory_space<vmem_shared>> -> memref<128x128xf32, #tpu.memory_space<vmem_shared>>
        tpu.enqueue_dma source(%arg13 : memref<128x128xf32, #tpu.memory_space<vmem>>) target(%dma_start3A_101 : memref<128x128xf32, #tpu.memory_space<vmem_shared>>) target_semaphore(%run_scoped3A : memref<!tpu.dma_semaphore, #tpu.memory_space<semaphore_mem>>)
        %dma_wait3A = arith.constant 0 : i32
        %dma_wait3A_102 = tpu.memref_slice %arg10[%add3A_74, %dma_wait3A] : memref<10008x128xf32, #tpu.memory_space<vmem_shared>> -> memref<128x128xf32, #tpu.memory_space<vmem_shared>>
        %dma_wait3A_103 = arith.constant 0 : i32
        %dma_wait3A_104 = tpu.memref_slice %arg10[%add3A_74, %dma_wait3A_103] : memref<10008x128xf32, #tpu.memory_space<vmem_shared>> -> memref<128x128xf32, #tpu.memory_space<vmem_shared>>
        tpu.wait_dma2 semaphore(%run_scoped3A : memref<!tpu.dma_semaphore, #tpu.memory_space<semaphore_mem>>) src(%arg13 : memref<128x128xf32, #tpu.memory_space<vmem>>) dst(%dma_wait3A_104 : memref<128x128xf32, #tpu.memory_space<vmem_shared>>)
        tpu.yield
      }) : () -> ()
      %mul3A_75 = arith.constant 1000 : i32
      %mul3A_76 = arith.muli %arg1, %mul3A_75 : i32
      %add3A_77 = arith.constant 256 : i32
      %add3A_78 = arith.addi %mul3A_76, %add3A_77 : i32
      "tpu.region"() ({
        %run_scoped3A = tpu.sem_alloc : memref<!tpu.dma_semaphore, #tpu.memory_space<semaphore_mem>>
        %dma_start3A = arith.constant 0 : i32
        %dma_start3A_99 = tpu.memref_slice %arg10[%add3A_78, %dma_start3A] : memref<10008x128xf32, #tpu.memory_space<vmem_shared>> -> memref<128x128xf32, #tpu.memory_space<vmem_shared>>
        %dma_start3A_100 = arith.constant 0 : i32
        %dma_start3A_101 = tpu.memref_slice %arg10[%add3A_78, %dma_start3A_100] : memref<10008x128xf32, #tpu.memory_space<vmem_shared>> -> memref<128x128xf32, #tpu.memory_space<vmem_shared>>
        tpu.enqueue_dma source(%arg13 : memref<128x128xf32, #tpu.memory_space<vmem>>) target(%dma_start3A_101 : memref<128x128xf32, #tpu.memory_space<vmem_shared>>) target_semaphore(%run_scoped3A : memref<!tpu.dma_semaphore, #tpu.memory_space<semaphore_mem>>)
        %dma_wait3A = arith.constant 0 : i32
        %dma_wait3A_102 = tpu.memref_slice %arg10[%add3A_78, %dma_wait3A] : memref<10008x128xf32, #tpu.memory_space<vmem_shared>> -> memref<128x128xf32, #tpu.memory_space<vmem_shared>>
        %dma_wait3A_103 = arith.constant 0 : i32
        %dma_wait3A_104 = tpu.memref_slice %arg10[%add3A_78, %dma_wait3A_103] : memref<10008x128xf32, #tpu.memory_space<vmem_shared>> -> memref<128x128xf32, #tpu.memory_space<vmem_shared>>
        tpu.wait_dma2 semaphore(%run_scoped3A : memref<!tpu.dma_semaphore, #tpu.memory_space<semaphore_mem>>) src(%arg13 : memref<128x128xf32, #tpu.memory_space<vmem>>) dst(%dma_wait3A_104 : memref<128x128xf32, #tpu.memory_space<vmem_shared>>)
        tpu.yield
      }) : () -> ()
      %mul3A_79 = arith.constant 1000 : i32
      %mul3A_80 = arith.muli %arg1, %mul3A_79 : i32
      %add3A_81 = arith.constant 384 : i32
      %add3A_82 = arith.addi %mul3A_80, %add3A_81 : i32
      "tpu.region"() ({
        %run_scoped3A = tpu.sem_alloc : memref<!tpu.dma_semaphore, #tpu.memory_space<semaphore_mem>>
        %dma_start3A = arith.constant 0 : i32
        %dma_start3A_99 = tpu.memref_slice %arg10[%add3A_82, %dma_start3A] : memref<10008x128xf32, #tpu.memory_space<vmem_shared>> -> memref<128x128xf32, #tpu.memory_space<vmem_shared>>
        %dma_start3A_100 = arith.constant 0 : i32
        %dma_start3A_101 = tpu.memref_slice %arg10[%add3A_82, %dma_start3A_100] : memref<10008x128xf32, #tpu.memory_space<vmem_shared>> -> memref<128x128xf32, #tpu.memory_space<vmem_shared>>
        tpu.enqueue_dma source(%arg13 : memref<128x128xf32, #tpu.memory_space<vmem>>) target(%dma_start3A_101 : memref<128x128xf32, #tpu.memory_space<vmem_shared>>) target_semaphore(%run_scoped3A : memref<!tpu.dma_semaphore, #tpu.memory_space<semaphore_mem>>)
        %dma_wait3A = arith.constant 0 : i32
        %dma_wait3A_102 = tpu.memref_slice %arg10[%add3A_82, %dma_wait3A] : memref<10008x128xf32, #tpu.memory_space<vmem_shared>> -> memref<128x128xf32, #tpu.memory_space<vmem_shared>>
        %dma_wait3A_103 = arith.constant 0 : i32
        %dma_wait3A_104 = tpu.memref_slice %arg10[%add3A_82, %dma_wait3A_103] : memref<10008x128xf32, #tpu.memory_space<vmem_shared>> -> memref<128x128xf32, #tpu.memory_space<vmem_shared>>
        tpu.wait_dma2 semaphore(%run_scoped3A : memref<!tpu.dma_semaphore, #tpu.memory_space<semaphore_mem>>) src(%arg13 : memref<128x128xf32, #tpu.memory_space<vmem>>) dst(%dma_wait3A_104 : memref<128x128xf32, #tpu.memory_space<vmem_shared>>)
        tpu.yield
      }) : () -> ()
      %mul3A_83 = arith.constant 1000 : i32
      %mul3A_84 = arith.muli %arg1, %mul3A_83 : i32
      %add3A_85 = arith.constant 512 : i32
      %add3A_86 = arith.addi %mul3A_84, %add3A_85 : i32
      "tpu.region"() ({
        %run_scoped3A = tpu.sem_alloc : memref<!tpu.dma_semaphore, #tpu.memory_space<semaphore_mem>>
        %dma_start3A = arith.constant 0 : i32
        %dma_start3A_99 = tpu.memref_slice %arg10[%add3A_86, %dma_start3A] : memref<10008x128xf32, #tpu.memory_space<vmem_shared>> -> memref<128x128xf32, #tpu.memory_space<vmem_shared>>
        %dma_start3A_100 = arith.constant 0 : i32
        %dma_start3A_101 = tpu.memref_slice %arg10[%add3A_86, %dma_start3A_100] : memref<10008x128xf32, #tpu.memory_space<vmem_shared>> -> memref<128x128xf32, #tpu.memory_space<vmem_shared>>
        tpu.enqueue_dma source(%arg13 : memref<128x128xf32, #tpu.memory_space<vmem>>) target(%dma_start3A_101 : memref<128x128xf32, #tpu.memory_space<vmem_shared>>) target_semaphore(%run_scoped3A : memref<!tpu.dma_semaphore, #tpu.memory_space<semaphore_mem>>)
        %dma_wait3A = arith.constant 0 : i32
        %dma_wait3A_102 = tpu.memref_slice %arg10[%add3A_86, %dma_wait3A] : memref<10008x128xf32, #tpu.memory_space<vmem_shared>> -> memref<128x128xf32, #tpu.memory_space<vmem_shared>>
        %dma_wait3A_103 = arith.constant 0 : i32
        %dma_wait3A_104 = tpu.memref_slice %arg10[%add3A_86, %dma_wait3A_103] : memref<10008x128xf32, #tpu.memory_space<vmem_shared>> -> memref<128x128xf32, #tpu.memory_space<vmem_shared>>
        tpu.wait_dma2 semaphore(%run_scoped3A : memref<!tpu.dma_semaphore, #tpu.memory_space<semaphore_mem>>) src(%arg13 : memref<128x128xf32, #tpu.memory_space<vmem>>) dst(%dma_wait3A_104 : memref<128x128xf32, #tpu.memory_space<vmem_shared>>)
        tpu.yield
      }) : () -> ()
      %mul3A_87 = arith.constant 1000 : i32
      %mul3A_88 = arith.muli %arg1, %mul3A_87 : i32
      %add3A_89 = arith.constant 640 : i32
      %add3A_90 = arith.addi %mul3A_88, %add3A_89 : i32
      "tpu.region"() ({
        %run_scoped3A = tpu.sem_alloc : memref<!tpu.dma_semaphore, #tpu.memory_space<semaphore_mem>>
        %dma_start3A = arith.constant 0 : i32
        %dma_start3A_99 = tpu.memref_slice %arg10[%add3A_90, %dma_start3A] : memref<10008x128xf32, #tpu.memory_space<vmem_shared>> -> memref<128x128xf32, #tpu.memory_space<vmem_shared>>
        %dma_start3A_100 = arith.constant 0 : i32
        %dma_start3A_101 = tpu.memref_slice %arg10[%add3A_90, %dma_start3A_100] : memref<10008x128xf32, #tpu.memory_space<vmem_shared>> -> memref<128x128xf32, #tpu.memory_space<vmem_shared>>
        tpu.enqueue_dma source(%arg13 : memref<128x128xf32, #tpu.memory_space<vmem>>) target(%dma_start3A_101 : memref<128x128xf32, #tpu.memory_space<vmem_shared>>) target_semaphore(%run_scoped3A : memref<!tpu.dma_semaphore, #tpu.memory_space<semaphore_mem>>)
        %dma_wait3A = arith.constant 0 : i32
        %dma_wait3A_102 = tpu.memref_slice %arg10[%add3A_90, %dma_wait3A] : memref<10008x128xf32, #tpu.memory_space<vmem_shared>> -> memref<128x128xf32, #tpu.memory_space<vmem_shared>>
        %dma_wait3A_103 = arith.constant 0 : i32
        %dma_wait3A_104 = tpu.memref_slice %arg10[%add3A_90, %dma_wait3A_103] : memref<10008x128xf32, #tpu.memory_space<vmem_shared>> -> memref<128x128xf32, #tpu.memory_space<vmem_shared>>
        tpu.wait_dma2 semaphore(%run_scoped3A : memref<!tpu.dma_semaphore, #tpu.memory_space<semaphore_mem>>) src(%arg13 : memref<128x128xf32, #tpu.memory_space<vmem>>) dst(%dma_wait3A_104 : memref<128x128xf32, #tpu.memory_space<vmem_shared>>)
        tpu.yield
      }) : () -> ()
      %mul3A_91 = arith.constant 1000 : i32
      %mul3A_92 = arith.muli %arg1, %mul3A_91 : i32
      %add3A_93 = arith.constant 768 : i32
      %add3A_94 = arith.addi %mul3A_92, %add3A_93 : i32
      "tpu.region"() ({
        %run_scoped3A = tpu.sem_alloc : memref<!tpu.dma_semaphore, #tpu.memory_space<semaphore_mem>>
        %dma_start3A = arith.constant 0 : i32
        %dma_start3A_99 = tpu.memref_slice %arg10[%add3A_94, %dma_start3A] : memref<10008x128xf32, #tpu.memory_space<vmem_shared>> -> memref<128x128xf32, #tpu.memory_space<vmem_shared>>
        %dma_start3A_100 = arith.constant 0 : i32
        %dma_start3A_101 = tpu.memref_slice %arg10[%add3A_94, %dma_start3A_100] : memref<10008x128xf32, #tpu.memory_space<vmem_shared>> -> memref<128x128xf32, #tpu.memory_space<vmem_shared>>
        tpu.enqueue_dma source(%arg13 : memref<128x128xf32, #tpu.memory_space<vmem>>) target(%dma_start3A_101 : memref<128x128xf32, #tpu.memory_space<vmem_shared>>) target_semaphore(%run_scoped3A : memref<!tpu.dma_semaphore, #tpu.memory_space<semaphore_mem>>)
        %dma_wait3A = arith.constant 0 : i32
        %dma_wait3A_102 = tpu.memref_slice %arg10[%add3A_94, %dma_wait3A] : memref<10008x128xf32, #tpu.memory_space<vmem_shared>> -> memref<128x128xf32, #tpu.memory_space<vmem_shared>>
        %dma_wait3A_103 = arith.constant 0 : i32
        %dma_wait3A_104 = tpu.memref_slice %arg10[%add3A_94, %dma_wait3A_103] : memref<10008x128xf32, #tpu.memory_space<vmem_shared>> -> memref<128x128xf32, #tpu.memory_space<vmem_shared>>
        tpu.wait_dma2 semaphore(%run_scoped3A : memref<!tpu.dma_semaphore, #tpu.memory_space<semaphore_mem>>) src(%arg13 : memref<128x128xf32, #tpu.memory_space<vmem>>) dst(%dma_wait3A_104 : memref<128x128xf32, #tpu.memory_space<vmem_shared>>)
        tpu.yield
      }) : () -> ()
      %mul3A_95 = arith.constant 1000 : i32
      %mul3A_96 = arith.muli %arg1, %mul3A_95 : i32
      %add3A_97 = arith.constant 896 : i32
      %add3A_98 = arith.addi %mul3A_96, %add3A_97 : i32
      "tpu.region"() ({
        %run_scoped3A = tpu.sem_alloc : memref<!tpu.dma_semaphore, #tpu.memory_space<semaphore_mem>>
        %dma_start3A = arith.constant 0 : i32
        %dma_start3A_99 = arith.constant 0 : i32
        %dma_start3A_100 = tpu.memref_slice %arg13[%dma_start3A, %dma_start3A_99] : memref<128x128xf32, #tpu.memory_space<vmem>> -> memref<104x128xf32, #tpu.memory_space<vmem>>
        %dma_start3A_101 = arith.constant 0 : i32
        %dma_start3A_102 = tpu.memref_slice %arg10[%add3A_98, %dma_start3A_101] : memref<10008x128xf32, #tpu.memory_space<vmem_shared>> -> memref<104x128xf32, #tpu.memory_space<vmem_shared>>
        %dma_start3A_103 = arith.constant 0 : i32
        %dma_start3A_104 = tpu.memref_slice %arg10[%add3A_98, %dma_start3A_103] : memref<10008x128xf32, #tpu.memory_space<vmem_shared>> -> memref<104x128xf32, #tpu.memory_space<vmem_shared>>
        %dma_start3A_105 = arith.constant 0 : i32
        %dma_start3A_106 = arith.constant 0 : i32
        %dma_start3A_107 = tpu.memref_slice %arg13[%dma_start3A_105, %dma_start3A_106] : memref<128x128xf32, #tpu.memory_space<vmem>> -> memref<104x128xf32, #tpu.memory_space<vmem>>
        tpu.enqueue_dma source(%dma_start3A_107 : memref<104x128xf32, #tpu.memory_space<vmem>>) target(%dma_start3A_104 : memref<104x128xf32, #tpu.memory_space<vmem_shared>>) target_semaphore(%run_scoped3A : memref<!tpu.dma_semaphore, #tpu.memory_space<semaphore_mem>>)
        %dma_wait3A = arith.constant 0 : i32
        %dma_wait3A_108 = arith.constant 0 : i32
        %dma_wait3A_109 = tpu.memref_slice %arg13[%dma_wait3A, %dma_wait3A_108] : memref<128x128xf32, #tpu.memory_space<vmem>> -> memref<104x128xf32, #tpu.memory_space<vmem>>
        %dma_wait3A_110 = arith.constant 0 : i32
        %dma_wait3A_111 = tpu.memref_slice %arg10[%add3A_98, %dma_wait3A_110] : memref<10008x128xf32, #tpu.memory_space<vmem_shared>> -> memref<104x128xf32, #tpu.memory_space<vmem_shared>>
        %dma_wait3A_112 = arith.constant 0 : i32
        %dma_wait3A_113 = tpu.memref_slice %arg10[%add3A_98, %dma_wait3A_112] : memref<10008x128xf32, #tpu.memory_space<vmem_shared>> -> memref<104x128xf32, #tpu.memory_space<vmem_shared>>
        %dma_wait3A_114 = arith.constant 0 : i32
        %dma_wait3A_115 = arith.constant 0 : i32
        %dma_wait3A_116 = tpu.memref_slice %arg13[%dma_wait3A_114, %dma_wait3A_115] : memref<128x128xf32, #tpu.memory_space<vmem>> -> memref<104x128xf32, #tpu.memory_space<vmem>>
        tpu.wait_dma2 semaphore(%run_scoped3A : memref<!tpu.dma_semaphore, #tpu.memory_space<semaphore_mem>>) src(%dma_wait3A_116 : memref<104x128xf32, #tpu.memory_space<vmem>>) dst(%dma_wait3A_113 : memref<104x128xf32, #tpu.memory_space<vmem_shared>>)
        tpu.yield
      }) : () -> ()
    } else {
    }
    %lt3A_3 = arith.constant 10 : i32
    %lt3A_4 = arith.cmpi slt, %arg1, %lt3A_3 : i32
    %convert_element_type3A_5 = arith.extui %lt3A_4 : i1 to i32
    %cond3A_6 = arith.constant 0 : i32
    %cond3A_7 = arith.cmpi ne, %convert_element_type3A_5, %cond3A_6 : i32
    scf.if %cond3A_7 {
      "tpu.region"() ({
        %run_scoped3A = tpu.sem_alloc : memref<!tpu.dma_semaphore, #tpu.memory_space<semaphore_mem>>
        tpu.enqueue_dma source(%arg7 : memref<1000xf32, #tpu.memory_space<hbm>>) target(%arg20 : memref<1000xf32, #tpu.memory_space<vmem>>) target_semaphore(%run_scoped3A : memref<!tpu.dma_semaphore, #tpu.memory_space<semaphore_mem>>)
        tpu.wait_dma2 semaphore(%run_scoped3A : memref<!tpu.dma_semaphore, #tpu.memory_space<semaphore_mem>>) src(%arg7 : memref<1000xf32, #tpu.memory_space<hbm>>) dst(%arg20 : memref<1000xf32, #tpu.memory_space<vmem>>)
        tpu.yield
      }) : () -> ()
      %mul3A_67 = arith.constant 1000 : i32
      %mul3A_68 = arith.muli %arg1, %mul3A_67 : i32
      "tpu.region"() ({
        %run_scoped3A = tpu.sem_alloc : memref<!tpu.dma_semaphore, #tpu.memory_space<semaphore_mem>>
        %dma_start3A = tpu.memref_slice %arg18[%mul3A_68] : memref<10008xf32, #tpu.memory_space<vmem_shared>> -> memref<1000xf32, #tpu.memory_space<vmem_shared>>
        %dma_start3A_69 = tpu.memref_slice %arg18[%mul3A_68] : memref<10008xf32, #tpu.memory_space<vmem_shared>> -> memref<1000xf32, #tpu.memory_space<vmem_shared>>
        tpu.enqueue_dma source(%arg20 : memref<1000xf32, #tpu.memory_space<vmem>>) target(%dma_start3A_69 : memref<1000xf32, #tpu.memory_space<vmem_shared>>) target_semaphore(%run_scoped3A : memref<!tpu.dma_semaphore, #tpu.memory_space<semaphore_mem>>)
        %dma_wait3A = tpu.memref_slice %arg18[%mul3A_68] : memref<10008xf32, #tpu.memory_space<vmem_shared>> -> memref<1000xf32, #tpu.memory_space<vmem_shared>>
        %dma_wait3A_70 = tpu.memref_slice %arg18[%mul3A_68] : memref<10008xf32, #tpu.memory_space<vmem_shared>> -> memref<1000xf32, #tpu.memory_space<vmem_shared>>
        tpu.wait_dma2 semaphore(%run_scoped3A : memref<!tpu.dma_semaphore, #tpu.memory_space<semaphore_mem>>) src(%arg20 : memref<1000xf32, #tpu.memory_space<vmem>>) dst(%dma_wait3A_70 : memref<1000xf32, #tpu.memory_space<vmem_shared>>)
        tpu.yield
      }) : () -> ()
    } else {
    }
    %broadcast_in_dim3A = arith.constant 1.000000e+00 : f32
    %broadcast_in_dim3A_8 = vector.broadcast %broadcast_in_dim3A : f32 to vector<16xf32>
    %swap3A = arith.constant 0 : index
    %swap3A_9 = tpu.vector_load %arg19[%swap3A] {strides = array<i32>} : memref<128xf32, #tpu.memory_space<vmem>>, vector<16xf32>,
    %swap3A_10 = vector.shape_cast %swap3A_9 : vector<16xf32> to vector<16xf32>
    %swap3A_11 = vector.shape_cast %broadcast_in_dim3A_8 : vector<16xf32> to vector<16xf32>
    tpu.vector_store %arg19[%swap3A], %swap3A_11 {strides = array<i32>} : memref<128xf32, #tpu.memory_space<vmem>>, vector<16xf32>,
    %broadcast_in_dim3A_12 = arith.constant 1.000000e+00 : f32
    %broadcast_in_dim3A_13 = vector.broadcast %broadcast_in_dim3A_12 : f32 to vector<16xf32>
    %swap3A_14 = arith.constant 16 : index
    %swap3A_15 = tpu.vector_load %arg19[%swap3A_14] {strides = array<i32>} : memref<128xf32, #tpu.memory_space<vmem>>, vector<16xf32>,
    %swap3A_16 = vector.shape_cast %swap3A_15 : vector<16xf32> to vector<16xf32>
    %swap3A_17 = vector.shape_cast %broadcast_in_dim3A_13 : vector<16xf32> to vector<16xf32>
    tpu.vector_store %arg19[%swap3A_14], %swap3A_17 {strides = array<i32>} : memref<128xf32, #tpu.memory_space<vmem>>, vector<16xf32>,
    %broadcast_in_dim3A_18 = arith.constant 1.000000e+00 : f32
    %broadcast_in_dim3A_19 = vector.broadcast %broadcast_in_dim3A_18 : f32 to vector<16xf32>
    %swap3A_20 = arith.constant 32 : index
    %swap3A_21 = tpu.vector_load %arg19[%swap3A_20] {strides = array<i32>} : memref<128xf32, #tpu.memory_space<vmem>>, vector<16xf32>,
    %swap3A_22 = vector.shape_cast %swap3A_21 : vector<16xf32> to vector<16xf32>
    %swap3A_23 = vector.shape_cast %broadcast_in_dim3A_19 : vector<16xf32> to vector<16xf32>
    tpu.vector_store %arg19[%swap3A_20], %swap3A_23 {strides = array<i32>} : memref<128xf32, #tpu.memory_space<vmem>>, vector<16xf32>,
    %broadcast_in_dim3A_24 = arith.constant 1.000000e+00 : f32
    %broadcast_in_dim3A_25 = vector.broadcast %broadcast_in_dim3A_24 : f32 to vector<16xf32>
    %swap3A_26 = arith.constant 48 : index
    %swap3A_27 = tpu.vector_load %arg19[%swap3A_26] {strides = array<i32>} : memref<128xf32, #tpu.memory_space<vmem>>, vector<16xf32>,
    %swap3A_28 = vector.shape_cast %swap3A_27 : vector<16xf32> to vector<16xf32>
    %swap3A_29 = vector.shape_cast %broadcast_in_dim3A_25 : vector<16xf32> to vector<16xf32>
    tpu.vector_store %arg19[%swap3A_26], %swap3A_29 {strides = array<i32>} : memref<128xf32, #tpu.memory_space<vmem>>, vector<16xf32>,
    %broadcast_in_dim3A_30 = arith.constant 1.000000e+00 : f32
    %broadcast_in_dim3A_31 = vector.broadcast %broadcast_in_dim3A_30 : f32 to vector<16xf32>
    %swap3A_32 = arith.constant 64 : index
    %swap3A_33 = tpu.vector_load %arg19[%swap3A_32] {strides = array<i32>} : memref<128xf32, #tpu.memory_space<vmem>>, vector<16xf32>,
    %swap3A_34 = vector.shape_cast %swap3A_33 : vector<16xf32> to vector<16xf32>
    %swap3A_35 = vector.shape_cast %broadcast_in_dim3A_31 : vector<16xf32> to vector<16xf32>
    tpu.vector_store %arg19[%swap3A_32], %swap3A_35 {strides = array<i32>} : memref<128xf32, #tpu.memory_space<vmem>>, vector<16xf32>,
    %broadcast_in_dim3A_36 = arith.constant 1.000000e+00 : f32
    %broadcast_in_dim3A_37 = vector.broadcast %broadcast_in_dim3A_36 : f32 to vector<16xf32>
    %swap3A_38 = arith.constant 80 : index
    %swap3A_39 = tpu.vector_load %arg19[%swap3A_38] {strides = array<i32>} : memref<128xf32, #tpu.memory_space<vmem>>, vector<16xf32>,
    %swap3A_40 = vector.shape_cast %swap3A_39 : vector<16xf32> to vector<16xf32>
    %swap3A_41 = vector.shape_cast %broadcast_in_dim3A_37 : vector<16xf32> to vector<16xf32>
    tpu.vector_store %arg19[%swap3A_38], %swap3A_41 {strides = array<i32>} : memref<128xf32, #tpu.memory_space<vmem>>, vector<16xf32>,
    %broadcast_in_dim3A_42 = arith.constant 1.000000e+00 : f32
    %broadcast_in_dim3A_43 = vector.broadcast %broadcast_in_dim3A_42 : f32 to vector<16xf32>
    %swap3A_44 = arith.constant 96 : index
    %swap3A_45 = tpu.vector_load %arg19[%swap3A_44] {strides = array<i32>} : memref<128xf32, #tpu.memory_space<vmem>>, vector<16xf32>,
    %swap3A_46 = vector.shape_cast %swap3A_45 : vector<16xf32> to vector<16xf32>
    %swap3A_47 = vector.shape_cast %broadcast_in_dim3A_43 : vector<16xf32> to vector<16xf32>
    tpu.vector_store %arg19[%swap3A_44], %swap3A_47 {strides = array<i32>} : memref<128xf32, #tpu.memory_space<vmem>>, vector<16xf32>,
    %broadcast_in_dim3A_48 = arith.constant 1.000000e+00 : f32
    %broadcast_in_dim3A_49 = vector.broadcast %broadcast_in_dim3A_48 : f32 to vector<16xf32>
    %swap3A_50 = arith.constant 112 : index
    %swap3A_51 = tpu.vector_load %arg19[%swap3A_50] {strides = array<i32>} : memref<128xf32, #tpu.memory_space<vmem>>, vector<16xf32>,
    %swap3A_52 = vector.shape_cast %swap3A_51 : vector<16xf32> to vector<16xf32>
    %swap3A_53 = vector.shape_cast %broadcast_in_dim3A_49 : vector<16xf32> to vector<16xf32>
    tpu.vector_store %arg19[%swap3A_50], %swap3A_53 {strides = array<i32>} : memref<128xf32, #tpu.memory_space<vmem>>, vector<16xf32>,
    %barrier3A = arith.constant 0 : index
    tpu.barrier barrier_id(%barrier3A)
    %scan3A = arith.constant 0 : i32
    %scan3A_54 = arith.constant 0 : i32
    %scan3A_55 = arith.constant 10 : i32
    %scan3A_56 = arith.addi %scan3A_54, %scan3A_55 : i32
    %scan3A_57 = arith.constant 1 : i32
    scf.for %scan3A_67 = %scan3A_54 to %scan3A_56 step %scan3A_57  : i32 {
      "tpu.region"() ({
        %run_scoped3A = tpu.sem_alloc : memref<!tpu.dma_semaphore, #tpu.memory_space<semaphore_mem>>
        %dma_start3A_80 = arith.constant 0 : i32
        %dma_start3A_81 = arith.constant 0 : i32
        %dma_start3A_82 = tpu.memref_slice %arg4[%add3A, %scan3A_67, %dma_start3A_80, %dma_start3A_81] : memref<32x10x8x128xi32, #tpu.memory_space<hbm>> -> memref<1x1x8x128xi32, #tpu.memory_space<hbm>>
        %dma_start3A_83 = tpu.memref_squeeze %dma_start3A_82 : memref<1x1x8x128xi32, #tpu.memory_space<hbm>> -> memref<8x128xi32, #tpu.memory_space<hbm>>
        %dma_start3A_84 = arith.constant 0 : i32
        %dma_start3A_85 = arith.constant 0 : i32
        %dma_start3A_86 = tpu.memref_slice %arg4[%add3A, %scan3A_67, %dma_start3A_84, %dma_start3A_85] : memref<32x10x8x128xi32, #tpu.memory_space<hbm>> -> memref<1x1x8x128xi32, #tpu.memory_space<hbm>>
        %dma_start3A_87 = tpu.memref_squeeze %dma_start3A_86 : memref<1x1x8x128xi32, #tpu.memory_space<hbm>> -> memref<8x128xi32, #tpu.memory_space<hbm>>
        tpu.enqueue_dma source(%dma_start3A_87 : memref<8x128xi32, #tpu.memory_space<hbm>>) target(%arg11 : memref<8x128xi32, #tpu.memory_space<vmem>>) target_semaphore(%run_scoped3A : memref<!tpu.dma_semaphore, #tpu.memory_space<semaphore_mem>>)
        %dma_wait3A = arith.constant 0 : i32
        %dma_wait3A_88 = arith.constant 0 : i32
        %dma_wait3A_89 = tpu.memref_slice %arg4[%add3A, %scan3A_67, %dma_wait3A, %dma_wait3A_88] : memref<32x10x8x128xi32, #tpu.memory_space<hbm>> -> memref<1x1x8x128xi32, #tpu.memory_space<hbm>>
        %dma_wait3A_90 = tpu.memref_squeeze %dma_wait3A_89 : memref<1x1x8x128xi32, #tpu.memory_space<hbm>> -> memref<8x128xi32, #tpu.memory_space<hbm>>
        %dma_wait3A_91 = arith.constant 0 : i32
        %dma_wait3A_92 = arith.constant 0 : i32
        %dma_wait3A_93 = tpu.memref_slice %arg4[%add3A, %scan3A_67, %dma_wait3A_91, %dma_wait3A_92] : memref<32x10x8x128xi32, #tpu.memory_space<hbm>> -> memref<1x1x8x128xi32, #tpu.memory_space<hbm>>
        %dma_wait3A_94 = tpu.memref_squeeze %dma_wait3A_93 : memref<1x1x8x128xi32, #tpu.memory_space<hbm>> -> memref<8x128xi32, #tpu.memory_space<hbm>>
        tpu.wait_dma2 semaphore(%run_scoped3A : memref<!tpu.dma_semaphore, #tpu.memory_space<semaphore_mem>>) src(%dma_wait3A_94 : memref<8x128xi32, #tpu.memory_space<hbm>>) dst(%arg11 : memref<8x128xi32, #tpu.memory_space<vmem>>)
        tpu.yield
      }) : () -> ()
      "tpu.region"() ({
        %run_scoped3A = tpu.sem_alloc : memref<!tpu.dma_semaphore, #tpu.memory_space<semaphore_mem>>
        %dma_start3A_80 = arith.constant 0 : i32
        %dma_start3A_81 = arith.constant 0 : i32
        %dma_start3A_82 = tpu.memref_slice %arg5[%add3A, %scan3A_67, %dma_start3A_80, %dma_start3A_81] : memref<32x10x8x128xi32, #tpu.memory_space<hbm>> -> memref<1x1x8x128xi32, #tpu.memory_space<hbm>>
        %dma_start3A_83 = tpu.memref_squeeze %dma_start3A_82 : memref<1x1x8x128xi32, #tpu.memory_space<hbm>> -> memref<8x128xi32, #tpu.memory_space<hbm>>
        %dma_start3A_84 = arith.constant 0 : i32
        %dma_start3A_85 = arith.constant 0 : i32
        %dma_start3A_86 = tpu.memref_slice %arg5[%add3A, %scan3A_67, %dma_start3A_84, %dma_start3A_85] : memref<32x10x8x128xi32, #tpu.memory_space<hbm>> -> memref<1x1x8x128xi32, #tpu.memory_space<hbm>>
        %dma_start3A_87 = tpu.memref_squeeze %dma_start3A_86 : memref<1x1x8x128xi32, #tpu.memory_space<hbm>> -> memref<8x128xi32, #tpu.memory_space<hbm>>
        tpu.enqueue_dma source(%dma_start3A_87 : memref<8x128xi32, #tpu.memory_space<hbm>>) target(%arg12 : memref<8x128xi32, #tpu.memory_space<vmem>>) target_semaphore(%run_scoped3A : memref<!tpu.dma_semaphore, #tpu.memory_space<semaphore_mem>>)
        %dma_wait3A = arith.constant 0 : i32
        %dma_wait3A_88 = arith.constant 0 : i32
        %dma_wait3A_89 = tpu.memref_slice %arg5[%add3A, %scan3A_67, %dma_wait3A, %dma_wait3A_88] : memref<32x10x8x128xi32, #tpu.memory_space<hbm>> -> memref<1x1x8x128xi32, #tpu.memory_space<hbm>>
        %dma_wait3A_90 = tpu.memref_squeeze %dma_wait3A_89 : memref<1x1x8x128xi32, #tpu.memory_space<hbm>> -> memref<8x128xi32, #tpu.memory_space<hbm>>
        %dma_wait3A_91 = arith.constant 0 : i32
        %dma_wait3A_92 = arith.constant 0 : i32
        %dma_wait3A_93 = tpu.memref_slice %arg5[%add3A, %scan3A_67, %dma_wait3A_91, %dma_wait3A_92] : memref<32x10x8x128xi32, #tpu.memory_space<hbm>> -> memref<1x1x8x128xi32, #tpu.memory_space<hbm>>
        %dma_wait3A_94 = tpu.memref_squeeze %dma_wait3A_93 : memref<1x1x8x128xi32, #tpu.memory_space<hbm>> -> memref<8x128xi32, #tpu.memory_space<hbm>>
        tpu.wait_dma2 semaphore(%run_scoped3A : memref<!tpu.dma_semaphore, #tpu.memory_space<semaphore_mem>>) src(%dma_wait3A_94 : memref<8x128xi32, #tpu.memory_space<hbm>>) dst(%arg12 : memref<8x128xi32, #tpu.memory_space<vmem>>)
        tpu.yield
      }) : () -> ()
      %dma_start3A = arith.constant 0 : i32
      %dma_start3A_68 = arith.constant 0 : i32
      %dma_start3A_69 = tpu.memref_slice %arg11[%dma_start3A, %dma_start3A_68] : memref<8x128xi32, #tpu.memory_space<vmem>> -> memref<1x128xi32, #tpu.memory_space<vmem>>
      %dma_start3A_70 = tpu.memref_squeeze %dma_start3A_69 : memref<1x128xi32, #tpu.memory_space<vmem>> -> memref<128xi32, #tpu.memory_space<vmem>>
      %dma_start3A_71 = arith.constant 0 : i32
      %dma_start3A_72 = arith.constant 0 : i32
      %dma_start3A_73 = tpu.memref_slice %arg2[%dma_start3A_71, %dma_start3A_72] : memref<10000x128xf32, #tpu.memory_space<hbm>> -> memref<10000x128xf32, #tpu.memory_space<hbm>>
      tpu.enqueue_indirect_dma source(%dma_start3A_73 : memref<10000x128xf32, #tpu.memory_space<hbm>>) target(%arg13 : memref<128x128xf32, #tpu.memory_space<vmem>>) offsets(%dma_start3A_70 : memref<128xi32, #tpu.memory_space<vmem>>) semaphore(%arg16 : memref<!tpu.dma_semaphore, #tpu.memory_space<semaphore_mem>>)
      %scan3A_74 = arith.constant 0 : i32
      %scan3A_75 = arith.constant 0 : i32
      %scan3A_76 = arith.constant 4 : i32
      %scan3A_77 = arith.addi %scan3A_75, %scan3A_76 : i32
      %scan3A_78 = arith.constant 1 : i32
      scf.for %scan3A_80 = %scan3A_75 to %scan3A_77 step %scan3A_78  : i32 {
        %mul3A_81 = arith.constant 2 : i32
        %mul3A_82 = arith.muli %mul3A_81, %scan3A_80 : i32
        %add3A_83 = arith.constant 1 : i32
        %add3A_84 = arith.addi %mul3A_82, %add3A_83 : i32
        %dma_start3A_85 = arith.constant 0 : i32
        %dma_start3A_86 = tpu.memref_slice %arg11[%add3A_84, %dma_start3A_85] : memref<8x128xi32, #tpu.memory_space<vmem>> -> memref<1x128xi32, #tpu.memory_space<vmem>>
        %dma_start3A_87 = tpu.memref_squeeze %dma_start3A_86 : memref<1x128xi32, #tpu.memory_space<vmem>> -> memref<128xi32, #tpu.memory_space<vmem>>
        %dma_start3A_88 = arith.constant 0 : i32
        %dma_start3A_89 = arith.constant 0 : i32
        %dma_start3A_90 = tpu.memref_slice %arg2[%dma_start3A_88, %dma_start3A_89] : memref<10000x128xf32, #tpu.memory_space<hbm>> -> memref<10000x128xf32, #tpu.memory_space<hbm>>
        tpu.enqueue_indirect_dma source(%dma_start3A_90 : memref<10000x128xf32, #tpu.memory_space<hbm>>) target(%arg14 : memref<128x128xf32, #tpu.memory_space<vmem>>) offsets(%dma_start3A_87 : memref<128xi32, #tpu.memory_space<vmem>>) semaphore(%arg17 : memref<!tpu.dma_semaphore, #tpu.memory_space<semaphore_mem>>)
        %get3A = arith.index_cast %mul3A_82 : i32 to index
        %get3A_91 = arith.constant 0 : index
        %get3A_92 = tpu.vector_load %arg12[%get3A, %get3A_91] {strides = array<i32>} : memref<8x128xi32, #tpu.memory_space<vmem>>, vector<1x16xi32>,
        %get3A_93 = vector.shape_cast %get3A_92 : vector<1x16xi32> to vector<16xi32>
        %swap3A_94 = arith.constant 0 : index
        %swap3A_95 = tpu.vector_load %arg15[%swap3A_94] {strides = array<i32>} : memref<128xi32, #tpu.memory_space<vmem>>, vector<16xi32>,
        %swap3A_96 = vector.shape_cast %swap3A_95 : vector<16xi32> to vector<16xi32>
        %swap3A_97 = vector.shape_cast %get3A_93 : vector<16xi32> to vector<16xi32>
        tpu.vector_store %arg15[%swap3A_94], %swap3A_97 {strides = array<i32>} : memref<128xi32, #tpu.memory_space<vmem>>, vector<16xi32>,
        %get3A_98 = arith.index_cast %mul3A_82 : i32 to index
        %get3A_99 = arith.constant 16 : index
        %get3A_100 = tpu.vector_load %arg12[%get3A_98, %get3A_99] {strides = array<i32>} : memref<8x128xi32, #tpu.memory_space<vmem>>, vector<1x16xi32>,
        %get3A_101 = vector.shape_cast %get3A_100 : vector<1x16xi32> to vector<16xi32>
        %swap3A_102 = arith.constant 16 : index
        %swap3A_103 = tpu.vector_load %arg15[%swap3A_102] {strides = array<i32>} : memref<128xi32, #tpu.memory_space<vmem>>, vector<16xi32>,
        %swap3A_104 = vector.shape_cast %swap3A_103 : vector<16xi32> to vector<16xi32>
        %swap3A_105 = vector.shape_cast %get3A_101 : vector<16xi32> to vector<16xi32>
        tpu.vector_store %arg15[%swap3A_102], %swap3A_105 {strides = array<i32>} : memref<128xi32, #tpu.memory_space<vmem>>, vector<16xi32>,
        %get3A_106 = arith.index_cast %mul3A_82 : i32 to index
        %get3A_107 = arith.constant 32 : index
        %get3A_108 = tpu.vector_load %arg12[%get3A_106, %get3A_107] {strides = array<i32>} : memref<8x128xi32, #tpu.memory_space<vmem>>, vector<1x16xi32>,
        %get3A_109 = vector.shape_cast %get3A_108 : vector<1x16xi32> to vector<16xi32>
        %swap3A_110 = arith.constant 32 : index
        %swap3A_111 = tpu.vector_load %arg15[%swap3A_110] {strides = array<i32>} : memref<128xi32, #tpu.memory_space<vmem>>, vector<16xi32>,
        %swap3A_112 = vector.shape_cast %swap3A_111 : vector<16xi32> to vector<16xi32>
        %swap3A_113 = vector.shape_cast %get3A_109 : vector<16xi32> to vector<16xi32>
        tpu.vector_store %arg15[%swap3A_110], %swap3A_113 {strides = array<i32>} : memref<128xi32, #tpu.memory_space<vmem>>, vector<16xi32>,
        %get3A_114 = arith.index_cast %mul3A_82 : i32 to index
        %get3A_115 = arith.constant 48 : index
        %get3A_116 = tpu.vector_load %arg12[%get3A_114, %get3A_115] {strides = array<i32>} : memref<8x128xi32, #tpu.memory_space<vmem>>, vector<1x16xi32>,
        %get3A_117 = vector.shape_cast %get3A_116 : vector<1x16xi32> to vector<16xi32>
        %swap3A_118 = arith.constant 48 : index
        %swap3A_119 = tpu.vector_load %arg15[%swap3A_118] {strides = array<i32>} : memref<128xi32, #tpu.memory_space<vmem>>, vector<16xi32>,
        %swap3A_120 = vector.shape_cast %swap3A_119 : vector<16xi32> to vector<16xi32>
        %swap3A_121 = vector.shape_cast %get3A_117 : vector<16xi32> to vector<16xi32>
        tpu.vector_store %arg15[%swap3A_118], %swap3A_121 {strides = array<i32>} : memref<128xi32, #tpu.memory_space<vmem>>, vector<16xi32>,
        %get3A_122 = arith.index_cast %mul3A_82 : i32 to index
        %get3A_123 = arith.constant 64 : index
        %get3A_124 = tpu.vector_load %arg12[%get3A_122, %get3A_123] {strides = array<i32>} : memref<8x128xi32, #tpu.memory_space<vmem>>, vector<1x16xi32>,
        %get3A_125 = vector.shape_cast %get3A_124 : vector<1x16xi32> to vector<16xi32>
        %swap3A_126 = arith.constant 64 : index
        %swap3A_127 = tpu.vector_load %arg15[%swap3A_126] {strides = array<i32>} : memref<128xi32, #tpu.memory_space<vmem>>, vector<16xi32>,
        %swap3A_128 = vector.shape_cast %swap3A_127 : vector<16xi32> to vector<16xi32>
        %swap3A_129 = vector.shape_cast %get3A_125 : vector<16xi32> to vector<16xi32>
        tpu.vector_store %arg15[%swap3A_126], %swap3A_129 {strides = array<i32>} : memref<128xi32, #tpu.memory_space<vmem>>, vector<16xi32>,
        %get3A_130 = arith.index_cast %mul3A_82 : i32 to index
        %get3A_131 = arith.constant 80 : index
        %get3A_132 = tpu.vector_load %arg12[%get3A_130, %get3A_131] {strides = array<i32>} : memref<8x128xi32, #tpu.memory_space<vmem>>, vector<1x16xi32>,
        %get3A_133 = vector.shape_cast %get3A_132 : vector<1x16xi32> to vector<16xi32>
        %swap3A_134 = arith.constant 80 : index
        %swap3A_135 = tpu.vector_load %arg15[%swap3A_134] {strides = array<i32>} : memref<128xi32, #tpu.memory_space<vmem>>, vector<16xi32>,
        %swap3A_136 = vector.shape_cast %swap3A_135 : vector<16xi32> to vector<16xi32>
        %swap3A_137 = vector.shape_cast %get3A_133 : vector<16xi32> to vector<16xi32>
        tpu.vector_store %arg15[%swap3A_134], %swap3A_137 {strides = array<i32>} : memref<128xi32, #tpu.memory_space<vmem>>, vector<16xi32>,
        %get3A_138 = arith.index_cast %mul3A_82 : i32 to index
        %get3A_139 = arith.constant 96 : index
        %get3A_140 = tpu.vector_load %arg12[%get3A_138, %get3A_139] {strides = array<i32>} : memref<8x128xi32, #tpu.memory_space<vmem>>, vector<1x16xi32>,
        %get3A_141 = vector.shape_cast %get3A_140 : vector<1x16xi32> to vector<16xi32>
        %swap3A_142 = arith.constant 96 : index
        %swap3A_143 = tpu.vector_load %arg15[%swap3A_142] {strides = array<i32>} : memref<128xi32, #tpu.memory_space<vmem>>, vector<16xi32>,
        %swap3A_144 = vector.shape_cast %swap3A_143 : vector<16xi32> to vector<16xi32>
        %swap3A_145 = vector.shape_cast %get3A_141 : vector<16xi32> to vector<16xi32>
        tpu.vector_store %arg15[%swap3A_142], %swap3A_145 {strides = array<i32>} : memref<128xi32, #tpu.memory_space<vmem>>, vector<16xi32>,
        %get3A_146 = arith.index_cast %mul3A_82 : i32 to index
        %get3A_147 = arith.constant 112 : index
        %get3A_148 = tpu.vector_load %arg12[%get3A_146, %get3A_147] {strides = array<i32>} : memref<8x128xi32, #tpu.memory_space<vmem>>, vector<1x16xi32>,
        %get3A_149 = vector.shape_cast %get3A_148 : vector<1x16xi32> to vector<16xi32>
        %swap3A_150 = arith.constant 112 : index
        %swap3A_151 = tpu.vector_load %arg15[%swap3A_150] {strides = array<i32>} : memref<128xi32, #tpu.memory_space<vmem>>, vector<16xi32>,
        %swap3A_152 = vector.shape_cast %swap3A_151 : vector<16xi32> to vector<16xi32>
        %swap3A_153 = vector.shape_cast %get3A_149 : vector<16xi32> to vector<16xi32>
        tpu.vector_store %arg15[%swap3A_150], %swap3A_153 {strides = array<i32>} : memref<128xi32, #tpu.memory_space<vmem>>, vector<16xi32>,
        %dma_wait3A = arith.constant 0 : i32
        %dma_wait3A_154 = tpu.memref_slice %arg11[%mul3A_82, %dma_wait3A] : memref<8x128xi32, #tpu.memory_space<vmem>> -> memref<1x128xi32, #tpu.memory_space<vmem>>
        %dma_wait3A_155 = tpu.memref_squeeze %dma_wait3A_154 : memref<1x128xi32, #tpu.memory_space<vmem>> -> memref<128xi32, #tpu.memory_space<vmem>>
        %dma_wait3A_156 = arith.constant 0 : i32
        %dma_wait3A_157 = arith.constant 0 : i32
        %dma_wait3A_158 = tpu.memref_slice %arg2[%dma_wait3A_156, %dma_wait3A_157] : memref<10000x128xf32, #tpu.memory_space<hbm>> -> memref<10000x128xf32, #tpu.memory_space<hbm>>
        tpu.wait_indirect_dma semaphore(%arg16 : memref<!tpu.dma_semaphore, #tpu.memory_space<semaphore_mem>>) src(%dma_wait3A_158 : memref<10000x128xf32, #tpu.memory_space<hbm>>) dst(%arg13 : memref<128x128xf32, #tpu.memory_space<vmem>>)
        "tpu.region"() ({
          %run_scoped3A = tpu.sem_alloc : memref<!tpu.dma_semaphore, #tpu.memory_space<semaphore_mem>>
          %dma_start3A_252 = arith.constant 0 : i32
          %dma_start3A_253 = arith.constant 0 : i32
          %dma_start3A_254 = tpu.memref_slice %arg10[%dma_start3A_252, %dma_start3A_253] : memref<10008x128xf32, #tpu.memory_space<vmem_shared>> -> memref<10008x128xf32, #tpu.memory_space<vmem_shared>>
          tpu.enqueue_indirect_dma source(%arg13 : memref<128x128xf32, #tpu.memory_space<vmem>>) target(%dma_start3A_254 : memref<10008x128xf32, #tpu.memory_space<vmem_shared>>) offsets(%arg15 : memref<128xi32, #tpu.memory_space<vmem>>) semaphore(%run_scoped3A : memref<!tpu.dma_semaphore, #tpu.memory_space<semaphore_mem>>) {add = true}
          %dma_wait3A_255 = arith.constant 0 : i32
          %dma_wait3A_256 = arith.constant 0 : i32
          %dma_wait3A_257 = tpu.memref_slice %arg10[%dma_wait3A_255, %dma_wait3A_256] : memref<10008x128xf32, #tpu.memory_space<vmem_shared>> -> memref<10008x128xf32, #tpu.memory_space<vmem_shared>>
          tpu.wait_indirect_dma semaphore(%run_scoped3A : memref<!tpu.dma_semaphore, #tpu.memory_space<semaphore_mem>>) src(%arg13 : memref<128x128xf32, #tpu.memory_space<vmem>>) dst(%dma_wait3A_257 : memref<10008x128xf32, #tpu.memory_space<vmem_shared>>)
          tpu.yield
        }) : () -> ()
        "tpu.region"() ({
          %run_scoped3A = tpu.sem_alloc : memref<!tpu.dma_semaphore, #tpu.memory_space<semaphore_mem>>
          %dma_start3A_252 = arith.constant 0 : i32
          %dma_start3A_253 = tpu.memref_slice %arg18[%dma_start3A_252] : memref<10008xf32, #tpu.memory_space<vmem_shared>> -> memref<10008xf32, #tpu.memory_space<vmem_shared>>
          tpu.enqueue_indirect_dma source(%arg19 : memref<128xf32, #tpu.memory_space<vmem>>) target(%dma_start3A_253 : memref<10008xf32, #tpu.memory_space<vmem_shared>>) offsets(%arg15 : memref<128xi32, #tpu.memory_space<vmem>>) semaphore(%run_scoped3A : memref<!tpu.dma_semaphore, #tpu.memory_space<semaphore_mem>>) {add = true}
          %dma_wait3A_254 = arith.constant 0 : i32
          %dma_wait3A_255 = tpu.memref_slice %arg18[%dma_wait3A_254] : memref<10008xf32, #tpu.memory_space<vmem_shared>> -> memref<10008xf32, #tpu.memory_space<vmem_shared>>
          tpu.wait_indirect_dma semaphore(%run_scoped3A : memref<!tpu.dma_semaphore, #tpu.memory_space<semaphore_mem>>) src(%arg19 : memref<128xf32, #tpu.memory_space<vmem>>) dst(%dma_wait3A_255 : memref<10008xf32, #tpu.memory_space<vmem_shared>>)
          tpu.yield
        }) : () -> ()
        %lt3A_159 = arith.constant 3 : i32
        %lt3A_160 = arith.cmpi slt, %scan3A_80, %lt3A_159 : i32
        %convert_element_type3A_161 = arith.extui %lt3A_160 : i1 to i32
        %cond3A_162 = arith.constant 0 : i32
        %cond3A_163 = arith.cmpi ne, %convert_element_type3A_161, %cond3A_162 : i32
        scf.if %cond3A_163 {
          %add3A_252 = arith.constant 2 : i32
          %add3A_253 = arith.addi %mul3A_82, %add3A_252 : i32
          %dma_start3A_254 = arith.constant 0 : i32
          %dma_start3A_255 = tpu.memref_slice %arg11[%add3A_253, %dma_start3A_254] : memref<8x128xi32, #tpu.memory_space<vmem>> -> memref<1x128xi32, #tpu.memory_space<vmem>>
          %dma_start3A_256 = tpu.memref_squeeze %dma_start3A_255 : memref<1x128xi32, #tpu.memory_space<vmem>> -> memref<128xi32, #tpu.memory_space<vmem>>
          %dma_start3A_257 = arith.constant 0 : i32
          %dma_start3A_258 = arith.constant 0 : i32
          %dma_start3A_259 = tpu.memref_slice %arg2[%dma_start3A_257, %dma_start3A_258] : memref<10000x128xf32, #tpu.memory_space<hbm>> -> memref<10000x128xf32, #tpu.memory_space<hbm>>
          tpu.enqueue_indirect_dma source(%dma_start3A_259 : memref<10000x128xf32, #tpu.memory_space<hbm>>) target(%arg13 : memref<128x128xf32, #tpu.memory_space<vmem>>) offsets(%dma_start3A_256 : memref<128xi32, #tpu.memory_space<vmem>>) semaphore(%arg16 : memref<!tpu.dma_semaphore, #tpu.memory_space<semaphore_mem>>)
        } else {
        }
        %add3A_164 = arith.constant 1 : i32
        %add3A_165 = arith.addi %mul3A_82, %add3A_164 : i32
        %get3A_166 = arith.index_cast %add3A_165 : i32 to index
        %get3A_167 = arith.constant 0 : index
        %get3A_168 = tpu.vector_load %arg12[%get3A_166, %get3A_167] {strides = array<i32>} : memref<8x128xi32, #tpu.memory_space<vmem>>, vector<1x16xi32>,
        %get3A_169 = vector.shape_cast %get3A_168 : vector<1x16xi32> to vector<16xi32>
        %swap3A_170 = arith.constant 0 : index
        %swap3A_171 = tpu.vector_load %arg15[%swap3A_170] {strides = array<i32>} : memref<128xi32, #tpu.memory_space<vmem>>, vector<16xi32>,
        %swap3A_172 = vector.shape_cast %swap3A_171 : vector<16xi32> to vector<16xi32>
        %swap3A_173 = vector.shape_cast %get3A_169 : vector<16xi32> to vector<16xi32>
        tpu.vector_store %arg15[%swap3A_170], %swap3A_173 {strides = array<i32>} : memref<128xi32, #tpu.memory_space<vmem>>, vector<16xi32>,
        %add3A_174 = arith.constant 1 : i32
        %add3A_175 = arith.addi %mul3A_82, %add3A_174 : i32
        %get3A_176 = arith.index_cast %add3A_175 : i32 to index
        %get3A_177 = arith.constant 16 : index
        %get3A_178 = tpu.vector_load %arg12[%get3A_176, %get3A_177] {strides = array<i32>} : memref<8x128xi32, #tpu.memory_space<vmem>>, vector<1x16xi32>,
        %get3A_179 = vector.shape_cast %get3A_178 : vector<1x16xi32> to vector<16xi32>
        %swap3A_180 = arith.constant 16 : index
        %swap3A_181 = tpu.vector_load %arg15[%swap3A_180] {strides = array<i32>} : memref<128xi32, #tpu.memory_space<vmem>>, vector<16xi32>,
        %swap3A_182 = vector.shape_cast %swap3A_181 : vector<16xi32> to vector<16xi32>
        %swap3A_183 = vector.shape_cast %get3A_179 : vector<16xi32> to vector<16xi32>
        tpu.vector_store %arg15[%swap3A_180], %swap3A_183 {strides = array<i32>} : memref<128xi32, #tpu.memory_space<vmem>>, vector<16xi32>,
        %add3A_184 = arith.constant 1 : i32
        %add3A_185 = arith.addi %mul3A_82, %add3A_184 : i32
        %get3A_186 = arith.index_cast %add3A_185 : i32 to index
        %get3A_187 = arith.constant 32 : index
        %get3A_188 = tpu.vector_load %arg12[%get3A_186, %get3A_187] {strides = array<i32>} : memref<8x128xi32, #tpu.memory_space<vmem>>, vector<1x16xi32>,
        %get3A_189 = vector.shape_cast %get3A_188 : vector<1x16xi32> to vector<16xi32>
        %swap3A_190 = arith.constant 32 : index
        %swap3A_191 = tpu.vector_load %arg15[%swap3A_190] {strides = array<i32>} : memref<128xi32, #tpu.memory_space<vmem>>, vector<16xi32>,
        %swap3A_192 = vector.shape_cast %swap3A_191 : vector<16xi32> to vector<16xi32>
        %swap3A_193 = vector.shape_cast %get3A_189 : vector<16xi32> to vector<16xi32>
        tpu.vector_store %arg15[%swap3A_190], %swap3A_193 {strides = array<i32>} : memref<128xi32, #tpu.memory_space<vmem>>, vector<16xi32>,
        %add3A_194 = arith.constant 1 : i32
        %add3A_195 = arith.addi %mul3A_82, %add3A_194 : i32
        %get3A_196 = arith.index_cast %add3A_195 : i32 to index
        %get3A_197 = arith.constant 48 : index
        %get3A_198 = tpu.vector_load %arg12[%get3A_196, %get3A_197] {strides = array<i32>} : memref<8x128xi32, #tpu.memory_space<vmem>>, vector<1x16xi32>,
        %get3A_199 = vector.shape_cast %get3A_198 : vector<1x16xi32> to vector<16xi32>
        %swap3A_200 = arith.constant 48 : index
        %swap3A_201 = tpu.vector_load %arg15[%swap3A_200] {strides = array<i32>} : memref<128xi32, #tpu.memory_space<vmem>>, vector<16xi32>,
        %swap3A_202 = vector.shape_cast %swap3A_201 : vector<16xi32> to vector<16xi32>
        %swap3A_203 = vector.shape_cast %get3A_199 : vector<16xi32> to vector<16xi32>
        tpu.vector_store %arg15[%swap3A_200], %swap3A_203 {strides = array<i32>} : memref<128xi32, #tpu.memory_space<vmem>>, vector<16xi32>,
        %add3A_204 = arith.constant 1 : i32
        %add3A_205 = arith.addi %mul3A_82, %add3A_204 : i32
        %get3A_206 = arith.index_cast %add3A_205 : i32 to index
        %get3A_207 = arith.constant 64 : index
        %get3A_208 = tpu.vector_load %arg12[%get3A_206, %get3A_207] {strides = array<i32>} : memref<8x128xi32, #tpu.memory_space<vmem>>, vector<1x16xi32>,
        %get3A_209 = vector.shape_cast %get3A_208 : vector<1x16xi32> to vector<16xi32>
        %swap3A_210 = arith.constant 64 : index
        %swap3A_211 = tpu.vector_load %arg15[%swap3A_210] {strides = array<i32>} : memref<128xi32, #tpu.memory_space<vmem>>, vector<16xi32>,
        %swap3A_212 = vector.shape_cast %swap3A_211 : vector<16xi32> to vector<16xi32>
        %swap3A_213 = vector.shape_cast %get3A_209 : vector<16xi32> to vector<16xi32>
        tpu.vector_store %arg15[%swap3A_210], %swap3A_213 {strides = array<i32>} : memref<128xi32, #tpu.memory_space<vmem>>, vector<16xi32>,
        %add3A_214 = arith.constant 1 : i32
        %add3A_215 = arith.addi %mul3A_82, %add3A_214 : i32
        %get3A_216 = arith.index_cast %add3A_215 : i32 to index
        %get3A_217 = arith.constant 80 : index
        %get3A_218 = tpu.vector_load %arg12[%get3A_216, %get3A_217] {strides = array<i32>} : memref<8x128xi32, #tpu.memory_space<vmem>>, vector<1x16xi32>,
        %get3A_219 = vector.shape_cast %get3A_218 : vector<1x16xi32> to vector<16xi32>
        %swap3A_220 = arith.constant 80 : index
        %swap3A_221 = tpu.vector_load %arg15[%swap3A_220] {strides = array<i32>} : memref<128xi32, #tpu.memory_space<vmem>>, vector<16xi32>,
        %swap3A_222 = vector.shape_cast %swap3A_221 : vector<16xi32> to vector<16xi32>
        %swap3A_223 = vector.shape_cast %get3A_219 : vector<16xi32> to vector<16xi32>
        tpu.vector_store %arg15[%swap3A_220], %swap3A_223 {strides = array<i32>} : memref<128xi32, #tpu.memory_space<vmem>>, vector<16xi32>,
        %add3A_224 = arith.constant 1 : i32
        %add3A_225 = arith.addi %mul3A_82, %add3A_224 : i32
        %get3A_226 = arith.index_cast %add3A_225 : i32 to index
        %get3A_227 = arith.constant 96 : index
        %get3A_228 = tpu.vector_load %arg12[%get3A_226, %get3A_227] {strides = array<i32>} : memref<8x128xi32, #tpu.memory_space<vmem>>, vector<1x16xi32>,
        %get3A_229 = vector.shape_cast %get3A_228 : vector<1x16xi32> to vector<16xi32>
        %swap3A_230 = arith.constant 96 : index
        %swap3A_231 = tpu.vector_load %arg15[%swap3A_230] {strides = array<i32>} : memref<128xi32, #tpu.memory_space<vmem>>, vector<16xi32>,
        %swap3A_232 = vector.shape_cast %swap3A_231 : vector<16xi32> to vector<16xi32>
        %swap3A_233 = vector.shape_cast %get3A_229 : vector<16xi32> to vector<16xi32>
        tpu.vector_store %arg15[%swap3A_230], %swap3A_233 {strides = array<i32>} : memref<128xi32, #tpu.memory_space<vmem>>, vector<16xi32>,
        %add3A_234 = arith.constant 1 : i32
        %add3A_235 = arith.addi %mul3A_82, %add3A_234 : i32
        %get3A_236 = arith.index_cast %add3A_235 : i32 to index
        %get3A_237 = arith.constant 112 : index
        %get3A_238 = tpu.vector_load %arg12[%get3A_236, %get3A_237] {strides = array<i32>} : memref<8x128xi32, #tpu.memory_space<vmem>>, vector<1x16xi32>,
        %get3A_239 = vector.shape_cast %get3A_238 : vector<1x16xi32> to vector<16xi32>
        %swap3A_240 = arith.constant 112 : index
        %swap3A_241 = tpu.vector_load %arg15[%swap3A_240] {strides = array<i32>} : memref<128xi32, #tpu.memory_space<vmem>>, vector<16xi32>,
        %swap3A_242 = vector.shape_cast %swap3A_241 : vector<16xi32> to vector<16xi32>
        %swap3A_243 = vector.shape_cast %get3A_239 : vector<16xi32> to vector<16xi32>
        tpu.vector_store %arg15[%swap3A_240], %swap3A_243 {strides = array<i32>} : memref<128xi32, #tpu.memory_space<vmem>>, vector<16xi32>,
        %add3A_244 = arith.constant 1 : i32
        %add3A_245 = arith.addi %mul3A_82, %add3A_244 : i32
        %dma_wait3A_246 = arith.constant 0 : i32
        %dma_wait3A_247 = tpu.memref_slice %arg11[%add3A_245, %dma_wait3A_246] : memref<8x128xi32, #tpu.memory_space<vmem>> -> memref<1x128xi32, #tpu.memory_space<vmem>>
        %dma_wait3A_248 = tpu.memref_squeeze %dma_wait3A_247 : memref<1x128xi32, #tpu.memory_space<vmem>> -> memref<128xi32, #tpu.memory_space<vmem>>
        %dma_wait3A_249 = arith.constant 0 : i32
        %dma_wait3A_250 = arith.constant 0 : i32
        %dma_wait3A_251 = tpu.memref_slice %arg2[%dma_wait3A_249, %dma_wait3A_250] : memref<10000x128xf32, #tpu.memory_space<hbm>> -> memref<10000x128xf32, #tpu.memory_space<hbm>>
        tpu.wait_indirect_dma semaphore(%arg17 : memref<!tpu.dma_semaphore, #tpu.memory_space<semaphore_mem>>) src(%dma_wait3A_251 : memref<10000x128xf32, #tpu.memory_space<hbm>>) dst(%arg14 : memref<128x128xf32, #tpu.memory_space<vmem>>)
        "tpu.region"() ({
          %run_scoped3A = tpu.sem_alloc : memref<!tpu.dma_semaphore, #tpu.memory_space<semaphore_mem>>
          %dma_start3A_252 = arith.constant 0 : i32
          %dma_start3A_253 = arith.constant 0 : i32
          %dma_start3A_254 = tpu.memref_slice %arg10[%dma_start3A_252, %dma_start3A_253] : memref<10008x128xf32, #tpu.memory_space<vmem_shared>> -> memref<10008x128xf32, #tpu.memory_space<vmem_shared>>
          tpu.enqueue_indirect_dma source(%arg14 : memref<128x128xf32, #tpu.memory_space<vmem>>) target(%dma_start3A_254 : memref<10008x128xf32, #tpu.memory_space<vmem_shared>>) offsets(%arg15 : memref<128xi32, #tpu.memory_space<vmem>>) semaphore(%run_scoped3A : memref<!tpu.dma_semaphore, #tpu.memory_space<semaphore_mem>>) {add = true}
          %dma_wait3A_255 = arith.constant 0 : i32
          %dma_wait3A_256 = arith.constant 0 : i32
          %dma_wait3A_257 = tpu.memref_slice %arg10[%dma_wait3A_255, %dma_wait3A_256] : memref<10008x128xf32, #tpu.memory_space<vmem_shared>> -> memref<10008x128xf32, #tpu.memory_space<vmem_shared>>
          tpu.wait_indirect_dma semaphore(%run_scoped3A : memref<!tpu.dma_semaphore, #tpu.memory_space<semaphore_mem>>) src(%arg14 : memref<128x128xf32, #tpu.memory_space<vmem>>) dst(%dma_wait3A_257 : memref<10008x128xf32, #tpu.memory_space<vmem_shared>>)
          tpu.yield
        }) : () -> ()
        "tpu.region"() ({
          %run_scoped3A = tpu.sem_alloc : memref<!tpu.dma_semaphore, #tpu.memory_space<semaphore_mem>>
          %dma_start3A_252 = arith.constant 0 : i32
          %dma_start3A_253 = tpu.memref_slice %arg18[%dma_start3A_252] : memref<10008xf32, #tpu.memory_space<vmem_shared>> -> memref<10008xf32, #tpu.memory_space<vmem_shared>>
          tpu.enqueue_indirect_dma source(%arg19 : memref<128xf32, #tpu.memory_space<vmem>>) target(%dma_start3A_253 : memref<10008xf32, #tpu.memory_space<vmem_shared>>) offsets(%arg15 : memref<128xi32, #tpu.memory_space<vmem>>) semaphore(%run_scoped3A : memref<!tpu.dma_semaphore, #tpu.memory_space<semaphore_mem>>) {add = true}
          %dma_wait3A_254 = arith.constant 0 : i32
          %dma_wait3A_255 = tpu.memref_slice %arg18[%dma_wait3A_254] : memref<10008xf32, #tpu.memory_space<vmem_shared>> -> memref<10008xf32, #tpu.memory_space<vmem_shared>>
          tpu.wait_indirect_dma semaphore(%run_scoped3A : memref<!tpu.dma_semaphore, #tpu.memory_space<semaphore_mem>>) src(%arg19 : memref<128xf32, #tpu.memory_space<vmem>>) dst(%dma_wait3A_255 : memref<10008xf32, #tpu.memory_space<vmem_shared>>)
          tpu.yield
        }) : () -> ()
      }
      %scan3A_79 = arith.constant 4 : i32
    }
    %scan3A_58 = arith.constant 10 : i32
    %barrier3A_59 = arith.constant 0 : index
    tpu.barrier barrier_id(%barrier3A_59)
    %mul3A_60 = arith.constant 1000 : i32
    %mul3A_61 = arith.muli %arg1, %mul3A_60 : i32
    %lt3A_62 = arith.constant 10 : i32
    %lt3A_63 = arith.cmpi slt, %arg1, %lt3A_62 : i32
    %convert_element_type3A_64 = arith.extui %lt3A_63 : i1 to i32
    %cond3A_65 = arith.constant 0 : i32
    %cond3A_66 = arith.cmpi ne, %convert_element_type3A_64, %cond3A_65 : i32
    scf.if %cond3A_66 {
      %add3A_67 = arith.constant 0 : i32
      %add3A_68 = arith.addi %mul3A_61, %add3A_67 : i32
      "tpu.region"() ({
        %run_scoped3A = tpu.sem_alloc : memref<!tpu.dma_semaphore, #tpu.memory_space<semaphore_mem>>
        %dma_start3A = arith.constant 0 : i32
        %dma_start3A_102 = tpu.memref_slice %arg10[%add3A_68, %dma_start3A] : memref<10008x128xf32, #tpu.memory_space<vmem_shared>> -> memref<128x128xf32, #tpu.memory_space<vmem_shared>>
        %dma_start3A_103 = arith.constant 0 : i32
        %dma_start3A_104 = tpu.memref_slice %arg10[%add3A_68, %dma_start3A_103] : memref<10008x128xf32, #tpu.memory_space<vmem_shared>> -> memref<128x128xf32, #tpu.memory_space<vmem_shared>>
        tpu.enqueue_dma source(%dma_start3A_104 : memref<128x128xf32, #tpu.memory_space<vmem_shared>>) target(%arg13 : memref<128x128xf32, #tpu.memory_space<vmem>>) target_semaphore(%run_scoped3A : memref<!tpu.dma_semaphore, #tpu.memory_space<semaphore_mem>>)
        %dma_wait3A = arith.constant 0 : i32
        %dma_wait3A_105 = tpu.memref_slice %arg10[%add3A_68, %dma_wait3A] : memref<10008x128xf32, #tpu.memory_space<vmem_shared>> -> memref<128x128xf32, #tpu.memory_space<vmem_shared>>
        %dma_wait3A_106 = arith.constant 0 : i32
        %dma_wait3A_107 = tpu.memref_slice %arg10[%add3A_68, %dma_wait3A_106] : memref<10008x128xf32, #tpu.memory_space<vmem_shared>> -> memref<128x128xf32, #tpu.memory_space<vmem_shared>>
        tpu.wait_dma2 semaphore(%run_scoped3A : memref<!tpu.dma_semaphore, #tpu.memory_space<semaphore_mem>>) src(%dma_wait3A_107 : memref<128x128xf32, #tpu.memory_space<vmem_shared>>) dst(%arg13 : memref<128x128xf32, #tpu.memory_space<vmem>>)
        tpu.yield
      }) : () -> ()
      %add3A_69 = arith.constant 0 : i32
      %add3A_70 = arith.addi %mul3A_61, %add3A_69 : i32
      "tpu.region"() ({
        %run_scoped3A = tpu.sem_alloc : memref<!tpu.dma_semaphore, #tpu.memory_space<semaphore_mem>>
        %dma_start3A = arith.constant 0 : i32
        %dma_start3A_102 = tpu.memref_slice %arg8[%arg0, %add3A_70, %dma_start3A] : memref<2x10000x128xf32, #tpu.memory_space<hbm>> -> memref<1x128x128xf32, #tpu.memory_space<hbm>>
        %dma_start3A_103 = tpu.memref_squeeze %dma_start3A_102 : memref<1x128x128xf32, #tpu.memory_space<hbm>> -> memref<128x128xf32, #tpu.memory_space<hbm>>
        %dma_start3A_104 = arith.constant 0 : i32
        %dma_start3A_105 = tpu.memref_slice %arg8[%arg0, %add3A_70, %dma_start3A_104] : memref<2x10000x128xf32, #tpu.memory_space<hbm>> -> memref<1x128x128xf32, #tpu.memory_space<hbm>>
        %dma_start3A_106 = tpu.memref_squeeze %dma_start3A_105 : memref<1x128x128xf32, #tpu.memory_space<hbm>> -> memref<128x128xf32, #tpu.memory_space<hbm>>
        tpu.enqueue_dma source(%arg13 : memref<128x128xf32, #tpu.memory_space<vmem>>) target(%dma_start3A_106 : memref<128x128xf32, #tpu.memory_space<hbm>>) target_semaphore(%run_scoped3A : memref<!tpu.dma_semaphore, #tpu.memory_space<semaphore_mem>>)
        %dma_wait3A = arith.constant 0 : i32
        %dma_wait3A_107 = tpu.memref_slice %arg8[%arg0, %add3A_70, %dma_wait3A] : memref<2x10000x128xf32, #tpu.memory_space<hbm>> -> memref<1x128x128xf32, #tpu.memory_space<hbm>>
        %dma_wait3A_108 = tpu.memref_squeeze %dma_wait3A_107 : memref<1x128x128xf32, #tpu.memory_space<hbm>> -> memref<128x128xf32, #tpu.memory_space<hbm>>
        %dma_wait3A_109 = arith.constant 0 : i32
        %dma_wait3A_110 = tpu.memref_slice %arg8[%arg0, %add3A_70, %dma_wait3A_109] : memref<2x10000x128xf32, #tpu.memory_space<hbm>> -> memref<1x128x128xf32, #tpu.memory_space<hbm>>
        %dma_wait3A_111 = tpu.memref_squeeze %dma_wait3A_110 : memref<1x128x128xf32, #tpu.memory_space<hbm>> -> memref<128x128xf32, #tpu.memory_space<hbm>>
        tpu.wait_dma2 semaphore(%run_scoped3A : memref<!tpu.dma_semaphore, #tpu.memory_space<semaphore_mem>>) src(%arg13 : memref<128x128xf32, #tpu.memory_space<vmem>>) dst(%dma_wait3A_111 : memref<128x128xf32, #tpu.memory_space<hbm>>)
        tpu.yield
      }) : () -> ()
      %add3A_71 = arith.constant 128 : i32
      %add3A_72 = arith.addi %mul3A_61, %add3A_71 : i32
      "tpu.region"() ({
        %run_scoped3A = tpu.sem_alloc : memref<!tpu.dma_semaphore, #tpu.memory_space<semaphore_mem>>
        %dma_start3A = arith.constant 0 : i32
        %dma_start3A_102 = tpu.memref_slice %arg10[%add3A_72, %dma_start3A] : memref<10008x128xf32, #tpu.memory_space<vmem_shared>> -> memref<128x128xf32, #tpu.memory_space<vmem_shared>>
        %dma_start3A_103 = arith.constant 0 : i32
        %dma_start3A_104 = tpu.memref_slice %arg10[%add3A_72, %dma_start3A_103] : memref<10008x128xf32, #tpu.memory_space<vmem_shared>> -> memref<128x128xf32, #tpu.memory_space<vmem_shared>>
        tpu.enqueue_dma source(%dma_start3A_104 : memref<128x128xf32, #tpu.memory_space<vmem_shared>>) target(%arg13 : memref<128x128xf32, #tpu.memory_space<vmem>>) target_semaphore(%run_scoped3A : memref<!tpu.dma_semaphore, #tpu.memory_space<semaphore_mem>>)
        %dma_wait3A = arith.constant 0 : i32
        %dma_wait3A_105 = tpu.memref_slice %arg10[%add3A_72, %dma_wait3A] : memref<10008x128xf32, #tpu.memory_space<vmem_shared>> -> memref<128x128xf32, #tpu.memory_space<vmem_shared>>
        %dma_wait3A_106 = arith.constant 0 : i32
        %dma_wait3A_107 = tpu.memref_slice %arg10[%add3A_72, %dma_wait3A_106] : memref<10008x128xf32, #tpu.memory_space<vmem_shared>> -> memref<128x128xf32, #tpu.memory_space<vmem_shared>>
        tpu.wait_dma2 semaphore(%run_scoped3A : memref<!tpu.dma_semaphore, #tpu.memory_space<semaphore_mem>>) src(%dma_wait3A_107 : memref<128x128xf32, #tpu.memory_space<vmem_shared>>) dst(%arg13 : memref<128x128xf32, #tpu.memory_space<vmem>>)
        tpu.yield
      }) : () -> ()
      %add3A_73 = arith.constant 128 : i32
      %add3A_74 = arith.addi %mul3A_61, %add3A_73 : i32
      "tpu.region"() ({
        %run_scoped3A = tpu.sem_alloc : memref<!tpu.dma_semaphore, #tpu.memory_space<semaphore_mem>>
        %dma_start3A = arith.constant 0 : i32
        %dma_start3A_102 = tpu.memref_slice %arg8[%arg0, %add3A_74, %dma_start3A] : memref<2x10000x128xf32, #tpu.memory_space<hbm>> -> memref<1x128x128xf32, #tpu.memory_space<hbm>>
        %dma_start3A_103 = tpu.memref_squeeze %dma_start3A_102 : memref<1x128x128xf32, #tpu.memory_space<hbm>> -> memref<128x128xf32, #tpu.memory_space<hbm>>
        %dma_start3A_104 = arith.constant 0 : i32
        %dma_start3A_105 = tpu.memref_slice %arg8[%arg0, %add3A_74, %dma_start3A_104] : memref<2x10000x128xf32, #tpu.memory_space<hbm>> -> memref<1x128x128xf32, #tpu.memory_space<hbm>>
        %dma_start3A_106 = tpu.memref_squeeze %dma_start3A_105 : memref<1x128x128xf32, #tpu.memory_space<hbm>> -> memref<128x128xf32, #tpu.memory_space<hbm>>
        tpu.enqueue_dma source(%arg13 : memref<128x128xf32, #tpu.memory_space<vmem>>) target(%dma_start3A_106 : memref<128x128xf32, #tpu.memory_space<hbm>>) target_semaphore(%run_scoped3A : memref<!tpu.dma_semaphore, #tpu.memory_space<semaphore_mem>>)
        %dma_wait3A = arith.constant 0 : i32
        %dma_wait3A_107 = tpu.memref_slice %arg8[%arg0, %add3A_74, %dma_wait3A] : memref<2x10000x128xf32, #tpu.memory_space<hbm>> -> memref<1x128x128xf32, #tpu.memory_space<hbm>>
        %dma_wait3A_108 = tpu.memref_squeeze %dma_wait3A_107 : memref<1x128x128xf32, #tpu.memory_space<hbm>> -> memref<128x128xf32, #tpu.memory_space<hbm>>
        %dma_wait3A_109 = arith.constant 0 : i32
        %dma_wait3A_110 = tpu.memref_slice %arg8[%arg0, %add3A_74, %dma_wait3A_109] : memref<2x10000x128xf32, #tpu.memory_space<hbm>> -> memref<1x128x128xf32, #tpu.memory_space<hbm>>
        %dma_wait3A_111 = tpu.memref_squeeze %dma_wait3A_110 : memref<1x128x128xf32, #tpu.memory_space<hbm>> -> memref<128x128xf32, #tpu.memory_space<hbm>>
        tpu.wait_dma2 semaphore(%run_scoped3A : memref<!tpu.dma_semaphore, #tpu.memory_space<semaphore_mem>>) src(%arg13 : memref<128x128xf32, #tpu.memory_space<vmem>>) dst(%dma_wait3A_111 : memref<128x128xf32, #tpu.memory_space<hbm>>)
        tpu.yield
      }) : () -> ()
      %add3A_75 = arith.constant 256 : i32
      %add3A_76 = arith.addi %mul3A_61, %add3A_75 : i32
      "tpu.region"() ({
        %run_scoped3A = tpu.sem_alloc : memref<!tpu.dma_semaphore, #tpu.memory_space<semaphore_mem>>
        %dma_start3A = arith.constant 0 : i32
        %dma_start3A_102 = tpu.memref_slice %arg10[%add3A_76, %dma_start3A] : memref<10008x128xf32, #tpu.memory_space<vmem_shared>> -> memref<128x128xf32, #tpu.memory_space<vmem_shared>>
        %dma_start3A_103 = arith.constant 0 : i32
        %dma_start3A_104 = tpu.memref_slice %arg10[%add3A_76, %dma_start3A_103] : memref<10008x128xf32, #tpu.memory_space<vmem_shared>> -> memref<128x128xf32, #tpu.memory_space<vmem_shared>>
        tpu.enqueue_dma source(%dma_start3A_104 : memref<128x128xf32, #tpu.memory_space<vmem_shared>>) target(%arg13 : memref<128x128xf32, #tpu.memory_space<vmem>>) target_semaphore(%run_scoped3A : memref<!tpu.dma_semaphore, #tpu.memory_space<semaphore_mem>>)
        %dma_wait3A = arith.constant 0 : i32
        %dma_wait3A_105 = tpu.memref_slice %arg10[%add3A_76, %dma_wait3A] : memref<10008x128xf32, #tpu.memory_space<vmem_shared>> -> memref<128x128xf32, #tpu.memory_space<vmem_shared>>
        %dma_wait3A_106 = arith.constant 0 : i32
        %dma_wait3A_107 = tpu.memref_slice %arg10[%add3A_76, %dma_wait3A_106] : memref<10008x128xf32, #tpu.memory_space<vmem_shared>> -> memref<128x128xf32, #tpu.memory_space<vmem_shared>>
        tpu.wait_dma2 semaphore(%run_scoped3A : memref<!tpu.dma_semaphore, #tpu.memory_space<semaphore_mem>>) src(%dma_wait3A_107 : memref<128x128xf32, #tpu.memory_space<vmem_shared>>) dst(%arg13 : memref<128x128xf32, #tpu.memory_space<vmem>>)
        tpu.yield
      }) : () -> ()
      %add3A_77 = arith.constant 256 : i32
      %add3A_78 = arith.addi %mul3A_61, %add3A_77 : i32
      "tpu.region"() ({
        %run_scoped3A = tpu.sem_alloc : memref<!tpu.dma_semaphore, #tpu.memory_space<semaphore_mem>>
        %dma_start3A = arith.constant 0 : i32
        %dma_start3A_102 = tpu.memref_slice %arg8[%arg0, %add3A_78, %dma_start3A] : memref<2x10000x128xf32, #tpu.memory_space<hbm>> -> memref<1x128x128xf32, #tpu.memory_space<hbm>>
        %dma_start3A_103 = tpu.memref_squeeze %dma_start3A_102 : memref<1x128x128xf32, #tpu.memory_space<hbm>> -> memref<128x128xf32, #tpu.memory_space<hbm>>
        %dma_start3A_104 = arith.constant 0 : i32
        %dma_start3A_105 = tpu.memref_slice %arg8[%arg0, %add3A_78, %dma_start3A_104] : memref<2x10000x128xf32, #tpu.memory_space<hbm>> -> memref<1x128x128xf32, #tpu.memory_space<hbm>>
        %dma_start3A_106 = tpu.memref_squeeze %dma_start3A_105 : memref<1x128x128xf32, #tpu.memory_space<hbm>> -> memref<128x128xf32, #tpu.memory_space<hbm>>
        tpu.enqueue_dma source(%arg13 : memref<128x128xf32, #tpu.memory_space<vmem>>) target(%dma_start3A_106 : memref<128x128xf32, #tpu.memory_space<hbm>>) target_semaphore(%run_scoped3A : memref<!tpu.dma_semaphore, #tpu.memory_space<semaphore_mem>>)
        %dma_wait3A = arith.constant 0 : i32
        %dma_wait3A_107 = tpu.memref_slice %arg8[%arg0, %add3A_78, %dma_wait3A] : memref<2x10000x128xf32, #tpu.memory_space<hbm>> -> memref<1x128x128xf32, #tpu.memory_space<hbm>>
        %dma_wait3A_108 = tpu.memref_squeeze %dma_wait3A_107 : memref<1x128x128xf32, #tpu.memory_space<hbm>> -> memref<128x128xf32, #tpu.memory_space<hbm>>
        %dma_wait3A_109 = arith.constant 0 : i32
        %dma_wait3A_110 = tpu.memref_slice %arg8[%arg0, %add3A_78, %dma_wait3A_109] : memref<2x10000x128xf32, #tpu.memory_space<hbm>> -> memref<1x128x128xf32, #tpu.memory_space<hbm>>
        %dma_wait3A_111 = tpu.memref_squeeze %dma_wait3A_110 : memref<1x128x128xf32, #tpu.memory_space<hbm>> -> memref<128x128xf32, #tpu.memory_space<hbm>>
        tpu.wait_dma2 semaphore(%run_scoped3A : memref<!tpu.dma_semaphore, #tpu.memory_space<semaphore_mem>>) src(%arg13 : memref<128x128xf32, #tpu.memory_space<vmem>>) dst(%dma_wait3A_111 : memref<128x128xf32, #tpu.memory_space<hbm>>)
        tpu.yield
      }) : () -> ()
      %add3A_79 = arith.constant 384 : i32
      %add3A_80 = arith.addi %mul3A_61, %add3A_79 : i32
      "tpu.region"() ({
        %run_scoped3A = tpu.sem_alloc : memref<!tpu.dma_semaphore, #tpu.memory_space<semaphore_mem>>
        %dma_start3A = arith.constant 0 : i32
        %dma_start3A_102 = tpu.memref_slice %arg10[%add3A_80, %dma_start3A] : memref<10008x128xf32, #tpu.memory_space<vmem_shared>> -> memref<128x128xf32, #tpu.memory_space<vmem_shared>>
        %dma_start3A_103 = arith.constant 0 : i32
        %dma_start3A_104 = tpu.memref_slice %arg10[%add3A_80, %dma_start3A_103] : memref<10008x128xf32, #tpu.memory_space<vmem_shared>> -> memref<128x128xf32, #tpu.memory_space<vmem_shared>>
        tpu.enqueue_dma source(%dma_start3A_104 : memref<128x128xf32, #tpu.memory_space<vmem_shared>>) target(%arg13 : memref<128x128xf32, #tpu.memory_space<vmem>>) target_semaphore(%run_scoped3A : memref<!tpu.dma_semaphore, #tpu.memory_space<semaphore_mem>>)
        %dma_wait3A = arith.constant 0 : i32
        %dma_wait3A_105 = tpu.memref_slice %arg10[%add3A_80, %dma_wait3A] : memref<10008x128xf32, #tpu.memory_space<vmem_shared>> -> memref<128x128xf32, #tpu.memory_space<vmem_shared>>
        %dma_wait3A_106 = arith.constant 0 : i32
        %dma_wait3A_107 = tpu.memref_slice %arg10[%add3A_80, %dma_wait3A_106] : memref<10008x128xf32, #tpu.memory_space<vmem_shared>> -> memref<128x128xf32, #tpu.memory_space<vmem_shared>>
        tpu.wait_dma2 semaphore(%run_scoped3A : memref<!tpu.dma_semaphore, #tpu.memory_space<semaphore_mem>>) src(%dma_wait3A_107 : memref<128x128xf32, #tpu.memory_space<vmem_shared>>) dst(%arg13 : memref<128x128xf32, #tpu.memory_space<vmem>>)
        tpu.yield
      }) : () -> ()
      %add3A_81 = arith.constant 384 : i32
      %add3A_82 = arith.addi %mul3A_61, %add3A_81 : i32
      "tpu.region"() ({
        %run_scoped3A = tpu.sem_alloc : memref<!tpu.dma_semaphore, #tpu.memory_space<semaphore_mem>>
        %dma_start3A = arith.constant 0 : i32
        %dma_start3A_102 = tpu.memref_slice %arg8[%arg0, %add3A_82, %dma_start3A] : memref<2x10000x128xf32, #tpu.memory_space<hbm>> -> memref<1x128x128xf32, #tpu.memory_space<hbm>>
        %dma_start3A_103 = tpu.memref_squeeze %dma_start3A_102 : memref<1x128x128xf32, #tpu.memory_space<hbm>> -> memref<128x128xf32, #tpu.memory_space<hbm>>
        %dma_start3A_104 = arith.constant 0 : i32
        %dma_start3A_105 = tpu.memref_slice %arg8[%arg0, %add3A_82, %dma_start3A_104] : memref<2x10000x128xf32, #tpu.memory_space<hbm>> -> memref<1x128x128xf32, #tpu.memory_space<hbm>>
        %dma_start3A_106 = tpu.memref_squeeze %dma_start3A_105 : memref<1x128x128xf32, #tpu.memory_space<hbm>> -> memref<128x128xf32, #tpu.memory_space<hbm>>
        tpu.enqueue_dma source(%arg13 : memref<128x128xf32, #tpu.memory_space<vmem>>) target(%dma_start3A_106 : memref<128x128xf32, #tpu.memory_space<hbm>>) target_semaphore(%run_scoped3A : memref<!tpu.dma_semaphore, #tpu.memory_space<semaphore_mem>>)
        %dma_wait3A = arith.constant 0 : i32
        %dma_wait3A_107 = tpu.memref_slice %arg8[%arg0, %add3A_82, %dma_wait3A] : memref<2x10000x128xf32, #tpu.memory_space<hbm>> -> memref<1x128x128xf32, #tpu.memory_space<hbm>>
        %dma_wait3A_108 = tpu.memref_squeeze %dma_wait3A_107 : memref<1x128x128xf32, #tpu.memory_space<hbm>> -> memref<128x128xf32, #tpu.memory_space<hbm>>
        %dma_wait3A_109 = arith.constant 0 : i32
        %dma_wait3A_110 = tpu.memref_slice %arg8[%arg0, %add3A_82, %dma_wait3A_109] : memref<2x10000x128xf32, #tpu.memory_space<hbm>> -> memref<1x128x128xf32, #tpu.memory_space<hbm>>
        %dma_wait3A_111 = tpu.memref_squeeze %dma_wait3A_110 : memref<1x128x128xf32, #tpu.memory_space<hbm>> -> memref<128x128xf32, #tpu.memory_space<hbm>>
        tpu.wait_dma2 semaphore(%run_scoped3A : memref<!tpu.dma_semaphore, #tpu.memory_space<semaphore_mem>>) src(%arg13 : memref<128x128xf32, #tpu.memory_space<vmem>>) dst(%dma_wait3A_111 : memref<128x128xf32, #tpu.memory_space<hbm>>)
        tpu.yield
      }) : () -> ()
      %add3A_83 = arith.constant 512 : i32
      %add3A_84 = arith.addi %mul3A_61, %add3A_83 : i32
      "tpu.region"() ({
        %run_scoped3A = tpu.sem_alloc : memref<!tpu.dma_semaphore, #tpu.memory_space<semaphore_mem>>
        %dma_start3A = arith.constant 0 : i32
        %dma_start3A_102 = tpu.memref_slice %arg10[%add3A_84, %dma_start3A] : memref<10008x128xf32, #tpu.memory_space<vmem_shared>> -> memref<128x128xf32, #tpu.memory_space<vmem_shared>>
        %dma_start3A_103 = arith.constant 0 : i32
        %dma_start3A_104 = tpu.memref_slice %arg10[%add3A_84, %dma_start3A_103] : memref<10008x128xf32, #tpu.memory_space<vmem_shared>> -> memref<128x128xf32, #tpu.memory_space<vmem_shared>>
        tpu.enqueue_dma source(%dma_start3A_104 : memref<128x128xf32, #tpu.memory_space<vmem_shared>>) target(%arg13 : memref<128x128xf32, #tpu.memory_space<vmem>>) target_semaphore(%run_scoped3A : memref<!tpu.dma_semaphore, #tpu.memory_space<semaphore_mem>>)
        %dma_wait3A = arith.constant 0 : i32
        %dma_wait3A_105 = tpu.memref_slice %arg10[%add3A_84, %dma_wait3A] : memref<10008x128xf32, #tpu.memory_space<vmem_shared>> -> memref<128x128xf32, #tpu.memory_space<vmem_shared>>
        %dma_wait3A_106 = arith.constant 0 : i32
        %dma_wait3A_107 = tpu.memref_slice %arg10[%add3A_84, %dma_wait3A_106] : memref<10008x128xf32, #tpu.memory_space<vmem_shared>> -> memref<128x128xf32, #tpu.memory_space<vmem_shared>>
        tpu.wait_dma2 semaphore(%run_scoped3A : memref<!tpu.dma_semaphore, #tpu.memory_space<semaphore_mem>>) src(%dma_wait3A_107 : memref<128x128xf32, #tpu.memory_space<vmem_shared>>) dst(%arg13 : memref<128x128xf32, #tpu.memory_space<vmem>>)
        tpu.yield
      }) : () -> ()
      %add3A_85 = arith.constant 512 : i32
      %add3A_86 = arith.addi %mul3A_61, %add3A_85 : i32
      "tpu.region"() ({
        %run_scoped3A = tpu.sem_alloc : memref<!tpu.dma_semaphore, #tpu.memory_space<semaphore_mem>>
        %dma_start3A = arith.constant 0 : i32
        %dma_start3A_102 = tpu.memref_slice %arg8[%arg0, %add3A_86, %dma_start3A] : memref<2x10000x128xf32, #tpu.memory_space<hbm>> -> memref<1x128x128xf32, #tpu.memory_space<hbm>>
        %dma_start3A_103 = tpu.memref_squeeze %dma_start3A_102 : memref<1x128x128xf32, #tpu.memory_space<hbm>> -> memref<128x128xf32, #tpu.memory_space<hbm>>
        %dma_start3A_104 = arith.constant 0 : i32
        %dma_start3A_105 = tpu.memref_slice %arg8[%arg0, %add3A_86, %dma_start3A_104] : memref<2x10000x128xf32, #tpu.memory_space<hbm>> -> memref<1x128x128xf32, #tpu.memory_space<hbm>>
        %dma_start3A_106 = tpu.memref_squeeze %dma_start3A_105 : memref<1x128x128xf32, #tpu.memory_space<hbm>> -> memref<128x128xf32, #tpu.memory_space<hbm>>
        tpu.enqueue_dma source(%arg13 : memref<128x128xf32, #tpu.memory_space<vmem>>) target(%dma_start3A_106 : memref<128x128xf32, #tpu.memory_space<hbm>>) target_semaphore(%run_scoped3A : memref<!tpu.dma_semaphore, #tpu.memory_space<semaphore_mem>>)
        %dma_wait3A = arith.constant 0 : i32
        %dma_wait3A_107 = tpu.memref_slice %arg8[%arg0, %add3A_86, %dma_wait3A] : memref<2x10000x128xf32, #tpu.memory_space<hbm>> -> memref<1x128x128xf32, #tpu.memory_space<hbm>>
        %dma_wait3A_108 = tpu.memref_squeeze %dma_wait3A_107 : memref<1x128x128xf32, #tpu.memory_space<hbm>> -> memref<128x128xf32, #tpu.memory_space<hbm>>
        %dma_wait3A_109 = arith.constant 0 : i32
        %dma_wait3A_110 = tpu.memref_slice %arg8[%arg0, %add3A_86, %dma_wait3A_109] : memref<2x10000x128xf32, #tpu.memory_space<hbm>> -> memref<1x128x128xf32, #tpu.memory_space<hbm>>
        %dma_wait3A_111 = tpu.memref_squeeze %dma_wait3A_110 : memref<1x128x128xf32, #tpu.memory_space<hbm>> -> memref<128x128xf32, #tpu.memory_space<hbm>>
        tpu.wait_dma2 semaphore(%run_scoped3A : memref<!tpu.dma_semaphore, #tpu.memory_space<semaphore_mem>>) src(%arg13 : memref<128x128xf32, #tpu.memory_space<vmem>>) dst(%dma_wait3A_111 : memref<128x128xf32, #tpu.memory_space<hbm>>)
        tpu.yield
      }) : () -> ()
      %add3A_87 = arith.constant 640 : i32
      %add3A_88 = arith.addi %mul3A_61, %add3A_87 : i32
      "tpu.region"() ({
        %run_scoped3A = tpu.sem_alloc : memref<!tpu.dma_semaphore, #tpu.memory_space<semaphore_mem>>
        %dma_start3A = arith.constant 0 : i32
        %dma_start3A_102 = tpu.memref_slice %arg10[%add3A_88, %dma_start3A] : memref<10008x128xf32, #tpu.memory_space<vmem_shared>> -> memref<128x128xf32, #tpu.memory_space<vmem_shared>>
        %dma_start3A_103 = arith.constant 0 : i32
        %dma_start3A_104 = tpu.memref_slice %arg10[%add3A_88, %dma_start3A_103] : memref<10008x128xf32, #tpu.memory_space<vmem_shared>> -> memref<128x128xf32, #tpu.memory_space<vmem_shared>>
        tpu.enqueue_dma source(%dma_start3A_104 : memref<128x128xf32, #tpu.memory_space<vmem_shared>>) target(%arg13 : memref<128x128xf32, #tpu.memory_space<vmem>>) target_semaphore(%run_scoped3A : memref<!tpu.dma_semaphore, #tpu.memory_space<semaphore_mem>>)
        %dma_wait3A = arith.constant 0 : i32
        %dma_wait3A_105 = tpu.memref_slice %arg10[%add3A_88, %dma_wait3A] : memref<10008x128xf32, #tpu.memory_space<vmem_shared>> -> memref<128x128xf32, #tpu.memory_space<vmem_shared>>
        %dma_wait3A_106 = arith.constant 0 : i32
        %dma_wait3A_107 = tpu.memref_slice %arg10[%add3A_88, %dma_wait3A_106] : memref<10008x128xf32, #tpu.memory_space<vmem_shared>> -> memref<128x128xf32, #tpu.memory_space<vmem_shared>>
        tpu.wait_dma2 semaphore(%run_scoped3A : memref<!tpu.dma_semaphore, #tpu.memory_space<semaphore_mem>>) src(%dma_wait3A_107 : memref<128x128xf32, #tpu.memory_space<vmem_shared>>) dst(%arg13 : memref<128x128xf32, #tpu.memory_space<vmem>>)
        tpu.yield
      }) : () -> ()
      %add3A_89 = arith.constant 640 : i32
      %add3A_90 = arith.addi %mul3A_61, %add3A_89 : i32
      "tpu.region"() ({
        %run_scoped3A = tpu.sem_alloc : memref<!tpu.dma_semaphore, #tpu.memory_space<semaphore_mem>>
        %dma_start3A = arith.constant 0 : i32
        %dma_start3A_102 = tpu.memref_slice %arg8[%arg0, %add3A_90, %dma_start3A] : memref<2x10000x128xf32, #tpu.memory_space<hbm>> -> memref<1x128x128xf32, #tpu.memory_space<hbm>>
        %dma_start3A_103 = tpu.memref_squeeze %dma_start3A_102 : memref<1x128x128xf32, #tpu.memory_space<hbm>> -> memref<128x128xf32, #tpu.memory_space<hbm>>
        %dma_start3A_104 = arith.constant 0 : i32
        %dma_start3A_105 = tpu.memref_slice %arg8[%arg0, %add3A_90, %dma_start3A_104] : memref<2x10000x128xf32, #tpu.memory_space<hbm>> -> memref<1x128x128xf32, #tpu.memory_space<hbm>>
        %dma_start3A_106 = tpu.memref_squeeze %dma_start3A_105 : memref<1x128x128xf32, #tpu.memory_space<hbm>> -> memref<128x128xf32, #tpu.memory_space<hbm>>
        tpu.enqueue_dma source(%arg13 : memref<128x128xf32, #tpu.memory_space<vmem>>) target(%dma_start3A_106 : memref<128x128xf32, #tpu.memory_space<hbm>>) target_semaphore(%run_scoped3A : memref<!tpu.dma_semaphore, #tpu.memory_space<semaphore_mem>>)
        %dma_wait3A = arith.constant 0 : i32
        %dma_wait3A_107 = tpu.memref_slice %arg8[%arg0, %add3A_90, %dma_wait3A] : memref<2x10000x128xf32, #tpu.memory_space<hbm>> -> memref<1x128x128xf32, #tpu.memory_space<hbm>>
        %dma_wait3A_108 = tpu.memref_squeeze %dma_wait3A_107 : memref<1x128x128xf32, #tpu.memory_space<hbm>> -> memref<128x128xf32, #tpu.memory_space<hbm>>
        %dma_wait3A_109 = arith.constant 0 : i32
        %dma_wait3A_110 = tpu.memref_slice %arg8[%arg0, %add3A_90, %dma_wait3A_109] : memref<2x10000x128xf32, #tpu.memory_space<hbm>> -> memref<1x128x128xf32, #tpu.memory_space<hbm>>
        %dma_wait3A_111 = tpu.memref_squeeze %dma_wait3A_110 : memref<1x128x128xf32, #tpu.memory_space<hbm>> -> memref<128x128xf32, #tpu.memory_space<hbm>>
        tpu.wait_dma2 semaphore(%run_scoped3A : memref<!tpu.dma_semaphore, #tpu.memory_space<semaphore_mem>>) src(%arg13 : memref<128x128xf32, #tpu.memory_space<vmem>>) dst(%dma_wait3A_111 : memref<128x128xf32, #tpu.memory_space<hbm>>)
        tpu.yield
      }) : () -> ()
      %add3A_91 = arith.constant 768 : i32
      %add3A_92 = arith.addi %mul3A_61, %add3A_91 : i32
      "tpu.region"() ({
        %run_scoped3A = tpu.sem_alloc : memref<!tpu.dma_semaphore, #tpu.memory_space<semaphore_mem>>
        %dma_start3A = arith.constant 0 : i32
        %dma_start3A_102 = tpu.memref_slice %arg10[%add3A_92, %dma_start3A] : memref<10008x128xf32, #tpu.memory_space<vmem_shared>> -> memref<128x128xf32, #tpu.memory_space<vmem_shared>>
        %dma_start3A_103 = arith.constant 0 : i32
        %dma_start3A_104 = tpu.memref_slice %arg10[%add3A_92, %dma_start3A_103] : memref<10008x128xf32, #tpu.memory_space<vmem_shared>> -> memref<128x128xf32, #tpu.memory_space<vmem_shared>>
        tpu.enqueue_dma source(%dma_start3A_104 : memref<128x128xf32, #tpu.memory_space<vmem_shared>>) target(%arg13 : memref<128x128xf32, #tpu.memory_space<vmem>>) target_semaphore(%run_scoped3A : memref<!tpu.dma_semaphore, #tpu.memory_space<semaphore_mem>>)
        %dma_wait3A = arith.constant 0 : i32
        %dma_wait3A_105 = tpu.memref_slice %arg10[%add3A_92, %dma_wait3A] : memref<10008x128xf32, #tpu.memory_space<vmem_shared>> -> memref<128x128xf32, #tpu.memory_space<vmem_shared>>
        %dma_wait3A_106 = arith.constant 0 : i32
        %dma_wait3A_107 = tpu.memref_slice %arg10[%add3A_92, %dma_wait3A_106] : memref<10008x128xf32, #tpu.memory_space<vmem_shared>> -> memref<128x128xf32, #tpu.memory_space<vmem_shared>>
        tpu.wait_dma2 semaphore(%run_scoped3A : memref<!tpu.dma_semaphore, #tpu.memory_space<semaphore_mem>>) src(%dma_wait3A_107 : memref<128x128xf32, #tpu.memory_space<vmem_shared>>) dst(%arg13 : memref<128x128xf32, #tpu.memory_space<vmem>>)
        tpu.yield
      }) : () -> ()
      %add3A_93 = arith.constant 768 : i32
      %add3A_94 = arith.addi %mul3A_61, %add3A_93 : i32
      "tpu.region"() ({
        %run_scoped3A = tpu.sem_alloc : memref<!tpu.dma_semaphore, #tpu.memory_space<semaphore_mem>>
        %dma_start3A = arith.constant 0 : i32
        %dma_start3A_102 = tpu.memref_slice %arg8[%arg0, %add3A_94, %dma_start3A] : memref<2x10000x128xf32, #tpu.memory_space<hbm>> -> memref<1x128x128xf32, #tpu.memory_space<hbm>>
        %dma_start3A_103 = tpu.memref_squeeze %dma_start3A_102 : memref<1x128x128xf32, #tpu.memory_space<hbm>> -> memref<128x128xf32, #tpu.memory_space<hbm>>
        %dma_start3A_104 = arith.constant 0 : i32
        %dma_start3A_105 = tpu.memref_slice %arg8[%arg0, %add3A_94, %dma_start3A_104] : memref<2x10000x128xf32, #tpu.memory_space<hbm>> -> memref<1x128x128xf32, #tpu.memory_space<hbm>>
        %dma_start3A_106 = tpu.memref_squeeze %dma_start3A_105 : memref<1x128x128xf32, #tpu.memory_space<hbm>> -> memref<128x128xf32, #tpu.memory_space<hbm>>
        tpu.enqueue_dma source(%arg13 : memref<128x128xf32, #tpu.memory_space<vmem>>) target(%dma_start3A_106 : memref<128x128xf32, #tpu.memory_space<hbm>>) target_semaphore(%run_scoped3A : memref<!tpu.dma_semaphore, #tpu.memory_space<semaphore_mem>>)
        %dma_wait3A = arith.constant 0 : i32
        %dma_wait3A_107 = tpu.memref_slice %arg8[%arg0, %add3A_94, %dma_wait3A] : memref<2x10000x128xf32, #tpu.memory_space<hbm>> -> memref<1x128x128xf32, #tpu.memory_space<hbm>>
        %dma_wait3A_108 = tpu.memref_squeeze %dma_wait3A_107 : memref<1x128x128xf32, #tpu.memory_space<hbm>> -> memref<128x128xf32, #tpu.memory_space<hbm>>
        %dma_wait3A_109 = arith.constant 0 : i32
        %dma_wait3A_110 = tpu.memref_slice %arg8[%arg0, %add3A_94, %dma_wait3A_109] : memref<2x10000x128xf32, #tpu.memory_space<hbm>> -> memref<1x128x128xf32, #tpu.memory_space<hbm>>
        %dma_wait3A_111 = tpu.memref_squeeze %dma_wait3A_110 : memref<1x128x128xf32, #tpu.memory_space<hbm>> -> memref<128x128xf32, #tpu.memory_space<hbm>>
        tpu.wait_dma2 semaphore(%run_scoped3A : memref<!tpu.dma_semaphore, #tpu.memory_space<semaphore_mem>>) src(%arg13 : memref<128x128xf32, #tpu.memory_space<vmem>>) dst(%dma_wait3A_111 : memref<128x128xf32, #tpu.memory_space<hbm>>)
        tpu.yield
      }) : () -> ()
      %add3A_95 = arith.constant 896 : i32
      %add3A_96 = arith.addi %mul3A_61, %add3A_95 : i32
      "tpu.region"() ({
        %run_scoped3A = tpu.sem_alloc : memref<!tpu.dma_semaphore, #tpu.memory_space<semaphore_mem>>
        %dma_start3A = arith.constant 0 : i32
        %dma_start3A_102 = arith.constant 0 : i32
        %dma_start3A_103 = tpu.memref_slice %arg13[%dma_start3A, %dma_start3A_102] : memref<128x128xf32, #tpu.memory_space<vmem>> -> memref<104x128xf32, #tpu.memory_space<vmem>>
        %dma_start3A_104 = arith.constant 0 : i32
        %dma_start3A_105 = tpu.memref_slice %arg10[%add3A_96, %dma_start3A_104] : memref<10008x128xf32, #tpu.memory_space<vmem_shared>> -> memref<104x128xf32, #tpu.memory_space<vmem_shared>>
        %dma_start3A_106 = arith.constant 0 : i32
        %dma_start3A_107 = arith.constant 0 : i32
        %dma_start3A_108 = tpu.memref_slice %arg13[%dma_start3A_106, %dma_start3A_107] : memref<128x128xf32, #tpu.memory_space<vmem>> -> memref<104x128xf32, #tpu.memory_space<vmem>>
        %dma_start3A_109 = arith.constant 0 : i32
        %dma_start3A_110 = tpu.memref_slice %arg10[%add3A_96, %dma_start3A_109] : memref<10008x128xf32, #tpu.memory_space<vmem_shared>> -> memref<104x128xf32, #tpu.memory_space<vmem_shared>>
        tpu.enqueue_dma source(%dma_start3A_110 : memref<104x128xf32, #tpu.memory_space<vmem_shared>>) target(%dma_start3A_108 : memref<104x128xf32, #tpu.memory_space<vmem>>) target_semaphore(%run_scoped3A : memref<!tpu.dma_semaphore, #tpu.memory_space<semaphore_mem>>)
        %dma_wait3A = arith.constant 0 : i32
        %dma_wait3A_111 = arith.constant 0 : i32
        %dma_wait3A_112 = tpu.memref_slice %arg13[%dma_wait3A, %dma_wait3A_111] : memref<128x128xf32, #tpu.memory_space<vmem>> -> memref<104x128xf32, #tpu.memory_space<vmem>>
        %dma_wait3A_113 = arith.constant 0 : i32
        %dma_wait3A_114 = tpu.memref_slice %arg10[%add3A_96, %dma_wait3A_113] : memref<10008x128xf32, #tpu.memory_space<vmem_shared>> -> memref<104x128xf32, #tpu.memory_space<vmem_shared>>
        %dma_wait3A_115 = arith.constant 0 : i32
        %dma_wait3A_116 = arith.constant 0 : i32
        %dma_wait3A_117 = tpu.memref_slice %arg13[%dma_wait3A_115, %dma_wait3A_116] : memref<128x128xf32, #tpu.memory_space<vmem>> -> memref<104x128xf32, #tpu.memory_space<vmem>>
        %dma_wait3A_118 = arith.constant 0 : i32
        %dma_wait3A_119 = tpu.memref_slice %arg10[%add3A_96, %dma_wait3A_118] : memref<10008x128xf32, #tpu.memory_space<vmem_shared>> -> memref<104x128xf32, #tpu.memory_space<vmem_shared>>
        tpu.wait_dma2 semaphore(%run_scoped3A : memref<!tpu.dma_semaphore, #tpu.memory_space<semaphore_mem>>) src(%dma_wait3A_119 : memref<104x128xf32, #tpu.memory_space<vmem_shared>>) dst(%dma_wait3A_117 : memref<104x128xf32, #tpu.memory_space<vmem>>)
        tpu.yield
      }) : () -> ()
      %add3A_97 = arith.constant 896 : i32
      %add3A_98 = arith.addi %mul3A_61, %add3A_97 : i32
      "tpu.region"() ({
        %run_scoped3A = tpu.sem_alloc : memref<!tpu.dma_semaphore, #tpu.memory_space<semaphore_mem>>
        %dma_start3A = arith.constant 0 : i32
        %dma_start3A_102 = arith.constant 0 : i32
        %dma_start3A_103 = tpu.memref_slice %arg13[%dma_start3A, %dma_start3A_102] : memref<128x128xf32, #tpu.memory_space<vmem>> -> memref<104x128xf32, #tpu.memory_space<vmem>>
        %dma_start3A_104 = arith.constant 0 : i32
        %dma_start3A_105 = tpu.memref_slice %arg8[%arg0, %add3A_98, %dma_start3A_104] : memref<2x10000x128xf32, #tpu.memory_space<hbm>> -> memref<1x104x128xf32, #tpu.memory_space<hbm>>
        %dma_start3A_106 = tpu.memref_squeeze %dma_start3A_105 : memref<1x104x128xf32, #tpu.memory_space<hbm>> -> memref<104x128xf32, #tpu.memory_space<hbm>>
        %dma_start3A_107 = arith.constant 0 : i32
        %dma_start3A_108 = tpu.memref_slice %arg8[%arg0, %add3A_98, %dma_start3A_107] : memref<2x10000x128xf32, #tpu.memory_space<hbm>> -> memref<1x104x128xf32, #tpu.memory_space<hbm>>
        %dma_start3A_109 = tpu.memref_squeeze %dma_start3A_108 : memref<1x104x128xf32, #tpu.memory_space<hbm>> -> memref<104x128xf32, #tpu.memory_space<hbm>>
        %dma_start3A_110 = arith.constant 0 : i32
        %dma_start3A_111 = arith.constant 0 : i32
        %dma_start3A_112 = tpu.memref_slice %arg13[%dma_start3A_110, %dma_start3A_111] : memref<128x128xf32, #tpu.memory_space<vmem>> -> memref<104x128xf32, #tpu.memory_space<vmem>>
        tpu.enqueue_dma source(%dma_start3A_112 : memref<104x128xf32, #tpu.memory_space<vmem>>) target(%dma_start3A_109 : memref<104x128xf32, #tpu.memory_space<hbm>>) target_semaphore(%run_scoped3A : memref<!tpu.dma_semaphore, #tpu.memory_space<semaphore_mem>>)
        %dma_wait3A = arith.constant 0 : i32
        %dma_wait3A_113 = arith.constant 0 : i32
        %dma_wait3A_114 = tpu.memref_slice %arg13[%dma_wait3A, %dma_wait3A_113] : memref<128x128xf32, #tpu.memory_space<vmem>> -> memref<104x128xf32, #tpu.memory_space<vmem>>
        %dma_wait3A_115 = arith.constant 0 : i32
        %dma_wait3A_116 = tpu.memref_slice %arg8[%arg0, %add3A_98, %dma_wait3A_115] : memref<2x10000x128xf32, #tpu.memory_space<hbm>> -> memref<1x104x128xf32, #tpu.memory_space<hbm>>
        %dma_wait3A_117 = tpu.memref_squeeze %dma_wait3A_116 : memref<1x104x128xf32, #tpu.memory_space<hbm>> -> memref<104x128xf32, #tpu.memory_space<hbm>>
        %dma_wait3A_118 = arith.constant 0 : i32
        %dma_wait3A_119 = tpu.memref_slice %arg8[%arg0, %add3A_98, %dma_wait3A_118] : memref<2x10000x128xf32, #tpu.memory_space<hbm>> -> memref<1x104x128xf32, #tpu.memory_space<hbm>>
        %dma_wait3A_120 = tpu.memref_squeeze %dma_wait3A_119 : memref<1x104x128xf32, #tpu.memory_space<hbm>> -> memref<104x128xf32, #tpu.memory_space<hbm>>
        %dma_wait3A_121 = arith.constant 0 : i32
        %dma_wait3A_122 = arith.constant 0 : i32
        %dma_wait3A_123 = tpu.memref_slice %arg13[%dma_wait3A_121, %dma_wait3A_122] : memref<128x128xf32, #tpu.memory_space<vmem>> -> memref<104x128xf32, #tpu.memory_space<vmem>>
        tpu.wait_dma2 semaphore(%run_scoped3A : memref<!tpu.dma_semaphore, #tpu.memory_space<semaphore_mem>>) src(%dma_wait3A_123 : memref<104x128xf32, #tpu.memory_space<vmem>>) dst(%dma_wait3A_120 : memref<104x128xf32, #tpu.memory_space<hbm>>)
        tpu.yield
      }) : () -> ()
      "tpu.region"() ({
        %run_scoped3A = tpu.sem_alloc : memref<!tpu.dma_semaphore, #tpu.memory_space<semaphore_mem>>
        %dma_start3A = tpu.memref_slice %arg18[%mul3A_61] : memref<10008xf32, #tpu.memory_space<vmem_shared>> -> memref<1000xf32, #tpu.memory_space<vmem_shared>>
        %dma_start3A_102 = tpu.memref_slice %arg18[%mul3A_61] : memref<10008xf32, #tpu.memory_space<vmem_shared>> -> memref<1000xf32, #tpu.memory_space<vmem_shared>>
        tpu.enqueue_dma source(%dma_start3A_102 : memref<1000xf32, #tpu.memory_space<vmem_shared>>) target(%arg20 : memref<1000xf32, #tpu.memory_space<vmem>>) target_semaphore(%run_scoped3A : memref<!tpu.dma_semaphore, #tpu.memory_space<semaphore_mem>>)
        %dma_wait3A = tpu.memref_slice %arg18[%mul3A_61] : memref<10008xf32, #tpu.memory_space<vmem_shared>> -> memref<1000xf32, #tpu.memory_space<vmem_shared>>
        %dma_wait3A_103 = tpu.memref_slice %arg18[%mul3A_61] : memref<10008xf32, #tpu.memory_space<vmem_shared>> -> memref<1000xf32, #tpu.memory_space<vmem_shared>>
        tpu.wait_dma2 semaphore(%run_scoped3A : memref<!tpu.dma_semaphore, #tpu.memory_space<semaphore_mem>>) src(%dma_wait3A_103 : memref<1000xf32, #tpu.memory_space<vmem_shared>>) dst(%arg20 : memref<1000xf32, #tpu.memory_space<vmem>>)
        tpu.yield
      }) : () -> ()
      %mul3A_99 = arith.constant 10000 : i32
      %mul3A_100 = arith.muli %arg0, %mul3A_99 : i32
      %add3A_101 = arith.addi %mul3A_100, %mul3A_61 : i32
      "tpu.region"() ({
        %run_scoped3A = tpu.sem_alloc : memref<!tpu.dma_semaphore, #tpu.memory_space<semaphore_mem>>
        %dma_start3A = tpu.memref_slice %arg9[%add3A_101] : memref<20000xf32, #tpu.memory_space<hbm>> -> memref<1000xf32, #tpu.memory_space<hbm>>
        %dma_start3A_102 = tpu.memref_slice %arg9[%add3A_101] : memref<20000xf32, #tpu.memory_space<hbm>> -> memref<1000xf32, #tpu.memory_space<hbm>>
        tpu.enqueue_dma source(%arg20 : memref<1000xf32, #tpu.memory_space<vmem>>) target(%dma_start3A_102 : memref<1000xf32, #tpu.memory_space<hbm>>) target_semaphore(%run_scoped3A : memref<!tpu.dma_semaphore, #tpu.memory_space<semaphore_mem>>)
        %dma_wait3A = tpu.memref_slice %arg9[%add3A_101] : memref<20000xf32, #tpu.memory_space<hbm>> -> memref<1000xf32, #tpu.memory_space<hbm>>
        %dma_wait3A_103 = tpu.memref_slice %arg9[%add3A_101] : memref<20000xf32, #tpu.memory_space<hbm>> -> memref<1000xf32, #tpu.memory_space<hbm>>
        tpu.wait_dma2 semaphore(%run_scoped3A : memref<!tpu.dma_semaphore, #tpu.memory_space<semaphore_mem>>) src(%arg20 : memref<1000xf32, #tpu.memory_space<vmem>>) dst(%dma_wait3A_103 : memref<1000xf32, #tpu.memory_space<hbm>>)
        tpu.yield
      }) : () -> ()
    } else {
    }
    return
  }
}

#map = affine_map<(d0, d1) -> (0, 0)>
#map1 = affine_map<(d0, d1) -> (0, 0, 0, 0)>
#map2 = affine_map<(d0, d1) -> (0)>
#map3 = affine_map<(d0, d1) -> (0, 0, 0)>
module attributes {stable_mosaic.version = 14 : i64} {
  func.func @k(%arg0: i32, %arg1: i32, %arg2: memref<10000x128xf32, #tpu.memory_space<hbm>>, %arg3: memref<10000x128xf32, #tpu.memory_space<hbm>>, %arg4: memref<32x10x8x128xi32, #tpu.memory_space<hbm>>, %arg5: memref<32x10x8x128xi32, #tpu.memory_space<hbm>>, %arg6: memref<128x128xf32, #tpu.memory_space<hbm>>, %arg7: memref<1000xf32, #tpu.memory_space<hbm>>, %arg8: memref<2x10000x128xf32, #tpu.memory_space<hbm>>, %arg9: memref<10008x128xf32, #tpu.memory_space<vmem_shared>>, %arg10: memref<8x128xi32, #tpu.memory_space<vmem>>, %arg11: memref<8x128xi32, #tpu.memory_space<vmem>>, %arg12: memref<128x128xf32, #tpu.memory_space<vmem>>, %arg13: memref<128x128xf32, #tpu.memory_space<vmem>>, %arg14: memref<128xi32, #tpu.memory_space<vmem>>, %arg15: memref<!tpu.dma_semaphore, #tpu.memory_space<semaphore_mem>>, %arg16: memref<!tpu.dma_semaphore, #tpu.memory_space<semaphore_mem>>) attributes {dimension_semantics = [#tpu.dimension_semantics<core_parallel>, #tpu.dimension_semantics<subcore_parallel>], iteration_bounds = array<i64: 2, 16>, scalar_prefetch = 0 : i64, scratch_operands = 8 : i64, tpu.core_type = #tpu.core_type<sc_vector_subcore>, window_params = [{transform_indices = #map}, {transform_indices = #map}, {transform_indices = #map1}, {transform_indices = #map1}, {transform_indices = #map}, {transform_indices = #map2}, {transform_indices = #map3}]} {
    %mul3A = arith.constant 2 : i32
    %mul3A_0 = arith.muli %arg1, %mul3A : i32
    %add3A = arith.addi %mul3A_0, %arg0 : i32
    %lt3A = arith.constant 10 : i32
    %lt3A_1 = arith.cmpi slt, %arg1, %lt3A : i32
    %convert_element_type3A = arith.extui %lt3A_1 : i1 to i32
    %cond3A = arith.constant 0 : i32
    %cond3A_2 = arith.cmpi ne, %convert_element_type3A, %cond3A : i32
    scf.if %cond3A_2 {
      "tpu.region"() ({
        %run_scoped3A = tpu.sem_alloc : memref<!tpu.dma_semaphore, #tpu.memory_space<semaphore_mem>>
        tpu.enqueue_dma source(%arg6 : memref<128x128xf32, #tpu.memory_space<hbm>>) target(%arg12 : memref<128x128xf32, #tpu.memory_space<vmem>>) target_semaphore(%run_scoped3A : memref<!tpu.dma_semaphore, #tpu.memory_space<semaphore_mem>>)
        tpu.wait_dma2 semaphore(%run_scoped3A : memref<!tpu.dma_semaphore, #tpu.memory_space<semaphore_mem>>) src(%arg6 : memref<128x128xf32, #tpu.memory_space<hbm>>) dst(%arg12 : memref<128x128xf32, #tpu.memory_space<vmem>>)
        tpu.yield
      }) : () -> ()
      %mul3A_16 = arith.constant 1000 : i32
      %mul3A_17 = arith.muli %arg1, %mul3A_16 : i32
      %add3A_18 = arith.constant 0 : i32
      %add3A_19 = arith.addi %mul3A_17, %add3A_18 : i32
      "tpu.region"() ({
        %run_scoped3A = tpu.sem_alloc : memref<!tpu.dma_semaphore, #tpu.memory_space<semaphore_mem>>
        %dma_start3A = arith.constant 0 : i32
        %dma_start3A_48 = tpu.memref_slice %arg9[%add3A_19, %dma_start3A] : memref<10008x128xf32, #tpu.memory_space<vmem_shared>> -> memref<128x128xf32, #tpu.memory_space<vmem_shared>>
        %dma_start3A_49 = arith.constant 0 : i32
        %dma_start3A_50 = tpu.memref_slice %arg9[%add3A_19, %dma_start3A_49] : memref<10008x128xf32, #tpu.memory_space<vmem_shared>> -> memref<128x128xf32, #tpu.memory_space<vmem_shared>>
        tpu.enqueue_dma source(%arg12 : memref<128x128xf32, #tpu.memory_space<vmem>>) target(%dma_start3A_50 : memref<128x128xf32, #tpu.memory_space<vmem_shared>>) target_semaphore(%run_scoped3A : memref<!tpu.dma_semaphore, #tpu.memory_space<semaphore_mem>>)
        %dma_wait3A = arith.constant 0 : i32
        %dma_wait3A_51 = tpu.memref_slice %arg9[%add3A_19, %dma_wait3A] : memref<10008x128xf32, #tpu.memory_space<vmem_shared>> -> memref<128x128xf32, #tpu.memory_space<vmem_shared>>
        %dma_wait3A_52 = arith.constant 0 : i32
        %dma_wait3A_53 = tpu.memref_slice %arg9[%add3A_19, %dma_wait3A_52] : memref<10008x128xf32, #tpu.memory_space<vmem_shared>> -> memref<128x128xf32, #tpu.memory_space<vmem_shared>>
        tpu.wait_dma2 semaphore(%run_scoped3A : memref<!tpu.dma_semaphore, #tpu.memory_space<semaphore_mem>>) src(%arg12 : memref<128x128xf32, #tpu.memory_space<vmem>>) dst(%dma_wait3A_53 : memref<128x128xf32, #tpu.memory_space<vmem_shared>>)
        tpu.yield
      }) : () -> ()
      %mul3A_20 = arith.constant 1000 : i32
      %mul3A_21 = arith.muli %arg1, %mul3A_20 : i32
      %add3A_22 = arith.constant 128 : i32
      %add3A_23 = arith.addi %mul3A_21, %add3A_22 : i32
      "tpu.region"() ({
        %run_scoped3A = tpu.sem_alloc : memref<!tpu.dma_semaphore, #tpu.memory_space<semaphore_mem>>
        %dma_start3A = arith.constant 0 : i32
        %dma_start3A_48 = tpu.memref_slice %arg9[%add3A_23, %dma_start3A] : memref<10008x128xf32, #tpu.memory_space<vmem_shared>> -> memref<128x128xf32, #tpu.memory_space<vmem_shared>>
        %dma_start3A_49 = arith.constant 0 : i32
        %dma_start3A_50 = tpu.memref_slice %arg9[%add3A_23, %dma_start3A_49] : memref<10008x128xf32, #tpu.memory_space<vmem_shared>> -> memref<128x128xf32, #tpu.memory_space<vmem_shared>>
        tpu.enqueue_dma source(%arg12 : memref<128x128xf32, #tpu.memory_space<vmem>>) target(%dma_start3A_50 : memref<128x128xf32, #tpu.memory_space<vmem_shared>>) target_semaphore(%run_scoped3A : memref<!tpu.dma_semaphore, #tpu.memory_space<semaphore_mem>>)
        %dma_wait3A = arith.constant 0 : i32
        %dma_wait3A_51 = tpu.memref_slice %arg9[%add3A_23, %dma_wait3A] : memref<10008x128xf32, #tpu.memory_space<vmem_shared>> -> memref<128x128xf32, #tpu.memory_space<vmem_shared>>
        %dma_wait3A_52 = arith.constant 0 : i32
        %dma_wait3A_53 = tpu.memref_slice %arg9[%add3A_23, %dma_wait3A_52] : memref<10008x128xf32, #tpu.memory_space<vmem_shared>> -> memref<128x128xf32, #tpu.memory_space<vmem_shared>>
        tpu.wait_dma2 semaphore(%run_scoped3A : memref<!tpu.dma_semaphore, #tpu.memory_space<semaphore_mem>>) src(%arg12 : memref<128x128xf32, #tpu.memory_space<vmem>>) dst(%dma_wait3A_53 : memref<128x128xf32, #tpu.memory_space<vmem_shared>>)
        tpu.yield
      }) : () -> ()
      %mul3A_24 = arith.constant 1000 : i32
      %mul3A_25 = arith.muli %arg1, %mul3A_24 : i32
      %add3A_26 = arith.constant 256 : i32
      %add3A_27 = arith.addi %mul3A_25, %add3A_26 : i32
      "tpu.region"() ({
        %run_scoped3A = tpu.sem_alloc : memref<!tpu.dma_semaphore, #tpu.memory_space<semaphore_mem>>
        %dma_start3A = arith.constant 0 : i32
        %dma_start3A_48 = tpu.memref_slice %arg9[%add3A_27, %dma_start3A] : memref<10008x128xf32, #tpu.memory_space<vmem_shared>> -> memref<128x128xf32, #tpu.memory_space<vmem_shared>>
        %dma_start3A_49 = arith.constant 0 : i32
        %dma_start3A_50 = tpu.memref_slice %arg9[%add3A_27, %dma_start3A_49] : memref<10008x128xf32, #tpu.memory_space<vmem_shared>> -> memref<128x128xf32, #tpu.memory_space<vmem_shared>>
        tpu.enqueue_dma source(%arg12 : memref<128x128xf32, #tpu.memory_space<vmem>>) target(%dma_start3A_50 : memref<128x128xf32, #tpu.memory_space<vmem_shared>>) target_semaphore(%run_scoped3A : memref<!tpu.dma_semaphore, #tpu.memory_space<semaphore_mem>>)
        %dma_wait3A = arith.constant 0 : i32
        %dma_wait3A_51 = tpu.memref_slice %arg9[%add3A_27, %dma_wait3A] : memref<10008x128xf32, #tpu.memory_space<vmem_shared>> -> memref<128x128xf32, #tpu.memory_space<vmem_shared>>
        %dma_wait3A_52 = arith.constant 0 : i32
        %dma_wait3A_53 = tpu.memref_slice %arg9[%add3A_27, %dma_wait3A_52] : memref<10008x128xf32, #tpu.memory_space<vmem_shared>> -> memref<128x128xf32, #tpu.memory_space<vmem_shared>>
        tpu.wait_dma2 semaphore(%run_scoped3A : memref<!tpu.dma_semaphore, #tpu.memory_space<semaphore_mem>>) src(%arg12 : memref<128x128xf32, #tpu.memory_space<vmem>>) dst(%dma_wait3A_53 : memref<128x128xf32, #tpu.memory_space<vmem_shared>>)
        tpu.yield
      }) : () -> ()
      %mul3A_28 = arith.constant 1000 : i32
      %mul3A_29 = arith.muli %arg1, %mul3A_28 : i32
      %add3A_30 = arith.constant 384 : i32
      %add3A_31 = arith.addi %mul3A_29, %add3A_30 : i32
      "tpu.region"() ({
        %run_scoped3A = tpu.sem_alloc : memref<!tpu.dma_semaphore, #tpu.memory_space<semaphore_mem>>
        %dma_start3A = arith.constant 0 : i32
        %dma_start3A_48 = tpu.memref_slice %arg9[%add3A_31, %dma_start3A] : memref<10008x128xf32, #tpu.memory_space<vmem_shared>> -> memref<128x128xf32, #tpu.memory_space<vmem_shared>>
        %dma_start3A_49 = arith.constant 0 : i32
        %dma_start3A_50 = tpu.memref_slice %arg9[%add3A_31, %dma_start3A_49] : memref<10008x128xf32, #tpu.memory_space<vmem_shared>> -> memref<128x128xf32, #tpu.memory_space<vmem_shared>>
        tpu.enqueue_dma source(%arg12 : memref<128x128xf32, #tpu.memory_space<vmem>>) target(%dma_start3A_50 : memref<128x128xf32, #tpu.memory_space<vmem_shared>>) target_semaphore(%run_scoped3A : memref<!tpu.dma_semaphore, #tpu.memory_space<semaphore_mem>>)
        %dma_wait3A = arith.constant 0 : i32
        %dma_wait3A_51 = tpu.memref_slice %arg9[%add3A_31, %dma_wait3A] : memref<10008x128xf32, #tpu.memory_space<vmem_shared>> -> memref<128x128xf32, #tpu.memory_space<vmem_shared>>
        %dma_wait3A_52 = arith.constant 0 : i32
        %dma_wait3A_53 = tpu.memref_slice %arg9[%add3A_31, %dma_wait3A_52] : memref<10008x128xf32, #tpu.memory_space<vmem_shared>> -> memref<128x128xf32, #tpu.memory_space<vmem_shared>>
        tpu.wait_dma2 semaphore(%run_scoped3A : memref<!tpu.dma_semaphore, #tpu.memory_space<semaphore_mem>>) src(%arg12 : memref<128x128xf32, #tpu.memory_space<vmem>>) dst(%dma_wait3A_53 : memref<128x128xf32, #tpu.memory_space<vmem_shared>>)
        tpu.yield
      }) : () -> ()
      %mul3A_32 = arith.constant 1000 : i32
      %mul3A_33 = arith.muli %arg1, %mul3A_32 : i32
      %add3A_34 = arith.constant 512 : i32
      %add3A_35 = arith.addi %mul3A_33, %add3A_34 : i32
      "tpu.region"() ({
        %run_scoped3A = tpu.sem_alloc : memref<!tpu.dma_semaphore, #tpu.memory_space<semaphore_mem>>
        %dma_start3A = arith.constant 0 : i32
        %dma_start3A_48 = tpu.memref_slice %arg9[%add3A_35, %dma_start3A] : memref<10008x128xf32, #tpu.memory_space<vmem_shared>> -> memref<128x128xf32, #tpu.memory_space<vmem_shared>>
        %dma_start3A_49 = arith.constant 0 : i32
        %dma_start3A_50 = tpu.memref_slice %arg9[%add3A_35, %dma_start3A_49] : memref<10008x128xf32, #tpu.memory_space<vmem_shared>> -> memref<128x128xf32, #tpu.memory_space<vmem_shared>>
        tpu.enqueue_dma source(%arg12 : memref<128x128xf32, #tpu.memory_space<vmem>>) target(%dma_start3A_50 : memref<128x128xf32, #tpu.memory_space<vmem_shared>>) target_semaphore(%run_scoped3A : memref<!tpu.dma_semaphore, #tpu.memory_space<semaphore_mem>>)
        %dma_wait3A = arith.constant 0 : i32
        %dma_wait3A_51 = tpu.memref_slice %arg9[%add3A_35, %dma_wait3A] : memref<10008x128xf32, #tpu.memory_space<vmem_shared>> -> memref<128x128xf32, #tpu.memory_space<vmem_shared>>
        %dma_wait3A_52 = arith.constant 0 : i32
        %dma_wait3A_53 = tpu.memref_slice %arg9[%add3A_35, %dma_wait3A_52] : memref<10008x128xf32, #tpu.memory_space<vmem_shared>> -> memref<128x128xf32, #tpu.memory_space<vmem_shared>>
        tpu.wait_dma2 semaphore(%run_scoped3A : memref<!tpu.dma_semaphore, #tpu.memory_space<semaphore_mem>>) src(%arg12 : memref<128x128xf32, #tpu.memory_space<vmem>>) dst(%dma_wait3A_53 : memref<128x128xf32, #tpu.memory_space<vmem_shared>>)
        tpu.yield
      }) : () -> ()
      %mul3A_36 = arith.constant 1000 : i32
      %mul3A_37 = arith.muli %arg1, %mul3A_36 : i32
      %add3A_38 = arith.constant 640 : i32
      %add3A_39 = arith.addi %mul3A_37, %add3A_38 : i32
      "tpu.region"() ({
        %run_scoped3A = tpu.sem_alloc : memref<!tpu.dma_semaphore, #tpu.memory_space<semaphore_mem>>
        %dma_start3A = arith.constant 0 : i32
        %dma_start3A_48 = tpu.memref_slice %arg9[%add3A_39, %dma_start3A] : memref<10008x128xf32, #tpu.memory_space<vmem_shared>> -> memref<128x128xf32, #tpu.memory_space<vmem_shared>>
        %dma_start3A_49 = arith.constant 0 : i32
        %dma_start3A_50 = tpu.memref_slice %arg9[%add3A_39, %dma_start3A_49] : memref<10008x128xf32, #tpu.memory_space<vmem_shared>> -> memref<128x128xf32, #tpu.memory_space<vmem_shared>>
        tpu.enqueue_dma source(%arg12 : memref<128x128xf32, #tpu.memory_space<vmem>>) target(%dma_start3A_50 : memref<128x128xf32, #tpu.memory_space<vmem_shared>>) target_semaphore(%run_scoped3A : memref<!tpu.dma_semaphore, #tpu.memory_space<semaphore_mem>>)
        %dma_wait3A = arith.constant 0 : i32
        %dma_wait3A_51 = tpu.memref_slice %arg9[%add3A_39, %dma_wait3A] : memref<10008x128xf32, #tpu.memory_space<vmem_shared>> -> memref<128x128xf32, #tpu.memory_space<vmem_shared>>
        %dma_wait3A_52 = arith.constant 0 : i32
        %dma_wait3A_53 = tpu.memref_slice %arg9[%add3A_39, %dma_wait3A_52] : memref<10008x128xf32, #tpu.memory_space<vmem_shared>> -> memref<128x128xf32, #tpu.memory_space<vmem_shared>>
        tpu.wait_dma2 semaphore(%run_scoped3A : memref<!tpu.dma_semaphore, #tpu.memory_space<semaphore_mem>>) src(%arg12 : memref<128x128xf32, #tpu.memory_space<vmem>>) dst(%dma_wait3A_53 : memref<128x128xf32, #tpu.memory_space<vmem_shared>>)
        tpu.yield
      }) : () -> ()
      %mul3A_40 = arith.constant 1000 : i32
      %mul3A_41 = arith.muli %arg1, %mul3A_40 : i32
      %add3A_42 = arith.constant 768 : i32
      %add3A_43 = arith.addi %mul3A_41, %add3A_42 : i32
      "tpu.region"() ({
        %run_scoped3A = tpu.sem_alloc : memref<!tpu.dma_semaphore, #tpu.memory_space<semaphore_mem>>
        %dma_start3A = arith.constant 0 : i32
        %dma_start3A_48 = tpu.memref_slice %arg9[%add3A_43, %dma_start3A] : memref<10008x128xf32, #tpu.memory_space<vmem_shared>> -> memref<128x128xf32, #tpu.memory_space<vmem_shared>>
        %dma_start3A_49 = arith.constant 0 : i32
        %dma_start3A_50 = tpu.memref_slice %arg9[%add3A_43, %dma_start3A_49] : memref<10008x128xf32, #tpu.memory_space<vmem_shared>> -> memref<128x128xf32, #tpu.memory_space<vmem_shared>>
        tpu.enqueue_dma source(%arg12 : memref<128x128xf32, #tpu.memory_space<vmem>>) target(%dma_start3A_50 : memref<128x128xf32, #tpu.memory_space<vmem_shared>>) target_semaphore(%run_scoped3A : memref<!tpu.dma_semaphore, #tpu.memory_space<semaphore_mem>>)
        %dma_wait3A = arith.constant 0 : i32
        %dma_wait3A_51 = tpu.memref_slice %arg9[%add3A_43, %dma_wait3A] : memref<10008x128xf32, #tpu.memory_space<vmem_shared>> -> memref<128x128xf32, #tpu.memory_space<vmem_shared>>
        %dma_wait3A_52 = arith.constant 0 : i32
        %dma_wait3A_53 = tpu.memref_slice %arg9[%add3A_43, %dma_wait3A_52] : memref<10008x128xf32, #tpu.memory_space<vmem_shared>> -> memref<128x128xf32, #tpu.memory_space<vmem_shared>>
        tpu.wait_dma2 semaphore(%run_scoped3A : memref<!tpu.dma_semaphore, #tpu.memory_space<semaphore_mem>>) src(%arg12 : memref<128x128xf32, #tpu.memory_space<vmem>>) dst(%dma_wait3A_53 : memref<128x128xf32, #tpu.memory_space<vmem_shared>>)
        tpu.yield
      }) : () -> ()
      %mul3A_44 = arith.constant 1000 : i32
      %mul3A_45 = arith.muli %arg1, %mul3A_44 : i32
      %add3A_46 = arith.constant 896 : i32
      %add3A_47 = arith.addi %mul3A_45, %add3A_46 : i32
      "tpu.region"() ({
        %run_scoped3A = tpu.sem_alloc : memref<!tpu.dma_semaphore, #tpu.memory_space<semaphore_mem>>
        %dma_start3A = arith.constant 0 : i32
        %dma_start3A_48 = arith.constant 0 : i32
        %dma_start3A_49 = tpu.memref_slice %arg12[%dma_start3A, %dma_start3A_48] : memref<128x128xf32, #tpu.memory_space<vmem>> -> memref<104x128xf32, #tpu.memory_space<vmem>>
        %dma_start3A_50 = arith.constant 0 : i32
        %dma_start3A_51 = tpu.memref_slice %arg9[%add3A_47, %dma_start3A_50] : memref<10008x128xf32, #tpu.memory_space<vmem_shared>> -> memref<104x128xf32, #tpu.memory_space<vmem_shared>>
        %dma_start3A_52 = arith.constant 0 : i32
        %dma_start3A_53 = tpu.memref_slice %arg9[%add3A_47, %dma_start3A_52] : memref<10008x128xf32, #tpu.memory_space<vmem_shared>> -> memref<104x128xf32, #tpu.memory_space<vmem_shared>>
        %dma_start3A_54 = arith.constant 0 : i32
        %dma_start3A_55 = arith.constant 0 : i32
        %dma_start3A_56 = tpu.memref_slice %arg12[%dma_start3A_54, %dma_start3A_55] : memref<128x128xf32, #tpu.memory_space<vmem>> -> memref<104x128xf32, #tpu.memory_space<vmem>>
        tpu.enqueue_dma source(%dma_start3A_56 : memref<104x128xf32, #tpu.memory_space<vmem>>) target(%dma_start3A_53 : memref<104x128xf32, #tpu.memory_space<vmem_shared>>) target_semaphore(%run_scoped3A : memref<!tpu.dma_semaphore, #tpu.memory_space<semaphore_mem>>)
        %dma_wait3A = arith.constant 0 : i32
        %dma_wait3A_57 = arith.constant 0 : i32
        %dma_wait3A_58 = tpu.memref_slice %arg12[%dma_wait3A, %dma_wait3A_57] : memref<128x128xf32, #tpu.memory_space<vmem>> -> memref<104x128xf32, #tpu.memory_space<vmem>>
        %dma_wait3A_59 = arith.constant 0 : i32
        %dma_wait3A_60 = tpu.memref_slice %arg9[%add3A_47, %dma_wait3A_59] : memref<10008x128xf32, #tpu.memory_space<vmem_shared>> -> memref<104x128xf32, #tpu.memory_space<vmem_shared>>
        %dma_wait3A_61 = arith.constant 0 : i32
        %dma_wait3A_62 = tpu.memref_slice %arg9[%add3A_47, %dma_wait3A_61] : memref<10008x128xf32, #tpu.memory_space<vmem_shared>> -> memref<104x128xf32, #tpu.memory_space<vmem_shared>>
        %dma_wait3A_63 = arith.constant 0 : i32
        %dma_wait3A_64 = arith.constant 0 : i32
        %dma_wait3A_65 = tpu.memref_slice %arg12[%dma_wait3A_63, %dma_wait3A_64] : memref<128x128xf32, #tpu.memory_space<vmem>> -> memref<104x128xf32, #tpu.memory_space<vmem>>
        tpu.wait_dma2 semaphore(%run_scoped3A : memref<!tpu.dma_semaphore, #tpu.memory_space<semaphore_mem>>) src(%dma_wait3A_65 : memref<104x128xf32, #tpu.memory_space<vmem>>) dst(%dma_wait3A_62 : memref<104x128xf32, #tpu.memory_space<vmem_shared>>)
        tpu.yield
      }) : () -> ()
    } else {
    }
    %barrier3A = arith.constant 0 : index
    tpu.barrier barrier_id(%barrier3A)
    %scan3A = arith.constant 0 : i32
    %scan3A_3 = arith.constant 0 : i32
    %scan3A_4 = arith.constant 10 : i32
    %scan3A_5 = arith.addi %scan3A_3, %scan3A_4 : i32
    %scan3A_6 = arith.constant 1 : i32
    scf.for %scan3A_16 = %scan3A_3 to %scan3A_5 step %scan3A_6  : i32 {
      "tpu.region"() ({
        %run_scoped3A = tpu.sem_alloc : memref<!tpu.dma_semaphore, #tpu.memory_space<semaphore_mem>>
        %dma_start3A_29 = arith.constant 0 : i32
        %dma_start3A_30 = arith.constant 0 : i32
        %dma_start3A_31 = tpu.memref_slice %arg4[%add3A, %scan3A_16, %dma_start3A_29, %dma_start3A_30] : memref<32x10x8x128xi32, #tpu.memory_space<hbm>> -> memref<1x1x8x128xi32, #tpu.memory_space<hbm>>
        %dma_start3A_32 = tpu.memref_squeeze %dma_start3A_31 : memref<1x1x8x128xi32, #tpu.memory_space<hbm>> -> memref<8x128xi32, #tpu.memory_space<hbm>>
        %dma_start3A_33 = arith.constant 0 : i32
        %dma_start3A_34 = arith.constant 0 : i32
        %dma_start3A_35 = tpu.memref_slice %arg4[%add3A, %scan3A_16, %dma_start3A_33, %dma_start3A_34] : memref<32x10x8x128xi32, #tpu.memory_space<hbm>> -> memref<1x1x8x128xi32, #tpu.memory_space<hbm>>
        %dma_start3A_36 = tpu.memref_squeeze %dma_start3A_35 : memref<1x1x8x128xi32, #tpu.memory_space<hbm>> -> memref<8x128xi32, #tpu.memory_space<hbm>>
        tpu.enqueue_dma source(%dma_start3A_36 : memref<8x128xi32, #tpu.memory_space<hbm>>) target(%arg10 : memref<8x128xi32, #tpu.memory_space<vmem>>) target_semaphore(%run_scoped3A : memref<!tpu.dma_semaphore, #tpu.memory_space<semaphore_mem>>)
        %dma_wait3A = arith.constant 0 : i32
        %dma_wait3A_37 = arith.constant 0 : i32
        %dma_wait3A_38 = tpu.memref_slice %arg4[%add3A, %scan3A_16, %dma_wait3A, %dma_wait3A_37] : memref<32x10x8x128xi32, #tpu.memory_space<hbm>> -> memref<1x1x8x128xi32, #tpu.memory_space<hbm>>
        %dma_wait3A_39 = tpu.memref_squeeze %dma_wait3A_38 : memref<1x1x8x128xi32, #tpu.memory_space<hbm>> -> memref<8x128xi32, #tpu.memory_space<hbm>>
        %dma_wait3A_40 = arith.constant 0 : i32
        %dma_wait3A_41 = arith.constant 0 : i32
        %dma_wait3A_42 = tpu.memref_slice %arg4[%add3A, %scan3A_16, %dma_wait3A_40, %dma_wait3A_41] : memref<32x10x8x128xi32, #tpu.memory_space<hbm>> -> memref<1x1x8x128xi32, #tpu.memory_space<hbm>>
        %dma_wait3A_43 = tpu.memref_squeeze %dma_wait3A_42 : memref<1x1x8x128xi32, #tpu.memory_space<hbm>> -> memref<8x128xi32, #tpu.memory_space<hbm>>
        tpu.wait_dma2 semaphore(%run_scoped3A : memref<!tpu.dma_semaphore, #tpu.memory_space<semaphore_mem>>) src(%dma_wait3A_43 : memref<8x128xi32, #tpu.memory_space<hbm>>) dst(%arg10 : memref<8x128xi32, #tpu.memory_space<vmem>>)
        tpu.yield
      }) : () -> ()
      "tpu.region"() ({
        %run_scoped3A = tpu.sem_alloc : memref<!tpu.dma_semaphore, #tpu.memory_space<semaphore_mem>>
        %dma_start3A_29 = arith.constant 0 : i32
        %dma_start3A_30 = arith.constant 0 : i32
        %dma_start3A_31 = tpu.memref_slice %arg5[%add3A, %scan3A_16, %dma_start3A_29, %dma_start3A_30] : memref<32x10x8x128xi32, #tpu.memory_space<hbm>> -> memref<1x1x8x128xi32, #tpu.memory_space<hbm>>
        %dma_start3A_32 = tpu.memref_squeeze %dma_start3A_31 : memref<1x1x8x128xi32, #tpu.memory_space<hbm>> -> memref<8x128xi32, #tpu.memory_space<hbm>>
        %dma_start3A_33 = arith.constant 0 : i32
        %dma_start3A_34 = arith.constant 0 : i32
        %dma_start3A_35 = tpu.memref_slice %arg5[%add3A, %scan3A_16, %dma_start3A_33, %dma_start3A_34] : memref<32x10x8x128xi32, #tpu.memory_space<hbm>> -> memref<1x1x8x128xi32, #tpu.memory_space<hbm>>
        %dma_start3A_36 = tpu.memref_squeeze %dma_start3A_35 : memref<1x1x8x128xi32, #tpu.memory_space<hbm>> -> memref<8x128xi32, #tpu.memory_space<hbm>>
        tpu.enqueue_dma source(%dma_start3A_36 : memref<8x128xi32, #tpu.memory_space<hbm>>) target(%arg11 : memref<8x128xi32, #tpu.memory_space<vmem>>) target_semaphore(%run_scoped3A : memref<!tpu.dma_semaphore, #tpu.memory_space<semaphore_mem>>)
        %dma_wait3A = arith.constant 0 : i32
        %dma_wait3A_37 = arith.constant 0 : i32
        %dma_wait3A_38 = tpu.memref_slice %arg5[%add3A, %scan3A_16, %dma_wait3A, %dma_wait3A_37] : memref<32x10x8x128xi32, #tpu.memory_space<hbm>> -> memref<1x1x8x128xi32, #tpu.memory_space<hbm>>
        %dma_wait3A_39 = tpu.memref_squeeze %dma_wait3A_38 : memref<1x1x8x128xi32, #tpu.memory_space<hbm>> -> memref<8x128xi32, #tpu.memory_space<hbm>>
        %dma_wait3A_40 = arith.constant 0 : i32
        %dma_wait3A_41 = arith.constant 0 : i32
        %dma_wait3A_42 = tpu.memref_slice %arg5[%add3A, %scan3A_16, %dma_wait3A_40, %dma_wait3A_41] : memref<32x10x8x128xi32, #tpu.memory_space<hbm>> -> memref<1x1x8x128xi32, #tpu.memory_space<hbm>>
        %dma_wait3A_43 = tpu.memref_squeeze %dma_wait3A_42 : memref<1x1x8x128xi32, #tpu.memory_space<hbm>> -> memref<8x128xi32, #tpu.memory_space<hbm>>
        tpu.wait_dma2 semaphore(%run_scoped3A : memref<!tpu.dma_semaphore, #tpu.memory_space<semaphore_mem>>) src(%dma_wait3A_43 : memref<8x128xi32, #tpu.memory_space<hbm>>) dst(%arg11 : memref<8x128xi32, #tpu.memory_space<vmem>>)
        tpu.yield
      }) : () -> ()
      %dma_start3A = arith.constant 0 : i32
      %dma_start3A_17 = arith.constant 0 : i32
      %dma_start3A_18 = tpu.memref_slice %arg10[%dma_start3A, %dma_start3A_17] : memref<8x128xi32, #tpu.memory_space<vmem>> -> memref<1x128xi32, #tpu.memory_space<vmem>>
      %dma_start3A_19 = tpu.memref_squeeze %dma_start3A_18 : memref<1x128xi32, #tpu.memory_space<vmem>> -> memref<128xi32, #tpu.memory_space<vmem>>
      %dma_start3A_20 = arith.constant 0 : i32
      %dma_start3A_21 = arith.constant 0 : i32
      %dma_start3A_22 = tpu.memref_slice %arg2[%dma_start3A_20, %dma_start3A_21] : memref<10000x128xf32, #tpu.memory_space<hbm>> -> memref<10000x128xf32, #tpu.memory_space<hbm>>
      tpu.enqueue_indirect_dma source(%dma_start3A_22 : memref<10000x128xf32, #tpu.memory_space<hbm>>) target(%arg12 : memref<128x128xf32, #tpu.memory_space<vmem>>) offsets(%dma_start3A_19 : memref<128xi32, #tpu.memory_space<vmem>>) semaphore(%arg15 : memref<!tpu.dma_semaphore, #tpu.memory_space<semaphore_mem>>)
      %scan3A_23 = arith.constant 0 : i32
      %scan3A_24 = arith.constant 0 : i32
      %scan3A_25 = arith.constant 4 : i32
      %scan3A_26 = arith.addi %scan3A_24, %scan3A_25 : i32
      %scan3A_27 = arith.constant 1 : i32
      scf.for %scan3A_29 = %scan3A_24 to %scan3A_26 step %scan3A_27  : i32 {
        %mul3A_30 = arith.constant 2 : i32
        %mul3A_31 = arith.muli %mul3A_30, %scan3A_29 : i32
        %add3A_32 = arith.constant 1 : i32
        %add3A_33 = arith.addi %mul3A_31, %add3A_32 : i32
        %dma_start3A_34 = arith.constant 0 : i32
        %dma_start3A_35 = tpu.memref_slice %arg10[%add3A_33, %dma_start3A_34] : memref<8x128xi32, #tpu.memory_space<vmem>> -> memref<1x128xi32, #tpu.memory_space<vmem>>
        %dma_start3A_36 = tpu.memref_squeeze %dma_start3A_35 : memref<1x128xi32, #tpu.memory_space<vmem>> -> memref<128xi32, #tpu.memory_space<vmem>>
        %dma_start3A_37 = arith.constant 0 : i32
        %dma_start3A_38 = arith.constant 0 : i32
        %dma_start3A_39 = tpu.memref_slice %arg2[%dma_start3A_37, %dma_start3A_38] : memref<10000x128xf32, #tpu.memory_space<hbm>> -> memref<10000x128xf32, #tpu.memory_space<hbm>>
        tpu.enqueue_indirect_dma source(%dma_start3A_39 : memref<10000x128xf32, #tpu.memory_space<hbm>>) target(%arg13 : memref<128x128xf32, #tpu.memory_space<vmem>>) offsets(%dma_start3A_36 : memref<128xi32, #tpu.memory_space<vmem>>) semaphore(%arg16 : memref<!tpu.dma_semaphore, #tpu.memory_space<semaphore_mem>>)
        %get3A = arith.index_cast %mul3A_31 : i32 to index
        %get3A_40 = arith.constant 0 : index
        %get3A_41 = tpu.vector_load %arg11[%get3A, %get3A_40] {strides = array<i32>} : memref<8x128xi32, #tpu.memory_space<vmem>>, vector<1x16xi32>,
        %get3A_42 = vector.shape_cast %get3A_41 : vector<1x16xi32> to vector<16xi32>
        %swap3A = arith.constant 0 : index
        %swap3A_43 = tpu.vector_load %arg14[%swap3A] {strides = array<i32>} : memref<128xi32, #tpu.memory_space<vmem>>, vector<16xi32>,
        %swap3A_44 = vector.shape_cast %swap3A_43 : vector<16xi32> to vector<16xi32>
        %swap3A_45 = vector.shape_cast %get3A_42 : vector<16xi32> to vector<16xi32>
        tpu.vector_store %arg14[%swap3A], %swap3A_45 {strides = array<i32>} : memref<128xi32, #tpu.memory_space<vmem>>, vector<16xi32>,
        %get3A_46 = arith.index_cast %mul3A_31 : i32 to index
        %get3A_47 = arith.constant 16 : index
        %get3A_48 = tpu.vector_load %arg11[%get3A_46, %get3A_47] {strides = array<i32>} : memref<8x128xi32, #tpu.memory_space<vmem>>, vector<1x16xi32>,
        %get3A_49 = vector.shape_cast %get3A_48 : vector<1x16xi32> to vector<16xi32>
        %swap3A_50 = arith.constant 16 : index
        %swap3A_51 = tpu.vector_load %arg14[%swap3A_50] {strides = array<i32>} : memref<128xi32, #tpu.memory_space<vmem>>, vector<16xi32>,
        %swap3A_52 = vector.shape_cast %swap3A_51 : vector<16xi32> to vector<16xi32>
        %swap3A_53 = vector.shape_cast %get3A_49 : vector<16xi32> to vector<16xi32>
        tpu.vector_store %arg14[%swap3A_50], %swap3A_53 {strides = array<i32>} : memref<128xi32, #tpu.memory_space<vmem>>, vector<16xi32>,
        %get3A_54 = arith.index_cast %mul3A_31 : i32 to index
        %get3A_55 = arith.constant 32 : index
        %get3A_56 = tpu.vector_load %arg11[%get3A_54, %get3A_55] {strides = array<i32>} : memref<8x128xi32, #tpu.memory_space<vmem>>, vector<1x16xi32>,
        %get3A_57 = vector.shape_cast %get3A_56 : vector<1x16xi32> to vector<16xi32>
        %swap3A_58 = arith.constant 32 : index
        %swap3A_59 = tpu.vector_load %arg14[%swap3A_58] {strides = array<i32>} : memref<128xi32, #tpu.memory_space<vmem>>, vector<16xi32>,
        %swap3A_60 = vector.shape_cast %swap3A_59 : vector<16xi32> to vector<16xi32>
        %swap3A_61 = vector.shape_cast %get3A_57 : vector<16xi32> to vector<16xi32>
        tpu.vector_store %arg14[%swap3A_58], %swap3A_61 {strides = array<i32>} : memref<128xi32, #tpu.memory_space<vmem>>, vector<16xi32>,
        %get3A_62 = arith.index_cast %mul3A_31 : i32 to index
        %get3A_63 = arith.constant 48 : index
        %get3A_64 = tpu.vector_load %arg11[%get3A_62, %get3A_63] {strides = array<i32>} : memref<8x128xi32, #tpu.memory_space<vmem>>, vector<1x16xi32>,
        %get3A_65 = vector.shape_cast %get3A_64 : vector<1x16xi32> to vector<16xi32>
        %swap3A_66 = arith.constant 48 : index
        %swap3A_67 = tpu.vector_load %arg14[%swap3A_66] {strides = array<i32>} : memref<128xi32, #tpu.memory_space<vmem>>, vector<16xi32>,
        %swap3A_68 = vector.shape_cast %swap3A_67 : vector<16xi32> to vector<16xi32>
        %swap3A_69 = vector.shape_cast %get3A_65 : vector<16xi32> to vector<16xi32>
        tpu.vector_store %arg14[%swap3A_66], %swap3A_69 {strides = array<i32>} : memref<128xi32, #tpu.memory_space<vmem>>, vector<16xi32>,
        %get3A_70 = arith.index_cast %mul3A_31 : i32 to index
        %get3A_71 = arith.constant 64 : index
        %get3A_72 = tpu.vector_load %arg11[%get3A_70, %get3A_71] {strides = array<i32>} : memref<8x128xi32, #tpu.memory_space<vmem>>, vector<1x16xi32>,
        %get3A_73 = vector.shape_cast %get3A_72 : vector<1x16xi32> to vector<16xi32>
        %swap3A_74 = arith.constant 64 : index
        %swap3A_75 = tpu.vector_load %arg14[%swap3A_74] {strides = array<i32>} : memref<128xi32, #tpu.memory_space<vmem>>, vector<16xi32>,
        %swap3A_76 = vector.shape_cast %swap3A_75 : vector<16xi32> to vector<16xi32>
        %swap3A_77 = vector.shape_cast %get3A_73 : vector<16xi32> to vector<16xi32>
        tpu.vector_store %arg14[%swap3A_74], %swap3A_77 {strides = array<i32>} : memref<128xi32, #tpu.memory_space<vmem>>, vector<16xi32>,
        %get3A_78 = arith.index_cast %mul3A_31 : i32 to index
        %get3A_79 = arith.constant 80 : index
        %get3A_80 = tpu.vector_load %arg11[%get3A_78, %get3A_79] {strides = array<i32>} : memref<8x128xi32, #tpu.memory_space<vmem>>, vector<1x16xi32>,
        %get3A_81 = vector.shape_cast %get3A_80 : vector<1x16xi32> to vector<16xi32>
        %swap3A_82 = arith.constant 80 : index
        %swap3A_83 = tpu.vector_load %arg14[%swap3A_82] {strides = array<i32>} : memref<128xi32, #tpu.memory_space<vmem>>, vector<16xi32>,
        %swap3A_84 = vector.shape_cast %swap3A_83 : vector<16xi32> to vector<16xi32>
        %swap3A_85 = vector.shape_cast %get3A_81 : vector<16xi32> to vector<16xi32>
        tpu.vector_store %arg14[%swap3A_82], %swap3A_85 {strides = array<i32>} : memref<128xi32, #tpu.memory_space<vmem>>, vector<16xi32>,
        %get3A_86 = arith.index_cast %mul3A_31 : i32 to index
        %get3A_87 = arith.constant 96 : index
        %get3A_88 = tpu.vector_load %arg11[%get3A_86, %get3A_87] {strides = array<i32>} : memref<8x128xi32, #tpu.memory_space<vmem>>, vector<1x16xi32>,
        %get3A_89 = vector.shape_cast %get3A_88 : vector<1x16xi32> to vector<16xi32>
        %swap3A_90 = arith.constant 96 : index
        %swap3A_91 = tpu.vector_load %arg14[%swap3A_90] {strides = array<i32>} : memref<128xi32, #tpu.memory_space<vmem>>, vector<16xi32>,
        %swap3A_92 = vector.shape_cast %swap3A_91 : vector<16xi32> to vector<16xi32>
        %swap3A_93 = vector.shape_cast %get3A_89 : vector<16xi32> to vector<16xi32>
        tpu.vector_store %arg14[%swap3A_90], %swap3A_93 {strides = array<i32>} : memref<128xi32, #tpu.memory_space<vmem>>, vector<16xi32>,
        %get3A_94 = arith.index_cast %mul3A_31 : i32 to index
        %get3A_95 = arith.constant 112 : index
        %get3A_96 = tpu.vector_load %arg11[%get3A_94, %get3A_95] {strides = array<i32>} : memref<8x128xi32, #tpu.memory_space<vmem>>, vector<1x16xi32>,
        %get3A_97 = vector.shape_cast %get3A_96 : vector<1x16xi32> to vector<16xi32>
        %swap3A_98 = arith.constant 112 : index
        %swap3A_99 = tpu.vector_load %arg14[%swap3A_98] {strides = array<i32>} : memref<128xi32, #tpu.memory_space<vmem>>, vector<16xi32>,
        %swap3A_100 = vector.shape_cast %swap3A_99 : vector<16xi32> to vector<16xi32>
        %swap3A_101 = vector.shape_cast %get3A_97 : vector<16xi32> to vector<16xi32>
        tpu.vector_store %arg14[%swap3A_98], %swap3A_101 {strides = array<i32>} : memref<128xi32, #tpu.memory_space<vmem>>, vector<16xi32>,
        %dma_wait3A = arith.constant 0 : i32
        %dma_wait3A_102 = tpu.memref_slice %arg10[%mul3A_31, %dma_wait3A] : memref<8x128xi32, #tpu.memory_space<vmem>> -> memref<1x128xi32, #tpu.memory_space<vmem>>
        %dma_wait3A_103 = tpu.memref_squeeze %dma_wait3A_102 : memref<1x128xi32, #tpu.memory_space<vmem>> -> memref<128xi32, #tpu.memory_space<vmem>>
        %dma_wait3A_104 = arith.constant 0 : i32
        %dma_wait3A_105 = arith.constant 0 : i32
        %dma_wait3A_106 = tpu.memref_slice %arg2[%dma_wait3A_104, %dma_wait3A_105] : memref<10000x128xf32, #tpu.memory_space<hbm>> -> memref<10000x128xf32, #tpu.memory_space<hbm>>
        tpu.wait_indirect_dma semaphore(%arg15 : memref<!tpu.dma_semaphore, #tpu.memory_space<semaphore_mem>>) src(%dma_wait3A_106 : memref<10000x128xf32, #tpu.memory_space<hbm>>) dst(%arg12 : memref<128x128xf32, #tpu.memory_space<vmem>>)
        "tpu.region"() ({
          %run_scoped3A = tpu.sem_alloc : memref<!tpu.dma_semaphore, #tpu.memory_space<semaphore_mem>>
          %dma_start3A_200 = arith.constant 0 : i32
          %dma_start3A_201 = arith.constant 0 : i32
          %dma_start3A_202 = tpu.memref_slice %arg9[%dma_start3A_200, %dma_start3A_201] : memref<10008x128xf32, #tpu.memory_space<vmem_shared>> -> memref<10008x128xf32, #tpu.memory_space<vmem_shared>>
          tpu.enqueue_indirect_dma source(%arg12 : memref<128x128xf32, #tpu.memory_space<vmem>>) target(%dma_start3A_202 : memref<10008x128xf32, #tpu.memory_space<vmem_shared>>) offsets(%arg14 : memref<128xi32, #tpu.memory_space<vmem>>) semaphore(%run_scoped3A : memref<!tpu.dma_semaphore, #tpu.memory_space<semaphore_mem>>) {add = true}
          %dma_wait3A_203 = arith.constant 0 : i32
          %dma_wait3A_204 = arith.constant 0 : i32
          %dma_wait3A_205 = tpu.memref_slice %arg9[%dma_wait3A_203, %dma_wait3A_204] : memref<10008x128xf32, #tpu.memory_space<vmem_shared>> -> memref<10008x128xf32, #tpu.memory_space<vmem_shared>>
          tpu.wait_indirect_dma semaphore(%run_scoped3A : memref<!tpu.dma_semaphore, #tpu.memory_space<semaphore_mem>>) src(%arg12 : memref<128x128xf32, #tpu.memory_space<vmem>>) dst(%dma_wait3A_205 : memref<10008x128xf32, #tpu.memory_space<vmem_shared>>)
          tpu.yield
        }) : () -> ()
        %lt3A_107 = arith.constant 3 : i32
        %lt3A_108 = arith.cmpi slt, %scan3A_29, %lt3A_107 : i32
        %convert_element_type3A_109 = arith.extui %lt3A_108 : i1 to i32
        %cond3A_110 = arith.constant 0 : i32
        %cond3A_111 = arith.cmpi ne, %convert_element_type3A_109, %cond3A_110 : i32
        scf.if %cond3A_111 {
          %add3A_200 = arith.constant 2 : i32
          %add3A_201 = arith.addi %mul3A_31, %add3A_200 : i32
          %dma_start3A_202 = arith.constant 0 : i32
          %dma_start3A_203 = tpu.memref_slice %arg10[%add3A_201, %dma_start3A_202] : memref<8x128xi32, #tpu.memory_space<vmem>> -> memref<1x128xi32, #tpu.memory_space<vmem>>
          %dma_start3A_204 = tpu.memref_squeeze %dma_start3A_203 : memref<1x128xi32, #tpu.memory_space<vmem>> -> memref<128xi32, #tpu.memory_space<vmem>>
          %dma_start3A_205 = arith.constant 0 : i32
          %dma_start3A_206 = arith.constant 0 : i32
          %dma_start3A_207 = tpu.memref_slice %arg2[%dma_start3A_205, %dma_start3A_206] : memref<10000x128xf32, #tpu.memory_space<hbm>> -> memref<10000x128xf32, #tpu.memory_space<hbm>>
          tpu.enqueue_indirect_dma source(%dma_start3A_207 : memref<10000x128xf32, #tpu.memory_space<hbm>>) target(%arg12 : memref<128x128xf32, #tpu.memory_space<vmem>>) offsets(%dma_start3A_204 : memref<128xi32, #tpu.memory_space<vmem>>) semaphore(%arg15 : memref<!tpu.dma_semaphore, #tpu.memory_space<semaphore_mem>>)
        } else {
        }
        %add3A_112 = arith.constant 1 : i32
        %add3A_113 = arith.addi %mul3A_31, %add3A_112 : i32
        %get3A_114 = arith.index_cast %add3A_113 : i32 to index
        %get3A_115 = arith.constant 0 : index
        %get3A_116 = tpu.vector_load %arg11[%get3A_114, %get3A_115] {strides = array<i32>} : memref<8x128xi32, #tpu.memory_space<vmem>>, vector<1x16xi32>,
        %get3A_117 = vector.shape_cast %get3A_116 : vector<1x16xi32> to vector<16xi32>
        %swap3A_118 = arith.constant 0 : index
        %swap3A_119 = tpu.vector_load %arg14[%swap3A_118] {strides = array<i32>} : memref<128xi32, #tpu.memory_space<vmem>>, vector<16xi32>,
        %swap3A_120 = vector.shape_cast %swap3A_119 : vector<16xi32> to vector<16xi32>
        %swap3A_121 = vector.shape_cast %get3A_117 : vector<16xi32> to vector<16xi32>
        tpu.vector_store %arg14[%swap3A_118], %swap3A_121 {strides = array<i32>} : memref<128xi32, #tpu.memory_space<vmem>>, vector<16xi32>,
        %add3A_122 = arith.constant 1 : i32
        %add3A_123 = arith.addi %mul3A_31, %add3A_122 : i32
        %get3A_124 = arith.index_cast %add3A_123 : i32 to index
        %get3A_125 = arith.constant 16 : index
        %get3A_126 = tpu.vector_load %arg11[%get3A_124, %get3A_125] {strides = array<i32>} : memref<8x128xi32, #tpu.memory_space<vmem>>, vector<1x16xi32>,
        %get3A_127 = vector.shape_cast %get3A_126 : vector<1x16xi32> to vector<16xi32>
        %swap3A_128 = arith.constant 16 : index
        %swap3A_129 = tpu.vector_load %arg14[%swap3A_128] {strides = array<i32>} : memref<128xi32, #tpu.memory_space<vmem>>, vector<16xi32>,
        %swap3A_130 = vector.shape_cast %swap3A_129 : vector<16xi32> to vector<16xi32>
        %swap3A_131 = vector.shape_cast %get3A_127 : vector<16xi32> to vector<16xi32>
        tpu.vector_store %arg14[%swap3A_128], %swap3A_131 {strides = array<i32>} : memref<128xi32, #tpu.memory_space<vmem>>, vector<16xi32>,
        %add3A_132 = arith.constant 1 : i32
        %add3A_133 = arith.addi %mul3A_31, %add3A_132 : i32
        %get3A_134 = arith.index_cast %add3A_133 : i32 to index
        %get3A_135 = arith.constant 32 : index
        %get3A_136 = tpu.vector_load %arg11[%get3A_134, %get3A_135] {strides = array<i32>} : memref<8x128xi32, #tpu.memory_space<vmem>>, vector<1x16xi32>,
        %get3A_137 = vector.shape_cast %get3A_136 : vector<1x16xi32> to vector<16xi32>
        %swap3A_138 = arith.constant 32 : index
        %swap3A_139 = tpu.vector_load %arg14[%swap3A_138] {strides = array<i32>} : memref<128xi32, #tpu.memory_space<vmem>>, vector<16xi32>,
        %swap3A_140 = vector.shape_cast %swap3A_139 : vector<16xi32> to vector<16xi32>
        %swap3A_141 = vector.shape_cast %get3A_137 : vector<16xi32> to vector<16xi32>
        tpu.vector_store %arg14[%swap3A_138], %swap3A_141 {strides = array<i32>} : memref<128xi32, #tpu.memory_space<vmem>>, vector<16xi32>,
        %add3A_142 = arith.constant 1 : i32
        %add3A_143 = arith.addi %mul3A_31, %add3A_142 : i32
        %get3A_144 = arith.index_cast %add3A_143 : i32 to index
        %get3A_145 = arith.constant 48 : index
        %get3A_146 = tpu.vector_load %arg11[%get3A_144, %get3A_145] {strides = array<i32>} : memref<8x128xi32, #tpu.memory_space<vmem>>, vector<1x16xi32>,
        %get3A_147 = vector.shape_cast %get3A_146 : vector<1x16xi32> to vector<16xi32>
        %swap3A_148 = arith.constant 48 : index
        %swap3A_149 = tpu.vector_load %arg14[%swap3A_148] {strides = array<i32>} : memref<128xi32, #tpu.memory_space<vmem>>, vector<16xi32>,
        %swap3A_150 = vector.shape_cast %swap3A_149 : vector<16xi32> to vector<16xi32>
        %swap3A_151 = vector.shape_cast %get3A_147 : vector<16xi32> to vector<16xi32>
        tpu.vector_store %arg14[%swap3A_148], %swap3A_151 {strides = array<i32>} : memref<128xi32, #tpu.memory_space<vmem>>, vector<16xi32>,
        %add3A_152 = arith.constant 1 : i32
        %add3A_153 = arith.addi %mul3A_31, %add3A_152 : i32
        %get3A_154 = arith.index_cast %add3A_153 : i32 to index
        %get3A_155 = arith.constant 64 : index
        %get3A_156 = tpu.vector_load %arg11[%get3A_154, %get3A_155] {strides = array<i32>} : memref<8x128xi32, #tpu.memory_space<vmem>>, vector<1x16xi32>,
        %get3A_157 = vector.shape_cast %get3A_156 : vector<1x16xi32> to vector<16xi32>
        %swap3A_158 = arith.constant 64 : index
        %swap3A_159 = tpu.vector_load %arg14[%swap3A_158] {strides = array<i32>} : memref<128xi32, #tpu.memory_space<vmem>>, vector<16xi32>,
        %swap3A_160 = vector.shape_cast %swap3A_159 : vector<16xi32> to vector<16xi32>
        %swap3A_161 = vector.shape_cast %get3A_157 : vector<16xi32> to vector<16xi32>
        tpu.vector_store %arg14[%swap3A_158], %swap3A_161 {strides = array<i32>} : memref<128xi32, #tpu.memory_space<vmem>>, vector<16xi32>,
        %add3A_162 = arith.constant 1 : i32
        %add3A_163 = arith.addi %mul3A_31, %add3A_162 : i32
        %get3A_164 = arith.index_cast %add3A_163 : i32 to index
        %get3A_165 = arith.constant 80 : index
        %get3A_166 = tpu.vector_load %arg11[%get3A_164, %get3A_165] {strides = array<i32>} : memref<8x128xi32, #tpu.memory_space<vmem>>, vector<1x16xi32>,
        %get3A_167 = vector.shape_cast %get3A_166 : vector<1x16xi32> to vector<16xi32>
        %swap3A_168 = arith.constant 80 : index
        %swap3A_169 = tpu.vector_load %arg14[%swap3A_168] {strides = array<i32>} : memref<128xi32, #tpu.memory_space<vmem>>, vector<16xi32>,
        %swap3A_170 = vector.shape_cast %swap3A_169 : vector<16xi32> to vector<16xi32>
        %swap3A_171 = vector.shape_cast %get3A_167 : vector<16xi32> to vector<16xi32>
        tpu.vector_store %arg14[%swap3A_168], %swap3A_171 {strides = array<i32>} : memref<128xi32, #tpu.memory_space<vmem>>, vector<16xi32>,
        %add3A_172 = arith.constant 1 : i32
        %add3A_173 = arith.addi %mul3A_31, %add3A_172 : i32
        %get3A_174 = arith.index_cast %add3A_173 : i32 to index
        %get3A_175 = arith.constant 96 : index
        %get3A_176 = tpu.vector_load %arg11[%get3A_174, %get3A_175] {strides = array<i32>} : memref<8x128xi32, #tpu.memory_space<vmem>>, vector<1x16xi32>,
        %get3A_177 = vector.shape_cast %get3A_176 : vector<1x16xi32> to vector<16xi32>
        %swap3A_178 = arith.constant 96 : index
        %swap3A_179 = tpu.vector_load %arg14[%swap3A_178] {strides = array<i32>} : memref<128xi32, #tpu.memory_space<vmem>>, vector<16xi32>,
        %swap3A_180 = vector.shape_cast %swap3A_179 : vector<16xi32> to vector<16xi32>
        %swap3A_181 = vector.shape_cast %get3A_177 : vector<16xi32> to vector<16xi32>
        tpu.vector_store %arg14[%swap3A_178], %swap3A_181 {strides = array<i32>} : memref<128xi32, #tpu.memory_space<vmem>>, vector<16xi32>,
        %add3A_182 = arith.constant 1 : i32
        %add3A_183 = arith.addi %mul3A_31, %add3A_182 : i32
        %get3A_184 = arith.index_cast %add3A_183 : i32 to index
        %get3A_185 = arith.constant 112 : index
        %get3A_186 = tpu.vector_load %arg11[%get3A_184, %get3A_185] {strides = array<i32>} : memref<8x128xi32, #tpu.memory_space<vmem>>, vector<1x16xi32>,
        %get3A_187 = vector.shape_cast %get3A_186 : vector<1x16xi32> to vector<16xi32>
        %swap3A_188 = arith.constant 112 : index
        %swap3A_189 = tpu.vector_load %arg14[%swap3A_188] {strides = array<i32>} : memref<128xi32, #tpu.memory_space<vmem>>, vector<16xi32>,
        %swap3A_190 = vector.shape_cast %swap3A_189 : vector<16xi32> to vector<16xi32>
        %swap3A_191 = vector.shape_cast %get3A_187 : vector<16xi32> to vector<16xi32>
        tpu.vector_store %arg14[%swap3A_188], %swap3A_191 {strides = array<i32>} : memref<128xi32, #tpu.memory_space<vmem>>, vector<16xi32>,
        %add3A_192 = arith.constant 1 : i32
        %add3A_193 = arith.addi %mul3A_31, %add3A_192 : i32
        %dma_wait3A_194 = arith.constant 0 : i32
        %dma_wait3A_195 = tpu.memref_slice %arg10[%add3A_193, %dma_wait3A_194] : memref<8x128xi32, #tpu.memory_space<vmem>> -> memref<1x128xi32, #tpu.memory_space<vmem>>
        %dma_wait3A_196 = tpu.memref_squeeze %dma_wait3A_195 : memref<1x128xi32, #tpu.memory_space<vmem>> -> memref<128xi32, #tpu.memory_space<vmem>>
        %dma_wait3A_197 = arith.constant 0 : i32
        %dma_wait3A_198 = arith.constant 0 : i32
        %dma_wait3A_199 = tpu.memref_slice %arg2[%dma_wait3A_197, %dma_wait3A_198] : memref<10000x128xf32, #tpu.memory_space<hbm>> -> memref<10000x128xf32, #tpu.memory_space<hbm>>
        tpu.wait_indirect_dma semaphore(%arg16 : memref<!tpu.dma_semaphore, #tpu.memory_space<semaphore_mem>>) src(%dma_wait3A_199 : memref<10000x128xf32, #tpu.memory_space<hbm>>) dst(%arg13 : memref<128x128xf32, #tpu.memory_space<vmem>>)
        "tpu.region"() ({
          %run_scoped3A = tpu.sem_alloc : memref<!tpu.dma_semaphore, #tpu.memory_space<semaphore_mem>>
          %dma_start3A_200 = arith.constant 0 : i32
          %dma_start3A_201 = arith.constant 0 : i32
          %dma_start3A_202 = tpu.memref_slice %arg9[%dma_start3A_200, %dma_start3A_201] : memref<10008x128xf32, #tpu.memory_space<vmem_shared>> -> memref<10008x128xf32, #tpu.memory_space<vmem_shared>>
          tpu.enqueue_indirect_dma source(%arg13 : memref<128x128xf32, #tpu.memory_space<vmem>>) target(%dma_start3A_202 : memref<10008x128xf32, #tpu.memory_space<vmem_shared>>) offsets(%arg14 : memref<128xi32, #tpu.memory_space<vmem>>) semaphore(%run_scoped3A : memref<!tpu.dma_semaphore, #tpu.memory_space<semaphore_mem>>) {add = true}
          %dma_wait3A_203 = arith.constant 0 : i32
          %dma_wait3A_204 = arith.constant 0 : i32
          %dma_wait3A_205 = tpu.memref_slice %arg9[%dma_wait3A_203, %dma_wait3A_204] : memref<10008x128xf32, #tpu.memory_space<vmem_shared>> -> memref<10008x128xf32, #tpu.memory_space<vmem_shared>>
          tpu.wait_indirect_dma semaphore(%run_scoped3A : memref<!tpu.dma_semaphore, #tpu.memory_space<semaphore_mem>>) src(%arg13 : memref<128x128xf32, #tpu.memory_space<vmem>>) dst(%dma_wait3A_205 : memref<10008x128xf32, #tpu.memory_space<vmem_shared>>)
          tpu.yield
        }) : () -> ()
      }
      %scan3A_28 = arith.constant 4 : i32
    }
    %scan3A_7 = arith.constant 10 : i32
    %barrier3A_8 = arith.constant 0 : index
    tpu.barrier barrier_id(%barrier3A_8)
    %mul3A_9 = arith.constant 1000 : i32
    %mul3A_10 = arith.muli %arg1, %mul3A_9 : i32
    %lt3A_11 = arith.constant 10 : i32
    %lt3A_12 = arith.cmpi slt, %arg1, %lt3A_11 : i32
    %convert_element_type3A_13 = arith.extui %lt3A_12 : i1 to i32
    %cond3A_14 = arith.constant 0 : i32
    %cond3A_15 = arith.cmpi ne, %convert_element_type3A_13, %cond3A_14 : i32
    scf.if %cond3A_15 {
      %add3A_16 = arith.constant 0 : i32
      %add3A_17 = arith.addi %mul3A_10, %add3A_16 : i32
      "tpu.region"() ({
        %run_scoped3A = tpu.sem_alloc : memref<!tpu.dma_semaphore, #tpu.memory_space<semaphore_mem>>
        %dma_start3A = arith.constant 0 : i32
        %dma_start3A_48 = tpu.memref_slice %arg9[%add3A_17, %dma_start3A] : memref<10008x128xf32, #tpu.memory_space<vmem_shared>> -> memref<128x128xf32, #tpu.memory_space<vmem_shared>>
        %dma_start3A_49 = arith.constant 0 : i32
        %dma_start3A_50 = tpu.memref_slice %arg9[%add3A_17, %dma_start3A_49] : memref<10008x128xf32, #tpu.memory_space<vmem_shared>> -> memref<128x128xf32, #tpu.memory_space<vmem_shared>>
        tpu.enqueue_dma source(%dma_start3A_50 : memref<128x128xf32, #tpu.memory_space<vmem_shared>>) target(%arg12 : memref<128x128xf32, #tpu.memory_space<vmem>>) target_semaphore(%run_scoped3A : memref<!tpu.dma_semaphore, #tpu.memory_space<semaphore_mem>>)
        %dma_wait3A = arith.constant 0 : i32
        %dma_wait3A_51 = tpu.memref_slice %arg9[%add3A_17, %dma_wait3A] : memref<10008x128xf32, #tpu.memory_space<vmem_shared>> -> memref<128x128xf32, #tpu.memory_space<vmem_shared>>
        %dma_wait3A_52 = arith.constant 0 : i32
        %dma_wait3A_53 = tpu.memref_slice %arg9[%add3A_17, %dma_wait3A_52] : memref<10008x128xf32, #tpu.memory_space<vmem_shared>> -> memref<128x128xf32, #tpu.memory_space<vmem_shared>>
        tpu.wait_dma2 semaphore(%run_scoped3A : memref<!tpu.dma_semaphore, #tpu.memory_space<semaphore_mem>>) src(%dma_wait3A_53 : memref<128x128xf32, #tpu.memory_space<vmem_shared>>) dst(%arg12 : memref<128x128xf32, #tpu.memory_space<vmem>>)
        tpu.yield
      }) : () -> ()
      %add3A_18 = arith.constant 0 : i32
      %add3A_19 = arith.addi %mul3A_10, %add3A_18 : i32
      "tpu.region"() ({
        %run_scoped3A = tpu.sem_alloc : memref<!tpu.dma_semaphore, #tpu.memory_space<semaphore_mem>>
        %dma_start3A = arith.constant 0 : i32
        %dma_start3A_48 = tpu.memref_slice %arg8[%arg0, %add3A_19, %dma_start3A] : memref<2x10000x128xf32, #tpu.memory_space<hbm>> -> memref<1x128x128xf32, #tpu.memory_space<hbm>>
        %dma_start3A_49 = tpu.memref_squeeze %dma_start3A_48 : memref<1x128x128xf32, #tpu.memory_space<hbm>> -> memref<128x128xf32, #tpu.memory_space<hbm>>
        %dma_start3A_50 = arith.constant 0 : i32
        %dma_start3A_51 = tpu.memref_slice %arg8[%arg0, %add3A_19, %dma_start3A_50] : memref<2x10000x128xf32, #tpu.memory_space<hbm>> -> memref<1x128x128xf32, #tpu.memory_space<hbm>>
        %dma_start3A_52 = tpu.memref_squeeze %dma_start3A_51 : memref<1x128x128xf32, #tpu.memory_space<hbm>> -> memref<128x128xf32, #tpu.memory_space<hbm>>
        tpu.enqueue_dma source(%arg12 : memref<128x128xf32, #tpu.memory_space<vmem>>) target(%dma_start3A_52 : memref<128x128xf32, #tpu.memory_space<hbm>>) target_semaphore(%run_scoped3A : memref<!tpu.dma_semaphore, #tpu.memory_space<semaphore_mem>>)
        %dma_wait3A = arith.constant 0 : i32
        %dma_wait3A_53 = tpu.memref_slice %arg8[%arg0, %add3A_19, %dma_wait3A] : memref<2x10000x128xf32, #tpu.memory_space<hbm>> -> memref<1x128x128xf32, #tpu.memory_space<hbm>>
        %dma_wait3A_54 = tpu.memref_squeeze %dma_wait3A_53 : memref<1x128x128xf32, #tpu.memory_space<hbm>> -> memref<128x128xf32, #tpu.memory_space<hbm>>
        %dma_wait3A_55 = arith.constant 0 : i32
        %dma_wait3A_56 = tpu.memref_slice %arg8[%arg0, %add3A_19, %dma_wait3A_55] : memref<2x10000x128xf32, #tpu.memory_space<hbm>> -> memref<1x128x128xf32, #tpu.memory_space<hbm>>
        %dma_wait3A_57 = tpu.memref_squeeze %dma_wait3A_56 : memref<1x128x128xf32, #tpu.memory_space<hbm>> -> memref<128x128xf32, #tpu.memory_space<hbm>>
        tpu.wait_dma2 semaphore(%run_scoped3A : memref<!tpu.dma_semaphore, #tpu.memory_space<semaphore_mem>>) src(%arg12 : memref<128x128xf32, #tpu.memory_space<vmem>>) dst(%dma_wait3A_57 : memref<128x128xf32, #tpu.memory_space<hbm>>)
        tpu.yield
      }) : () -> ()
      %add3A_20 = arith.constant 128 : i32
      %add3A_21 = arith.addi %mul3A_10, %add3A_20 : i32
      "tpu.region"() ({
        %run_scoped3A = tpu.sem_alloc : memref<!tpu.dma_semaphore, #tpu.memory_space<semaphore_mem>>
        %dma_start3A = arith.constant 0 : i32
        %dma_start3A_48 = tpu.memref_slice %arg9[%add3A_21, %dma_start3A] : memref<10008x128xf32, #tpu.memory_space<vmem_shared>> -> memref<128x128xf32, #tpu.memory_space<vmem_shared>>
        %dma_start3A_49 = arith.constant 0 : i32
        %dma_start3A_50 = tpu.memref_slice %arg9[%add3A_21, %dma_start3A_49] : memref<10008x128xf32, #tpu.memory_space<vmem_shared>> -> memref<128x128xf32, #tpu.memory_space<vmem_shared>>
        tpu.enqueue_dma source(%dma_start3A_50 : memref<128x128xf32, #tpu.memory_space<vmem_shared>>) target(%arg12 : memref<128x128xf32, #tpu.memory_space<vmem>>) target_semaphore(%run_scoped3A : memref<!tpu.dma_semaphore, #tpu.memory_space<semaphore_mem>>)
        %dma_wait3A = arith.constant 0 : i32
        %dma_wait3A_51 = tpu.memref_slice %arg9[%add3A_21, %dma_wait3A] : memref<10008x128xf32, #tpu.memory_space<vmem_shared>> -> memref<128x128xf32, #tpu.memory_space<vmem_shared>>
        %dma_wait3A_52 = arith.constant 0 : i32
        %dma_wait3A_53 = tpu.memref_slice %arg9[%add3A_21, %dma_wait3A_52] : memref<10008x128xf32, #tpu.memory_space<vmem_shared>> -> memref<128x128xf32, #tpu.memory_space<vmem_shared>>
        tpu.wait_dma2 semaphore(%run_scoped3A : memref<!tpu.dma_semaphore, #tpu.memory_space<semaphore_mem>>) src(%dma_wait3A_53 : memref<128x128xf32, #tpu.memory_space<vmem_shared>>) dst(%arg12 : memref<128x128xf32, #tpu.memory_space<vmem>>)
        tpu.yield
      }) : () -> ()
      %add3A_22 = arith.constant 128 : i32
      %add3A_23 = arith.addi %mul3A_10, %add3A_22 : i32
      "tpu.region"() ({
        %run_scoped3A = tpu.sem_alloc : memref<!tpu.dma_semaphore, #tpu.memory_space<semaphore_mem>>
        %dma_start3A = arith.constant 0 : i32
        %dma_start3A_48 = tpu.memref_slice %arg8[%arg0, %add3A_23, %dma_start3A] : memref<2x10000x128xf32, #tpu.memory_space<hbm>> -> memref<1x128x128xf32, #tpu.memory_space<hbm>>
        %dma_start3A_49 = tpu.memref_squeeze %dma_start3A_48 : memref<1x128x128xf32, #tpu.memory_space<hbm>> -> memref<128x128xf32, #tpu.memory_space<hbm>>
        %dma_start3A_50 = arith.constant 0 : i32
        %dma_start3A_51 = tpu.memref_slice %arg8[%arg0, %add3A_23, %dma_start3A_50] : memref<2x10000x128xf32, #tpu.memory_space<hbm>> -> memref<1x128x128xf32, #tpu.memory_space<hbm>>
        %dma_start3A_52 = tpu.memref_squeeze %dma_start3A_51 : memref<1x128x128xf32, #tpu.memory_space<hbm>> -> memref<128x128xf32, #tpu.memory_space<hbm>>
        tpu.enqueue_dma source(%arg12 : memref<128x128xf32, #tpu.memory_space<vmem>>) target(%dma_start3A_52 : memref<128x128xf32, #tpu.memory_space<hbm>>) target_semaphore(%run_scoped3A : memref<!tpu.dma_semaphore, #tpu.memory_space<semaphore_mem>>)
        %dma_wait3A = arith.constant 0 : i32
        %dma_wait3A_53 = tpu.memref_slice %arg8[%arg0, %add3A_23, %dma_wait3A] : memref<2x10000x128xf32, #tpu.memory_space<hbm>> -> memref<1x128x128xf32, #tpu.memory_space<hbm>>
        %dma_wait3A_54 = tpu.memref_squeeze %dma_wait3A_53 : memref<1x128x128xf32, #tpu.memory_space<hbm>> -> memref<128x128xf32, #tpu.memory_space<hbm>>
        %dma_wait3A_55 = arith.constant 0 : i32
        %dma_wait3A_56 = tpu.memref_slice %arg8[%arg0, %add3A_23, %dma_wait3A_55] : memref<2x10000x128xf32, #tpu.memory_space<hbm>> -> memref<1x128x128xf32, #tpu.memory_space<hbm>>
        %dma_wait3A_57 = tpu.memref_squeeze %dma_wait3A_56 : memref<1x128x128xf32, #tpu.memory_space<hbm>> -> memref<128x128xf32, #tpu.memory_space<hbm>>
        tpu.wait_dma2 semaphore(%run_scoped3A : memref<!tpu.dma_semaphore, #tpu.memory_space<semaphore_mem>>) src(%arg12 : memref<128x128xf32, #tpu.memory_space<vmem>>) dst(%dma_wait3A_57 : memref<128x128xf32, #tpu.memory_space<hbm>>)
        tpu.yield
      }) : () -> ()
      %add3A_24 = arith.constant 256 : i32
      %add3A_25 = arith.addi %mul3A_10, %add3A_24 : i32
      "tpu.region"() ({
        %run_scoped3A = tpu.sem_alloc : memref<!tpu.dma_semaphore, #tpu.memory_space<semaphore_mem>>
        %dma_start3A = arith.constant 0 : i32
        %dma_start3A_48 = tpu.memref_slice %arg9[%add3A_25, %dma_start3A] : memref<10008x128xf32, #tpu.memory_space<vmem_shared>> -> memref<128x128xf32, #tpu.memory_space<vmem_shared>>
        %dma_start3A_49 = arith.constant 0 : i32
        %dma_start3A_50 = tpu.memref_slice %arg9[%add3A_25, %dma_start3A_49] : memref<10008x128xf32, #tpu.memory_space<vmem_shared>> -> memref<128x128xf32, #tpu.memory_space<vmem_shared>>
        tpu.enqueue_dma source(%dma_start3A_50 : memref<128x128xf32, #tpu.memory_space<vmem_shared>>) target(%arg12 : memref<128x128xf32, #tpu.memory_space<vmem>>) target_semaphore(%run_scoped3A : memref<!tpu.dma_semaphore, #tpu.memory_space<semaphore_mem>>)
        %dma_wait3A = arith.constant 0 : i32
        %dma_wait3A_51 = tpu.memref_slice %arg9[%add3A_25, %dma_wait3A] : memref<10008x128xf32, #tpu.memory_space<vmem_shared>> -> memref<128x128xf32, #tpu.memory_space<vmem_shared>>
        %dma_wait3A_52 = arith.constant 0 : i32
        %dma_wait3A_53 = tpu.memref_slice %arg9[%add3A_25, %dma_wait3A_52] : memref<10008x128xf32, #tpu.memory_space<vmem_shared>> -> memref<128x128xf32, #tpu.memory_space<vmem_shared>>
        tpu.wait_dma2 semaphore(%run_scoped3A : memref<!tpu.dma_semaphore, #tpu.memory_space<semaphore_mem>>) src(%dma_wait3A_53 : memref<128x128xf32, #tpu.memory_space<vmem_shared>>) dst(%arg12 : memref<128x128xf32, #tpu.memory_space<vmem>>)
        tpu.yield
      }) : () -> ()
      %add3A_26 = arith.constant 256 : i32
      %add3A_27 = arith.addi %mul3A_10, %add3A_26 : i32
      "tpu.region"() ({
        %run_scoped3A = tpu.sem_alloc : memref<!tpu.dma_semaphore, #tpu.memory_space<semaphore_mem>>
        %dma_start3A = arith.constant 0 : i32
        %dma_start3A_48 = tpu.memref_slice %arg8[%arg0, %add3A_27, %dma_start3A] : memref<2x10000x128xf32, #tpu.memory_space<hbm>> -> memref<1x128x128xf32, #tpu.memory_space<hbm>>
        %dma_start3A_49 = tpu.memref_squeeze %dma_start3A_48 : memref<1x128x128xf32, #tpu.memory_space<hbm>> -> memref<128x128xf32, #tpu.memory_space<hbm>>
        %dma_start3A_50 = arith.constant 0 : i32
        %dma_start3A_51 = tpu.memref_slice %arg8[%arg0, %add3A_27, %dma_start3A_50] : memref<2x10000x128xf32, #tpu.memory_space<hbm>> -> memref<1x128x128xf32, #tpu.memory_space<hbm>>
        %dma_start3A_52 = tpu.memref_squeeze %dma_start3A_51 : memref<1x128x128xf32, #tpu.memory_space<hbm>> -> memref<128x128xf32, #tpu.memory_space<hbm>>
        tpu.enqueue_dma source(%arg12 : memref<128x128xf32, #tpu.memory_space<vmem>>) target(%dma_start3A_52 : memref<128x128xf32, #tpu.memory_space<hbm>>) target_semaphore(%run_scoped3A : memref<!tpu.dma_semaphore, #tpu.memory_space<semaphore_mem>>)
        %dma_wait3A = arith.constant 0 : i32
        %dma_wait3A_53 = tpu.memref_slice %arg8[%arg0, %add3A_27, %dma_wait3A] : memref<2x10000x128xf32, #tpu.memory_space<hbm>> -> memref<1x128x128xf32, #tpu.memory_space<hbm>>
        %dma_wait3A_54 = tpu.memref_squeeze %dma_wait3A_53 : memref<1x128x128xf32, #tpu.memory_space<hbm>> -> memref<128x128xf32, #tpu.memory_space<hbm>>
        %dma_wait3A_55 = arith.constant 0 : i32
        %dma_wait3A_56 = tpu.memref_slice %arg8[%arg0, %add3A_27, %dma_wait3A_55] : memref<2x10000x128xf32, #tpu.memory_space<hbm>> -> memref<1x128x128xf32, #tpu.memory_space<hbm>>
        %dma_wait3A_57 = tpu.memref_squeeze %dma_wait3A_56 : memref<1x128x128xf32, #tpu.memory_space<hbm>> -> memref<128x128xf32, #tpu.memory_space<hbm>>
        tpu.wait_dma2 semaphore(%run_scoped3A : memref<!tpu.dma_semaphore, #tpu.memory_space<semaphore_mem>>) src(%arg12 : memref<128x128xf32, #tpu.memory_space<vmem>>) dst(%dma_wait3A_57 : memref<128x128xf32, #tpu.memory_space<hbm>>)
        tpu.yield
      }) : () -> ()
      %add3A_28 = arith.constant 384 : i32
      %add3A_29 = arith.addi %mul3A_10, %add3A_28 : i32
      "tpu.region"() ({
        %run_scoped3A = tpu.sem_alloc : memref<!tpu.dma_semaphore, #tpu.memory_space<semaphore_mem>>
        %dma_start3A = arith.constant 0 : i32
        %dma_start3A_48 = tpu.memref_slice %arg9[%add3A_29, %dma_start3A] : memref<10008x128xf32, #tpu.memory_space<vmem_shared>> -> memref<128x128xf32, #tpu.memory_space<vmem_shared>>
        %dma_start3A_49 = arith.constant 0 : i32
        %dma_start3A_50 = tpu.memref_slice %arg9[%add3A_29, %dma_start3A_49] : memref<10008x128xf32, #tpu.memory_space<vmem_shared>> -> memref<128x128xf32, #tpu.memory_space<vmem_shared>>
        tpu.enqueue_dma source(%dma_start3A_50 : memref<128x128xf32, #tpu.memory_space<vmem_shared>>) target(%arg12 : memref<128x128xf32, #tpu.memory_space<vmem>>) target_semaphore(%run_scoped3A : memref<!tpu.dma_semaphore, #tpu.memory_space<semaphore_mem>>)
        %dma_wait3A = arith.constant 0 : i32
        %dma_wait3A_51 = tpu.memref_slice %arg9[%add3A_29, %dma_wait3A] : memref<10008x128xf32, #tpu.memory_space<vmem_shared>> -> memref<128x128xf32, #tpu.memory_space<vmem_shared>>
        %dma_wait3A_52 = arith.constant 0 : i32
        %dma_wait3A_53 = tpu.memref_slice %arg9[%add3A_29, %dma_wait3A_52] : memref<10008x128xf32, #tpu.memory_space<vmem_shared>> -> memref<128x128xf32, #tpu.memory_space<vmem_shared>>
        tpu.wait_dma2 semaphore(%run_scoped3A : memref<!tpu.dma_semaphore, #tpu.memory_space<semaphore_mem>>) src(%dma_wait3A_53 : memref<128x128xf32, #tpu.memory_space<vmem_shared>>) dst(%arg12 : memref<128x128xf32, #tpu.memory_space<vmem>>)
        tpu.yield
      }) : () -> ()
      %add3A_30 = arith.constant 384 : i32
      %add3A_31 = arith.addi %mul3A_10, %add3A_30 : i32
      "tpu.region"() ({
        %run_scoped3A = tpu.sem_alloc : memref<!tpu.dma_semaphore, #tpu.memory_space<semaphore_mem>>
        %dma_start3A = arith.constant 0 : i32
        %dma_start3A_48 = tpu.memref_slice %arg8[%arg0, %add3A_31, %dma_start3A] : memref<2x10000x128xf32, #tpu.memory_space<hbm>> -> memref<1x128x128xf32, #tpu.memory_space<hbm>>
        %dma_start3A_49 = tpu.memref_squeeze %dma_start3A_48 : memref<1x128x128xf32, #tpu.memory_space<hbm>> -> memref<128x128xf32, #tpu.memory_space<hbm>>
        %dma_start3A_50 = arith.constant 0 : i32
        %dma_start3A_51 = tpu.memref_slice %arg8[%arg0, %add3A_31, %dma_start3A_50] : memref<2x10000x128xf32, #tpu.memory_space<hbm>> -> memref<1x128x128xf32, #tpu.memory_space<hbm>>
        %dma_start3A_52 = tpu.memref_squeeze %dma_start3A_51 : memref<1x128x128xf32, #tpu.memory_space<hbm>> -> memref<128x128xf32, #tpu.memory_space<hbm>>
        tpu.enqueue_dma source(%arg12 : memref<128x128xf32, #tpu.memory_space<vmem>>) target(%dma_start3A_52 : memref<128x128xf32, #tpu.memory_space<hbm>>) target_semaphore(%run_scoped3A : memref<!tpu.dma_semaphore, #tpu.memory_space<semaphore_mem>>)
        %dma_wait3A = arith.constant 0 : i32
        %dma_wait3A_53 = tpu.memref_slice %arg8[%arg0, %add3A_31, %dma_wait3A] : memref<2x10000x128xf32, #tpu.memory_space<hbm>> -> memref<1x128x128xf32, #tpu.memory_space<hbm>>
        %dma_wait3A_54 = tpu.memref_squeeze %dma_wait3A_53 : memref<1x128x128xf32, #tpu.memory_space<hbm>> -> memref<128x128xf32, #tpu.memory_space<hbm>>
        %dma_wait3A_55 = arith.constant 0 : i32
        %dma_wait3A_56 = tpu.memref_slice %arg8[%arg0, %add3A_31, %dma_wait3A_55] : memref<2x10000x128xf32, #tpu.memory_space<hbm>> -> memref<1x128x128xf32, #tpu.memory_space<hbm>>
        %dma_wait3A_57 = tpu.memref_squeeze %dma_wait3A_56 : memref<1x128x128xf32, #tpu.memory_space<hbm>> -> memref<128x128xf32, #tpu.memory_space<hbm>>
        tpu.wait_dma2 semaphore(%run_scoped3A : memref<!tpu.dma_semaphore, #tpu.memory_space<semaphore_mem>>) src(%arg12 : memref<128x128xf32, #tpu.memory_space<vmem>>) dst(%dma_wait3A_57 : memref<128x128xf32, #tpu.memory_space<hbm>>)
        tpu.yield
      }) : () -> ()
      %add3A_32 = arith.constant 512 : i32
      %add3A_33 = arith.addi %mul3A_10, %add3A_32 : i32
      "tpu.region"() ({
        %run_scoped3A = tpu.sem_alloc : memref<!tpu.dma_semaphore, #tpu.memory_space<semaphore_mem>>
        %dma_start3A = arith.constant 0 : i32
        %dma_start3A_48 = tpu.memref_slice %arg9[%add3A_33, %dma_start3A] : memref<10008x128xf32, #tpu.memory_space<vmem_shared>> -> memref<128x128xf32, #tpu.memory_space<vmem_shared>>
        %dma_start3A_49 = arith.constant 0 : i32
        %dma_start3A_50 = tpu.memref_slice %arg9[%add3A_33, %dma_start3A_49] : memref<10008x128xf32, #tpu.memory_space<vmem_shared>> -> memref<128x128xf32, #tpu.memory_space<vmem_shared>>
        tpu.enqueue_dma source(%dma_start3A_50 : memref<128x128xf32, #tpu.memory_space<vmem_shared>>) target(%arg12 : memref<128x128xf32, #tpu.memory_space<vmem>>) target_semaphore(%run_scoped3A : memref<!tpu.dma_semaphore, #tpu.memory_space<semaphore_mem>>)
        %dma_wait3A = arith.constant 0 : i32
        %dma_wait3A_51 = tpu.memref_slice %arg9[%add3A_33, %dma_wait3A] : memref<10008x128xf32, #tpu.memory_space<vmem_shared>> -> memref<128x128xf32, #tpu.memory_space<vmem_shared>>
        %dma_wait3A_52 = arith.constant 0 : i32
        %dma_wait3A_53 = tpu.memref_slice %arg9[%add3A_33, %dma_wait3A_52] : memref<10008x128xf32, #tpu.memory_space<vmem_shared>> -> memref<128x128xf32, #tpu.memory_space<vmem_shared>>
        tpu.wait_dma2 semaphore(%run_scoped3A : memref<!tpu.dma_semaphore, #tpu.memory_space<semaphore_mem>>) src(%dma_wait3A_53 : memref<128x128xf32, #tpu.memory_space<vmem_shared>>) dst(%arg12 : memref<128x128xf32, #tpu.memory_space<vmem>>)
        tpu.yield
      }) : () -> ()
      %add3A_34 = arith.constant 512 : i32
      %add3A_35 = arith.addi %mul3A_10, %add3A_34 : i32
      "tpu.region"() ({
        %run_scoped3A = tpu.sem_alloc : memref<!tpu.dma_semaphore, #tpu.memory_space<semaphore_mem>>
        %dma_start3A = arith.constant 0 : i32
        %dma_start3A_48 = tpu.memref_slice %arg8[%arg0, %add3A_35, %dma_start3A] : memref<2x10000x128xf32, #tpu.memory_space<hbm>> -> memref<1x128x128xf32, #tpu.memory_space<hbm>>
        %dma_start3A_49 = tpu.memref_squeeze %dma_start3A_48 : memref<1x128x128xf32, #tpu.memory_space<hbm>> -> memref<128x128xf32, #tpu.memory_space<hbm>>
        %dma_start3A_50 = arith.constant 0 : i32
        %dma_start3A_51 = tpu.memref_slice %arg8[%arg0, %add3A_35, %dma_start3A_50] : memref<2x10000x128xf32, #tpu.memory_space<hbm>> -> memref<1x128x128xf32, #tpu.memory_space<hbm>>
        %dma_start3A_52 = tpu.memref_squeeze %dma_start3A_51 : memref<1x128x128xf32, #tpu.memory_space<hbm>> -> memref<128x128xf32, #tpu.memory_space<hbm>>
        tpu.enqueue_dma source(%arg12 : memref<128x128xf32, #tpu.memory_space<vmem>>) target(%dma_start3A_52 : memref<128x128xf32, #tpu.memory_space<hbm>>) target_semaphore(%run_scoped3A : memref<!tpu.dma_semaphore, #tpu.memory_space<semaphore_mem>>)
        %dma_wait3A = arith.constant 0 : i32
        %dma_wait3A_53 = tpu.memref_slice %arg8[%arg0, %add3A_35, %dma_wait3A] : memref<2x10000x128xf32, #tpu.memory_space<hbm>> -> memref<1x128x128xf32, #tpu.memory_space<hbm>>
        %dma_wait3A_54 = tpu.memref_squeeze %dma_wait3A_53 : memref<1x128x128xf32, #tpu.memory_space<hbm>> -> memref<128x128xf32, #tpu.memory_space<hbm>>
        %dma_wait3A_55 = arith.constant 0 : i32
        %dma_wait3A_56 = tpu.memref_slice %arg8[%arg0, %add3A_35, %dma_wait3A_55] : memref<2x10000x128xf32, #tpu.memory_space<hbm>> -> memref<1x128x128xf32, #tpu.memory_space<hbm>>
        %dma_wait3A_57 = tpu.memref_squeeze %dma_wait3A_56 : memref<1x128x128xf32, #tpu.memory_space<hbm>> -> memref<128x128xf32, #tpu.memory_space<hbm>>
        tpu.wait_dma2 semaphore(%run_scoped3A : memref<!tpu.dma_semaphore, #tpu.memory_space<semaphore_mem>>) src(%arg12 : memref<128x128xf32, #tpu.memory_space<vmem>>) dst(%dma_wait3A_57 : memref<128x128xf32, #tpu.memory_space<hbm>>)
        tpu.yield
      }) : () -> ()
      %add3A_36 = arith.constant 640 : i32
      %add3A_37 = arith.addi %mul3A_10, %add3A_36 : i32
      "tpu.region"() ({
        %run_scoped3A = tpu.sem_alloc : memref<!tpu.dma_semaphore, #tpu.memory_space<semaphore_mem>>
        %dma_start3A = arith.constant 0 : i32
        %dma_start3A_48 = tpu.memref_slice %arg9[%add3A_37, %dma_start3A] : memref<10008x128xf32, #tpu.memory_space<vmem_shared>> -> memref<128x128xf32, #tpu.memory_space<vmem_shared>>
        %dma_start3A_49 = arith.constant 0 : i32
        %dma_start3A_50 = tpu.memref_slice %arg9[%add3A_37, %dma_start3A_49] : memref<10008x128xf32, #tpu.memory_space<vmem_shared>> -> memref<128x128xf32, #tpu.memory_space<vmem_shared>>
        tpu.enqueue_dma source(%dma_start3A_50 : memref<128x128xf32, #tpu.memory_space<vmem_shared>>) target(%arg12 : memref<128x128xf32, #tpu.memory_space<vmem>>) target_semaphore(%run_scoped3A : memref<!tpu.dma_semaphore, #tpu.memory_space<semaphore_mem>>)
        %dma_wait3A = arith.constant 0 : i32
        %dma_wait3A_51 = tpu.memref_slice %arg9[%add3A_37, %dma_wait3A] : memref<10008x128xf32, #tpu.memory_space<vmem_shared>> -> memref<128x128xf32, #tpu.memory_space<vmem_shared>>
        %dma_wait3A_52 = arith.constant 0 : i32
        %dma_wait3A_53 = tpu.memref_slice %arg9[%add3A_37, %dma_wait3A_52] : memref<10008x128xf32, #tpu.memory_space<vmem_shared>> -> memref<128x128xf32, #tpu.memory_space<vmem_shared>>
        tpu.wait_dma2 semaphore(%run_scoped3A : memref<!tpu.dma_semaphore, #tpu.memory_space<semaphore_mem>>) src(%dma_wait3A_53 : memref<128x128xf32, #tpu.memory_space<vmem_shared>>) dst(%arg12 : memref<128x128xf32, #tpu.memory_space<vmem>>)
        tpu.yield
      }) : () -> ()
      %add3A_38 = arith.constant 640 : i32
      %add3A_39 = arith.addi %mul3A_10, %add3A_38 : i32
      "tpu.region"() ({
        %run_scoped3A = tpu.sem_alloc : memref<!tpu.dma_semaphore, #tpu.memory_space<semaphore_mem>>
        %dma_start3A = arith.constant 0 : i32
        %dma_start3A_48 = tpu.memref_slice %arg8[%arg0, %add3A_39, %dma_start3A] : memref<2x10000x128xf32, #tpu.memory_space<hbm>> -> memref<1x128x128xf32, #tpu.memory_space<hbm>>
        %dma_start3A_49 = tpu.memref_squeeze %dma_start3A_48 : memref<1x128x128xf32, #tpu.memory_space<hbm>> -> memref<128x128xf32, #tpu.memory_space<hbm>>
        %dma_start3A_50 = arith.constant 0 : i32
        %dma_start3A_51 = tpu.memref_slice %arg8[%arg0, %add3A_39, %dma_start3A_50] : memref<2x10000x128xf32, #tpu.memory_space<hbm>> -> memref<1x128x128xf32, #tpu.memory_space<hbm>>
        %dma_start3A_52 = tpu.memref_squeeze %dma_start3A_51 : memref<1x128x128xf32, #tpu.memory_space<hbm>> -> memref<128x128xf32, #tpu.memory_space<hbm>>
        tpu.enqueue_dma source(%arg12 : memref<128x128xf32, #tpu.memory_space<vmem>>) target(%dma_start3A_52 : memref<128x128xf32, #tpu.memory_space<hbm>>) target_semaphore(%run_scoped3A : memref<!tpu.dma_semaphore, #tpu.memory_space<semaphore_mem>>)
        %dma_wait3A = arith.constant 0 : i32
        %dma_wait3A_53 = tpu.memref_slice %arg8[%arg0, %add3A_39, %dma_wait3A] : memref<2x10000x128xf32, #tpu.memory_space<hbm>> -> memref<1x128x128xf32, #tpu.memory_space<hbm>>
        %dma_wait3A_54 = tpu.memref_squeeze %dma_wait3A_53 : memref<1x128x128xf32, #tpu.memory_space<hbm>> -> memref<128x128xf32, #tpu.memory_space<hbm>>
        %dma_wait3A_55 = arith.constant 0 : i32
        %dma_wait3A_56 = tpu.memref_slice %arg8[%arg0, %add3A_39, %dma_wait3A_55] : memref<2x10000x128xf32, #tpu.memory_space<hbm>> -> memref<1x128x128xf32, #tpu.memory_space<hbm>>
        %dma_wait3A_57 = tpu.memref_squeeze %dma_wait3A_56 : memref<1x128x128xf32, #tpu.memory_space<hbm>> -> memref<128x128xf32, #tpu.memory_space<hbm>>
        tpu.wait_dma2 semaphore(%run_scoped3A : memref<!tpu.dma_semaphore, #tpu.memory_space<semaphore_mem>>) src(%arg12 : memref<128x128xf32, #tpu.memory_space<vmem>>) dst(%dma_wait3A_57 : memref<128x128xf32, #tpu.memory_space<hbm>>)
        tpu.yield
      }) : () -> ()
      %add3A_40 = arith.constant 768 : i32
      %add3A_41 = arith.addi %mul3A_10, %add3A_40 : i32
      "tpu.region"() ({
        %run_scoped3A = tpu.sem_alloc : memref<!tpu.dma_semaphore, #tpu.memory_space<semaphore_mem>>
        %dma_start3A = arith.constant 0 : i32
        %dma_start3A_48 = tpu.memref_slice %arg9[%add3A_41, %dma_start3A] : memref<10008x128xf32, #tpu.memory_space<vmem_shared>> -> memref<128x128xf32, #tpu.memory_space<vmem_shared>>
        %dma_start3A_49 = arith.constant 0 : i32
        %dma_start3A_50 = tpu.memref_slice %arg9[%add3A_41, %dma_start3A_49] : memref<10008x128xf32, #tpu.memory_space<vmem_shared>> -> memref<128x128xf32, #tpu.memory_space<vmem_shared>>
        tpu.enqueue_dma source(%dma_start3A_50 : memref<128x128xf32, #tpu.memory_space<vmem_shared>>) target(%arg12 : memref<128x128xf32, #tpu.memory_space<vmem>>) target_semaphore(%run_scoped3A : memref<!tpu.dma_semaphore, #tpu.memory_space<semaphore_mem>>)
        %dma_wait3A = arith.constant 0 : i32
        %dma_wait3A_51 = tpu.memref_slice %arg9[%add3A_41, %dma_wait3A] : memref<10008x128xf32, #tpu.memory_space<vmem_shared>> -> memref<128x128xf32, #tpu.memory_space<vmem_shared>>
        %dma_wait3A_52 = arith.constant 0 : i32
        %dma_wait3A_53 = tpu.memref_slice %arg9[%add3A_41, %dma_wait3A_52] : memref<10008x128xf32, #tpu.memory_space<vmem_shared>> -> memref<128x128xf32, #tpu.memory_space<vmem_shared>>
        tpu.wait_dma2 semaphore(%run_scoped3A : memref<!tpu.dma_semaphore, #tpu.memory_space<semaphore_mem>>) src(%dma_wait3A_53 : memref<128x128xf32, #tpu.memory_space<vmem_shared>>) dst(%arg12 : memref<128x128xf32, #tpu.memory_space<vmem>>)
        tpu.yield
      }) : () -> ()
      %add3A_42 = arith.constant 768 : i32
      %add3A_43 = arith.addi %mul3A_10, %add3A_42 : i32
      "tpu.region"() ({
        %run_scoped3A = tpu.sem_alloc : memref<!tpu.dma_semaphore, #tpu.memory_space<semaphore_mem>>
        %dma_start3A = arith.constant 0 : i32
        %dma_start3A_48 = tpu.memref_slice %arg8[%arg0, %add3A_43, %dma_start3A] : memref<2x10000x128xf32, #tpu.memory_space<hbm>> -> memref<1x128x128xf32, #tpu.memory_space<hbm>>
        %dma_start3A_49 = tpu.memref_squeeze %dma_start3A_48 : memref<1x128x128xf32, #tpu.memory_space<hbm>> -> memref<128x128xf32, #tpu.memory_space<hbm>>
        %dma_start3A_50 = arith.constant 0 : i32
        %dma_start3A_51 = tpu.memref_slice %arg8[%arg0, %add3A_43, %dma_start3A_50] : memref<2x10000x128xf32, #tpu.memory_space<hbm>> -> memref<1x128x128xf32, #tpu.memory_space<hbm>>
        %dma_start3A_52 = tpu.memref_squeeze %dma_start3A_51 : memref<1x128x128xf32, #tpu.memory_space<hbm>> -> memref<128x128xf32, #tpu.memory_space<hbm>>
        tpu.enqueue_dma source(%arg12 : memref<128x128xf32, #tpu.memory_space<vmem>>) target(%dma_start3A_52 : memref<128x128xf32, #tpu.memory_space<hbm>>) target_semaphore(%run_scoped3A : memref<!tpu.dma_semaphore, #tpu.memory_space<semaphore_mem>>)
        %dma_wait3A = arith.constant 0 : i32
        %dma_wait3A_53 = tpu.memref_slice %arg8[%arg0, %add3A_43, %dma_wait3A] : memref<2x10000x128xf32, #tpu.memory_space<hbm>> -> memref<1x128x128xf32, #tpu.memory_space<hbm>>
        %dma_wait3A_54 = tpu.memref_squeeze %dma_wait3A_53 : memref<1x128x128xf32, #tpu.memory_space<hbm>> -> memref<128x128xf32, #tpu.memory_space<hbm>>
        %dma_wait3A_55 = arith.constant 0 : i32
        %dma_wait3A_56 = tpu.memref_slice %arg8[%arg0, %add3A_43, %dma_wait3A_55] : memref<2x10000x128xf32, #tpu.memory_space<hbm>> -> memref<1x128x128xf32, #tpu.memory_space<hbm>>
        %dma_wait3A_57 = tpu.memref_squeeze %dma_wait3A_56 : memref<1x128x128xf32, #tpu.memory_space<hbm>> -> memref<128x128xf32, #tpu.memory_space<hbm>>
        tpu.wait_dma2 semaphore(%run_scoped3A : memref<!tpu.dma_semaphore, #tpu.memory_space<semaphore_mem>>) src(%arg12 : memref<128x128xf32, #tpu.memory_space<vmem>>) dst(%dma_wait3A_57 : memref<128x128xf32, #tpu.memory_space<hbm>>)
        tpu.yield
      }) : () -> ()
      %add3A_44 = arith.constant 896 : i32
      %add3A_45 = arith.addi %mul3A_10, %add3A_44 : i32
      "tpu.region"() ({
        %run_scoped3A = tpu.sem_alloc : memref<!tpu.dma_semaphore, #tpu.memory_space<semaphore_mem>>
        %dma_start3A = arith.constant 0 : i32
        %dma_start3A_48 = arith.constant 0 : i32
        %dma_start3A_49 = tpu.memref_slice %arg12[%dma_start3A, %dma_start3A_48] : memref<128x128xf32, #tpu.memory_space<vmem>> -> memref<104x128xf32, #tpu.memory_space<vmem>>
        %dma_start3A_50 = arith.constant 0 : i32
        %dma_start3A_51 = tpu.memref_slice %arg9[%add3A_45, %dma_start3A_50] : memref<10008x128xf32, #tpu.memory_space<vmem_shared>> -> memref<104x128xf32, #tpu.memory_space<vmem_shared>>
        %dma_start3A_52 = arith.constant 0 : i32
        %dma_start3A_53 = arith.constant 0 : i32
        %dma_start3A_54 = tpu.memref_slice %arg12[%dma_start3A_52, %dma_start3A_53] : memref<128x128xf32, #tpu.memory_space<vmem>> -> memref<104x128xf32, #tpu.memory_space<vmem>>
        %dma_start3A_55 = arith.constant 0 : i32
        %dma_start3A_56 = tpu.memref_slice %arg9[%add3A_45, %dma_start3A_55] : memref<10008x128xf32, #tpu.memory_space<vmem_shared>> -> memref<104x128xf32, #tpu.memory_space<vmem_shared>>
        tpu.enqueue_dma source(%dma_start3A_56 : memref<104x128xf32, #tpu.memory_space<vmem_shared>>) target(%dma_start3A_54 : memref<104x128xf32, #tpu.memory_space<vmem>>) target_semaphore(%run_scoped3A : memref<!tpu.dma_semaphore, #tpu.memory_space<semaphore_mem>>)
        %dma_wait3A = arith.constant 0 : i32
        %dma_wait3A_57 = arith.constant 0 : i32
        %dma_wait3A_58 = tpu.memref_slice %arg12[%dma_wait3A, %dma_wait3A_57] : memref<128x128xf32, #tpu.memory_space<vmem>> -> memref<104x128xf32, #tpu.memory_space<vmem>>
        %dma_wait3A_59 = arith.constant 0 : i32
        %dma_wait3A_60 = tpu.memref_slice %arg9[%add3A_45, %dma_wait3A_59] : memref<10008x128xf32, #tpu.memory_space<vmem_shared>> -> memref<104x128xf32, #tpu.memory_space<vmem_shared>>
        %dma_wait3A_61 = arith.constant 0 : i32
        %dma_wait3A_62 = arith.constant 0 : i32
        %dma_wait3A_63 = tpu.memref_slice %arg12[%dma_wait3A_61, %dma_wait3A_62] : memref<128x128xf32, #tpu.memory_space<vmem>> -> memref<104x128xf32, #tpu.memory_space<vmem>>
        %dma_wait3A_64 = arith.constant 0 : i32
        %dma_wait3A_65 = tpu.memref_slice %arg9[%add3A_45, %dma_wait3A_64] : memref<10008x128xf32, #tpu.memory_space<vmem_shared>> -> memref<104x128xf32, #tpu.memory_space<vmem_shared>>
        tpu.wait_dma2 semaphore(%run_scoped3A : memref<!tpu.dma_semaphore, #tpu.memory_space<semaphore_mem>>) src(%dma_wait3A_65 : memref<104x128xf32, #tpu.memory_space<vmem_shared>>) dst(%dma_wait3A_63 : memref<104x128xf32, #tpu.memory_space<vmem>>)
        tpu.yield
      }) : () -> ()
      %add3A_46 = arith.constant 896 : i32
      %add3A_47 = arith.addi %mul3A_10, %add3A_46 : i32
      "tpu.region"() ({
        %run_scoped3A = tpu.sem_alloc : memref<!tpu.dma_semaphore, #tpu.memory_space<semaphore_mem>>
        %dma_start3A = arith.constant 0 : i32
        %dma_start3A_48 = arith.constant 0 : i32
        %dma_start3A_49 = tpu.memref_slice %arg12[%dma_start3A, %dma_start3A_48] : memref<128x128xf32, #tpu.memory_space<vmem>> -> memref<104x128xf32, #tpu.memory_space<vmem>>
        %dma_start3A_50 = arith.constant 0 : i32
        %dma_start3A_51 = tpu.memref_slice %arg8[%arg0, %add3A_47, %dma_start3A_50] : memref<2x10000x128xf32, #tpu.memory_space<hbm>> -> memref<1x104x128xf32, #tpu.memory_space<hbm>>
        %dma_start3A_52 = tpu.memref_squeeze %dma_start3A_51 : memref<1x104x128xf32, #tpu.memory_space<hbm>> -> memref<104x128xf32, #tpu.memory_space<hbm>>
        %dma_start3A_53 = arith.constant 0 : i32
        %dma_start3A_54 = tpu.memref_slice %arg8[%arg0, %add3A_47, %dma_start3A_53] : memref<2x10000x128xf32, #tpu.memory_space<hbm>> -> memref<1x104x128xf32, #tpu.memory_space<hbm>>
        %dma_start3A_55 = tpu.memref_squeeze %dma_start3A_54 : memref<1x104x128xf32, #tpu.memory_space<hbm>> -> memref<104x128xf32, #tpu.memory_space<hbm>>
        %dma_start3A_56 = arith.constant 0 : i32
        %dma_start3A_57 = arith.constant 0 : i32
        %dma_start3A_58 = tpu.memref_slice %arg12[%dma_start3A_56, %dma_start3A_57] : memref<128x128xf32, #tpu.memory_space<vmem>> -> memref<104x128xf32, #tpu.memory_space<vmem>>
        tpu.enqueue_dma source(%dma_start3A_58 : memref<104x128xf32, #tpu.memory_space<vmem>>) target(%dma_start3A_55 : memref<104x128xf32, #tpu.memory_space<hbm>>) target_semaphore(%run_scoped3A : memref<!tpu.dma_semaphore, #tpu.memory_space<semaphore_mem>>)
        %dma_wait3A = arith.constant 0 : i32
        %dma_wait3A_59 = arith.constant 0 : i32
        %dma_wait3A_60 = tpu.memref_slice %arg12[%dma_wait3A, %dma_wait3A_59] : memref<128x128xf32, #tpu.memory_space<vmem>> -> memref<104x128xf32, #tpu.memory_space<vmem>>
        %dma_wait3A_61 = arith.constant 0 : i32
        %dma_wait3A_62 = tpu.memref_slice %arg8[%arg0, %add3A_47, %dma_wait3A_61] : memref<2x10000x128xf32, #tpu.memory_space<hbm>> -> memref<1x104x128xf32, #tpu.memory_space<hbm>>
        %dma_wait3A_63 = tpu.memref_squeeze %dma_wait3A_62 : memref<1x104x128xf32, #tpu.memory_space<hbm>> -> memref<104x128xf32, #tpu.memory_space<hbm>>
        %dma_wait3A_64 = arith.constant 0 : i32
        %dma_wait3A_65 = tpu.memref_slice %arg8[%arg0, %add3A_47, %dma_wait3A_64] : memref<2x10000x128xf32, #tpu.memory_space<hbm>> -> memref<1x104x128xf32, #tpu.memory_space<hbm>>
        %dma_wait3A_66 = tpu.memref_squeeze %dma_wait3A_65 : memref<1x104x128xf32, #tpu.memory_space<hbm>> -> memref<104x128xf32, #tpu.memory_space<hbm>>
        %dma_wait3A_67 = arith.constant 0 : i32
        %dma_wait3A_68 = arith.constant 0 : i32
        %dma_wait3A_69 = tpu.memref_slice %arg12[%dma_wait3A_67, %dma_wait3A_68] : memref<128x128xf32, #tpu.memory_space<vmem>> -> memref<104x128xf32, #tpu.memory_space<vmem>>
        tpu.wait_dma2 semaphore(%run_scoped3A : memref<!tpu.dma_semaphore, #tpu.memory_space<semaphore_mem>>) src(%dma_wait3A_69 : memref<104x128xf32, #tpu.memory_space<vmem>>) dst(%dma_wait3A_66 : memref<104x128xf32, #tpu.memory_space<hbm>>)
        tpu.yield
      }) : () -> ()
    } else {
    }
    return
  }
}

#map = affine_map<(d0, d1) -> (0, 0)>
#map1 = affine_map<(d0, d1) -> (0, 0, 0, 0)>
#map2 = affine_map<(d0, d1) -> (0)>
#map3 = affine_map<(d0, d1) -> (0, 0, 0)>
module attributes {stable_mosaic.version = 14 : i64} {
  func.func @k(%arg0: i32, %arg1: i32, %arg2: memref<10000x128xf32, #tpu.memory_space<hbm>>, %arg3: memref<10000x128xf32, #tpu.memory_space<hbm>>, %arg4: memref<16x20x8x128xi32, #tpu.memory_space<hbm>>, %arg5: memref<16x20x8x128xi32, #tpu.memory_space<hbm>>, %arg6: memref<128x128xf32, #tpu.memory_space<hbm>>, %arg7: memref<1000xf32, #tpu.memory_space<hbm>>, %arg8: memref<2x10000x128xf32, #tpu.memory_space<hbm>>, %arg9: memref<10008x128xf32, #tpu.memory_space<vmem_shared>>, %arg10: memref<8x128xi32, #tpu.memory_space<vmem>>, %arg11: memref<8x128xi32, #tpu.memory_space<vmem>>, %arg12: memref<128x128xf32, #tpu.memory_space<vmem>>, %arg13: memref<128x128xf32, #tpu.memory_space<vmem>>, %arg14: memref<128xi32, #tpu.memory_space<vmem>>, %arg15: memref<!tpu.dma_semaphore, #tpu.memory_space<semaphore_mem>>, %arg16: memref<!tpu.dma_semaphore, #tpu.memory_space<semaphore_mem>>) attributes {dimension_semantics = [#tpu.dimension_semantics<core_parallel>, #tpu.dimension_semantics<subcore_parallel>], iteration_bounds = array<i64: 2, 16>, scalar_prefetch = 0 : i64, scratch_operands = 8 : i64, tpu.core_type = #tpu.core_type<sc_vector_subcore>, window_params = [{transform_indices = #map}, {transform_indices = #map}, {transform_indices = #map1}, {transform_indices = #map1}, {transform_indices = #map}, {transform_indices = #map2}, {transform_indices = #map3}]} {
    %mul3A = arith.constant 2 : i32
    %mul3A_0 = arith.muli %arg1, %mul3A : i32
    %add3A = arith.addi %mul3A_0, %arg0 : i32
    %lt3A = arith.constant 10 : i32
    %lt3A_1 = arith.cmpi slt, %arg1, %lt3A : i32
    %convert_element_type3A = arith.extui %lt3A_1 : i1 to i32
    %cond3A = arith.constant 0 : i32
    %cond3A_2 = arith.cmpi ne, %convert_element_type3A, %cond3A : i32
    scf.if %cond3A_2 {
      "tpu.region"() ({
        %run_scoped3A = tpu.sem_alloc : memref<!tpu.dma_semaphore, #tpu.memory_space<semaphore_mem>>
        tpu.enqueue_dma source(%arg6 : memref<128x128xf32, #tpu.memory_space<hbm>>) target(%arg12 : memref<128x128xf32, #tpu.memory_space<vmem>>) target_semaphore(%run_scoped3A : memref<!tpu.dma_semaphore, #tpu.memory_space<semaphore_mem>>)
        tpu.wait_dma2 semaphore(%run_scoped3A : memref<!tpu.dma_semaphore, #tpu.memory_space<semaphore_mem>>) src(%arg6 : memref<128x128xf32, #tpu.memory_space<hbm>>) dst(%arg12 : memref<128x128xf32, #tpu.memory_space<vmem>>)
        tpu.yield
      }) : () -> ()
      %mul3A_20 = arith.constant 1000 : i32
      %mul3A_21 = arith.muli %arg1, %mul3A_20 : i32
      %add3A_22 = arith.constant 0 : i32
      %add3A_23 = arith.addi %mul3A_21, %add3A_22 : i32
      "tpu.region"() ({
        %run_scoped3A = tpu.sem_alloc : memref<!tpu.dma_semaphore, #tpu.memory_space<semaphore_mem>>
        %dma_start3A = arith.constant 0 : i32
        %dma_start3A_52 = tpu.memref_slice %arg9[%add3A_23, %dma_start3A] : memref<10008x128xf32, #tpu.memory_space<vmem_shared>> -> memref<128x128xf32, #tpu.memory_space<vmem_shared>>
        %dma_start3A_53 = arith.constant 0 : i32
        %dma_start3A_54 = tpu.memref_slice %arg9[%add3A_23, %dma_start3A_53] : memref<10008x128xf32, #tpu.memory_space<vmem_shared>> -> memref<128x128xf32, #tpu.memory_space<vmem_shared>>
        tpu.enqueue_dma source(%arg12 : memref<128x128xf32, #tpu.memory_space<vmem>>) target(%dma_start3A_54 : memref<128x128xf32, #tpu.memory_space<vmem_shared>>) target_semaphore(%run_scoped3A : memref<!tpu.dma_semaphore, #tpu.memory_space<semaphore_mem>>)
        %dma_wait3A = arith.constant 0 : i32
        %dma_wait3A_55 = tpu.memref_slice %arg9[%add3A_23, %dma_wait3A] : memref<10008x128xf32, #tpu.memory_space<vmem_shared>> -> memref<128x128xf32, #tpu.memory_space<vmem_shared>>
        %dma_wait3A_56 = arith.constant 0 : i32
        %dma_wait3A_57 = tpu.memref_slice %arg9[%add3A_23, %dma_wait3A_56] : memref<10008x128xf32, #tpu.memory_space<vmem_shared>> -> memref<128x128xf32, #tpu.memory_space<vmem_shared>>
        tpu.wait_dma2 semaphore(%run_scoped3A : memref<!tpu.dma_semaphore, #tpu.memory_space<semaphore_mem>>) src(%arg12 : memref<128x128xf32, #tpu.memory_space<vmem>>) dst(%dma_wait3A_57 : memref<128x128xf32, #tpu.memory_space<vmem_shared>>)
        tpu.yield
      }) : () -> ()
      %mul3A_24 = arith.constant 1000 : i32
      %mul3A_25 = arith.muli %arg1, %mul3A_24 : i32
      %add3A_26 = arith.constant 128 : i32
      %add3A_27 = arith.addi %mul3A_25, %add3A_26 : i32
      "tpu.region"() ({
        %run_scoped3A = tpu.sem_alloc : memref<!tpu.dma_semaphore, #tpu.memory_space<semaphore_mem>>
        %dma_start3A = arith.constant 0 : i32
        %dma_start3A_52 = tpu.memref_slice %arg9[%add3A_27, %dma_start3A] : memref<10008x128xf32, #tpu.memory_space<vmem_shared>> -> memref<128x128xf32, #tpu.memory_space<vmem_shared>>
        %dma_start3A_53 = arith.constant 0 : i32
        %dma_start3A_54 = tpu.memref_slice %arg9[%add3A_27, %dma_start3A_53] : memref<10008x128xf32, #tpu.memory_space<vmem_shared>> -> memref<128x128xf32, #tpu.memory_space<vmem_shared>>
        tpu.enqueue_dma source(%arg12 : memref<128x128xf32, #tpu.memory_space<vmem>>) target(%dma_start3A_54 : memref<128x128xf32, #tpu.memory_space<vmem_shared>>) target_semaphore(%run_scoped3A : memref<!tpu.dma_semaphore, #tpu.memory_space<semaphore_mem>>)
        %dma_wait3A = arith.constant 0 : i32
        %dma_wait3A_55 = tpu.memref_slice %arg9[%add3A_27, %dma_wait3A] : memref<10008x128xf32, #tpu.memory_space<vmem_shared>> -> memref<128x128xf32, #tpu.memory_space<vmem_shared>>
        %dma_wait3A_56 = arith.constant 0 : i32
        %dma_wait3A_57 = tpu.memref_slice %arg9[%add3A_27, %dma_wait3A_56] : memref<10008x128xf32, #tpu.memory_space<vmem_shared>> -> memref<128x128xf32, #tpu.memory_space<vmem_shared>>
        tpu.wait_dma2 semaphore(%run_scoped3A : memref<!tpu.dma_semaphore, #tpu.memory_space<semaphore_mem>>) src(%arg12 : memref<128x128xf32, #tpu.memory_space<vmem>>) dst(%dma_wait3A_57 : memref<128x128xf32, #tpu.memory_space<vmem_shared>>)
        tpu.yield
      }) : () -> ()
      %mul3A_28 = arith.constant 1000 : i32
      %mul3A_29 = arith.muli %arg1, %mul3A_28 : i32
      %add3A_30 = arith.constant 256 : i32
      %add3A_31 = arith.addi %mul3A_29, %add3A_30 : i32
      "tpu.region"() ({
        %run_scoped3A = tpu.sem_alloc : memref<!tpu.dma_semaphore, #tpu.memory_space<semaphore_mem>>
        %dma_start3A = arith.constant 0 : i32
        %dma_start3A_52 = tpu.memref_slice %arg9[%add3A_31, %dma_start3A] : memref<10008x128xf32, #tpu.memory_space<vmem_shared>> -> memref<128x128xf32, #tpu.memory_space<vmem_shared>>
        %dma_start3A_53 = arith.constant 0 : i32
        %dma_start3A_54 = tpu.memref_slice %arg9[%add3A_31, %dma_start3A_53] : memref<10008x128xf32, #tpu.memory_space<vmem_shared>> -> memref<128x128xf32, #tpu.memory_space<vmem_shared>>
        tpu.enqueue_dma source(%arg12 : memref<128x128xf32, #tpu.memory_space<vmem>>) target(%dma_start3A_54 : memref<128x128xf32, #tpu.memory_space<vmem_shared>>) target_semaphore(%run_scoped3A : memref<!tpu.dma_semaphore, #tpu.memory_space<semaphore_mem>>)
        %dma_wait3A = arith.constant 0 : i32
        %dma_wait3A_55 = tpu.memref_slice %arg9[%add3A_31, %dma_wait3A] : memref<10008x128xf32, #tpu.memory_space<vmem_shared>> -> memref<128x128xf32, #tpu.memory_space<vmem_shared>>
        %dma_wait3A_56 = arith.constant 0 : i32
        %dma_wait3A_57 = tpu.memref_slice %arg9[%add3A_31, %dma_wait3A_56] : memref<10008x128xf32, #tpu.memory_space<vmem_shared>> -> memref<128x128xf32, #tpu.memory_space<vmem_shared>>
        tpu.wait_dma2 semaphore(%run_scoped3A : memref<!tpu.dma_semaphore, #tpu.memory_space<semaphore_mem>>) src(%arg12 : memref<128x128xf32, #tpu.memory_space<vmem>>) dst(%dma_wait3A_57 : memref<128x128xf32, #tpu.memory_space<vmem_shared>>)
        tpu.yield
      }) : () -> ()
      %mul3A_32 = arith.constant 1000 : i32
      %mul3A_33 = arith.muli %arg1, %mul3A_32 : i32
      %add3A_34 = arith.constant 384 : i32
      %add3A_35 = arith.addi %mul3A_33, %add3A_34 : i32
      "tpu.region"() ({
        %run_scoped3A = tpu.sem_alloc : memref<!tpu.dma_semaphore, #tpu.memory_space<semaphore_mem>>
        %dma_start3A = arith.constant 0 : i32
        %dma_start3A_52 = tpu.memref_slice %arg9[%add3A_35, %dma_start3A] : memref<10008x128xf32, #tpu.memory_space<vmem_shared>> -> memref<128x128xf32, #tpu.memory_space<vmem_shared>>
        %dma_start3A_53 = arith.constant 0 : i32
        %dma_start3A_54 = tpu.memref_slice %arg9[%add3A_35, %dma_start3A_53] : memref<10008x128xf32, #tpu.memory_space<vmem_shared>> -> memref<128x128xf32, #tpu.memory_space<vmem_shared>>
        tpu.enqueue_dma source(%arg12 : memref<128x128xf32, #tpu.memory_space<vmem>>) target(%dma_start3A_54 : memref<128x128xf32, #tpu.memory_space<vmem_shared>>) target_semaphore(%run_scoped3A : memref<!tpu.dma_semaphore, #tpu.memory_space<semaphore_mem>>)
        %dma_wait3A = arith.constant 0 : i32
        %dma_wait3A_55 = tpu.memref_slice %arg9[%add3A_35, %dma_wait3A] : memref<10008x128xf32, #tpu.memory_space<vmem_shared>> -> memref<128x128xf32, #tpu.memory_space<vmem_shared>>
        %dma_wait3A_56 = arith.constant 0 : i32
        %dma_wait3A_57 = tpu.memref_slice %arg9[%add3A_35, %dma_wait3A_56] : memref<10008x128xf32, #tpu.memory_space<vmem_shared>> -> memref<128x128xf32, #tpu.memory_space<vmem_shared>>
        tpu.wait_dma2 semaphore(%run_scoped3A : memref<!tpu.dma_semaphore, #tpu.memory_space<semaphore_mem>>) src(%arg12 : memref<128x128xf32, #tpu.memory_space<vmem>>) dst(%dma_wait3A_57 : memref<128x128xf32, #tpu.memory_space<vmem_shared>>)
        tpu.yield
      }) : () -> ()
      %mul3A_36 = arith.constant 1000 : i32
      %mul3A_37 = arith.muli %arg1, %mul3A_36 : i32
      %add3A_38 = arith.constant 512 : i32
      %add3A_39 = arith.addi %mul3A_37, %add3A_38 : i32
      "tpu.region"() ({
        %run_scoped3A = tpu.sem_alloc : memref<!tpu.dma_semaphore, #tpu.memory_space<semaphore_mem>>
        %dma_start3A = arith.constant 0 : i32
        %dma_start3A_52 = tpu.memref_slice %arg9[%add3A_39, %dma_start3A] : memref<10008x128xf32, #tpu.memory_space<vmem_shared>> -> memref<128x128xf32, #tpu.memory_space<vmem_shared>>
        %dma_start3A_53 = arith.constant 0 : i32
        %dma_start3A_54 = tpu.memref_slice %arg9[%add3A_39, %dma_start3A_53] : memref<10008x128xf32, #tpu.memory_space<vmem_shared>> -> memref<128x128xf32, #tpu.memory_space<vmem_shared>>
        tpu.enqueue_dma source(%arg12 : memref<128x128xf32, #tpu.memory_space<vmem>>) target(%dma_start3A_54 : memref<128x128xf32, #tpu.memory_space<vmem_shared>>) target_semaphore(%run_scoped3A : memref<!tpu.dma_semaphore, #tpu.memory_space<semaphore_mem>>)
        %dma_wait3A = arith.constant 0 : i32
        %dma_wait3A_55 = tpu.memref_slice %arg9[%add3A_39, %dma_wait3A] : memref<10008x128xf32, #tpu.memory_space<vmem_shared>> -> memref<128x128xf32, #tpu.memory_space<vmem_shared>>
        %dma_wait3A_56 = arith.constant 0 : i32
        %dma_wait3A_57 = tpu.memref_slice %arg9[%add3A_39, %dma_wait3A_56] : memref<10008x128xf32, #tpu.memory_space<vmem_shared>> -> memref<128x128xf32, #tpu.memory_space<vmem_shared>>
        tpu.wait_dma2 semaphore(%run_scoped3A : memref<!tpu.dma_semaphore, #tpu.memory_space<semaphore_mem>>) src(%arg12 : memref<128x128xf32, #tpu.memory_space<vmem>>) dst(%dma_wait3A_57 : memref<128x128xf32, #tpu.memory_space<vmem_shared>>)
        tpu.yield
      }) : () -> ()
      %mul3A_40 = arith.constant 1000 : i32
      %mul3A_41 = arith.muli %arg1, %mul3A_40 : i32
      %add3A_42 = arith.constant 640 : i32
      %add3A_43 = arith.addi %mul3A_41, %add3A_42 : i32
      "tpu.region"() ({
        %run_scoped3A = tpu.sem_alloc : memref<!tpu.dma_semaphore, #tpu.memory_space<semaphore_mem>>
        %dma_start3A = arith.constant 0 : i32
        %dma_start3A_52 = tpu.memref_slice %arg9[%add3A_43, %dma_start3A] : memref<10008x128xf32, #tpu.memory_space<vmem_shared>> -> memref<128x128xf32, #tpu.memory_space<vmem_shared>>
        %dma_start3A_53 = arith.constant 0 : i32
        %dma_start3A_54 = tpu.memref_slice %arg9[%add3A_43, %dma_start3A_53] : memref<10008x128xf32, #tpu.memory_space<vmem_shared>> -> memref<128x128xf32, #tpu.memory_space<vmem_shared>>
        tpu.enqueue_dma source(%arg12 : memref<128x128xf32, #tpu.memory_space<vmem>>) target(%dma_start3A_54 : memref<128x128xf32, #tpu.memory_space<vmem_shared>>) target_semaphore(%run_scoped3A : memref<!tpu.dma_semaphore, #tpu.memory_space<semaphore_mem>>)
        %dma_wait3A = arith.constant 0 : i32
        %dma_wait3A_55 = tpu.memref_slice %arg9[%add3A_43, %dma_wait3A] : memref<10008x128xf32, #tpu.memory_space<vmem_shared>> -> memref<128x128xf32, #tpu.memory_space<vmem_shared>>
        %dma_wait3A_56 = arith.constant 0 : i32
        %dma_wait3A_57 = tpu.memref_slice %arg9[%add3A_43, %dma_wait3A_56] : memref<10008x128xf32, #tpu.memory_space<vmem_shared>> -> memref<128x128xf32, #tpu.memory_space<vmem_shared>>
        tpu.wait_dma2 semaphore(%run_scoped3A : memref<!tpu.dma_semaphore, #tpu.memory_space<semaphore_mem>>) src(%arg12 : memref<128x128xf32, #tpu.memory_space<vmem>>) dst(%dma_wait3A_57 : memref<128x128xf32, #tpu.memory_space<vmem_shared>>)
        tpu.yield
      }) : () -> ()
      %mul3A_44 = arith.constant 1000 : i32
      %mul3A_45 = arith.muli %arg1, %mul3A_44 : i32
      %add3A_46 = arith.constant 768 : i32
      %add3A_47 = arith.addi %mul3A_45, %add3A_46 : i32
      "tpu.region"() ({
        %run_scoped3A = tpu.sem_alloc : memref<!tpu.dma_semaphore, #tpu.memory_space<semaphore_mem>>
        %dma_start3A = arith.constant 0 : i32
        %dma_start3A_52 = tpu.memref_slice %arg9[%add3A_47, %dma_start3A] : memref<10008x128xf32, #tpu.memory_space<vmem_shared>> -> memref<128x128xf32, #tpu.memory_space<vmem_shared>>
        %dma_start3A_53 = arith.constant 0 : i32
        %dma_start3A_54 = tpu.memref_slice %arg9[%add3A_47, %dma_start3A_53] : memref<10008x128xf32, #tpu.memory_space<vmem_shared>> -> memref<128x128xf32, #tpu.memory_space<vmem_shared>>
        tpu.enqueue_dma source(%arg12 : memref<128x128xf32, #tpu.memory_space<vmem>>) target(%dma_start3A_54 : memref<128x128xf32, #tpu.memory_space<vmem_shared>>) target_semaphore(%run_scoped3A : memref<!tpu.dma_semaphore, #tpu.memory_space<semaphore_mem>>)
        %dma_wait3A = arith.constant 0 : i32
        %dma_wait3A_55 = tpu.memref_slice %arg9[%add3A_47, %dma_wait3A] : memref<10008x128xf32, #tpu.memory_space<vmem_shared>> -> memref<128x128xf32, #tpu.memory_space<vmem_shared>>
        %dma_wait3A_56 = arith.constant 0 : i32
        %dma_wait3A_57 = tpu.memref_slice %arg9[%add3A_47, %dma_wait3A_56] : memref<10008x128xf32, #tpu.memory_space<vmem_shared>> -> memref<128x128xf32, #tpu.memory_space<vmem_shared>>
        tpu.wait_dma2 semaphore(%run_scoped3A : memref<!tpu.dma_semaphore, #tpu.memory_space<semaphore_mem>>) src(%arg12 : memref<128x128xf32, #tpu.memory_space<vmem>>) dst(%dma_wait3A_57 : memref<128x128xf32, #tpu.memory_space<vmem_shared>>)
        tpu.yield
      }) : () -> ()
      %mul3A_48 = arith.constant 1000 : i32
      %mul3A_49 = arith.muli %arg1, %mul3A_48 : i32
      %add3A_50 = arith.constant 896 : i32
      %add3A_51 = arith.addi %mul3A_49, %add3A_50 : i32
      "tpu.region"() ({
        %run_scoped3A = tpu.sem_alloc : memref<!tpu.dma_semaphore, #tpu.memory_space<semaphore_mem>>
        %dma_start3A = arith.constant 0 : i32
        %dma_start3A_52 = arith.constant 0 : i32
        %dma_start3A_53 = tpu.memref_slice %arg12[%dma_start3A, %dma_start3A_52] : memref<128x128xf32, #tpu.memory_space<vmem>> -> memref<104x128xf32, #tpu.memory_space<vmem>>
        %dma_start3A_54 = arith.constant 0 : i32
        %dma_start3A_55 = tpu.memref_slice %arg9[%add3A_51, %dma_start3A_54] : memref<10008x128xf32, #tpu.memory_space<vmem_shared>> -> memref<104x128xf32, #tpu.memory_space<vmem_shared>>
        %dma_start3A_56 = arith.constant 0 : i32
        %dma_start3A_57 = tpu.memref_slice %arg9[%add3A_51, %dma_start3A_56] : memref<10008x128xf32, #tpu.memory_space<vmem_shared>> -> memref<104x128xf32, #tpu.memory_space<vmem_shared>>
        %dma_start3A_58 = arith.constant 0 : i32
        %dma_start3A_59 = arith.constant 0 : i32
        %dma_start3A_60 = tpu.memref_slice %arg12[%dma_start3A_58, %dma_start3A_59] : memref<128x128xf32, #tpu.memory_space<vmem>> -> memref<104x128xf32, #tpu.memory_space<vmem>>
        tpu.enqueue_dma source(%dma_start3A_60 : memref<104x128xf32, #tpu.memory_space<vmem>>) target(%dma_start3A_57 : memref<104x128xf32, #tpu.memory_space<vmem_shared>>) target_semaphore(%run_scoped3A : memref<!tpu.dma_semaphore, #tpu.memory_space<semaphore_mem>>)
        %dma_wait3A = arith.constant 0 : i32
        %dma_wait3A_61 = arith.constant 0 : i32
        %dma_wait3A_62 = tpu.memref_slice %arg12[%dma_wait3A, %dma_wait3A_61] : memref<128x128xf32, #tpu.memory_space<vmem>> -> memref<104x128xf32, #tpu.memory_space<vmem>>
        %dma_wait3A_63 = arith.constant 0 : i32
        %dma_wait3A_64 = tpu.memref_slice %arg9[%add3A_51, %dma_wait3A_63] : memref<10008x128xf32, #tpu.memory_space<vmem_shared>> -> memref<104x128xf32, #tpu.memory_space<vmem_shared>>
        %dma_wait3A_65 = arith.constant 0 : i32
        %dma_wait3A_66 = tpu.memref_slice %arg9[%add3A_51, %dma_wait3A_65] : memref<10008x128xf32, #tpu.memory_space<vmem_shared>> -> memref<104x128xf32, #tpu.memory_space<vmem_shared>>
        %dma_wait3A_67 = arith.constant 0 : i32
        %dma_wait3A_68 = arith.constant 0 : i32
        %dma_wait3A_69 = tpu.memref_slice %arg12[%dma_wait3A_67, %dma_wait3A_68] : memref<128x128xf32, #tpu.memory_space<vmem>> -> memref<104x128xf32, #tpu.memory_space<vmem>>
        tpu.wait_dma2 semaphore(%run_scoped3A : memref<!tpu.dma_semaphore, #tpu.memory_space<semaphore_mem>>) src(%dma_wait3A_69 : memref<104x128xf32, #tpu.memory_space<vmem>>) dst(%dma_wait3A_66 : memref<104x128xf32, #tpu.memory_space<vmem_shared>>)
        tpu.yield
      }) : () -> ()
    } else {
    }
    %barrier3A = arith.constant 0 : index
    tpu.barrier barrier_id(%barrier3A)
    %eq3A = arith.constant 0 : i32
    %eq3A_3 = arith.cmpi eq, %arg0, %eq3A : i32
    %convert_element_type3A_4 = arith.extui %eq3A_3 : i1 to i32
    %cond3A_5 = arith.constant 0 : i32
    %cond3A_6 = arith.cmpi ne, %convert_element_type3A_4, %cond3A_5 : i32
    scf.if %cond3A_6 {
      %scan3A = arith.constant 0 : i32
      %scan3A_20 = arith.constant 0 : i32
      %scan3A_21 = arith.constant 20 : i32
      %scan3A_22 = arith.addi %scan3A_20, %scan3A_21 : i32
      %scan3A_23 = arith.constant 1 : i32
      scf.for %scan3A_25 = %scan3A_20 to %scan3A_22 step %scan3A_23  : i32 {
        "tpu.region"() ({
          %run_scoped3A = tpu.sem_alloc : memref<!tpu.dma_semaphore, #tpu.memory_space<semaphore_mem>>
          %dma_start3A_38 = arith.constant 0 : i32
          %dma_start3A_39 = arith.constant 0 : i32
          %dma_start3A_40 = tpu.memref_slice %arg4[%arg1, %scan3A_25, %dma_start3A_38, %dma_start3A_39] : memref<16x20x8x128xi32, #tpu.memory_space<hbm>> -> memref<1x1x8x128xi32, #tpu.memory_space<hbm>>
          %dma_start3A_41 = tpu.memref_squeeze %dma_start3A_40 : memref<1x1x8x128xi32, #tpu.memory_space<hbm>> -> memref<8x128xi32, #tpu.memory_space<hbm>>
          %dma_start3A_42 = arith.constant 0 : i32
          %dma_start3A_43 = arith.constant 0 : i32
          %dma_start3A_44 = tpu.memref_slice %arg4[%arg1, %scan3A_25, %dma_start3A_42, %dma_start3A_43] : memref<16x20x8x128xi32, #tpu.memory_space<hbm>> -> memref<1x1x8x128xi32, #tpu.memory_space<hbm>>
          %dma_start3A_45 = tpu.memref_squeeze %dma_start3A_44 : memref<1x1x8x128xi32, #tpu.memory_space<hbm>> -> memref<8x128xi32, #tpu.memory_space<hbm>>
          tpu.enqueue_dma source(%dma_start3A_45 : memref<8x128xi32, #tpu.memory_space<hbm>>) target(%arg10 : memref<8x128xi32, #tpu.memory_space<vmem>>) target_semaphore(%run_scoped3A : memref<!tpu.dma_semaphore, #tpu.memory_space<semaphore_mem>>)
          %dma_wait3A = arith.constant 0 : i32
          %dma_wait3A_46 = arith.constant 0 : i32
          %dma_wait3A_47 = tpu.memref_slice %arg4[%arg1, %scan3A_25, %dma_wait3A, %dma_wait3A_46] : memref<16x20x8x128xi32, #tpu.memory_space<hbm>> -> memref<1x1x8x128xi32, #tpu.memory_space<hbm>>
          %dma_wait3A_48 = tpu.memref_squeeze %dma_wait3A_47 : memref<1x1x8x128xi32, #tpu.memory_space<hbm>> -> memref<8x128xi32, #tpu.memory_space<hbm>>
          %dma_wait3A_49 = arith.constant 0 : i32
          %dma_wait3A_50 = arith.constant 0 : i32
          %dma_wait3A_51 = tpu.memref_slice %arg4[%arg1, %scan3A_25, %dma_wait3A_49, %dma_wait3A_50] : memref<16x20x8x128xi32, #tpu.memory_space<hbm>> -> memref<1x1x8x128xi32, #tpu.memory_space<hbm>>
          %dma_wait3A_52 = tpu.memref_squeeze %dma_wait3A_51 : memref<1x1x8x128xi32, #tpu.memory_space<hbm>> -> memref<8x128xi32, #tpu.memory_space<hbm>>
          tpu.wait_dma2 semaphore(%run_scoped3A : memref<!tpu.dma_semaphore, #tpu.memory_space<semaphore_mem>>) src(%dma_wait3A_52 : memref<8x128xi32, #tpu.memory_space<hbm>>) dst(%arg10 : memref<8x128xi32, #tpu.memory_space<vmem>>)
          tpu.yield
        }) : () -> ()
        "tpu.region"() ({
          %run_scoped3A = tpu.sem_alloc : memref<!tpu.dma_semaphore, #tpu.memory_space<semaphore_mem>>
          %dma_start3A_38 = arith.constant 0 : i32
          %dma_start3A_39 = arith.constant 0 : i32
          %dma_start3A_40 = tpu.memref_slice %arg5[%arg1, %scan3A_25, %dma_start3A_38, %dma_start3A_39] : memref<16x20x8x128xi32, #tpu.memory_space<hbm>> -> memref<1x1x8x128xi32, #tpu.memory_space<hbm>>
          %dma_start3A_41 = tpu.memref_squeeze %dma_start3A_40 : memref<1x1x8x128xi32, #tpu.memory_space<hbm>> -> memref<8x128xi32, #tpu.memory_space<hbm>>
          %dma_start3A_42 = arith.constant 0 : i32
          %dma_start3A_43 = arith.constant 0 : i32
          %dma_start3A_44 = tpu.memref_slice %arg5[%arg1, %scan3A_25, %dma_start3A_42, %dma_start3A_43] : memref<16x20x8x128xi32, #tpu.memory_space<hbm>> -> memref<1x1x8x128xi32, #tpu.memory_space<hbm>>
          %dma_start3A_45 = tpu.memref_squeeze %dma_start3A_44 : memref<1x1x8x128xi32, #tpu.memory_space<hbm>> -> memref<8x128xi32, #tpu.memory_space<hbm>>
          tpu.enqueue_dma source(%dma_start3A_45 : memref<8x128xi32, #tpu.memory_space<hbm>>) target(%arg11 : memref<8x128xi32, #tpu.memory_space<vmem>>) target_semaphore(%run_scoped3A : memref<!tpu.dma_semaphore, #tpu.memory_space<semaphore_mem>>)
          %dma_wait3A = arith.constant 0 : i32
          %dma_wait3A_46 = arith.constant 0 : i32
          %dma_wait3A_47 = tpu.memref_slice %arg5[%arg1, %scan3A_25, %dma_wait3A, %dma_wait3A_46] : memref<16x20x8x128xi32, #tpu.memory_space<hbm>> -> memref<1x1x8x128xi32, #tpu.memory_space<hbm>>
          %dma_wait3A_48 = tpu.memref_squeeze %dma_wait3A_47 : memref<1x1x8x128xi32, #tpu.memory_space<hbm>> -> memref<8x128xi32, #tpu.memory_space<hbm>>
          %dma_wait3A_49 = arith.constant 0 : i32
          %dma_wait3A_50 = arith.constant 0 : i32
          %dma_wait3A_51 = tpu.memref_slice %arg5[%arg1, %scan3A_25, %dma_wait3A_49, %dma_wait3A_50] : memref<16x20x8x128xi32, #tpu.memory_space<hbm>> -> memref<1x1x8x128xi32, #tpu.memory_space<hbm>>
          %dma_wait3A_52 = tpu.memref_squeeze %dma_wait3A_51 : memref<1x1x8x128xi32, #tpu.memory_space<hbm>> -> memref<8x128xi32, #tpu.memory_space<hbm>>
          tpu.wait_dma2 semaphore(%run_scoped3A : memref<!tpu.dma_semaphore, #tpu.memory_space<semaphore_mem>>) src(%dma_wait3A_52 : memref<8x128xi32, #tpu.memory_space<hbm>>) dst(%arg11 : memref<8x128xi32, #tpu.memory_space<vmem>>)
          tpu.yield
        }) : () -> ()
        %dma_start3A = arith.constant 0 : i32
        %dma_start3A_26 = arith.constant 0 : i32
        %dma_start3A_27 = tpu.memref_slice %arg10[%dma_start3A, %dma_start3A_26] : memref<8x128xi32, #tpu.memory_space<vmem>> -> memref<1x128xi32, #tpu.memory_space<vmem>>
        %dma_start3A_28 = tpu.memref_squeeze %dma_start3A_27 : memref<1x128xi32, #tpu.memory_space<vmem>> -> memref<128xi32, #tpu.memory_space<vmem>>
        %dma_start3A_29 = arith.constant 0 : i32
        %dma_start3A_30 = arith.constant 0 : i32
        %dma_start3A_31 = tpu.memref_slice %arg2[%dma_start3A_29, %dma_start3A_30] : memref<10000x128xf32, #tpu.memory_space<hbm>> -> memref<10000x128xf32, #tpu.memory_space<hbm>>
        tpu.enqueue_indirect_dma source(%dma_start3A_31 : memref<10000x128xf32, #tpu.memory_space<hbm>>) target(%arg12 : memref<128x128xf32, #tpu.memory_space<vmem>>) offsets(%dma_start3A_28 : memref<128xi32, #tpu.memory_space<vmem>>) semaphore(%arg15 : memref<!tpu.dma_semaphore, #tpu.memory_space<semaphore_mem>>)
        %scan3A_32 = arith.constant 0 : i32
        %scan3A_33 = arith.constant 0 : i32
        %scan3A_34 = arith.constant 4 : i32
        %scan3A_35 = arith.addi %scan3A_33, %scan3A_34 : i32
        %scan3A_36 = arith.constant 1 : i32
        scf.for %scan3A_38 = %scan3A_33 to %scan3A_35 step %scan3A_36  : i32 {
          %mul3A_39 = arith.constant 2 : i32
          %mul3A_40 = arith.muli %mul3A_39, %scan3A_38 : i32
          %add3A_41 = arith.constant 1 : i32
          %add3A_42 = arith.addi %mul3A_40, %add3A_41 : i32
          %dma_start3A_43 = arith.constant 0 : i32
          %dma_start3A_44 = tpu.memref_slice %arg10[%add3A_42, %dma_start3A_43] : memref<8x128xi32, #tpu.memory_space<vmem>> -> memref<1x128xi32, #tpu.memory_space<vmem>>
          %dma_start3A_45 = tpu.memref_squeeze %dma_start3A_44 : memref<1x128xi32, #tpu.memory_space<vmem>> -> memref<128xi32, #tpu.memory_space<vmem>>
          %dma_start3A_46 = arith.constant 0 : i32
          %dma_start3A_47 = arith.constant 0 : i32
          %dma_start3A_48 = tpu.memref_slice %arg2[%dma_start3A_46, %dma_start3A_47] : memref<10000x128xf32, #tpu.memory_space<hbm>> -> memref<10000x128xf32, #tpu.memory_space<hbm>>
          tpu.enqueue_indirect_dma source(%dma_start3A_48 : memref<10000x128xf32, #tpu.memory_space<hbm>>) target(%arg13 : memref<128x128xf32, #tpu.memory_space<vmem>>) offsets(%dma_start3A_45 : memref<128xi32, #tpu.memory_space<vmem>>) semaphore(%arg16 : memref<!tpu.dma_semaphore, #tpu.memory_space<semaphore_mem>>)
          %get3A = arith.index_cast %mul3A_40 : i32 to index
          %get3A_49 = arith.constant 0 : index
          %get3A_50 = tpu.vector_load %arg11[%get3A, %get3A_49] {strides = array<i32>} : memref<8x128xi32, #tpu.memory_space<vmem>>, vector<1x16xi32>,
          %get3A_51 = vector.shape_cast %get3A_50 : vector<1x16xi32> to vector<16xi32>
          %swap3A = arith.constant 0 : index
          %swap3A_52 = tpu.vector_load %arg14[%swap3A] {strides = array<i32>} : memref<128xi32, #tpu.memory_space<vmem>>, vector<16xi32>,
          %swap3A_53 = vector.shape_cast %swap3A_52 : vector<16xi32> to vector<16xi32>
          %swap3A_54 = vector.shape_cast %get3A_51 : vector<16xi32> to vector<16xi32>
          tpu.vector_store %arg14[%swap3A], %swap3A_54 {strides = array<i32>} : memref<128xi32, #tpu.memory_space<vmem>>, vector<16xi32>,
          %get3A_55 = arith.index_cast %mul3A_40 : i32 to index
          %get3A_56 = arith.constant 16 : index
          %get3A_57 = tpu.vector_load %arg11[%get3A_55, %get3A_56] {strides = array<i32>} : memref<8x128xi32, #tpu.memory_space<vmem>>, vector<1x16xi32>,
          %get3A_58 = vector.shape_cast %get3A_57 : vector<1x16xi32> to vector<16xi32>
          %swap3A_59 = arith.constant 16 : index
          %swap3A_60 = tpu.vector_load %arg14[%swap3A_59] {strides = array<i32>} : memref<128xi32, #tpu.memory_space<vmem>>, vector<16xi32>,
          %swap3A_61 = vector.shape_cast %swap3A_60 : vector<16xi32> to vector<16xi32>
          %swap3A_62 = vector.shape_cast %get3A_58 : vector<16xi32> to vector<16xi32>
          tpu.vector_store %arg14[%swap3A_59], %swap3A_62 {strides = array<i32>} : memref<128xi32, #tpu.memory_space<vmem>>, vector<16xi32>,
          %get3A_63 = arith.index_cast %mul3A_40 : i32 to index
          %get3A_64 = arith.constant 32 : index
          %get3A_65 = tpu.vector_load %arg11[%get3A_63, %get3A_64] {strides = array<i32>} : memref<8x128xi32, #tpu.memory_space<vmem>>, vector<1x16xi32>,
          %get3A_66 = vector.shape_cast %get3A_65 : vector<1x16xi32> to vector<16xi32>
          %swap3A_67 = arith.constant 32 : index
          %swap3A_68 = tpu.vector_load %arg14[%swap3A_67] {strides = array<i32>} : memref<128xi32, #tpu.memory_space<vmem>>, vector<16xi32>,
          %swap3A_69 = vector.shape_cast %swap3A_68 : vector<16xi32> to vector<16xi32>
          %swap3A_70 = vector.shape_cast %get3A_66 : vector<16xi32> to vector<16xi32>
          tpu.vector_store %arg14[%swap3A_67], %swap3A_70 {strides = array<i32>} : memref<128xi32, #tpu.memory_space<vmem>>, vector<16xi32>,
          %get3A_71 = arith.index_cast %mul3A_40 : i32 to index
          %get3A_72 = arith.constant 48 : index
          %get3A_73 = tpu.vector_load %arg11[%get3A_71, %get3A_72] {strides = array<i32>} : memref<8x128xi32, #tpu.memory_space<vmem>>, vector<1x16xi32>,
          %get3A_74 = vector.shape_cast %get3A_73 : vector<1x16xi32> to vector<16xi32>
          %swap3A_75 = arith.constant 48 : index
          %swap3A_76 = tpu.vector_load %arg14[%swap3A_75] {strides = array<i32>} : memref<128xi32, #tpu.memory_space<vmem>>, vector<16xi32>,
          %swap3A_77 = vector.shape_cast %swap3A_76 : vector<16xi32> to vector<16xi32>
          %swap3A_78 = vector.shape_cast %get3A_74 : vector<16xi32> to vector<16xi32>
          tpu.vector_store %arg14[%swap3A_75], %swap3A_78 {strides = array<i32>} : memref<128xi32, #tpu.memory_space<vmem>>, vector<16xi32>,
          %get3A_79 = arith.index_cast %mul3A_40 : i32 to index
          %get3A_80 = arith.constant 64 : index
          %get3A_81 = tpu.vector_load %arg11[%get3A_79, %get3A_80] {strides = array<i32>} : memref<8x128xi32, #tpu.memory_space<vmem>>, vector<1x16xi32>,
          %get3A_82 = vector.shape_cast %get3A_81 : vector<1x16xi32> to vector<16xi32>
          %swap3A_83 = arith.constant 64 : index
          %swap3A_84 = tpu.vector_load %arg14[%swap3A_83] {strides = array<i32>} : memref<128xi32, #tpu.memory_space<vmem>>, vector<16xi32>,
          %swap3A_85 = vector.shape_cast %swap3A_84 : vector<16xi32> to vector<16xi32>
          %swap3A_86 = vector.shape_cast %get3A_82 : vector<16xi32> to vector<16xi32>
          tpu.vector_store %arg14[%swap3A_83], %swap3A_86 {strides = array<i32>} : memref<128xi32, #tpu.memory_space<vmem>>, vector<16xi32>,
          %get3A_87 = arith.index_cast %mul3A_40 : i32 to index
          %get3A_88 = arith.constant 80 : index
          %get3A_89 = tpu.vector_load %arg11[%get3A_87, %get3A_88] {strides = array<i32>} : memref<8x128xi32, #tpu.memory_space<vmem>>, vector<1x16xi32>,
          %get3A_90 = vector.shape_cast %get3A_89 : vector<1x16xi32> to vector<16xi32>
          %swap3A_91 = arith.constant 80 : index
          %swap3A_92 = tpu.vector_load %arg14[%swap3A_91] {strides = array<i32>} : memref<128xi32, #tpu.memory_space<vmem>>, vector<16xi32>,
          %swap3A_93 = vector.shape_cast %swap3A_92 : vector<16xi32> to vector<16xi32>
          %swap3A_94 = vector.shape_cast %get3A_90 : vector<16xi32> to vector<16xi32>
          tpu.vector_store %arg14[%swap3A_91], %swap3A_94 {strides = array<i32>} : memref<128xi32, #tpu.memory_space<vmem>>, vector<16xi32>,
          %get3A_95 = arith.index_cast %mul3A_40 : i32 to index
          %get3A_96 = arith.constant 96 : index
          %get3A_97 = tpu.vector_load %arg11[%get3A_95, %get3A_96] {strides = array<i32>} : memref<8x128xi32, #tpu.memory_space<vmem>>, vector<1x16xi32>,
          %get3A_98 = vector.shape_cast %get3A_97 : vector<1x16xi32> to vector<16xi32>
          %swap3A_99 = arith.constant 96 : index
          %swap3A_100 = tpu.vector_load %arg14[%swap3A_99] {strides = array<i32>} : memref<128xi32, #tpu.memory_space<vmem>>, vector<16xi32>,
          %swap3A_101 = vector.shape_cast %swap3A_100 : vector<16xi32> to vector<16xi32>
          %swap3A_102 = vector.shape_cast %get3A_98 : vector<16xi32> to vector<16xi32>
          tpu.vector_store %arg14[%swap3A_99], %swap3A_102 {strides = array<i32>} : memref<128xi32, #tpu.memory_space<vmem>>, vector<16xi32>,
          %get3A_103 = arith.index_cast %mul3A_40 : i32 to index
          %get3A_104 = arith.constant 112 : index
          %get3A_105 = tpu.vector_load %arg11[%get3A_103, %get3A_104] {strides = array<i32>} : memref<8x128xi32, #tpu.memory_space<vmem>>, vector<1x16xi32>,
          %get3A_106 = vector.shape_cast %get3A_105 : vector<1x16xi32> to vector<16xi32>
          %swap3A_107 = arith.constant 112 : index
          %swap3A_108 = tpu.vector_load %arg14[%swap3A_107] {strides = array<i32>} : memref<128xi32, #tpu.memory_space<vmem>>, vector<16xi32>,
          %swap3A_109 = vector.shape_cast %swap3A_108 : vector<16xi32> to vector<16xi32>
          %swap3A_110 = vector.shape_cast %get3A_106 : vector<16xi32> to vector<16xi32>
          tpu.vector_store %arg14[%swap3A_107], %swap3A_110 {strides = array<i32>} : memref<128xi32, #tpu.memory_space<vmem>>, vector<16xi32>,
          %dma_wait3A = arith.constant 0 : i32
          %dma_wait3A_111 = tpu.memref_slice %arg10[%mul3A_40, %dma_wait3A] : memref<8x128xi32, #tpu.memory_space<vmem>> -> memref<1x128xi32, #tpu.memory_space<vmem>>
          %dma_wait3A_112 = tpu.memref_squeeze %dma_wait3A_111 : memref<1x128xi32, #tpu.memory_space<vmem>> -> memref<128xi32, #tpu.memory_space<vmem>>
          %dma_wait3A_113 = arith.constant 0 : i32
          %dma_wait3A_114 = arith.constant 0 : i32
          %dma_wait3A_115 = tpu.memref_slice %arg2[%dma_wait3A_113, %dma_wait3A_114] : memref<10000x128xf32, #tpu.memory_space<hbm>> -> memref<10000x128xf32, #tpu.memory_space<hbm>>
          tpu.wait_indirect_dma semaphore(%arg15 : memref<!tpu.dma_semaphore, #tpu.memory_space<semaphore_mem>>) src(%dma_wait3A_115 : memref<10000x128xf32, #tpu.memory_space<hbm>>) dst(%arg12 : memref<128x128xf32, #tpu.memory_space<vmem>>)
          "tpu.region"() ({
            %run_scoped3A = tpu.sem_alloc : memref<!tpu.dma_semaphore, #tpu.memory_space<semaphore_mem>>
            %dma_start3A_209 = arith.constant 0 : i32
            %dma_start3A_210 = arith.constant 0 : i32
            %dma_start3A_211 = tpu.memref_slice %arg9[%dma_start3A_209, %dma_start3A_210] : memref<10008x128xf32, #tpu.memory_space<vmem_shared>> -> memref<10008x128xf32, #tpu.memory_space<vmem_shared>>
            tpu.enqueue_indirect_dma source(%arg12 : memref<128x128xf32, #tpu.memory_space<vmem>>) target(%dma_start3A_211 : memref<10008x128xf32, #tpu.memory_space<vmem_shared>>) offsets(%arg14 : memref<128xi32, #tpu.memory_space<vmem>>) semaphore(%run_scoped3A : memref<!tpu.dma_semaphore, #tpu.memory_space<semaphore_mem>>) {add = true}
            %dma_wait3A_212 = arith.constant 0 : i32
            %dma_wait3A_213 = arith.constant 0 : i32
            %dma_wait3A_214 = tpu.memref_slice %arg9[%dma_wait3A_212, %dma_wait3A_213] : memref<10008x128xf32, #tpu.memory_space<vmem_shared>> -> memref<10008x128xf32, #tpu.memory_space<vmem_shared>>
            tpu.wait_indirect_dma semaphore(%run_scoped3A : memref<!tpu.dma_semaphore, #tpu.memory_space<semaphore_mem>>) src(%arg12 : memref<128x128xf32, #tpu.memory_space<vmem>>) dst(%dma_wait3A_214 : memref<10008x128xf32, #tpu.memory_space<vmem_shared>>)
            tpu.yield
          }) : () -> ()
          %lt3A_116 = arith.constant 3 : i32
          %lt3A_117 = arith.cmpi slt, %scan3A_38, %lt3A_116 : i32
          %convert_element_type3A_118 = arith.extui %lt3A_117 : i1 to i32
          %cond3A_119 = arith.constant 0 : i32
          %cond3A_120 = arith.cmpi ne, %convert_element_type3A_118, %cond3A_119 : i32
          scf.if %cond3A_120 {
            %add3A_209 = arith.constant 2 : i32
            %add3A_210 = arith.addi %mul3A_40, %add3A_209 : i32
            %dma_start3A_211 = arith.constant 0 : i32
            %dma_start3A_212 = tpu.memref_slice %arg10[%add3A_210, %dma_start3A_211] : memref<8x128xi32, #tpu.memory_space<vmem>> -> memref<1x128xi32, #tpu.memory_space<vmem>>
            %dma_start3A_213 = tpu.memref_squeeze %dma_start3A_212 : memref<1x128xi32, #tpu.memory_space<vmem>> -> memref<128xi32, #tpu.memory_space<vmem>>
            %dma_start3A_214 = arith.constant 0 : i32
            %dma_start3A_215 = arith.constant 0 : i32
            %dma_start3A_216 = tpu.memref_slice %arg2[%dma_start3A_214, %dma_start3A_215] : memref<10000x128xf32, #tpu.memory_space<hbm>> -> memref<10000x128xf32, #tpu.memory_space<hbm>>
            tpu.enqueue_indirect_dma source(%dma_start3A_216 : memref<10000x128xf32, #tpu.memory_space<hbm>>) target(%arg12 : memref<128x128xf32, #tpu.memory_space<vmem>>) offsets(%dma_start3A_213 : memref<128xi32, #tpu.memory_space<vmem>>) semaphore(%arg15 : memref<!tpu.dma_semaphore, #tpu.memory_space<semaphore_mem>>)
          } else {
          }
          %add3A_121 = arith.constant 1 : i32
          %add3A_122 = arith.addi %mul3A_40, %add3A_121 : i32
          %get3A_123 = arith.index_cast %add3A_122 : i32 to index
          %get3A_124 = arith.constant 0 : index
          %get3A_125 = tpu.vector_load %arg11[%get3A_123, %get3A_124] {strides = array<i32>} : memref<8x128xi32, #tpu.memory_space<vmem>>, vector<1x16xi32>,
          %get3A_126 = vector.shape_cast %get3A_125 : vector<1x16xi32> to vector<16xi32>
          %swap3A_127 = arith.constant 0 : index
          %swap3A_128 = tpu.vector_load %arg14[%swap3A_127] {strides = array<i32>} : memref<128xi32, #tpu.memory_space<vmem>>, vector<16xi32>,
          %swap3A_129 = vector.shape_cast %swap3A_128 : vector<16xi32> to vector<16xi32>
          %swap3A_130 = vector.shape_cast %get3A_126 : vector<16xi32> to vector<16xi32>
          tpu.vector_store %arg14[%swap3A_127], %swap3A_130 {strides = array<i32>} : memref<128xi32, #tpu.memory_space<vmem>>, vector<16xi32>,
          %add3A_131 = arith.constant 1 : i32
          %add3A_132 = arith.addi %mul3A_40, %add3A_131 : i32
          %get3A_133 = arith.index_cast %add3A_132 : i32 to index
          %get3A_134 = arith.constant 16 : index
          %get3A_135 = tpu.vector_load %arg11[%get3A_133, %get3A_134] {strides = array<i32>} : memref<8x128xi32, #tpu.memory_space<vmem>>, vector<1x16xi32>,
          %get3A_136 = vector.shape_cast %get3A_135 : vector<1x16xi32> to vector<16xi32>
          %swap3A_137 = arith.constant 16 : index
          %swap3A_138 = tpu.vector_load %arg14[%swap3A_137] {strides = array<i32>} : memref<128xi32, #tpu.memory_space<vmem>>, vector<16xi32>,
          %swap3A_139 = vector.shape_cast %swap3A_138 : vector<16xi32> to vector<16xi32>
          %swap3A_140 = vector.shape_cast %get3A_136 : vector<16xi32> to vector<16xi32>
          tpu.vector_store %arg14[%swap3A_137], %swap3A_140 {strides = array<i32>} : memref<128xi32, #tpu.memory_space<vmem>>, vector<16xi32>,
          %add3A_141 = arith.constant 1 : i32
          %add3A_142 = arith.addi %mul3A_40, %add3A_141 : i32
          %get3A_143 = arith.index_cast %add3A_142 : i32 to index
          %get3A_144 = arith.constant 32 : index
          %get3A_145 = tpu.vector_load %arg11[%get3A_143, %get3A_144] {strides = array<i32>} : memref<8x128xi32, #tpu.memory_space<vmem>>, vector<1x16xi32>,
          %get3A_146 = vector.shape_cast %get3A_145 : vector<1x16xi32> to vector<16xi32>
          %swap3A_147 = arith.constant 32 : index
          %swap3A_148 = tpu.vector_load %arg14[%swap3A_147] {strides = array<i32>} : memref<128xi32, #tpu.memory_space<vmem>>, vector<16xi32>,
          %swap3A_149 = vector.shape_cast %swap3A_148 : vector<16xi32> to vector<16xi32>
          %swap3A_150 = vector.shape_cast %get3A_146 : vector<16xi32> to vector<16xi32>
          tpu.vector_store %arg14[%swap3A_147], %swap3A_150 {strides = array<i32>} : memref<128xi32, #tpu.memory_space<vmem>>, vector<16xi32>,
          %add3A_151 = arith.constant 1 : i32
          %add3A_152 = arith.addi %mul3A_40, %add3A_151 : i32
          %get3A_153 = arith.index_cast %add3A_152 : i32 to index
          %get3A_154 = arith.constant 48 : index
          %get3A_155 = tpu.vector_load %arg11[%get3A_153, %get3A_154] {strides = array<i32>} : memref<8x128xi32, #tpu.memory_space<vmem>>, vector<1x16xi32>,
          %get3A_156 = vector.shape_cast %get3A_155 : vector<1x16xi32> to vector<16xi32>
          %swap3A_157 = arith.constant 48 : index
          %swap3A_158 = tpu.vector_load %arg14[%swap3A_157] {strides = array<i32>} : memref<128xi32, #tpu.memory_space<vmem>>, vector<16xi32>,
          %swap3A_159 = vector.shape_cast %swap3A_158 : vector<16xi32> to vector<16xi32>
          %swap3A_160 = vector.shape_cast %get3A_156 : vector<16xi32> to vector<16xi32>
          tpu.vector_store %arg14[%swap3A_157], %swap3A_160 {strides = array<i32>} : memref<128xi32, #tpu.memory_space<vmem>>, vector<16xi32>,
          %add3A_161 = arith.constant 1 : i32
          %add3A_162 = arith.addi %mul3A_40, %add3A_161 : i32
          %get3A_163 = arith.index_cast %add3A_162 : i32 to index
          %get3A_164 = arith.constant 64 : index
          %get3A_165 = tpu.vector_load %arg11[%get3A_163, %get3A_164] {strides = array<i32>} : memref<8x128xi32, #tpu.memory_space<vmem>>, vector<1x16xi32>,
          %get3A_166 = vector.shape_cast %get3A_165 : vector<1x16xi32> to vector<16xi32>
          %swap3A_167 = arith.constant 64 : index
          %swap3A_168 = tpu.vector_load %arg14[%swap3A_167] {strides = array<i32>} : memref<128xi32, #tpu.memory_space<vmem>>, vector<16xi32>,
          %swap3A_169 = vector.shape_cast %swap3A_168 : vector<16xi32> to vector<16xi32>
          %swap3A_170 = vector.shape_cast %get3A_166 : vector<16xi32> to vector<16xi32>
          tpu.vector_store %arg14[%swap3A_167], %swap3A_170 {strides = array<i32>} : memref<128xi32, #tpu.memory_space<vmem>>, vector<16xi32>,
          %add3A_171 = arith.constant 1 : i32
          %add3A_172 = arith.addi %mul3A_40, %add3A_171 : i32
          %get3A_173 = arith.index_cast %add3A_172 : i32 to index
          %get3A_174 = arith.constant 80 : index
          %get3A_175 = tpu.vector_load %arg11[%get3A_173, %get3A_174] {strides = array<i32>} : memref<8x128xi32, #tpu.memory_space<vmem>>, vector<1x16xi32>,
          %get3A_176 = vector.shape_cast %get3A_175 : vector<1x16xi32> to vector<16xi32>
          %swap3A_177 = arith.constant 80 : index
          %swap3A_178 = tpu.vector_load %arg14[%swap3A_177] {strides = array<i32>} : memref<128xi32, #tpu.memory_space<vmem>>, vector<16xi32>,
          %swap3A_179 = vector.shape_cast %swap3A_178 : vector<16xi32> to vector<16xi32>
          %swap3A_180 = vector.shape_cast %get3A_176 : vector<16xi32> to vector<16xi32>
          tpu.vector_store %arg14[%swap3A_177], %swap3A_180 {strides = array<i32>} : memref<128xi32, #tpu.memory_space<vmem>>, vector<16xi32>,
          %add3A_181 = arith.constant 1 : i32
          %add3A_182 = arith.addi %mul3A_40, %add3A_181 : i32
          %get3A_183 = arith.index_cast %add3A_182 : i32 to index
          %get3A_184 = arith.constant 96 : index
          %get3A_185 = tpu.vector_load %arg11[%get3A_183, %get3A_184] {strides = array<i32>} : memref<8x128xi32, #tpu.memory_space<vmem>>, vector<1x16xi32>,
          %get3A_186 = vector.shape_cast %get3A_185 : vector<1x16xi32> to vector<16xi32>
          %swap3A_187 = arith.constant 96 : index
          %swap3A_188 = tpu.vector_load %arg14[%swap3A_187] {strides = array<i32>} : memref<128xi32, #tpu.memory_space<vmem>>, vector<16xi32>,
          %swap3A_189 = vector.shape_cast %swap3A_188 : vector<16xi32> to vector<16xi32>
          %swap3A_190 = vector.shape_cast %get3A_186 : vector<16xi32> to vector<16xi32>
          tpu.vector_store %arg14[%swap3A_187], %swap3A_190 {strides = array<i32>} : memref<128xi32, #tpu.memory_space<vmem>>, vector<16xi32>,
          %add3A_191 = arith.constant 1 : i32
          %add3A_192 = arith.addi %mul3A_40, %add3A_191 : i32
          %get3A_193 = arith.index_cast %add3A_192 : i32 to index
          %get3A_194 = arith.constant 112 : index
          %get3A_195 = tpu.vector_load %arg11[%get3A_193, %get3A_194] {strides = array<i32>} : memref<8x128xi32, #tpu.memory_space<vmem>>, vector<1x16xi32>,
          %get3A_196 = vector.shape_cast %get3A_195 : vector<1x16xi32> to vector<16xi32>
          %swap3A_197 = arith.constant 112 : index
          %swap3A_198 = tpu.vector_load %arg14[%swap3A_197] {strides = array<i32>} : memref<128xi32, #tpu.memory_space<vmem>>, vector<16xi32>,
          %swap3A_199 = vector.shape_cast %swap3A_198 : vector<16xi32> to vector<16xi32>
          %swap3A_200 = vector.shape_cast %get3A_196 : vector<16xi32> to vector<16xi32>
          tpu.vector_store %arg14[%swap3A_197], %swap3A_200 {strides = array<i32>} : memref<128xi32, #tpu.memory_space<vmem>>, vector<16xi32>,
          %add3A_201 = arith.constant 1 : i32
          %add3A_202 = arith.addi %mul3A_40, %add3A_201 : i32
          %dma_wait3A_203 = arith.constant 0 : i32
          %dma_wait3A_204 = tpu.memref_slice %arg10[%add3A_202, %dma_wait3A_203] : memref<8x128xi32, #tpu.memory_space<vmem>> -> memref<1x128xi32, #tpu.memory_space<vmem>>
          %dma_wait3A_205 = tpu.memref_squeeze %dma_wait3A_204 : memref<1x128xi32, #tpu.memory_space<vmem>> -> memref<128xi32, #tpu.memory_space<vmem>>
          %dma_wait3A_206 = arith.constant 0 : i32
          %dma_wait3A_207 = arith.constant 0 : i32
          %dma_wait3A_208 = tpu.memref_slice %arg2[%dma_wait3A_206, %dma_wait3A_207] : memref<10000x128xf32, #tpu.memory_space<hbm>> -> memref<10000x128xf32, #tpu.memory_space<hbm>>
          tpu.wait_indirect_dma semaphore(%arg16 : memref<!tpu.dma_semaphore, #tpu.memory_space<semaphore_mem>>) src(%dma_wait3A_208 : memref<10000x128xf32, #tpu.memory_space<hbm>>) dst(%arg13 : memref<128x128xf32, #tpu.memory_space<vmem>>)
          "tpu.region"() ({
            %run_scoped3A = tpu.sem_alloc : memref<!tpu.dma_semaphore, #tpu.memory_space<semaphore_mem>>
            %dma_start3A_209 = arith.constant 0 : i32
            %dma_start3A_210 = arith.constant 0 : i32
            %dma_start3A_211 = tpu.memref_slice %arg9[%dma_start3A_209, %dma_start3A_210] : memref<10008x128xf32, #tpu.memory_space<vmem_shared>> -> memref<10008x128xf32, #tpu.memory_space<vmem_shared>>
            tpu.enqueue_indirect_dma source(%arg13 : memref<128x128xf32, #tpu.memory_space<vmem>>) target(%dma_start3A_211 : memref<10008x128xf32, #tpu.memory_space<vmem_shared>>) offsets(%arg14 : memref<128xi32, #tpu.memory_space<vmem>>) semaphore(%run_scoped3A : memref<!tpu.dma_semaphore, #tpu.memory_space<semaphore_mem>>) {add = true}
            %dma_wait3A_212 = arith.constant 0 : i32
            %dma_wait3A_213 = arith.constant 0 : i32
            %dma_wait3A_214 = tpu.memref_slice %arg9[%dma_wait3A_212, %dma_wait3A_213] : memref<10008x128xf32, #tpu.memory_space<vmem_shared>> -> memref<10008x128xf32, #tpu.memory_space<vmem_shared>>
            tpu.wait_indirect_dma semaphore(%run_scoped3A : memref<!tpu.dma_semaphore, #tpu.memory_space<semaphore_mem>>) src(%arg13 : memref<128x128xf32, #tpu.memory_space<vmem>>) dst(%dma_wait3A_214 : memref<10008x128xf32, #tpu.memory_space<vmem_shared>>)
            tpu.yield
          }) : () -> ()
        }
        %scan3A_37 = arith.constant 4 : i32
      }
      %scan3A_24 = arith.constant 20 : i32
    } else {
    }
    %eq3A_7 = arith.constant 1 : i32
    %eq3A_8 = arith.cmpi eq, %arg0, %eq3A_7 : i32
    %convert_element_type3A_9 = arith.extui %eq3A_8 : i1 to i32
    %cond3A_10 = arith.constant 0 : i32
    %cond3A_11 = arith.cmpi ne, %convert_element_type3A_9, %cond3A_10 : i32
    scf.if %cond3A_11 {
      %scan3A = arith.constant 0 : i32
      %scan3A_20 = arith.constant 0 : i32
      %scan3A_21 = arith.constant 20 : i32
      %scan3A_22 = arith.addi %scan3A_20, %scan3A_21 : i32
      %scan3A_23 = arith.constant 1 : i32
      scf.for %scan3A_25 = %scan3A_20 to %scan3A_22 step %scan3A_23  : i32 {
        "tpu.region"() ({
          %run_scoped3A = tpu.sem_alloc : memref<!tpu.dma_semaphore, #tpu.memory_space<semaphore_mem>>
          %dma_start3A_38 = arith.constant 0 : i32
          %dma_start3A_39 = arith.constant 0 : i32
          %dma_start3A_40 = tpu.memref_slice %arg4[%arg1, %scan3A_25, %dma_start3A_38, %dma_start3A_39] : memref<16x20x8x128xi32, #tpu.memory_space<hbm>> -> memref<1x1x8x128xi32, #tpu.memory_space<hbm>>
          %dma_start3A_41 = tpu.memref_squeeze %dma_start3A_40 : memref<1x1x8x128xi32, #tpu.memory_space<hbm>> -> memref<8x128xi32, #tpu.memory_space<hbm>>
          %dma_start3A_42 = arith.constant 0 : i32
          %dma_start3A_43 = arith.constant 0 : i32
          %dma_start3A_44 = tpu.memref_slice %arg4[%arg1, %scan3A_25, %dma_start3A_42, %dma_start3A_43] : memref<16x20x8x128xi32, #tpu.memory_space<hbm>> -> memref<1x1x8x128xi32, #tpu.memory_space<hbm>>
          %dma_start3A_45 = tpu.memref_squeeze %dma_start3A_44 : memref<1x1x8x128xi32, #tpu.memory_space<hbm>> -> memref<8x128xi32, #tpu.memory_space<hbm>>
          tpu.enqueue_dma source(%dma_start3A_45 : memref<8x128xi32, #tpu.memory_space<hbm>>) target(%arg10 : memref<8x128xi32, #tpu.memory_space<vmem>>) target_semaphore(%run_scoped3A : memref<!tpu.dma_semaphore, #tpu.memory_space<semaphore_mem>>)
          %dma_wait3A = arith.constant 0 : i32
          %dma_wait3A_46 = arith.constant 0 : i32
          %dma_wait3A_47 = tpu.memref_slice %arg4[%arg1, %scan3A_25, %dma_wait3A, %dma_wait3A_46] : memref<16x20x8x128xi32, #tpu.memory_space<hbm>> -> memref<1x1x8x128xi32, #tpu.memory_space<hbm>>
          %dma_wait3A_48 = tpu.memref_squeeze %dma_wait3A_47 : memref<1x1x8x128xi32, #tpu.memory_space<hbm>> -> memref<8x128xi32, #tpu.memory_space<hbm>>
          %dma_wait3A_49 = arith.constant 0 : i32
          %dma_wait3A_50 = arith.constant 0 : i32
          %dma_wait3A_51 = tpu.memref_slice %arg4[%arg1, %scan3A_25, %dma_wait3A_49, %dma_wait3A_50] : memref<16x20x8x128xi32, #tpu.memory_space<hbm>> -> memref<1x1x8x128xi32, #tpu.memory_space<hbm>>
          %dma_wait3A_52 = tpu.memref_squeeze %dma_wait3A_51 : memref<1x1x8x128xi32, #tpu.memory_space<hbm>> -> memref<8x128xi32, #tpu.memory_space<hbm>>
          tpu.wait_dma2 semaphore(%run_scoped3A : memref<!tpu.dma_semaphore, #tpu.memory_space<semaphore_mem>>) src(%dma_wait3A_52 : memref<8x128xi32, #tpu.memory_space<hbm>>) dst(%arg10 : memref<8x128xi32, #tpu.memory_space<vmem>>)
          tpu.yield
        }) : () -> ()
        "tpu.region"() ({
          %run_scoped3A = tpu.sem_alloc : memref<!tpu.dma_semaphore, #tpu.memory_space<semaphore_mem>>
          %dma_start3A_38 = arith.constant 0 : i32
          %dma_start3A_39 = arith.constant 0 : i32
          %dma_start3A_40 = tpu.memref_slice %arg5[%arg1, %scan3A_25, %dma_start3A_38, %dma_start3A_39] : memref<16x20x8x128xi32, #tpu.memory_space<hbm>> -> memref<1x1x8x128xi32, #tpu.memory_space<hbm>>
          %dma_start3A_41 = tpu.memref_squeeze %dma_start3A_40 : memref<1x1x8x128xi32, #tpu.memory_space<hbm>> -> memref<8x128xi32, #tpu.memory_space<hbm>>
          %dma_start3A_42 = arith.constant 0 : i32
          %dma_start3A_43 = arith.constant 0 : i32
          %dma_start3A_44 = tpu.memref_slice %arg5[%arg1, %scan3A_25, %dma_start3A_42, %dma_start3A_43] : memref<16x20x8x128xi32, #tpu.memory_space<hbm>> -> memref<1x1x8x128xi32, #tpu.memory_space<hbm>>
          %dma_start3A_45 = tpu.memref_squeeze %dma_start3A_44 : memref<1x1x8x128xi32, #tpu.memory_space<hbm>> -> memref<8x128xi32, #tpu.memory_space<hbm>>
          tpu.enqueue_dma source(%dma_start3A_45 : memref<8x128xi32, #tpu.memory_space<hbm>>) target(%arg11 : memref<8x128xi32, #tpu.memory_space<vmem>>) target_semaphore(%run_scoped3A : memref<!tpu.dma_semaphore, #tpu.memory_space<semaphore_mem>>)
          %dma_wait3A = arith.constant 0 : i32
          %dma_wait3A_46 = arith.constant 0 : i32
          %dma_wait3A_47 = tpu.memref_slice %arg5[%arg1, %scan3A_25, %dma_wait3A, %dma_wait3A_46] : memref<16x20x8x128xi32, #tpu.memory_space<hbm>> -> memref<1x1x8x128xi32, #tpu.memory_space<hbm>>
          %dma_wait3A_48 = tpu.memref_squeeze %dma_wait3A_47 : memref<1x1x8x128xi32, #tpu.memory_space<hbm>> -> memref<8x128xi32, #tpu.memory_space<hbm>>
          %dma_wait3A_49 = arith.constant 0 : i32
          %dma_wait3A_50 = arith.constant 0 : i32
          %dma_wait3A_51 = tpu.memref_slice %arg5[%arg1, %scan3A_25, %dma_wait3A_49, %dma_wait3A_50] : memref<16x20x8x128xi32, #tpu.memory_space<hbm>> -> memref<1x1x8x128xi32, #tpu.memory_space<hbm>>
          %dma_wait3A_52 = tpu.memref_squeeze %dma_wait3A_51 : memref<1x1x8x128xi32, #tpu.memory_space<hbm>> -> memref<8x128xi32, #tpu.memory_space<hbm>>
          tpu.wait_dma2 semaphore(%run_scoped3A : memref<!tpu.dma_semaphore, #tpu.memory_space<semaphore_mem>>) src(%dma_wait3A_52 : memref<8x128xi32, #tpu.memory_space<hbm>>) dst(%arg11 : memref<8x128xi32, #tpu.memory_space<vmem>>)
          tpu.yield
        }) : () -> ()
        %dma_start3A = arith.constant 0 : i32
        %dma_start3A_26 = arith.constant 0 : i32
        %dma_start3A_27 = tpu.memref_slice %arg10[%dma_start3A, %dma_start3A_26] : memref<8x128xi32, #tpu.memory_space<vmem>> -> memref<1x128xi32, #tpu.memory_space<vmem>>
        %dma_start3A_28 = tpu.memref_squeeze %dma_start3A_27 : memref<1x128xi32, #tpu.memory_space<vmem>> -> memref<128xi32, #tpu.memory_space<vmem>>
        %dma_start3A_29 = arith.constant 0 : i32
        %dma_start3A_30 = arith.constant 0 : i32
        %dma_start3A_31 = tpu.memref_slice %arg3[%dma_start3A_29, %dma_start3A_30] : memref<10000x128xf32, #tpu.memory_space<hbm>> -> memref<10000x128xf32, #tpu.memory_space<hbm>>
        tpu.enqueue_indirect_dma source(%dma_start3A_31 : memref<10000x128xf32, #tpu.memory_space<hbm>>) target(%arg12 : memref<128x128xf32, #tpu.memory_space<vmem>>) offsets(%dma_start3A_28 : memref<128xi32, #tpu.memory_space<vmem>>) semaphore(%arg15 : memref<!tpu.dma_semaphore, #tpu.memory_space<semaphore_mem>>)
        %scan3A_32 = arith.constant 0 : i32
        %scan3A_33 = arith.constant 0 : i32
        %scan3A_34 = arith.constant 4 : i32
        %scan3A_35 = arith.addi %scan3A_33, %scan3A_34 : i32
        %scan3A_36 = arith.constant 1 : i32
        scf.for %scan3A_38 = %scan3A_33 to %scan3A_35 step %scan3A_36  : i32 {
          %mul3A_39 = arith.constant 2 : i32
          %mul3A_40 = arith.muli %mul3A_39, %scan3A_38 : i32
          %add3A_41 = arith.constant 1 : i32
          %add3A_42 = arith.addi %mul3A_40, %add3A_41 : i32
          %dma_start3A_43 = arith.constant 0 : i32
          %dma_start3A_44 = tpu.memref_slice %arg10[%add3A_42, %dma_start3A_43] : memref<8x128xi32, #tpu.memory_space<vmem>> -> memref<1x128xi32, #tpu.memory_space<vmem>>
          %dma_start3A_45 = tpu.memref_squeeze %dma_start3A_44 : memref<1x128xi32, #tpu.memory_space<vmem>> -> memref<128xi32, #tpu.memory_space<vmem>>
          %dma_start3A_46 = arith.constant 0 : i32
          %dma_start3A_47 = arith.constant 0 : i32
          %dma_start3A_48 = tpu.memref_slice %arg3[%dma_start3A_46, %dma_start3A_47] : memref<10000x128xf32, #tpu.memory_space<hbm>> -> memref<10000x128xf32, #tpu.memory_space<hbm>>
          tpu.enqueue_indirect_dma source(%dma_start3A_48 : memref<10000x128xf32, #tpu.memory_space<hbm>>) target(%arg13 : memref<128x128xf32, #tpu.memory_space<vmem>>) offsets(%dma_start3A_45 : memref<128xi32, #tpu.memory_space<vmem>>) semaphore(%arg16 : memref<!tpu.dma_semaphore, #tpu.memory_space<semaphore_mem>>)
          %get3A = arith.index_cast %mul3A_40 : i32 to index
          %get3A_49 = arith.constant 0 : index
          %get3A_50 = tpu.vector_load %arg11[%get3A, %get3A_49] {strides = array<i32>} : memref<8x128xi32, #tpu.memory_space<vmem>>, vector<1x16xi32>,
          %get3A_51 = vector.shape_cast %get3A_50 : vector<1x16xi32> to vector<16xi32>
          %swap3A = arith.constant 0 : index
          %swap3A_52 = tpu.vector_load %arg14[%swap3A] {strides = array<i32>} : memref<128xi32, #tpu.memory_space<vmem>>, vector<16xi32>,
          %swap3A_53 = vector.shape_cast %swap3A_52 : vector<16xi32> to vector<16xi32>
          %swap3A_54 = vector.shape_cast %get3A_51 : vector<16xi32> to vector<16xi32>
          tpu.vector_store %arg14[%swap3A], %swap3A_54 {strides = array<i32>} : memref<128xi32, #tpu.memory_space<vmem>>, vector<16xi32>,
          %get3A_55 = arith.index_cast %mul3A_40 : i32 to index
          %get3A_56 = arith.constant 16 : index
          %get3A_57 = tpu.vector_load %arg11[%get3A_55, %get3A_56] {strides = array<i32>} : memref<8x128xi32, #tpu.memory_space<vmem>>, vector<1x16xi32>,
          %get3A_58 = vector.shape_cast %get3A_57 : vector<1x16xi32> to vector<16xi32>
          %swap3A_59 = arith.constant 16 : index
          %swap3A_60 = tpu.vector_load %arg14[%swap3A_59] {strides = array<i32>} : memref<128xi32, #tpu.memory_space<vmem>>, vector<16xi32>,
          %swap3A_61 = vector.shape_cast %swap3A_60 : vector<16xi32> to vector<16xi32>
          %swap3A_62 = vector.shape_cast %get3A_58 : vector<16xi32> to vector<16xi32>
          tpu.vector_store %arg14[%swap3A_59], %swap3A_62 {strides = array<i32>} : memref<128xi32, #tpu.memory_space<vmem>>, vector<16xi32>,
          %get3A_63 = arith.index_cast %mul3A_40 : i32 to index
          %get3A_64 = arith.constant 32 : index
          %get3A_65 = tpu.vector_load %arg11[%get3A_63, %get3A_64] {strides = array<i32>} : memref<8x128xi32, #tpu.memory_space<vmem>>, vector<1x16xi32>,
          %get3A_66 = vector.shape_cast %get3A_65 : vector<1x16xi32> to vector<16xi32>
          %swap3A_67 = arith.constant 32 : index
          %swap3A_68 = tpu.vector_load %arg14[%swap3A_67] {strides = array<i32>} : memref<128xi32, #tpu.memory_space<vmem>>, vector<16xi32>,
          %swap3A_69 = vector.shape_cast %swap3A_68 : vector<16xi32> to vector<16xi32>
          %swap3A_70 = vector.shape_cast %get3A_66 : vector<16xi32> to vector<16xi32>
          tpu.vector_store %arg14[%swap3A_67], %swap3A_70 {strides = array<i32>} : memref<128xi32, #tpu.memory_space<vmem>>, vector<16xi32>,
          %get3A_71 = arith.index_cast %mul3A_40 : i32 to index
          %get3A_72 = arith.constant 48 : index
          %get3A_73 = tpu.vector_load %arg11[%get3A_71, %get3A_72] {strides = array<i32>} : memref<8x128xi32, #tpu.memory_space<vmem>>, vector<1x16xi32>,
          %get3A_74 = vector.shape_cast %get3A_73 : vector<1x16xi32> to vector<16xi32>
          %swap3A_75 = arith.constant 48 : index
          %swap3A_76 = tpu.vector_load %arg14[%swap3A_75] {strides = array<i32>} : memref<128xi32, #tpu.memory_space<vmem>>, vector<16xi32>,
          %swap3A_77 = vector.shape_cast %swap3A_76 : vector<16xi32> to vector<16xi32>
          %swap3A_78 = vector.shape_cast %get3A_74 : vector<16xi32> to vector<16xi32>
          tpu.vector_store %arg14[%swap3A_75], %swap3A_78 {strides = array<i32>} : memref<128xi32, #tpu.memory_space<vmem>>, vector<16xi32>,
          %get3A_79 = arith.index_cast %mul3A_40 : i32 to index
          %get3A_80 = arith.constant 64 : index
          %get3A_81 = tpu.vector_load %arg11[%get3A_79, %get3A_80] {strides = array<i32>} : memref<8x128xi32, #tpu.memory_space<vmem>>, vector<1x16xi32>,
          %get3A_82 = vector.shape_cast %get3A_81 : vector<1x16xi32> to vector<16xi32>
          %swap3A_83 = arith.constant 64 : index
          %swap3A_84 = tpu.vector_load %arg14[%swap3A_83] {strides = array<i32>} : memref<128xi32, #tpu.memory_space<vmem>>, vector<16xi32>,
          %swap3A_85 = vector.shape_cast %swap3A_84 : vector<16xi32> to vector<16xi32>
          %swap3A_86 = vector.shape_cast %get3A_82 : vector<16xi32> to vector<16xi32>
          tpu.vector_store %arg14[%swap3A_83], %swap3A_86 {strides = array<i32>} : memref<128xi32, #tpu.memory_space<vmem>>, vector<16xi32>,
          %get3A_87 = arith.index_cast %mul3A_40 : i32 to index
          %get3A_88 = arith.constant 80 : index
          %get3A_89 = tpu.vector_load %arg11[%get3A_87, %get3A_88] {strides = array<i32>} : memref<8x128xi32, #tpu.memory_space<vmem>>, vector<1x16xi32>,
          %get3A_90 = vector.shape_cast %get3A_89 : vector<1x16xi32> to vector<16xi32>
          %swap3A_91 = arith.constant 80 : index
          %swap3A_92 = tpu.vector_load %arg14[%swap3A_91] {strides = array<i32>} : memref<128xi32, #tpu.memory_space<vmem>>, vector<16xi32>,
          %swap3A_93 = vector.shape_cast %swap3A_92 : vector<16xi32> to vector<16xi32>
          %swap3A_94 = vector.shape_cast %get3A_90 : vector<16xi32> to vector<16xi32>
          tpu.vector_store %arg14[%swap3A_91], %swap3A_94 {strides = array<i32>} : memref<128xi32, #tpu.memory_space<vmem>>, vector<16xi32>,
          %get3A_95 = arith.index_cast %mul3A_40 : i32 to index
          %get3A_96 = arith.constant 96 : index
          %get3A_97 = tpu.vector_load %arg11[%get3A_95, %get3A_96] {strides = array<i32>} : memref<8x128xi32, #tpu.memory_space<vmem>>, vector<1x16xi32>,
          %get3A_98 = vector.shape_cast %get3A_97 : vector<1x16xi32> to vector<16xi32>
          %swap3A_99 = arith.constant 96 : index
          %swap3A_100 = tpu.vector_load %arg14[%swap3A_99] {strides = array<i32>} : memref<128xi32, #tpu.memory_space<vmem>>, vector<16xi32>,
          %swap3A_101 = vector.shape_cast %swap3A_100 : vector<16xi32> to vector<16xi32>
          %swap3A_102 = vector.shape_cast %get3A_98 : vector<16xi32> to vector<16xi32>
          tpu.vector_store %arg14[%swap3A_99], %swap3A_102 {strides = array<i32>} : memref<128xi32, #tpu.memory_space<vmem>>, vector<16xi32>,
          %get3A_103 = arith.index_cast %mul3A_40 : i32 to index
          %get3A_104 = arith.constant 112 : index
          %get3A_105 = tpu.vector_load %arg11[%get3A_103, %get3A_104] {strides = array<i32>} : memref<8x128xi32, #tpu.memory_space<vmem>>, vector<1x16xi32>,
          %get3A_106 = vector.shape_cast %get3A_105 : vector<1x16xi32> to vector<16xi32>
          %swap3A_107 = arith.constant 112 : index
          %swap3A_108 = tpu.vector_load %arg14[%swap3A_107] {strides = array<i32>} : memref<128xi32, #tpu.memory_space<vmem>>, vector<16xi32>,
          %swap3A_109 = vector.shape_cast %swap3A_108 : vector<16xi32> to vector<16xi32>
          %swap3A_110 = vector.shape_cast %get3A_106 : vector<16xi32> to vector<16xi32>
          tpu.vector_store %arg14[%swap3A_107], %swap3A_110 {strides = array<i32>} : memref<128xi32, #tpu.memory_space<vmem>>, vector<16xi32>,
          %dma_wait3A = arith.constant 0 : i32
          %dma_wait3A_111 = tpu.memref_slice %arg10[%mul3A_40, %dma_wait3A] : memref<8x128xi32, #tpu.memory_space<vmem>> -> memref<1x128xi32, #tpu.memory_space<vmem>>
          %dma_wait3A_112 = tpu.memref_squeeze %dma_wait3A_111 : memref<1x128xi32, #tpu.memory_space<vmem>> -> memref<128xi32, #tpu.memory_space<vmem>>
          %dma_wait3A_113 = arith.constant 0 : i32
          %dma_wait3A_114 = arith.constant 0 : i32
          %dma_wait3A_115 = tpu.memref_slice %arg3[%dma_wait3A_113, %dma_wait3A_114] : memref<10000x128xf32, #tpu.memory_space<hbm>> -> memref<10000x128xf32, #tpu.memory_space<hbm>>
          tpu.wait_indirect_dma semaphore(%arg15 : memref<!tpu.dma_semaphore, #tpu.memory_space<semaphore_mem>>) src(%dma_wait3A_115 : memref<10000x128xf32, #tpu.memory_space<hbm>>) dst(%arg12 : memref<128x128xf32, #tpu.memory_space<vmem>>)
          "tpu.region"() ({
            %run_scoped3A = tpu.sem_alloc : memref<!tpu.dma_semaphore, #tpu.memory_space<semaphore_mem>>
            %dma_start3A_209 = arith.constant 0 : i32
            %dma_start3A_210 = arith.constant 0 : i32
            %dma_start3A_211 = tpu.memref_slice %arg9[%dma_start3A_209, %dma_start3A_210] : memref<10008x128xf32, #tpu.memory_space<vmem_shared>> -> memref<10008x128xf32, #tpu.memory_space<vmem_shared>>
            tpu.enqueue_indirect_dma source(%arg12 : memref<128x128xf32, #tpu.memory_space<vmem>>) target(%dma_start3A_211 : memref<10008x128xf32, #tpu.memory_space<vmem_shared>>) offsets(%arg14 : memref<128xi32, #tpu.memory_space<vmem>>) semaphore(%run_scoped3A : memref<!tpu.dma_semaphore, #tpu.memory_space<semaphore_mem>>) {add = true}
            %dma_wait3A_212 = arith.constant 0 : i32
            %dma_wait3A_213 = arith.constant 0 : i32
            %dma_wait3A_214 = tpu.memref_slice %arg9[%dma_wait3A_212, %dma_wait3A_213] : memref<10008x128xf32, #tpu.memory_space<vmem_shared>> -> memref<10008x128xf32, #tpu.memory_space<vmem_shared>>
            tpu.wait_indirect_dma semaphore(%run_scoped3A : memref<!tpu.dma_semaphore, #tpu.memory_space<semaphore_mem>>) src(%arg12 : memref<128x128xf32, #tpu.memory_space<vmem>>) dst(%dma_wait3A_214 : memref<10008x128xf32, #tpu.memory_space<vmem_shared>>)
            tpu.yield
          }) : () -> ()
          %lt3A_116 = arith.constant 3 : i32
          %lt3A_117 = arith.cmpi slt, %scan3A_38, %lt3A_116 : i32
          %convert_element_type3A_118 = arith.extui %lt3A_117 : i1 to i32
          %cond3A_119 = arith.constant 0 : i32
          %cond3A_120 = arith.cmpi ne, %convert_element_type3A_118, %cond3A_119 : i32
          scf.if %cond3A_120 {
            %add3A_209 = arith.constant 2 : i32
            %add3A_210 = arith.addi %mul3A_40, %add3A_209 : i32
            %dma_start3A_211 = arith.constant 0 : i32
            %dma_start3A_212 = tpu.memref_slice %arg10[%add3A_210, %dma_start3A_211] : memref<8x128xi32, #tpu.memory_space<vmem>> -> memref<1x128xi32, #tpu.memory_space<vmem>>
            %dma_start3A_213 = tpu.memref_squeeze %dma_start3A_212 : memref<1x128xi32, #tpu.memory_space<vmem>> -> memref<128xi32, #tpu.memory_space<vmem>>
            %dma_start3A_214 = arith.constant 0 : i32
            %dma_start3A_215 = arith.constant 0 : i32
            %dma_start3A_216 = tpu.memref_slice %arg3[%dma_start3A_214, %dma_start3A_215] : memref<10000x128xf32, #tpu.memory_space<hbm>> -> memref<10000x128xf32, #tpu.memory_space<hbm>>
            tpu.enqueue_indirect_dma source(%dma_start3A_216 : memref<10000x128xf32, #tpu.memory_space<hbm>>) target(%arg12 : memref<128x128xf32, #tpu.memory_space<vmem>>) offsets(%dma_start3A_213 : memref<128xi32, #tpu.memory_space<vmem>>) semaphore(%arg15 : memref<!tpu.dma_semaphore, #tpu.memory_space<semaphore_mem>>)
          } else {
          }
          %add3A_121 = arith.constant 1 : i32
          %add3A_122 = arith.addi %mul3A_40, %add3A_121 : i32
          %get3A_123 = arith.index_cast %add3A_122 : i32 to index
          %get3A_124 = arith.constant 0 : index
          %get3A_125 = tpu.vector_load %arg11[%get3A_123, %get3A_124] {strides = array<i32>} : memref<8x128xi32, #tpu.memory_space<vmem>>, vector<1x16xi32>,
          %get3A_126 = vector.shape_cast %get3A_125 : vector<1x16xi32> to vector<16xi32>
          %swap3A_127 = arith.constant 0 : index
          %swap3A_128 = tpu.vector_load %arg14[%swap3A_127] {strides = array<i32>} : memref<128xi32, #tpu.memory_space<vmem>>, vector<16xi32>,
          %swap3A_129 = vector.shape_cast %swap3A_128 : vector<16xi32> to vector<16xi32>
          %swap3A_130 = vector.shape_cast %get3A_126 : vector<16xi32> to vector<16xi32>
          tpu.vector_store %arg14[%swap3A_127], %swap3A_130 {strides = array<i32>} : memref<128xi32, #tpu.memory_space<vmem>>, vector<16xi32>,
          %add3A_131 = arith.constant 1 : i32
          %add3A_132 = arith.addi %mul3A_40, %add3A_131 : i32
          %get3A_133 = arith.index_cast %add3A_132 : i32 to index
          %get3A_134 = arith.constant 16 : index
          %get3A_135 = tpu.vector_load %arg11[%get3A_133, %get3A_134] {strides = array<i32>} : memref<8x128xi32, #tpu.memory_space<vmem>>, vector<1x16xi32>,
          %get3A_136 = vector.shape_cast %get3A_135 : vector<1x16xi32> to vector<16xi32>
          %swap3A_137 = arith.constant 16 : index
          %swap3A_138 = tpu.vector_load %arg14[%swap3A_137] {strides = array<i32>} : memref<128xi32, #tpu.memory_space<vmem>>, vector<16xi32>,
          %swap3A_139 = vector.shape_cast %swap3A_138 : vector<16xi32> to vector<16xi32>
          %swap3A_140 = vector.shape_cast %get3A_136 : vector<16xi32> to vector<16xi32>
          tpu.vector_store %arg14[%swap3A_137], %swap3A_140 {strides = array<i32>} : memref<128xi32, #tpu.memory_space<vmem>>, vector<16xi32>,
          %add3A_141 = arith.constant 1 : i32
          %add3A_142 = arith.addi %mul3A_40, %add3A_141 : i32
          %get3A_143 = arith.index_cast %add3A_142 : i32 to index
          %get3A_144 = arith.constant 32 : index
          %get3A_145 = tpu.vector_load %arg11[%get3A_143, %get3A_144] {strides = array<i32>} : memref<8x128xi32, #tpu.memory_space<vmem>>, vector<1x16xi32>,
          %get3A_146 = vector.shape_cast %get3A_145 : vector<1x16xi32> to vector<16xi32>
          %swap3A_147 = arith.constant 32 : index
          %swap3A_148 = tpu.vector_load %arg14[%swap3A_147] {strides = array<i32>} : memref<128xi32, #tpu.memory_space<vmem>>, vector<16xi32>,
          %swap3A_149 = vector.shape_cast %swap3A_148 : vector<16xi32> to vector<16xi32>
          %swap3A_150 = vector.shape_cast %get3A_146 : vector<16xi32> to vector<16xi32>
          tpu.vector_store %arg14[%swap3A_147], %swap3A_150 {strides = array<i32>} : memref<128xi32, #tpu.memory_space<vmem>>, vector<16xi32>,
          %add3A_151 = arith.constant 1 : i32
          %add3A_152 = arith.addi %mul3A_40, %add3A_151 : i32
          %get3A_153 = arith.index_cast %add3A_152 : i32 to index
          %get3A_154 = arith.constant 48 : index
          %get3A_155 = tpu.vector_load %arg11[%get3A_153, %get3A_154] {strides = array<i32>} : memref<8x128xi32, #tpu.memory_space<vmem>>, vector<1x16xi32>,
          %get3A_156 = vector.shape_cast %get3A_155 : vector<1x16xi32> to vector<16xi32>
          %swap3A_157 = arith.constant 48 : index
          %swap3A_158 = tpu.vector_load %arg14[%swap3A_157] {strides = array<i32>} : memref<128xi32, #tpu.memory_space<vmem>>, vector<16xi32>,
          %swap3A_159 = vector.shape_cast %swap3A_158 : vector<16xi32> to vector<16xi32>
          %swap3A_160 = vector.shape_cast %get3A_156 : vector<16xi32> to vector<16xi32>
          tpu.vector_store %arg14[%swap3A_157], %swap3A_160 {strides = array<i32>} : memref<128xi32, #tpu.memory_space<vmem>>, vector<16xi32>,
          %add3A_161 = arith.constant 1 : i32
          %add3A_162 = arith.addi %mul3A_40, %add3A_161 : i32
          %get3A_163 = arith.index_cast %add3A_162 : i32 to index
          %get3A_164 = arith.constant 64 : index
          %get3A_165 = tpu.vector_load %arg11[%get3A_163, %get3A_164] {strides = array<i32>} : memref<8x128xi32, #tpu.memory_space<vmem>>, vector<1x16xi32>,
          %get3A_166 = vector.shape_cast %get3A_165 : vector<1x16xi32> to vector<16xi32>
          %swap3A_167 = arith.constant 64 : index
          %swap3A_168 = tpu.vector_load %arg14[%swap3A_167] {strides = array<i32>} : memref<128xi32, #tpu.memory_space<vmem>>, vector<16xi32>,
          %swap3A_169 = vector.shape_cast %swap3A_168 : vector<16xi32> to vector<16xi32>
          %swap3A_170 = vector.shape_cast %get3A_166 : vector<16xi32> to vector<16xi32>
          tpu.vector_store %arg14[%swap3A_167], %swap3A_170 {strides = array<i32>} : memref<128xi32, #tpu.memory_space<vmem>>, vector<16xi32>,
          %add3A_171 = arith.constant 1 : i32
          %add3A_172 = arith.addi %mul3A_40, %add3A_171 : i32
          %get3A_173 = arith.index_cast %add3A_172 : i32 to index
          %get3A_174 = arith.constant 80 : index
          %get3A_175 = tpu.vector_load %arg11[%get3A_173, %get3A_174] {strides = array<i32>} : memref<8x128xi32, #tpu.memory_space<vmem>>, vector<1x16xi32>,
          %get3A_176 = vector.shape_cast %get3A_175 : vector<1x16xi32> to vector<16xi32>
          %swap3A_177 = arith.constant 80 : index
          %swap3A_178 = tpu.vector_load %arg14[%swap3A_177] {strides = array<i32>} : memref<128xi32, #tpu.memory_space<vmem>>, vector<16xi32>,
          %swap3A_179 = vector.shape_cast %swap3A_178 : vector<16xi32> to vector<16xi32>
          %swap3A_180 = vector.shape_cast %get3A_176 : vector<16xi32> to vector<16xi32>
          tpu.vector_store %arg14[%swap3A_177], %swap3A_180 {strides = array<i32>} : memref<128xi32, #tpu.memory_space<vmem>>, vector<16xi32>,
          %add3A_181 = arith.constant 1 : i32
          %add3A_182 = arith.addi %mul3A_40, %add3A_181 : i32
          %get3A_183 = arith.index_cast %add3A_182 : i32 to index
          %get3A_184 = arith.constant 96 : index
          %get3A_185 = tpu.vector_load %arg11[%get3A_183, %get3A_184] {strides = array<i32>} : memref<8x128xi32, #tpu.memory_space<vmem>>, vector<1x16xi32>,
          %get3A_186 = vector.shape_cast %get3A_185 : vector<1x16xi32> to vector<16xi32>
          %swap3A_187 = arith.constant 96 : index
          %swap3A_188 = tpu.vector_load %arg14[%swap3A_187] {strides = array<i32>} : memref<128xi32, #tpu.memory_space<vmem>>, vector<16xi32>,
          %swap3A_189 = vector.shape_cast %swap3A_188 : vector<16xi32> to vector<16xi32>
          %swap3A_190 = vector.shape_cast %get3A_186 : vector<16xi32> to vector<16xi32>
          tpu.vector_store %arg14[%swap3A_187], %swap3A_190 {strides = array<i32>} : memref<128xi32, #tpu.memory_space<vmem>>, vector<16xi32>,
          %add3A_191 = arith.constant 1 : i32
          %add3A_192 = arith.addi %mul3A_40, %add3A_191 : i32
          %get3A_193 = arith.index_cast %add3A_192 : i32 to index
          %get3A_194 = arith.constant 112 : index
          %get3A_195 = tpu.vector_load %arg11[%get3A_193, %get3A_194] {strides = array<i32>} : memref<8x128xi32, #tpu.memory_space<vmem>>, vector<1x16xi32>,
          %get3A_196 = vector.shape_cast %get3A_195 : vector<1x16xi32> to vector<16xi32>
          %swap3A_197 = arith.constant 112 : index
          %swap3A_198 = tpu.vector_load %arg14[%swap3A_197] {strides = array<i32>} : memref<128xi32, #tpu.memory_space<vmem>>, vector<16xi32>,
          %swap3A_199 = vector.shape_cast %swap3A_198 : vector<16xi32> to vector<16xi32>
          %swap3A_200 = vector.shape_cast %get3A_196 : vector<16xi32> to vector<16xi32>
          tpu.vector_store %arg14[%swap3A_197], %swap3A_200 {strides = array<i32>} : memref<128xi32, #tpu.memory_space<vmem>>, vector<16xi32>,
          %add3A_201 = arith.constant 1 : i32
          %add3A_202 = arith.addi %mul3A_40, %add3A_201 : i32
          %dma_wait3A_203 = arith.constant 0 : i32
          %dma_wait3A_204 = tpu.memref_slice %arg10[%add3A_202, %dma_wait3A_203] : memref<8x128xi32, #tpu.memory_space<vmem>> -> memref<1x128xi32, #tpu.memory_space<vmem>>
          %dma_wait3A_205 = tpu.memref_squeeze %dma_wait3A_204 : memref<1x128xi32, #tpu.memory_space<vmem>> -> memref<128xi32, #tpu.memory_space<vmem>>
          %dma_wait3A_206 = arith.constant 0 : i32
          %dma_wait3A_207 = arith.constant 0 : i32
          %dma_wait3A_208 = tpu.memref_slice %arg3[%dma_wait3A_206, %dma_wait3A_207] : memref<10000x128xf32, #tpu.memory_space<hbm>> -> memref<10000x128xf32, #tpu.memory_space<hbm>>
          tpu.wait_indirect_dma semaphore(%arg16 : memref<!tpu.dma_semaphore, #tpu.memory_space<semaphore_mem>>) src(%dma_wait3A_208 : memref<10000x128xf32, #tpu.memory_space<hbm>>) dst(%arg13 : memref<128x128xf32, #tpu.memory_space<vmem>>)
          "tpu.region"() ({
            %run_scoped3A = tpu.sem_alloc : memref<!tpu.dma_semaphore, #tpu.memory_space<semaphore_mem>>
            %dma_start3A_209 = arith.constant 0 : i32
            %dma_start3A_210 = arith.constant 0 : i32
            %dma_start3A_211 = tpu.memref_slice %arg9[%dma_start3A_209, %dma_start3A_210] : memref<10008x128xf32, #tpu.memory_space<vmem_shared>> -> memref<10008x128xf32, #tpu.memory_space<vmem_shared>>
            tpu.enqueue_indirect_dma source(%arg13 : memref<128x128xf32, #tpu.memory_space<vmem>>) target(%dma_start3A_211 : memref<10008x128xf32, #tpu.memory_space<vmem_shared>>) offsets(%arg14 : memref<128xi32, #tpu.memory_space<vmem>>) semaphore(%run_scoped3A : memref<!tpu.dma_semaphore, #tpu.memory_space<semaphore_mem>>) {add = true}
            %dma_wait3A_212 = arith.constant 0 : i32
            %dma_wait3A_213 = arith.constant 0 : i32
            %dma_wait3A_214 = tpu.memref_slice %arg9[%dma_wait3A_212, %dma_wait3A_213] : memref<10008x128xf32, #tpu.memory_space<vmem_shared>> -> memref<10008x128xf32, #tpu.memory_space<vmem_shared>>
            tpu.wait_indirect_dma semaphore(%run_scoped3A : memref<!tpu.dma_semaphore, #tpu.memory_space<semaphore_mem>>) src(%arg13 : memref<128x128xf32, #tpu.memory_space<vmem>>) dst(%dma_wait3A_214 : memref<10008x128xf32, #tpu.memory_space<vmem_shared>>)
            tpu.yield
          }) : () -> ()
        }
        %scan3A_37 = arith.constant 4 : i32
      }
      %scan3A_24 = arith.constant 20 : i32
    } else {
    }
    %barrier3A_12 = arith.constant 0 : index
    tpu.barrier barrier_id(%barrier3A_12)
    %mul3A_13 = arith.constant 1000 : i32
    %mul3A_14 = arith.muli %arg1, %mul3A_13 : i32
    %lt3A_15 = arith.constant 10 : i32
    %lt3A_16 = arith.cmpi slt, %arg1, %lt3A_15 : i32
    %convert_element_type3A_17 = arith.extui %lt3A_16 : i1 to i32
    %cond3A_18 = arith.constant 0 : i32
    %cond3A_19 = arith.cmpi ne, %convert_element_type3A_17, %cond3A_18 : i32
    scf.if %cond3A_19 {
      %add3A_20 = arith.constant 0 : i32
      %add3A_21 = arith.addi %mul3A_14, %add3A_20 : i32
      "tpu.region"() ({
        %run_scoped3A = tpu.sem_alloc : memref<!tpu.dma_semaphore, #tpu.memory_space<semaphore_mem>>
        %dma_start3A = arith.constant 0 : i32
        %dma_start3A_52 = tpu.memref_slice %arg9[%add3A_21, %dma_start3A] : memref<10008x128xf32, #tpu.memory_space<vmem_shared>> -> memref<128x128xf32, #tpu.memory_space<vmem_shared>>
        %dma_start3A_53 = arith.constant 0 : i32
        %dma_start3A_54 = tpu.memref_slice %arg9[%add3A_21, %dma_start3A_53] : memref<10008x128xf32, #tpu.memory_space<vmem_shared>> -> memref<128x128xf32, #tpu.memory_space<vmem_shared>>
        tpu.enqueue_dma source(%dma_start3A_54 : memref<128x128xf32, #tpu.memory_space<vmem_shared>>) target(%arg12 : memref<128x128xf32, #tpu.memory_space<vmem>>) target_semaphore(%run_scoped3A : memref<!tpu.dma_semaphore, #tpu.memory_space<semaphore_mem>>)
        %dma_wait3A = arith.constant 0 : i32
        %dma_wait3A_55 = tpu.memref_slice %arg9[%add3A_21, %dma_wait3A] : memref<10008x128xf32, #tpu.memory_space<vmem_shared>> -> memref<128x128xf32, #tpu.memory_space<vmem_shared>>
        %dma_wait3A_56 = arith.constant 0 : i32
        %dma_wait3A_57 = tpu.memref_slice %arg9[%add3A_21, %dma_wait3A_56] : memref<10008x128xf32, #tpu.memory_space<vmem_shared>> -> memref<128x128xf32, #tpu.memory_space<vmem_shared>>
        tpu.wait_dma2 semaphore(%run_scoped3A : memref<!tpu.dma_semaphore, #tpu.memory_space<semaphore_mem>>) src(%dma_wait3A_57 : memref<128x128xf32, #tpu.memory_space<vmem_shared>>) dst(%arg12 : memref<128x128xf32, #tpu.memory_space<vmem>>)
        tpu.yield
      }) : () -> ()
      %add3A_22 = arith.constant 0 : i32
      %add3A_23 = arith.addi %mul3A_14, %add3A_22 : i32
      "tpu.region"() ({
        %run_scoped3A = tpu.sem_alloc : memref<!tpu.dma_semaphore, #tpu.memory_space<semaphore_mem>>
        %dma_start3A = arith.constant 0 : i32
        %dma_start3A_52 = tpu.memref_slice %arg8[%arg0, %add3A_23, %dma_start3A] : memref<2x10000x128xf32, #tpu.memory_space<hbm>> -> memref<1x128x128xf32, #tpu.memory_space<hbm>>
        %dma_start3A_53 = tpu.memref_squeeze %dma_start3A_52 : memref<1x128x128xf32, #tpu.memory_space<hbm>> -> memref<128x128xf32, #tpu.memory_space<hbm>>
        %dma_start3A_54 = arith.constant 0 : i32
        %dma_start3A_55 = tpu.memref_slice %arg8[%arg0, %add3A_23, %dma_start3A_54] : memref<2x10000x128xf32, #tpu.memory_space<hbm>> -> memref<1x128x128xf32, #tpu.memory_space<hbm>>
        %dma_start3A_56 = tpu.memref_squeeze %dma_start3A_55 : memref<1x128x128xf32, #tpu.memory_space<hbm>> -> memref<128x128xf32, #tpu.memory_space<hbm>>
        tpu.enqueue_dma source(%arg12 : memref<128x128xf32, #tpu.memory_space<vmem>>) target(%dma_start3A_56 : memref<128x128xf32, #tpu.memory_space<hbm>>) target_semaphore(%run_scoped3A : memref<!tpu.dma_semaphore, #tpu.memory_space<semaphore_mem>>)
        %dma_wait3A = arith.constant 0 : i32
        %dma_wait3A_57 = tpu.memref_slice %arg8[%arg0, %add3A_23, %dma_wait3A] : memref<2x10000x128xf32, #tpu.memory_space<hbm>> -> memref<1x128x128xf32, #tpu.memory_space<hbm>>
        %dma_wait3A_58 = tpu.memref_squeeze %dma_wait3A_57 : memref<1x128x128xf32, #tpu.memory_space<hbm>> -> memref<128x128xf32, #tpu.memory_space<hbm>>
        %dma_wait3A_59 = arith.constant 0 : i32
        %dma_wait3A_60 = tpu.memref_slice %arg8[%arg0, %add3A_23, %dma_wait3A_59] : memref<2x10000x128xf32, #tpu.memory_space<hbm>> -> memref<1x128x128xf32, #tpu.memory_space<hbm>>
        %dma_wait3A_61 = tpu.memref_squeeze %dma_wait3A_60 : memref<1x128x128xf32, #tpu.memory_space<hbm>> -> memref<128x128xf32, #tpu.memory_space<hbm>>
        tpu.wait_dma2 semaphore(%run_scoped3A : memref<!tpu.dma_semaphore, #tpu.memory_space<semaphore_mem>>) src(%arg12 : memref<128x128xf32, #tpu.memory_space<vmem>>) dst(%dma_wait3A_61 : memref<128x128xf32, #tpu.memory_space<hbm>>)
        tpu.yield
      }) : () -> ()
      %add3A_24 = arith.constant 128 : i32
      %add3A_25 = arith.addi %mul3A_14, %add3A_24 : i32
      "tpu.region"() ({
        %run_scoped3A = tpu.sem_alloc : memref<!tpu.dma_semaphore, #tpu.memory_space<semaphore_mem>>
        %dma_start3A = arith.constant 0 : i32
        %dma_start3A_52 = tpu.memref_slice %arg9[%add3A_25, %dma_start3A] : memref<10008x128xf32, #tpu.memory_space<vmem_shared>> -> memref<128x128xf32, #tpu.memory_space<vmem_shared>>
        %dma_start3A_53 = arith.constant 0 : i32
        %dma_start3A_54 = tpu.memref_slice %arg9[%add3A_25, %dma_start3A_53] : memref<10008x128xf32, #tpu.memory_space<vmem_shared>> -> memref<128x128xf32, #tpu.memory_space<vmem_shared>>
        tpu.enqueue_dma source(%dma_start3A_54 : memref<128x128xf32, #tpu.memory_space<vmem_shared>>) target(%arg12 : memref<128x128xf32, #tpu.memory_space<vmem>>) target_semaphore(%run_scoped3A : memref<!tpu.dma_semaphore, #tpu.memory_space<semaphore_mem>>)
        %dma_wait3A = arith.constant 0 : i32
        %dma_wait3A_55 = tpu.memref_slice %arg9[%add3A_25, %dma_wait3A] : memref<10008x128xf32, #tpu.memory_space<vmem_shared>> -> memref<128x128xf32, #tpu.memory_space<vmem_shared>>
        %dma_wait3A_56 = arith.constant 0 : i32
        %dma_wait3A_57 = tpu.memref_slice %arg9[%add3A_25, %dma_wait3A_56] : memref<10008x128xf32, #tpu.memory_space<vmem_shared>> -> memref<128x128xf32, #tpu.memory_space<vmem_shared>>
        tpu.wait_dma2 semaphore(%run_scoped3A : memref<!tpu.dma_semaphore, #tpu.memory_space<semaphore_mem>>) src(%dma_wait3A_57 : memref<128x128xf32, #tpu.memory_space<vmem_shared>>) dst(%arg12 : memref<128x128xf32, #tpu.memory_space<vmem>>)
        tpu.yield
      }) : () -> ()
      %add3A_26 = arith.constant 128 : i32
      %add3A_27 = arith.addi %mul3A_14, %add3A_26 : i32
      "tpu.region"() ({
        %run_scoped3A = tpu.sem_alloc : memref<!tpu.dma_semaphore, #tpu.memory_space<semaphore_mem>>
        %dma_start3A = arith.constant 0 : i32
        %dma_start3A_52 = tpu.memref_slice %arg8[%arg0, %add3A_27, %dma_start3A] : memref<2x10000x128xf32, #tpu.memory_space<hbm>> -> memref<1x128x128xf32, #tpu.memory_space<hbm>>
        %dma_start3A_53 = tpu.memref_squeeze %dma_start3A_52 : memref<1x128x128xf32, #tpu.memory_space<hbm>> -> memref<128x128xf32, #tpu.memory_space<hbm>>
        %dma_start3A_54 = arith.constant 0 : i32
        %dma_start3A_55 = tpu.memref_slice %arg8[%arg0, %add3A_27, %dma_start3A_54] : memref<2x10000x128xf32, #tpu.memory_space<hbm>> -> memref<1x128x128xf32, #tpu.memory_space<hbm>>
        %dma_start3A_56 = tpu.memref_squeeze %dma_start3A_55 : memref<1x128x128xf32, #tpu.memory_space<hbm>> -> memref<128x128xf32, #tpu.memory_space<hbm>>
        tpu.enqueue_dma source(%arg12 : memref<128x128xf32, #tpu.memory_space<vmem>>) target(%dma_start3A_56 : memref<128x128xf32, #tpu.memory_space<hbm>>) target_semaphore(%run_scoped3A : memref<!tpu.dma_semaphore, #tpu.memory_space<semaphore_mem>>)
        %dma_wait3A = arith.constant 0 : i32
        %dma_wait3A_57 = tpu.memref_slice %arg8[%arg0, %add3A_27, %dma_wait3A] : memref<2x10000x128xf32, #tpu.memory_space<hbm>> -> memref<1x128x128xf32, #tpu.memory_space<hbm>>
        %dma_wait3A_58 = tpu.memref_squeeze %dma_wait3A_57 : memref<1x128x128xf32, #tpu.memory_space<hbm>> -> memref<128x128xf32, #tpu.memory_space<hbm>>
        %dma_wait3A_59 = arith.constant 0 : i32
        %dma_wait3A_60 = tpu.memref_slice %arg8[%arg0, %add3A_27, %dma_wait3A_59] : memref<2x10000x128xf32, #tpu.memory_space<hbm>> -> memref<1x128x128xf32, #tpu.memory_space<hbm>>
        %dma_wait3A_61 = tpu.memref_squeeze %dma_wait3A_60 : memref<1x128x128xf32, #tpu.memory_space<hbm>> -> memref<128x128xf32, #tpu.memory_space<hbm>>
        tpu.wait_dma2 semaphore(%run_scoped3A : memref<!tpu.dma_semaphore, #tpu.memory_space<semaphore_mem>>) src(%arg12 : memref<128x128xf32, #tpu.memory_space<vmem>>) dst(%dma_wait3A_61 : memref<128x128xf32, #tpu.memory_space<hbm>>)
        tpu.yield
      }) : () -> ()
      %add3A_28 = arith.constant 256 : i32
      %add3A_29 = arith.addi %mul3A_14, %add3A_28 : i32
      "tpu.region"() ({
        %run_scoped3A = tpu.sem_alloc : memref<!tpu.dma_semaphore, #tpu.memory_space<semaphore_mem>>
        %dma_start3A = arith.constant 0 : i32
        %dma_start3A_52 = tpu.memref_slice %arg9[%add3A_29, %dma_start3A] : memref<10008x128xf32, #tpu.memory_space<vmem_shared>> -> memref<128x128xf32, #tpu.memory_space<vmem_shared>>
        %dma_start3A_53 = arith.constant 0 : i32
        %dma_start3A_54 = tpu.memref_slice %arg9[%add3A_29, %dma_start3A_53] : memref<10008x128xf32, #tpu.memory_space<vmem_shared>> -> memref<128x128xf32, #tpu.memory_space<vmem_shared>>
        tpu.enqueue_dma source(%dma_start3A_54 : memref<128x128xf32, #tpu.memory_space<vmem_shared>>) target(%arg12 : memref<128x128xf32, #tpu.memory_space<vmem>>) target_semaphore(%run_scoped3A : memref<!tpu.dma_semaphore, #tpu.memory_space<semaphore_mem>>)
        %dma_wait3A = arith.constant 0 : i32
        %dma_wait3A_55 = tpu.memref_slice %arg9[%add3A_29, %dma_wait3A] : memref<10008x128xf32, #tpu.memory_space<vmem_shared>> -> memref<128x128xf32, #tpu.memory_space<vmem_shared>>
        %dma_wait3A_56 = arith.constant 0 : i32
        %dma_wait3A_57 = tpu.memref_slice %arg9[%add3A_29, %dma_wait3A_56] : memref<10008x128xf32, #tpu.memory_space<vmem_shared>> -> memref<128x128xf32, #tpu.memory_space<vmem_shared>>
        tpu.wait_dma2 semaphore(%run_scoped3A : memref<!tpu.dma_semaphore, #tpu.memory_space<semaphore_mem>>) src(%dma_wait3A_57 : memref<128x128xf32, #tpu.memory_space<vmem_shared>>) dst(%arg12 : memref<128x128xf32, #tpu.memory_space<vmem>>)
        tpu.yield
      }) : () -> ()
      %add3A_30 = arith.constant 256 : i32
      %add3A_31 = arith.addi %mul3A_14, %add3A_30 : i32
      "tpu.region"() ({
        %run_scoped3A = tpu.sem_alloc : memref<!tpu.dma_semaphore, #tpu.memory_space<semaphore_mem>>
        %dma_start3A = arith.constant 0 : i32
        %dma_start3A_52 = tpu.memref_slice %arg8[%arg0, %add3A_31, %dma_start3A] : memref<2x10000x128xf32, #tpu.memory_space<hbm>> -> memref<1x128x128xf32, #tpu.memory_space<hbm>>
        %dma_start3A_53 = tpu.memref_squeeze %dma_start3A_52 : memref<1x128x128xf32, #tpu.memory_space<hbm>> -> memref<128x128xf32, #tpu.memory_space<hbm>>
        %dma_start3A_54 = arith.constant 0 : i32
        %dma_start3A_55 = tpu.memref_slice %arg8[%arg0, %add3A_31, %dma_start3A_54] : memref<2x10000x128xf32, #tpu.memory_space<hbm>> -> memref<1x128x128xf32, #tpu.memory_space<hbm>>
        %dma_start3A_56 = tpu.memref_squeeze %dma_start3A_55 : memref<1x128x128xf32, #tpu.memory_space<hbm>> -> memref<128x128xf32, #tpu.memory_space<hbm>>
        tpu.enqueue_dma source(%arg12 : memref<128x128xf32, #tpu.memory_space<vmem>>) target(%dma_start3A_56 : memref<128x128xf32, #tpu.memory_space<hbm>>) target_semaphore(%run_scoped3A : memref<!tpu.dma_semaphore, #tpu.memory_space<semaphore_mem>>)
        %dma_wait3A = arith.constant 0 : i32
        %dma_wait3A_57 = tpu.memref_slice %arg8[%arg0, %add3A_31, %dma_wait3A] : memref<2x10000x128xf32, #tpu.memory_space<hbm>> -> memref<1x128x128xf32, #tpu.memory_space<hbm>>
        %dma_wait3A_58 = tpu.memref_squeeze %dma_wait3A_57 : memref<1x128x128xf32, #tpu.memory_space<hbm>> -> memref<128x128xf32, #tpu.memory_space<hbm>>
        %dma_wait3A_59 = arith.constant 0 : i32
        %dma_wait3A_60 = tpu.memref_slice %arg8[%arg0, %add3A_31, %dma_wait3A_59] : memref<2x10000x128xf32, #tpu.memory_space<hbm>> -> memref<1x128x128xf32, #tpu.memory_space<hbm>>
        %dma_wait3A_61 = tpu.memref_squeeze %dma_wait3A_60 : memref<1x128x128xf32, #tpu.memory_space<hbm>> -> memref<128x128xf32, #tpu.memory_space<hbm>>
        tpu.wait_dma2 semaphore(%run_scoped3A : memref<!tpu.dma_semaphore, #tpu.memory_space<semaphore_mem>>) src(%arg12 : memref<128x128xf32, #tpu.memory_space<vmem>>) dst(%dma_wait3A_61 : memref<128x128xf32, #tpu.memory_space<hbm>>)
        tpu.yield
      }) : () -> ()
      %add3A_32 = arith.constant 384 : i32
      %add3A_33 = arith.addi %mul3A_14, %add3A_32 : i32
      "tpu.region"() ({
        %run_scoped3A = tpu.sem_alloc : memref<!tpu.dma_semaphore, #tpu.memory_space<semaphore_mem>>
        %dma_start3A = arith.constant 0 : i32
        %dma_start3A_52 = tpu.memref_slice %arg9[%add3A_33, %dma_start3A] : memref<10008x128xf32, #tpu.memory_space<vmem_shared>> -> memref<128x128xf32, #tpu.memory_space<vmem_shared>>
        %dma_start3A_53 = arith.constant 0 : i32
        %dma_start3A_54 = tpu.memref_slice %arg9[%add3A_33, %dma_start3A_53] : memref<10008x128xf32, #tpu.memory_space<vmem_shared>> -> memref<128x128xf32, #tpu.memory_space<vmem_shared>>
        tpu.enqueue_dma source(%dma_start3A_54 : memref<128x128xf32, #tpu.memory_space<vmem_shared>>) target(%arg12 : memref<128x128xf32, #tpu.memory_space<vmem>>) target_semaphore(%run_scoped3A : memref<!tpu.dma_semaphore, #tpu.memory_space<semaphore_mem>>)
        %dma_wait3A = arith.constant 0 : i32
        %dma_wait3A_55 = tpu.memref_slice %arg9[%add3A_33, %dma_wait3A] : memref<10008x128xf32, #tpu.memory_space<vmem_shared>> -> memref<128x128xf32, #tpu.memory_space<vmem_shared>>
        %dma_wait3A_56 = arith.constant 0 : i32
        %dma_wait3A_57 = tpu.memref_slice %arg9[%add3A_33, %dma_wait3A_56] : memref<10008x128xf32, #tpu.memory_space<vmem_shared>> -> memref<128x128xf32, #tpu.memory_space<vmem_shared>>
        tpu.wait_dma2 semaphore(%run_scoped3A : memref<!tpu.dma_semaphore, #tpu.memory_space<semaphore_mem>>) src(%dma_wait3A_57 : memref<128x128xf32, #tpu.memory_space<vmem_shared>>) dst(%arg12 : memref<128x128xf32, #tpu.memory_space<vmem>>)
        tpu.yield
      }) : () -> ()
      %add3A_34 = arith.constant 384 : i32
      %add3A_35 = arith.addi %mul3A_14, %add3A_34 : i32
      "tpu.region"() ({
        %run_scoped3A = tpu.sem_alloc : memref<!tpu.dma_semaphore, #tpu.memory_space<semaphore_mem>>
        %dma_start3A = arith.constant 0 : i32
        %dma_start3A_52 = tpu.memref_slice %arg8[%arg0, %add3A_35, %dma_start3A] : memref<2x10000x128xf32, #tpu.memory_space<hbm>> -> memref<1x128x128xf32, #tpu.memory_space<hbm>>
        %dma_start3A_53 = tpu.memref_squeeze %dma_start3A_52 : memref<1x128x128xf32, #tpu.memory_space<hbm>> -> memref<128x128xf32, #tpu.memory_space<hbm>>
        %dma_start3A_54 = arith.constant 0 : i32
        %dma_start3A_55 = tpu.memref_slice %arg8[%arg0, %add3A_35, %dma_start3A_54] : memref<2x10000x128xf32, #tpu.memory_space<hbm>> -> memref<1x128x128xf32, #tpu.memory_space<hbm>>
        %dma_start3A_56 = tpu.memref_squeeze %dma_start3A_55 : memref<1x128x128xf32, #tpu.memory_space<hbm>> -> memref<128x128xf32, #tpu.memory_space<hbm>>
        tpu.enqueue_dma source(%arg12 : memref<128x128xf32, #tpu.memory_space<vmem>>) target(%dma_start3A_56 : memref<128x128xf32, #tpu.memory_space<hbm>>) target_semaphore(%run_scoped3A : memref<!tpu.dma_semaphore, #tpu.memory_space<semaphore_mem>>)
        %dma_wait3A = arith.constant 0 : i32
        %dma_wait3A_57 = tpu.memref_slice %arg8[%arg0, %add3A_35, %dma_wait3A] : memref<2x10000x128xf32, #tpu.memory_space<hbm>> -> memref<1x128x128xf32, #tpu.memory_space<hbm>>
        %dma_wait3A_58 = tpu.memref_squeeze %dma_wait3A_57 : memref<1x128x128xf32, #tpu.memory_space<hbm>> -> memref<128x128xf32, #tpu.memory_space<hbm>>
        %dma_wait3A_59 = arith.constant 0 : i32
        %dma_wait3A_60 = tpu.memref_slice %arg8[%arg0, %add3A_35, %dma_wait3A_59] : memref<2x10000x128xf32, #tpu.memory_space<hbm>> -> memref<1x128x128xf32, #tpu.memory_space<hbm>>
        %dma_wait3A_61 = tpu.memref_squeeze %dma_wait3A_60 : memref<1x128x128xf32, #tpu.memory_space<hbm>> -> memref<128x128xf32, #tpu.memory_space<hbm>>
        tpu.wait_dma2 semaphore(%run_scoped3A : memref<!tpu.dma_semaphore, #tpu.memory_space<semaphore_mem>>) src(%arg12 : memref<128x128xf32, #tpu.memory_space<vmem>>) dst(%dma_wait3A_61 : memref<128x128xf32, #tpu.memory_space<hbm>>)
        tpu.yield
      }) : () -> ()
      %add3A_36 = arith.constant 512 : i32
      %add3A_37 = arith.addi %mul3A_14, %add3A_36 : i32
      "tpu.region"() ({
        %run_scoped3A = tpu.sem_alloc : memref<!tpu.dma_semaphore, #tpu.memory_space<semaphore_mem>>
        %dma_start3A = arith.constant 0 : i32
        %dma_start3A_52 = tpu.memref_slice %arg9[%add3A_37, %dma_start3A] : memref<10008x128xf32, #tpu.memory_space<vmem_shared>> -> memref<128x128xf32, #tpu.memory_space<vmem_shared>>
        %dma_start3A_53 = arith.constant 0 : i32
        %dma_start3A_54 = tpu.memref_slice %arg9[%add3A_37, %dma_start3A_53] : memref<10008x128xf32, #tpu.memory_space<vmem_shared>> -> memref<128x128xf32, #tpu.memory_space<vmem_shared>>
        tpu.enqueue_dma source(%dma_start3A_54 : memref<128x128xf32, #tpu.memory_space<vmem_shared>>) target(%arg12 : memref<128x128xf32, #tpu.memory_space<vmem>>) target_semaphore(%run_scoped3A : memref<!tpu.dma_semaphore, #tpu.memory_space<semaphore_mem>>)
        %dma_wait3A = arith.constant 0 : i32
        %dma_wait3A_55 = tpu.memref_slice %arg9[%add3A_37, %dma_wait3A] : memref<10008x128xf32, #tpu.memory_space<vmem_shared>> -> memref<128x128xf32, #tpu.memory_space<vmem_shared>>
        %dma_wait3A_56 = arith.constant 0 : i32
        %dma_wait3A_57 = tpu.memref_slice %arg9[%add3A_37, %dma_wait3A_56] : memref<10008x128xf32, #tpu.memory_space<vmem_shared>> -> memref<128x128xf32, #tpu.memory_space<vmem_shared>>
        tpu.wait_dma2 semaphore(%run_scoped3A : memref<!tpu.dma_semaphore, #tpu.memory_space<semaphore_mem>>) src(%dma_wait3A_57 : memref<128x128xf32, #tpu.memory_space<vmem_shared>>) dst(%arg12 : memref<128x128xf32, #tpu.memory_space<vmem>>)
        tpu.yield
      }) : () -> ()
      %add3A_38 = arith.constant 512 : i32
      %add3A_39 = arith.addi %mul3A_14, %add3A_38 : i32
      "tpu.region"() ({
        %run_scoped3A = tpu.sem_alloc : memref<!tpu.dma_semaphore, #tpu.memory_space<semaphore_mem>>
        %dma_start3A = arith.constant 0 : i32
        %dma_start3A_52 = tpu.memref_slice %arg8[%arg0, %add3A_39, %dma_start3A] : memref<2x10000x128xf32, #tpu.memory_space<hbm>> -> memref<1x128x128xf32, #tpu.memory_space<hbm>>
        %dma_start3A_53 = tpu.memref_squeeze %dma_start3A_52 : memref<1x128x128xf32, #tpu.memory_space<hbm>> -> memref<128x128xf32, #tpu.memory_space<hbm>>
        %dma_start3A_54 = arith.constant 0 : i32
        %dma_start3A_55 = tpu.memref_slice %arg8[%arg0, %add3A_39, %dma_start3A_54] : memref<2x10000x128xf32, #tpu.memory_space<hbm>> -> memref<1x128x128xf32, #tpu.memory_space<hbm>>
        %dma_start3A_56 = tpu.memref_squeeze %dma_start3A_55 : memref<1x128x128xf32, #tpu.memory_space<hbm>> -> memref<128x128xf32, #tpu.memory_space<hbm>>
        tpu.enqueue_dma source(%arg12 : memref<128x128xf32, #tpu.memory_space<vmem>>) target(%dma_start3A_56 : memref<128x128xf32, #tpu.memory_space<hbm>>) target_semaphore(%run_scoped3A : memref<!tpu.dma_semaphore, #tpu.memory_space<semaphore_mem>>)
        %dma_wait3A = arith.constant 0 : i32
        %dma_wait3A_57 = tpu.memref_slice %arg8[%arg0, %add3A_39, %dma_wait3A] : memref<2x10000x128xf32, #tpu.memory_space<hbm>> -> memref<1x128x128xf32, #tpu.memory_space<hbm>>
        %dma_wait3A_58 = tpu.memref_squeeze %dma_wait3A_57 : memref<1x128x128xf32, #tpu.memory_space<hbm>> -> memref<128x128xf32, #tpu.memory_space<hbm>>
        %dma_wait3A_59 = arith.constant 0 : i32
        %dma_wait3A_60 = tpu.memref_slice %arg8[%arg0, %add3A_39, %dma_wait3A_59] : memref<2x10000x128xf32, #tpu.memory_space<hbm>> -> memref<1x128x128xf32, #tpu.memory_space<hbm>>
        %dma_wait3A_61 = tpu.memref_squeeze %dma_wait3A_60 : memref<1x128x128xf32, #tpu.memory_space<hbm>> -> memref<128x128xf32, #tpu.memory_space<hbm>>
        tpu.wait_dma2 semaphore(%run_scoped3A : memref<!tpu.dma_semaphore, #tpu.memory_space<semaphore_mem>>) src(%arg12 : memref<128x128xf32, #tpu.memory_space<vmem>>) dst(%dma_wait3A_61 : memref<128x128xf32, #tpu.memory_space<hbm>>)
        tpu.yield
      }) : () -> ()
      %add3A_40 = arith.constant 640 : i32
      %add3A_41 = arith.addi %mul3A_14, %add3A_40 : i32
      "tpu.region"() ({
        %run_scoped3A = tpu.sem_alloc : memref<!tpu.dma_semaphore, #tpu.memory_space<semaphore_mem>>
        %dma_start3A = arith.constant 0 : i32
        %dma_start3A_52 = tpu.memref_slice %arg9[%add3A_41, %dma_start3A] : memref<10008x128xf32, #tpu.memory_space<vmem_shared>> -> memref<128x128xf32, #tpu.memory_space<vmem_shared>>
        %dma_start3A_53 = arith.constant 0 : i32
        %dma_start3A_54 = tpu.memref_slice %arg9[%add3A_41, %dma_start3A_53] : memref<10008x128xf32, #tpu.memory_space<vmem_shared>> -> memref<128x128xf32, #tpu.memory_space<vmem_shared>>
        tpu.enqueue_dma source(%dma_start3A_54 : memref<128x128xf32, #tpu.memory_space<vmem_shared>>) target(%arg12 : memref<128x128xf32, #tpu.memory_space<vmem>>) target_semaphore(%run_scoped3A : memref<!tpu.dma_semaphore, #tpu.memory_space<semaphore_mem>>)
        %dma_wait3A = arith.constant 0 : i32
        %dma_wait3A_55 = tpu.memref_slice %arg9[%add3A_41, %dma_wait3A] : memref<10008x128xf32, #tpu.memory_space<vmem_shared>> -> memref<128x128xf32, #tpu.memory_space<vmem_shared>>
        %dma_wait3A_56 = arith.constant 0 : i32
        %dma_wait3A_57 = tpu.memref_slice %arg9[%add3A_41, %dma_wait3A_56] : memref<10008x128xf32, #tpu.memory_space<vmem_shared>> -> memref<128x128xf32, #tpu.memory_space<vmem_shared>>
        tpu.wait_dma2 semaphore(%run_scoped3A : memref<!tpu.dma_semaphore, #tpu.memory_space<semaphore_mem>>) src(%dma_wait3A_57 : memref<128x128xf32, #tpu.memory_space<vmem_shared>>) dst(%arg12 : memref<128x128xf32, #tpu.memory_space<vmem>>)
        tpu.yield
      }) : () -> ()
      %add3A_42 = arith.constant 640 : i32
      %add3A_43 = arith.addi %mul3A_14, %add3A_42 : i32
      "tpu.region"() ({
        %run_scoped3A = tpu.sem_alloc : memref<!tpu.dma_semaphore, #tpu.memory_space<semaphore_mem>>
        %dma_start3A = arith.constant 0 : i32
        %dma_start3A_52 = tpu.memref_slice %arg8[%arg0, %add3A_43, %dma_start3A] : memref<2x10000x128xf32, #tpu.memory_space<hbm>> -> memref<1x128x128xf32, #tpu.memory_space<hbm>>
        %dma_start3A_53 = tpu.memref_squeeze %dma_start3A_52 : memref<1x128x128xf32, #tpu.memory_space<hbm>> -> memref<128x128xf32, #tpu.memory_space<hbm>>
        %dma_start3A_54 = arith.constant 0 : i32
        %dma_start3A_55 = tpu.memref_slice %arg8[%arg0, %add3A_43, %dma_start3A_54] : memref<2x10000x128xf32, #tpu.memory_space<hbm>> -> memref<1x128x128xf32, #tpu.memory_space<hbm>>
        %dma_start3A_56 = tpu.memref_squeeze %dma_start3A_55 : memref<1x128x128xf32, #tpu.memory_space<hbm>> -> memref<128x128xf32, #tpu.memory_space<hbm>>
        tpu.enqueue_dma source(%arg12 : memref<128x128xf32, #tpu.memory_space<vmem>>) target(%dma_start3A_56 : memref<128x128xf32, #tpu.memory_space<hbm>>) target_semaphore(%run_scoped3A : memref<!tpu.dma_semaphore, #tpu.memory_space<semaphore_mem>>)
        %dma_wait3A = arith.constant 0 : i32
        %dma_wait3A_57 = tpu.memref_slice %arg8[%arg0, %add3A_43, %dma_wait3A] : memref<2x10000x128xf32, #tpu.memory_space<hbm>> -> memref<1x128x128xf32, #tpu.memory_space<hbm>>
        %dma_wait3A_58 = tpu.memref_squeeze %dma_wait3A_57 : memref<1x128x128xf32, #tpu.memory_space<hbm>> -> memref<128x128xf32, #tpu.memory_space<hbm>>
        %dma_wait3A_59 = arith.constant 0 : i32
        %dma_wait3A_60 = tpu.memref_slice %arg8[%arg0, %add3A_43, %dma_wait3A_59] : memref<2x10000x128xf32, #tpu.memory_space<hbm>> -> memref<1x128x128xf32, #tpu.memory_space<hbm>>
        %dma_wait3A_61 = tpu.memref_squeeze %dma_wait3A_60 : memref<1x128x128xf32, #tpu.memory_space<hbm>> -> memref<128x128xf32, #tpu.memory_space<hbm>>
        tpu.wait_dma2 semaphore(%run_scoped3A : memref<!tpu.dma_semaphore, #tpu.memory_space<semaphore_mem>>) src(%arg12 : memref<128x128xf32, #tpu.memory_space<vmem>>) dst(%dma_wait3A_61 : memref<128x128xf32, #tpu.memory_space<hbm>>)
        tpu.yield
      }) : () -> ()
      %add3A_44 = arith.constant 768 : i32
      %add3A_45 = arith.addi %mul3A_14, %add3A_44 : i32
      "tpu.region"() ({
        %run_scoped3A = tpu.sem_alloc : memref<!tpu.dma_semaphore, #tpu.memory_space<semaphore_mem>>
        %dma_start3A = arith.constant 0 : i32
        %dma_start3A_52 = tpu.memref_slice %arg9[%add3A_45, %dma_start3A] : memref<10008x128xf32, #tpu.memory_space<vmem_shared>> -> memref<128x128xf32, #tpu.memory_space<vmem_shared>>
        %dma_start3A_53 = arith.constant 0 : i32
        %dma_start3A_54 = tpu.memref_slice %arg9[%add3A_45, %dma_start3A_53] : memref<10008x128xf32, #tpu.memory_space<vmem_shared>> -> memref<128x128xf32, #tpu.memory_space<vmem_shared>>
        tpu.enqueue_dma source(%dma_start3A_54 : memref<128x128xf32, #tpu.memory_space<vmem_shared>>) target(%arg12 : memref<128x128xf32, #tpu.memory_space<vmem>>) target_semaphore(%run_scoped3A : memref<!tpu.dma_semaphore, #tpu.memory_space<semaphore_mem>>)
        %dma_wait3A = arith.constant 0 : i32
        %dma_wait3A_55 = tpu.memref_slice %arg9[%add3A_45, %dma_wait3A] : memref<10008x128xf32, #tpu.memory_space<vmem_shared>> -> memref<128x128xf32, #tpu.memory_space<vmem_shared>>
        %dma_wait3A_56 = arith.constant 0 : i32
        %dma_wait3A_57 = tpu.memref_slice %arg9[%add3A_45, %dma_wait3A_56] : memref<10008x128xf32, #tpu.memory_space<vmem_shared>> -> memref<128x128xf32, #tpu.memory_space<vmem_shared>>
        tpu.wait_dma2 semaphore(%run_scoped3A : memref<!tpu.dma_semaphore, #tpu.memory_space<semaphore_mem>>) src(%dma_wait3A_57 : memref<128x128xf32, #tpu.memory_space<vmem_shared>>) dst(%arg12 : memref<128x128xf32, #tpu.memory_space<vmem>>)
        tpu.yield
      }) : () -> ()
      %add3A_46 = arith.constant 768 : i32
      %add3A_47 = arith.addi %mul3A_14, %add3A_46 : i32
      "tpu.region"() ({
        %run_scoped3A = tpu.sem_alloc : memref<!tpu.dma_semaphore, #tpu.memory_space<semaphore_mem>>
        %dma_start3A = arith.constant 0 : i32
        %dma_start3A_52 = tpu.memref_slice %arg8[%arg0, %add3A_47, %dma_start3A] : memref<2x10000x128xf32, #tpu.memory_space<hbm>> -> memref<1x128x128xf32, #tpu.memory_space<hbm>>
        %dma_start3A_53 = tpu.memref_squeeze %dma_start3A_52 : memref<1x128x128xf32, #tpu.memory_space<hbm>> -> memref<128x128xf32, #tpu.memory_space<hbm>>
        %dma_start3A_54 = arith.constant 0 : i32
        %dma_start3A_55 = tpu.memref_slice %arg8[%arg0, %add3A_47, %dma_start3A_54] : memref<2x10000x128xf32, #tpu.memory_space<hbm>> -> memref<1x128x128xf32, #tpu.memory_space<hbm>>
        %dma_start3A_56 = tpu.memref_squeeze %dma_start3A_55 : memref<1x128x128xf32, #tpu.memory_space<hbm>> -> memref<128x128xf32, #tpu.memory_space<hbm>>
        tpu.enqueue_dma source(%arg12 : memref<128x128xf32, #tpu.memory_space<vmem>>) target(%dma_start3A_56 : memref<128x128xf32, #tpu.memory_space<hbm>>) target_semaphore(%run_scoped3A : memref<!tpu.dma_semaphore, #tpu.memory_space<semaphore_mem>>)
        %dma_wait3A = arith.constant 0 : i32
        %dma_wait3A_57 = tpu.memref_slice %arg8[%arg0, %add3A_47, %dma_wait3A] : memref<2x10000x128xf32, #tpu.memory_space<hbm>> -> memref<1x128x128xf32, #tpu.memory_space<hbm>>
        %dma_wait3A_58 = tpu.memref_squeeze %dma_wait3A_57 : memref<1x128x128xf32, #tpu.memory_space<hbm>> -> memref<128x128xf32, #tpu.memory_space<hbm>>
        %dma_wait3A_59 = arith.constant 0 : i32
        %dma_wait3A_60 = tpu.memref_slice %arg8[%arg0, %add3A_47, %dma_wait3A_59] : memref<2x10000x128xf32, #tpu.memory_space<hbm>> -> memref<1x128x128xf32, #tpu.memory_space<hbm>>
        %dma_wait3A_61 = tpu.memref_squeeze %dma_wait3A_60 : memref<1x128x128xf32, #tpu.memory_space<hbm>> -> memref<128x128xf32, #tpu.memory_space<hbm>>
        tpu.wait_dma2 semaphore(%run_scoped3A : memref<!tpu.dma_semaphore, #tpu.memory_space<semaphore_mem>>) src(%arg12 : memref<128x128xf32, #tpu.memory_space<vmem>>) dst(%dma_wait3A_61 : memref<128x128xf32, #tpu.memory_space<hbm>>)
        tpu.yield
      }) : () -> ()
      %add3A_48 = arith.constant 896 : i32
      %add3A_49 = arith.addi %mul3A_14, %add3A_48 : i32
      "tpu.region"() ({
        %run_scoped3A = tpu.sem_alloc : memref<!tpu.dma_semaphore, #tpu.memory_space<semaphore_mem>>
        %dma_start3A = arith.constant 0 : i32
        %dma_start3A_52 = arith.constant 0 : i32
        %dma_start3A_53 = tpu.memref_slice %arg12[%dma_start3A, %dma_start3A_52] : memref<128x128xf32, #tpu.memory_space<vmem>> -> memref<104x128xf32, #tpu.memory_space<vmem>>
        %dma_start3A_54 = arith.constant 0 : i32
        %dma_start3A_55 = tpu.memref_slice %arg9[%add3A_49, %dma_start3A_54] : memref<10008x128xf32, #tpu.memory_space<vmem_shared>> -> memref<104x128xf32, #tpu.memory_space<vmem_shared>>
        %dma_start3A_56 = arith.constant 0 : i32
        %dma_start3A_57 = arith.constant 0 : i32
        %dma_start3A_58 = tpu.memref_slice %arg12[%dma_start3A_56, %dma_start3A_57] : memref<128x128xf32, #tpu.memory_space<vmem>> -> memref<104x128xf32, #tpu.memory_space<vmem>>
        %dma_start3A_59 = arith.constant 0 : i32
        %dma_start3A_60 = tpu.memref_slice %arg9[%add3A_49, %dma_start3A_59] : memref<10008x128xf32, #tpu.memory_space<vmem_shared>> -> memref<104x128xf32, #tpu.memory_space<vmem_shared>>
        tpu.enqueue_dma source(%dma_start3A_60 : memref<104x128xf32, #tpu.memory_space<vmem_shared>>) target(%dma_start3A_58 : memref<104x128xf32, #tpu.memory_space<vmem>>) target_semaphore(%run_scoped3A : memref<!tpu.dma_semaphore, #tpu.memory_space<semaphore_mem>>)
        %dma_wait3A = arith.constant 0 : i32
        %dma_wait3A_61 = arith.constant 0 : i32
        %dma_wait3A_62 = tpu.memref_slice %arg12[%dma_wait3A, %dma_wait3A_61] : memref<128x128xf32, #tpu.memory_space<vmem>> -> memref<104x128xf32, #tpu.memory_space<vmem>>
        %dma_wait3A_63 = arith.constant 0 : i32
        %dma_wait3A_64 = tpu.memref_slice %arg9[%add3A_49, %dma_wait3A_63] : memref<10008x128xf32, #tpu.memory_space<vmem_shared>> -> memref<104x128xf32, #tpu.memory_space<vmem_shared>>
        %dma_wait3A_65 = arith.constant 0 : i32
        %dma_wait3A_66 = arith.constant 0 : i32
        %dma_wait3A_67 = tpu.memref_slice %arg12[%dma_wait3A_65, %dma_wait3A_66] : memref<128x128xf32, #tpu.memory_space<vmem>> -> memref<104x128xf32, #tpu.memory_space<vmem>>
        %dma_wait3A_68 = arith.constant 0 : i32
        %dma_wait3A_69 = tpu.memref_slice %arg9[%add3A_49, %dma_wait3A_68] : memref<10008x128xf32, #tpu.memory_space<vmem_shared>> -> memref<104x128xf32, #tpu.memory_space<vmem_shared>>
        tpu.wait_dma2 semaphore(%run_scoped3A : memref<!tpu.dma_semaphore, #tpu.memory_space<semaphore_mem>>) src(%dma_wait3A_69 : memref<104x128xf32, #tpu.memory_space<vmem_shared>>) dst(%dma_wait3A_67 : memref<104x128xf32, #tpu.memory_space<vmem>>)
        tpu.yield
      }) : () -> ()
      %add3A_50 = arith.constant 896 : i32
      %add3A_51 = arith.addi %mul3A_14, %add3A_50 : i32
      "tpu.region"() ({
        %run_scoped3A = tpu.sem_alloc : memref<!tpu.dma_semaphore, #tpu.memory_space<semaphore_mem>>
        %dma_start3A = arith.constant 0 : i32
        %dma_start3A_52 = arith.constant 0 : i32
        %dma_start3A_53 = tpu.memref_slice %arg12[%dma_start3A, %dma_start3A_52] : memref<128x128xf32, #tpu.memory_space<vmem>> -> memref<104x128xf32, #tpu.memory_space<vmem>>
        %dma_start3A_54 = arith.constant 0 : i32
        %dma_start3A_55 = tpu.memref_slice %arg8[%arg0, %add3A_51, %dma_start3A_54] : memref<2x10000x128xf32, #tpu.memory_space<hbm>> -> memref<1x104x128xf32, #tpu.memory_space<hbm>>
        %dma_start3A_56 = tpu.memref_squeeze %dma_start3A_55 : memref<1x104x128xf32, #tpu.memory_space<hbm>> -> memref<104x128xf32, #tpu.memory_space<hbm>>
        %dma_start3A_57 = arith.constant 0 : i32
        %dma_start3A_58 = tpu.memref_slice %arg8[%arg0, %add3A_51, %dma_start3A_57] : memref<2x10000x128xf32, #tpu.memory_space<hbm>> -> memref<1x104x128xf32, #tpu.memory_space<hbm>>
        %dma_start3A_59 = tpu.memref_squeeze %dma_start3A_58 : memref<1x104x128xf32, #tpu.memory_space<hbm>> -> memref<104x128xf32, #tpu.memory_space<hbm>>
        %dma_start3A_60 = arith.constant 0 : i32
        %dma_start3A_61 = arith.constant 0 : i32
        %dma_start3A_62 = tpu.memref_slice %arg12[%dma_start3A_60, %dma_start3A_61] : memref<128x128xf32, #tpu.memory_space<vmem>> -> memref<104x128xf32, #tpu.memory_space<vmem>>
        tpu.enqueue_dma source(%dma_start3A_62 : memref<104x128xf32, #tpu.memory_space<vmem>>) target(%dma_start3A_59 : memref<104x128xf32, #tpu.memory_space<hbm>>) target_semaphore(%run_scoped3A : memref<!tpu.dma_semaphore, #tpu.memory_space<semaphore_mem>>)
        %dma_wait3A = arith.constant 0 : i32
        %dma_wait3A_63 = arith.constant 0 : i32
        %dma_wait3A_64 = tpu.memref_slice %arg12[%dma_wait3A, %dma_wait3A_63] : memref<128x128xf32, #tpu.memory_space<vmem>> -> memref<104x128xf32, #tpu.memory_space<vmem>>
        %dma_wait3A_65 = arith.constant 0 : i32
        %dma_wait3A_66 = tpu.memref_slice %arg8[%arg0, %add3A_51, %dma_wait3A_65] : memref<2x10000x128xf32, #tpu.memory_space<hbm>> -> memref<1x104x128xf32, #tpu.memory_space<hbm>>
        %dma_wait3A_67 = tpu.memref_squeeze %dma_wait3A_66 : memref<1x104x128xf32, #tpu.memory_space<hbm>> -> memref<104x128xf32, #tpu.memory_space<hbm>>
        %dma_wait3A_68 = arith.constant 0 : i32
        %dma_wait3A_69 = tpu.memref_slice %arg8[%arg0, %add3A_51, %dma_wait3A_68] : memref<2x10000x128xf32, #tpu.memory_space<hbm>> -> memref<1x104x128xf32, #tpu.memory_space<hbm>>
        %dma_wait3A_70 = tpu.memref_squeeze %dma_wait3A_69 : memref<1x104x128xf32, #tpu.memory_space<hbm>> -> memref<104x128xf32, #tpu.memory_space<hbm>>
        %dma_wait3A_71 = arith.constant 0 : i32
        %dma_wait3A_72 = arith.constant 0 : i32
        %dma_wait3A_73 = tpu.memref_slice %arg12[%dma_wait3A_71, %dma_wait3A_72] : memref<128x128xf32, #tpu.memory_space<vmem>> -> memref<104x128xf32, #tpu.memory_space<vmem>>
        tpu.wait_dma2 semaphore(%run_scoped3A : memref<!tpu.dma_semaphore, #tpu.memory_space<semaphore_mem>>) src(%dma_wait3A_73 : memref<104x128xf32, #tpu.memory_space<vmem>>) dst(%dma_wait3A_70 : memref<104x128xf32, #tpu.memory_space<hbm>>)
        tpu.yield
      }) : () -> ()
    } else {
    }
    return
  }
}

module attributes {stable_mosaic.version = 14 : i64} {
  func.func @body(%arg0: i32, %arg1: memref<2x400x128xf32, #tpu.memory_space<vmem>>, %arg2: memref<2x400x1xf32, #tpu.memory_space<vmem>>, %arg3: memref<400x128xf32, #tpu.memory_space<vmem>>, %arg4: memref<128x128xf32, #tpu.memory_space<vmem>>, %arg5: memref<128x128xf32, #tpu.memory_space<vmem>>, %arg6: memref<1x128xf32, #tpu.memory_space<vmem>>, %arg7: memref<400x128xf32, #tpu.memory_space<vmem>>, %arg8: memref<400x1xf32, #tpu.memory_space<vmem>>) attributes {dimension_semantics = [#tpu.dimension_semantics<arbitrary>], iteration_bounds = array<i64: 25>, scalar_prefetch = 0 : i64, scratch_operands = 0 : i64, tpu.core_type = #tpu.core_type<tc>, window_params = [{transform_indices = @transform_0, window_bounds = array<i64: 2, 400, 128>}, {transform_indices = @transform_1, window_bounds = array<i64: 2, 400, 1>}, {transform_indices = @transform_2, window_bounds = array<i64: 400, 128>}, {pipeline_mode = #tpu.pipeline_mode<synchronous>, transform_indices = @transform_3, window_bounds = array<i64: 128, 128>}, {pipeline_mode = #tpu.pipeline_mode<synchronous>, transform_indices = @transform_4, window_bounds = array<i64: 128, 128>}, {pipeline_mode = #tpu.pipeline_mode<synchronous>, transform_indices = @transform_5, window_bounds = array<i64: 1, 128>}, {transform_indices = @transform_6, window_bounds = array<i64: 400, 128>}, {transform_indices = @transform_7, window_bounds = array<i64: 400, 1>}]} {
    %get3A = arith.constant 0 : index
    %get3A_0 = arith.constant 0 : index
    %get3A_1 = arith.constant 0 : index
    %get3A_2 = vector.load %arg2[%get3A, %get3A_0, %get3A_1] : memref<2x400x1xf32, #tpu.memory_space<vmem>>, vector<1x400x1xf32>
    %get3A_3 = vector.shape_cast %get3A_2 : vector<1x400x1xf32> to vector<400x1xf32>
    %get3A_4 = arith.constant 1 : index
    %get3A_5 = arith.constant 0 : index
    %get3A_6 = arith.constant 0 : index
    %get3A_7 = vector.load %arg2[%get3A_4, %get3A_5, %get3A_6] : memref<2x400x1xf32, #tpu.memory_space<vmem>>, vector<1x400x1xf32>
    %get3A_8 = vector.shape_cast %get3A_7 : vector<1x400x1xf32> to vector<400x1xf32>
    %add3A = arith.addf %get3A_3, %get3A_8 : vector<400x1xf32>
    %max3A = arith.constant 1.000000e+00 : f32
    %max3A_9 = vector.broadcast %max3A : f32 to vector<400x1xf32>
    %max3A_10 = arith.maximumf %add3A, %max3A_9 : vector<400x1xf32>
    %div3A = arith.constant 1.000000e+00 : f32
    %div3A_11 = vector.broadcast %div3A : f32 to vector<400x1xf32>
    %div3A_12 = arith.divf %div3A_11, %max3A_10 : vector<400x1xf32>
    %swap3A = arith.constant 0 : index
    %swap3A_13 = arith.constant 0 : index
    %swap3A_14 = vector.load %arg8[%swap3A, %swap3A_13] : memref<400x1xf32, #tpu.memory_space<vmem>>, vector<400x1xf32>
    tpu.vector_store %arg8[%swap3A, %swap3A_13], %div3A_12 {strides = array<i32>} : memref<400x1xf32, #tpu.memory_space<vmem>>, vector<400x1xf32>,
    %get3A_15 = arith.constant 0 : index
    %get3A_16 = arith.constant 0 : index
    %get3A_17 = arith.constant 0 : index
    %get3A_18 = vector.load %arg1[%get3A_15, %get3A_16, %get3A_17] : memref<2x400x128xf32, #tpu.memory_space<vmem>>, vector<1x400x128xf32>
    %get3A_19 = vector.shape_cast %get3A_18 : vector<1x400x128xf32> to vector<400x128xf32>
    %get3A_20 = arith.constant 1 : index
    %get3A_21 = arith.constant 0 : index
    %get3A_22 = arith.constant 0 : index
    %get3A_23 = vector.load %arg1[%get3A_20, %get3A_21, %get3A_22] : memref<2x400x128xf32, #tpu.memory_space<vmem>>, vector<1x400x128xf32>
    %get3A_24 = vector.shape_cast %get3A_23 : vector<1x400x128xf32> to vector<400x128xf32>
    %add3A_25 = arith.addf %get3A_19, %get3A_24 : vector<400x128xf32>
    %mul3A = vector.broadcast %div3A_12 : vector<400x1xf32> to vector<400x128xf32>
    %mul3A_26 = arith.mulf %add3A_25, %mul3A : vector<400x128xf32>
    %get3A_27 = arith.constant 0 : index
    %get3A_28 = arith.constant 0 : index
    %get3A_29 = vector.load %arg4[%get3A_27, %get3A_28] : memref<128x128xf32, #tpu.memory_space<vmem>>, vector<128x128xf32>
    %dot_general3A = arith.constant dense<0.000000e+00> : vector<400x128xf32>
    %dot_general3A_30 = tpu.matmul %mul3A_26, %get3A_29, %dot_general3A {dimension_numbers = #tpu.dot_dimension_numbers<[1], [0], [0], [1], [0, 0, 1, 1], [], []>, transpose_lhs_hint = false} : vector<400x128xf32>, vector<128x128xf32>, vector<400x128xf32> -> vector<400x128xf32>
    %get3A_31 = arith.constant 0 : index
    %get3A_32 = arith.constant 0 : index
    %get3A_33 = vector.load %arg3[%get3A_31, %get3A_32] : memref<400x128xf32, #tpu.memory_space<vmem>>, vector<400x128xf32>
    %get3A_34 = arith.constant 0 : index
    %get3A_35 = arith.constant 0 : index
    %get3A_36 = vector.load %arg5[%get3A_34, %get3A_35] : memref<128x128xf32, #tpu.memory_space<vmem>>, vector<128x128xf32>
    %dot_general3A_37 = arith.constant dense<0.000000e+00> : vector<400x128xf32>
    %dot_general3A_38 = tpu.matmul %get3A_33, %get3A_36, %dot_general3A_37 {dimension_numbers = #tpu.dot_dimension_numbers<[1], [0], [0], [1], [0, 0, 1, 1], [], []>, transpose_lhs_hint = false} : vector<400x128xf32>, vector<128x128xf32>, vector<400x128xf32> -> vector<400x128xf32>
    %add3A_39 = arith.addf %dot_general3A_30, %dot_general3A_38 : vector<400x128xf32>
    %get3A_40 = arith.constant 0 : index
    %get3A_41 = arith.constant 0 : index
    %get3A_42 = vector.load %arg6[%get3A_40, %get3A_41] : memref<1x128xf32, #tpu.memory_space<vmem>>, vector<1x128xf32>
    %add3A_43 = vector.broadcast %get3A_42 : vector<1x128xf32> to vector<400x128xf32>
    %add3A_44 = arith.addf %add3A_39, %add3A_43 : vector<400x128xf32>
    %max3A_45 = arith.constant 0.000000e+00 : f32
    %max3A_46 = vector.broadcast %max3A_45 : f32 to vector<400x128xf32>
    %max3A_47 = arith.maximumf %add3A_44, %max3A_46 : vector<400x128xf32>
    %swap3A_48 = arith.constant 0 : index
    %swap3A_49 = arith.constant 0 : index
    %swap3A_50 = vector.load %arg7[%swap3A_48, %swap3A_49] : memref<400x128xf32, #tpu.memory_space<vmem>>, vector<400x128xf32>
    tpu.vector_store %arg7[%swap3A_48, %swap3A_49], %max3A_47 {strides = array<i32>} : memref<400x128xf32, #tpu.memory_space<vmem>>, vector<400x128xf32>,
    return
  }
  func.func @transform_0(%arg0: i32) -> (i32, i32, i32) {
    %c0_i32 = arith.constant 0 : i32
    %c0_i32_0 = arith.constant 0 : i32
    %c0_i32_1 = arith.constant 0 : i32
    return %c0_i32, %arg0, %c0_i32_0 : i32, i32, i32
  }
  func.func @transform_1(%arg0: i32) -> (i32, i32, i32) {
    %c0_i32 = arith.constant 0 : i32
    %c0_i32_0 = arith.constant 0 : i32
    %c0_i32_1 = arith.constant 0 : i32
    return %c0_i32, %arg0, %c0_i32_0 : i32, i32, i32
  }
  func.func @transform_2(%arg0: i32) -> (i32, i32) {
    %c0_i32 = arith.constant 0 : i32
    %c0_i32_0 = arith.constant 0 : i32
    return %arg0, %c0_i32 : i32, i32
  }
  func.func @transform_3(%arg0: i32) -> (i32, i32) {
    %c0_i32 = arith.constant 0 : i32
    %c0_i32_0 = arith.constant 0 : i32
    %c0_i32_1 = arith.constant 0 : i32
    return %c0_i32, %c0_i32_0 : i32, i32
  }
  func.func @transform_4(%arg0: i32) -> (i32, i32) {
    %c0_i32 = arith.constant 0 : i32
    %c0_i32_0 = arith.constant 0 : i32
    %c0_i32_1 = arith.constant 0 : i32
    return %c0_i32, %c0_i32_0 : i32, i32
  }
  func.func @transform_5(%arg0: i32) -> (i32, i32) {
    %c0_i32 = arith.constant 0 : i32
    %c0_i32_0 = arith.constant 0 : i32
    %c0_i32_1 = arith.constant 0 : i32
    return %c0_i32, %c0_i32_0 : i32, i32
  }
  func.func @transform_6(%arg0: i32) -> (i32, i32) {
    %c0_i32 = arith.constant 0 : i32
    %c0_i32_0 = arith.constant 0 : i32
    return %arg0, %c0_i32 : i32, i32
  }
  func.func @transform_7(%arg0: i32) -> (i32, i32) {
    %c0_i32 = arith.constant 0 : i32
    %c0_i32_0 = arith.constant 0 : i32
    return %arg0, %c0_i32 : i32, i32
  }
}

module attributes {stable_mosaic.version = 14 : i64} {
  func.func @body(%arg0: i32, %arg1: memref<2x400x128xf32, #tpu.memory_space<vmem>>, %arg2: memref<400x1xf32, #tpu.memory_space<vmem>>, %arg3: memref<400x128xf32, #tpu.memory_space<vmem>>, %arg4: memref<128x256xf32, #tpu.memory_space<vmem>>, %arg5: memref<128x256xf32, #tpu.memory_space<vmem>>, %arg6: memref<1x256xf32, #tpu.memory_space<vmem>>, %arg7: memref<400x256xf32, #tpu.memory_space<vmem>>) attributes {dimension_semantics = [#tpu.dimension_semantics<arbitrary>], iteration_bounds = array<i64: 25>, scalar_prefetch = 0 : i64, scratch_operands = 0 : i64, tpu.core_type = #tpu.core_type<tc>, window_params = [{transform_indices = @transform_0, window_bounds = array<i64: 2, 400, 128>}, {transform_indices = @transform_1, window_bounds = array<i64: 400, 1>}, {transform_indices = @transform_2, window_bounds = array<i64: 400, 128>}, {pipeline_mode = #tpu.pipeline_mode<synchronous>, transform_indices = @transform_3, window_bounds = array<i64: 128, 256>}, {pipeline_mode = #tpu.pipeline_mode<synchronous>, transform_indices = @transform_4, window_bounds = array<i64: 128, 256>}, {pipeline_mode = #tpu.pipeline_mode<synchronous>, transform_indices = @transform_5, window_bounds = array<i64: 1, 256>}, {transform_indices = @transform_6, window_bounds = array<i64: 400, 256>}]} {
    %get3A = arith.constant 0 : index
    %get3A_0 = arith.constant 0 : index
    %get3A_1 = vector.load %arg2[%get3A, %get3A_0] : memref<400x1xf32, #tpu.memory_space<vmem>>, vector<400x1xf32>
    %get3A_2 = arith.constant 0 : index
    %get3A_3 = arith.constant 0 : index
    %get3A_4 = arith.constant 0 : index
    %get3A_5 = vector.load %arg1[%get3A_2, %get3A_3, %get3A_4] : memref<2x400x128xf32, #tpu.memory_space<vmem>>, vector<1x400x128xf32>
    %get3A_6 = vector.shape_cast %get3A_5 : vector<1x400x128xf32> to vector<400x128xf32>
    %get3A_7 = arith.constant 1 : index
    %get3A_8 = arith.constant 0 : index
    %get3A_9 = arith.constant 0 : index
    %get3A_10 = vector.load %arg1[%get3A_7, %get3A_8, %get3A_9] : memref<2x400x128xf32, #tpu.memory_space<vmem>>, vector<1x400x128xf32>
    %get3A_11 = vector.shape_cast %get3A_10 : vector<1x400x128xf32> to vector<400x128xf32>
    %add3A = arith.addf %get3A_6, %get3A_11 : vector<400x128xf32>
    %mul3A = vector.broadcast %get3A_1 : vector<400x1xf32> to vector<400x128xf32>
    %mul3A_12 = arith.mulf %add3A, %mul3A : vector<400x128xf32>
    %get3A_13 = arith.constant 0 : index
    %get3A_14 = arith.constant 0 : index
    %get3A_15 = vector.load %arg4[%get3A_13, %get3A_14] : memref<128x256xf32, #tpu.memory_space<vmem>>, vector<128x256xf32>
    %dot_general3A = arith.constant dense<0.000000e+00> : vector<400x256xf32>
    %dot_general3A_16 = tpu.matmul %mul3A_12, %get3A_15, %dot_general3A {dimension_numbers = #tpu.dot_dimension_numbers<[1], [0], [0], [1], [0, 0, 1, 1], [], []>, transpose_lhs_hint = false} : vector<400x128xf32>, vector<128x256xf32>, vector<400x256xf32> -> vector<400x256xf32>
    %get3A_17 = arith.constant 0 : index
    %get3A_18 = arith.constant 0 : index
    %get3A_19 = vector.load %arg3[%get3A_17, %get3A_18] : memref<400x128xf32, #tpu.memory_space<vmem>>, vector<400x128xf32>
    %get3A_20 = arith.constant 0 : index
    %get3A_21 = arith.constant 0 : index
    %get3A_22 = vector.load %arg5[%get3A_20, %get3A_21] : memref<128x256xf32, #tpu.memory_space<vmem>>, vector<128x256xf32>
    %dot_general3A_23 = arith.constant dense<0.000000e+00> : vector<400x256xf32>
    %dot_general3A_24 = tpu.matmul %get3A_19, %get3A_22, %dot_general3A_23 {dimension_numbers = #tpu.dot_dimension_numbers<[1], [0], [0], [1], [0, 0, 1, 1], [], []>, transpose_lhs_hint = false} : vector<400x128xf32>, vector<128x256xf32>, vector<400x256xf32> -> vector<400x256xf32>
    %add3A_25 = arith.addf %dot_general3A_16, %dot_general3A_24 : vector<400x256xf32>
    %get3A_26 = arith.constant 0 : index
    %get3A_27 = arith.constant 0 : index
    %get3A_28 = vector.load %arg6[%get3A_26, %get3A_27] : memref<1x256xf32, #tpu.memory_space<vmem>>, vector<1x256xf32>
    %add3A_29 = vector.broadcast %get3A_28 : vector<1x256xf32> to vector<400x256xf32>
    %add3A_30 = arith.addf %add3A_25, %add3A_29 : vector<400x256xf32>
    %max3A = arith.constant 0.000000e+00 : f32
    %max3A_31 = vector.broadcast %max3A : f32 to vector<400x256xf32>
    %max3A_32 = arith.maximumf %add3A_30, %max3A_31 : vector<400x256xf32>
    %swap3A = arith.constant 0 : index
    %swap3A_33 = arith.constant 0 : index
    %swap3A_34 = vector.load %arg7[%swap3A, %swap3A_33] : memref<400x256xf32, #tpu.memory_space<vmem>>, vector<400x256xf32>
    tpu.vector_store %arg7[%swap3A, %swap3A_33], %max3A_32 {strides = array<i32>} : memref<400x256xf32, #tpu.memory_space<vmem>>, vector<400x256xf32>,
    return
  }
  func.func @transform_0(%arg0: i32) -> (i32, i32, i32) {
    %c0_i32 = arith.constant 0 : i32
    %c0_i32_0 = arith.constant 0 : i32
    %c0_i32_1 = arith.constant 0 : i32
    return %c0_i32, %arg0, %c0_i32_0 : i32, i32, i32
  }
  func.func @transform_1(%arg0: i32) -> (i32, i32) {
    %c0_i32 = arith.constant 0 : i32
    %c0_i32_0 = arith.constant 0 : i32
    return %arg0, %c0_i32 : i32, i32
  }
  func.func @transform_2(%arg0: i32) -> (i32, i32) {
    %c0_i32 = arith.constant 0 : i32
    %c0_i32_0 = arith.constant 0 : i32
    return %arg0, %c0_i32 : i32, i32
  }
  func.func @transform_3(%arg0: i32) -> (i32, i32) {
    %c0_i32 = arith.constant 0 : i32
    %c0_i32_0 = arith.constant 0 : i32
    %c0_i32_1 = arith.constant 0 : i32
    return %c0_i32, %c0_i32_0 : i32, i32
  }
  func.func @transform_4(%arg0: i32) -> (i32, i32) {
    %c0_i32 = arith.constant 0 : i32
    %c0_i32_0 = arith.constant 0 : i32
    %c0_i32_1 = arith.constant 0 : i32
    return %c0_i32, %c0_i32_0 : i32, i32
  }
  func.func @transform_5(%arg0: i32) -> (i32, i32) {
    %c0_i32 = arith.constant 0 : i32
    %c0_i32_0 = arith.constant 0 : i32
    %c0_i32_1 = arith.constant 0 : i32
    return %c0_i32, %c0_i32_0 : i32, i32
  }
  func.func @transform_6(%arg0: i32) -> (i32, i32) {
    %c0_i32 = arith.constant 0 : i32
    %c0_i32_0 = arith.constant 0 : i32
    return %arg0, %c0_i32 : i32, i32
  }
}

module attributes {stable_mosaic.version = 14 : i64} {
  func.func @body(%arg0: i32, %arg1: memref<1x4380x3xf32, #tpu.memory_space<vmem>>, %arg2: memref<12x96xf32, #tpu.memory_space<vmem>>, %arg3: memref<1x96xf32, #tpu.memory_space<vmem>>, %arg4: memref<1x4377x32xf32, #tpu.memory_space<vmem>>) attributes {dimension_semantics = [#tpu.dimension_semantics<arbitrary>], iteration_bounds = array<i64: 64>, scalar_prefetch = 0 : i64, scratch_operands = 0 : i64, tpu.core_type = #tpu.core_type<tc>, window_params = [{transform_indices = @transform_0, window_bounds = array<i64: 1, 4380, 3>}, {pipeline_mode = #tpu.pipeline_mode<synchronous>, transform_indices = @transform_1, window_bounds = array<i64: 12, 96>}, {pipeline_mode = #tpu.pipeline_mode<synchronous>, transform_indices = @transform_2, window_bounds = array<i64: 1, 96>}, {transform_indices = @transform_3, window_bounds = array<i64: 1, 4377, 32>}]} {
    %get3A = arith.constant 0 : index
    %get3A_0 = arith.constant 0 : index
    %get3A_1 = arith.constant 0 : index
    %get3A_2 = vector.load %arg1[%get3A, %get3A_0, %get3A_1] : memref<1x4380x3xf32, #tpu.memory_space<vmem>>, vector<1x4380x3xf32>
    %reshape3A = vector.shape_cast %get3A_2 : vector<1x4380x3xf32> to vector<4380x3xf32>
    %slice3A = vector.extract_strided_slice %reshape3A {offsets = [0, 0], sizes = [4377, 3], strides = [1, 1]} : vector<4380x3xf32> to vector<4377x3xf32>
    %slice3A_3 = vector.extract_strided_slice %reshape3A {offsets = [1, 0], sizes = [4377, 3], strides = [1, 1]} : vector<4380x3xf32> to vector<4377x3xf32>
    %slice3A_4 = vector.extract_strided_slice %reshape3A {offsets = [2, 0], sizes = [4377, 3], strides = [1, 1]} : vector<4380x3xf32> to vector<4377x3xf32>
    %slice3A_5 = vector.extract_strided_slice %reshape3A {offsets = [3, 0], sizes = [4377, 3], strides = [1, 1]} : vector<4380x3xf32> to vector<4377x3xf32>
    %concatenate3A = tpu.concatenate %slice3A, %slice3A_3, %slice3A_4, %slice3A_5 in 1 : vector<4377x3xf32>, vector<4377x3xf32>, vector<4377x3xf32>, vector<4377x3xf32> -> vector<4377x12xf32>
    %get3A_6 = arith.constant 0 : index
    %get3A_7 = arith.constant 0 : index
    %get3A_8 = vector.load %arg2[%get3A_6, %get3A_7] : memref<12x96xf32, #tpu.memory_space<vmem>>, vector<12x96xf32>
    %dot_general3A = arith.constant dense<0.000000e+00> : vector<4377x96xf32>
    %dot_general3A_9 = tpu.matmul %concatenate3A, %get3A_8, %dot_general3A {dimension_numbers = #tpu.dot_dimension_numbers<[1], [0], [0], [1], [0, 0, 1, 1], [], []>, transpose_lhs_hint = false} : vector<4377x12xf32>, vector<12x96xf32>, vector<4377x96xf32> -> vector<4377x96xf32>
    %get3A_10 = arith.constant 0 : index
    %get3A_11 = arith.constant 0 : index
    %get3A_12 = vector.load %arg3[%get3A_10, %get3A_11] : memref<1x96xf32, #tpu.memory_space<vmem>>, vector<1x96xf32>
    %add3A = vector.broadcast %get3A_12 : vector<1x96xf32> to vector<4377x96xf32>
    %add3A_13 = arith.addf %dot_general3A_9, %add3A : vector<4377x96xf32>
    %max3A = arith.constant 0.000000e+00 : f32
    %max3A_14 = vector.broadcast %max3A : f32 to vector<4377x96xf32>
    %max3A_15 = arith.maximumf %add3A_13, %max3A_14 : vector<4377x96xf32>
    %slice3A_16 = vector.extract_strided_slice %max3A_15 {offsets = [0, 0], sizes = [4377, 32], strides = [1, 1]} : vector<4377x96xf32> to vector<4377x32xf32>
    %slice3A_17 = vector.extract_strided_slice %max3A_15 {offsets = [0, 32], sizes = [4377, 32], strides = [1, 1]} : vector<4377x96xf32> to vector<4377x32xf32>
    %max3A_18 = arith.maximumf %slice3A_16, %slice3A_17 : vector<4377x32xf32>
    %slice3A_19 = vector.extract_strided_slice %max3A_15 {offsets = [0, 64], sizes = [4377, 32], strides = [1, 1]} : vector<4377x96xf32> to vector<4377x32xf32>
    %max3A_20 = arith.maximumf %max3A_18, %slice3A_19 : vector<4377x32xf32>
    %broadcast_in_dim3A = vector.shape_cast %max3A_20 : vector<4377x32xf32> to vector<1x4377x32xf32>
    %swap3A = arith.constant 0 : index
    %swap3A_21 = arith.constant 0 : index
    %swap3A_22 = arith.constant 0 : index
    %swap3A_23 = vector.load %arg4[%swap3A, %swap3A_21, %swap3A_22] : memref<1x4377x32xf32, #tpu.memory_space<vmem>>, vector<1x4377x32xf32>
    tpu.vector_store %arg4[%swap3A, %swap3A_21, %swap3A_22], %broadcast_in_dim3A {strides = array<i32>} : memref<1x4377x32xf32, #tpu.memory_space<vmem>>, vector<1x4377x32xf32>,
    return
  }
  func.func @transform_0(%arg0: i32) -> (i32, i32, i32) {
    %c0_i32 = arith.constant 0 : i32
    %c0_i32_0 = arith.constant 0 : i32
    %c0_i32_1 = arith.constant 0 : i32
    return %arg0, %c0_i32, %c0_i32_0 : i32, i32, i32
  }
  func.func @transform_1(%arg0: i32) -> (i32, i32) {
    %c0_i32 = arith.constant 0 : i32
    %c0_i32_0 = arith.constant 0 : i32
    %c0_i32_1 = arith.constant 0 : i32
    return %c0_i32, %c0_i32_0 : i32, i32
  }
  func.func @transform_2(%arg0: i32) -> (i32, i32) {
    %c0_i32 = arith.constant 0 : i32
    %c0_i32_0 = arith.constant 0 : i32
    %c0_i32_1 = arith.constant 0 : i32
    return %c0_i32, %c0_i32_0 : i32, i32
  }
  func.func @transform_3(%arg0: i32) -> (i32, i32, i32) {
    %c0_i32 = arith.constant 0 : i32
    %c0_i32_0 = arith.constant 0 : i32
    %c0_i32_1 = arith.constant 0 : i32
    return %arg0, %c0_i32, %c0_i32_0 : i32, i32, i32
  }
}

module attributes {stable_mosaic.version = 14 : i64} {
  func.func @body(%arg0: i32, %arg1: memref<1x1459x96xf32, #tpu.memory_space<vmem>>, %arg2: memref<384x192xf32, #tpu.memory_space<vmem>>, %arg3: memref<1x192xf32, #tpu.memory_space<vmem>>, %arg4: memref<1x1456x64xf32, #tpu.memory_space<vmem>>) attributes {dimension_semantics = [#tpu.dimension_semantics<arbitrary>], iteration_bounds = array<i64: 64>, scalar_prefetch = 0 : i64, scratch_operands = 0 : i64, tpu.core_type = #tpu.core_type<tc>, window_params = [{transform_indices = @transform_0, window_bounds = array<i64: 1, 1459, 96>}, {pipeline_mode = #tpu.pipeline_mode<synchronous>, transform_indices = @transform_1, window_bounds = array<i64: 384, 192>}, {pipeline_mode = #tpu.pipeline_mode<synchronous>, transform_indices = @transform_2, window_bounds = array<i64: 1, 192>}, {transform_indices = @transform_3, window_bounds = array<i64: 1, 1456, 64>}]} {
    %get3A = arith.constant 0 : index
    %get3A_0 = arith.constant 0 : index
    %get3A_1 = arith.constant 0 : index
    %get3A_2 = vector.load %arg1[%get3A, %get3A_0, %get3A_1] : memref<1x1459x96xf32, #tpu.memory_space<vmem>>, vector<1x1459x96xf32>
    %reshape3A = vector.shape_cast %get3A_2 : vector<1x1459x96xf32> to vector<1459x96xf32>
    %slice3A = vector.extract_strided_slice %reshape3A {offsets = [0, 0], sizes = [1456, 96], strides = [1, 1]} : vector<1459x96xf32> to vector<1456x96xf32>
    %slice3A_3 = vector.extract_strided_slice %reshape3A {offsets = [1, 0], sizes = [1456, 96], strides = [1, 1]} : vector<1459x96xf32> to vector<1456x96xf32>
    %slice3A_4 = vector.extract_strided_slice %reshape3A {offsets = [2, 0], sizes = [1456, 96], strides = [1, 1]} : vector<1459x96xf32> to vector<1456x96xf32>
    %slice3A_5 = vector.extract_strided_slice %reshape3A {offsets = [3, 0], sizes = [1456, 96], strides = [1, 1]} : vector<1459x96xf32> to vector<1456x96xf32>
    %concatenate3A = tpu.concatenate %slice3A, %slice3A_3, %slice3A_4, %slice3A_5 in 1 : vector<1456x96xf32>, vector<1456x96xf32>, vector<1456x96xf32>, vector<1456x96xf32> -> vector<1456x384xf32>
    %get3A_6 = arith.constant 0 : index
    %get3A_7 = arith.constant 0 : index
    %get3A_8 = vector.load %arg2[%get3A_6, %get3A_7] : memref<384x192xf32, #tpu.memory_space<vmem>>, vector<384x192xf32>
    %dot_general3A = arith.constant dense<0.000000e+00> : vector<1456x192xf32>
    %dot_general3A_9 = tpu.matmul %concatenate3A, %get3A_8, %dot_general3A {dimension_numbers = #tpu.dot_dimension_numbers<[1], [0], [0], [1], [0, 0, 1, 1], [], []>, transpose_lhs_hint = false} : vector<1456x384xf32>, vector<384x192xf32>, vector<1456x192xf32> -> vector<1456x192xf32>
    %get3A_10 = arith.constant 0 : index
    %get3A_11 = arith.constant 0 : index
    %get3A_12 = vector.load %arg3[%get3A_10, %get3A_11] : memref<1x192xf32, #tpu.memory_space<vmem>>, vector<1x192xf32>
    %add3A = vector.broadcast %get3A_12 : vector<1x192xf32> to vector<1456x192xf32>
    %add3A_13 = arith.addf %dot_general3A_9, %add3A : vector<1456x192xf32>
    %max3A = arith.constant 0.000000e+00 : f32
    %max3A_14 = vector.broadcast %max3A : f32 to vector<1456x192xf32>
    %max3A_15 = arith.maximumf %add3A_13, %max3A_14 : vector<1456x192xf32>
    %slice3A_16 = vector.extract_strided_slice %max3A_15 {offsets = [0, 0], sizes = [1456, 64], strides = [1, 1]} : vector<1456x192xf32> to vector<1456x64xf32>
    %slice3A_17 = vector.extract_strided_slice %max3A_15 {offsets = [0, 64], sizes = [1456, 64], strides = [1, 1]} : vector<1456x192xf32> to vector<1456x64xf32>
    %max3A_18 = arith.maximumf %slice3A_16, %slice3A_17 : vector<1456x64xf32>
    %slice3A_19 = vector.extract_strided_slice %max3A_15 {offsets = [0, 128], sizes = [1456, 64], strides = [1, 1]} : vector<1456x192xf32> to vector<1456x64xf32>
    %max3A_20 = arith.maximumf %max3A_18, %slice3A_19 : vector<1456x64xf32>
    %broadcast_in_dim3A = vector.shape_cast %max3A_20 : vector<1456x64xf32> to vector<1x1456x64xf32>
    %swap3A = arith.constant 0 : index
    %swap3A_21 = arith.constant 0 : index
    %swap3A_22 = arith.constant 0 : index
    %swap3A_23 = vector.load %arg4[%swap3A, %swap3A_21, %swap3A_22] : memref<1x1456x64xf32, #tpu.memory_space<vmem>>, vector<1x1456x64xf32>
    tpu.vector_store %arg4[%swap3A, %swap3A_21, %swap3A_22], %broadcast_in_dim3A {strides = array<i32>} : memref<1x1456x64xf32, #tpu.memory_space<vmem>>, vector<1x1456x64xf32>,
    return
  }
  func.func @transform_0(%arg0: i32) -> (i32, i32, i32) {
    %c0_i32 = arith.constant 0 : i32
    %c0_i32_0 = arith.constant 0 : i32
    %c0_i32_1 = arith.constant 0 : i32
    return %arg0, %c0_i32, %c0_i32_0 : i32, i32, i32
  }
  func.func @transform_1(%arg0: i32) -> (i32, i32) {
    %c0_i32 = arith.constant 0 : i32
    %c0_i32_0 = arith.constant 0 : i32
    %c0_i32_1 = arith.constant 0 : i32
    return %c0_i32, %c0_i32_0 : i32, i32
  }
  func.func @transform_2(%arg0: i32) -> (i32, i32) {
    %c0_i32 = arith.constant 0 : i32
    %c0_i32_0 = arith.constant 0 : i32
    %c0_i32_1 = arith.constant 0 : i32
    return %c0_i32, %c0_i32_0 : i32, i32
  }
  func.func @transform_3(%arg0: i32) -> (i32, i32, i32) {
    %c0_i32 = arith.constant 0 : i32
    %c0_i32_0 = arith.constant 0 : i32
    %c0_i32_1 = arith.constant 0 : i32
    return %arg0, %c0_i32, %c0_i32_0 : i32, i32, i32
  }
}

module attributes {stable_mosaic.version = 14 : i64} {
  func.func @body(%arg0: i32, %arg1: memref<1x1456x64xf32, #tpu.memory_space<vmem>>, %arg2: memref<8x64x128xf32, #tpu.memory_space<vmem>>, %arg3: memref<1x128xf32, #tpu.memory_space<vmem>>, %arg4: memref<1x483x128xf32, #tpu.memory_space<vmem>>) attributes {dimension_semantics = [#tpu.dimension_semantics<arbitrary>], iteration_bounds = array<i64: 64>, scalar_prefetch = 0 : i64, scratch_operands = 0 : i64, tpu.core_type = #tpu.core_type<tc>, window_params = [{transform_indices = @transform_0, window_bounds = array<i64: 1, 1456, 64>}, {pipeline_mode = #tpu.pipeline_mode<synchronous>, transform_indices = @transform_1, window_bounds = array<i64: 8, 64, 128>}, {pipeline_mode = #tpu.pipeline_mode<synchronous>, transform_indices = @transform_2, window_bounds = array<i64: 1, 128>}, {transform_indices = @transform_3, window_bounds = array<i64: 1, 483, 128>}]} {
    %get3A = arith.constant 0 : index
    %get3A_0 = arith.constant 0 : index
    %get3A_1 = arith.constant 0 : index
    %get3A_2 = vector.load %arg1[%get3A, %get3A_0, %get3A_1] : memref<1x1456x64xf32, #tpu.memory_space<vmem>>, vector<1x1456x64xf32>
    %reshape3A = vector.shape_cast %get3A_2 : vector<1x1456x64xf32> to vector<1456x64xf32>
    %get3A_3 = arith.constant 0 : index
    %get3A_4 = arith.constant 0 : index
    %get3A_5 = vector.load %arg3[%get3A_3, %get3A_4] : memref<1x128xf32, #tpu.memory_space<vmem>>, vector<1x128xf32>
    %slice3A = vector.extract_strided_slice %reshape3A {offsets = [0, 0], sizes = [1449, 64], strides = [1, 1]} : vector<1456x64xf32> to vector<1449x64xf32>
    %get3A_6 = arith.constant 0 : index
    %get3A_7 = arith.constant 0 : index
    %get3A_8 = arith.constant 0 : index
    %get3A_9 = vector.load %arg2[%get3A_6, %get3A_7, %get3A_8] : memref<8x64x128xf32, #tpu.memory_space<vmem>>, vector<1x64x128xf32>
    %get3A_10 = vector.shape_cast %get3A_9 : vector<1x64x128xf32> to vector<64x128xf32>
    %dot_general3A = arith.constant dense<0.000000e+00> : vector<1449x128xf32>
    %dot_general3A_11 = tpu.matmul %slice3A, %get3A_10, %dot_general3A {dimension_numbers = #tpu.dot_dimension_numbers<[1], [0], [0], [1], [0, 0, 1, 1], [], []>, transpose_lhs_hint = false} : vector<1449x64xf32>, vector<64x128xf32>, vector<1449x128xf32> -> vector<1449x128xf32>
    %add3A = vector.broadcast %get3A_5 : vector<1x128xf32> to vector<1449x128xf32>
    %add3A_12 = arith.addf %add3A, %dot_general3A_11 : vector<1449x128xf32>
    %slice3A_13 = vector.extract_strided_slice %reshape3A {offsets = [1, 0], sizes = [1449, 64], strides = [1, 1]} : vector<1456x64xf32> to vector<1449x64xf32>
    %get3A_14 = arith.constant 1 : index
    %get3A_15 = arith.constant 0 : index
    %get3A_16 = arith.constant 0 : index
    %get3A_17 = vector.load %arg2[%get3A_14, %get3A_15, %get3A_16] : memref<8x64x128xf32, #tpu.memory_space<vmem>>, vector<1x64x128xf32>
    %get3A_18 = vector.shape_cast %get3A_17 : vector<1x64x128xf32> to vector<64x128xf32>
    %dot_general3A_19 = arith.constant dense<0.000000e+00> : vector<1449x128xf32>
    %dot_general3A_20 = tpu.matmul %slice3A_13, %get3A_18, %dot_general3A_19 {dimension_numbers = #tpu.dot_dimension_numbers<[1], [0], [0], [1], [0, 0, 1, 1], [], []>, transpose_lhs_hint = false} : vector<1449x64xf32>, vector<64x128xf32>, vector<1449x128xf32> -> vector<1449x128xf32>
    %add3A_21 = arith.addf %add3A_12, %dot_general3A_20 : vector<1449x128xf32>
    %slice3A_22 = vector.extract_strided_slice %reshape3A {offsets = [2, 0], sizes = [1449, 64], strides = [1, 1]} : vector<1456x64xf32> to vector<1449x64xf32>
    %get3A_23 = arith.constant 2 : index
    %get3A_24 = arith.constant 0 : index
    %get3A_25 = arith.constant 0 : index
    %get3A_26 = vector.load %arg2[%get3A_23, %get3A_24, %get3A_25] : memref<8x64x128xf32, #tpu.memory_space<vmem>>, vector<1x64x128xf32>
    %get3A_27 = vector.shape_cast %get3A_26 : vector<1x64x128xf32> to vector<64x128xf32>
    %dot_general3A_28 = arith.constant dense<0.000000e+00> : vector<1449x128xf32>
    %dot_general3A_29 = tpu.matmul %slice3A_22, %get3A_27, %dot_general3A_28 {dimension_numbers = #tpu.dot_dimension_numbers<[1], [0], [0], [1], [0, 0, 1, 1], [], []>, transpose_lhs_hint = false} : vector<1449x64xf32>, vector<64x128xf32>, vector<1449x128xf32> -> vector<1449x128xf32>
    %add3A_30 = arith.addf %add3A_21, %dot_general3A_29 : vector<1449x128xf32>
    %slice3A_31 = vector.extract_strided_slice %reshape3A {offsets = [3, 0], sizes = [1449, 64], strides = [1, 1]} : vector<1456x64xf32> to vector<1449x64xf32>
    %get3A_32 = arith.constant 3 : index
    %get3A_33 = arith.constant 0 : index
    %get3A_34 = arith.constant 0 : index
    %get3A_35 = vector.load %arg2[%get3A_32, %get3A_33, %get3A_34] : memref<8x64x128xf32, #tpu.memory_space<vmem>>, vector<1x64x128xf32>
    %get3A_36 = vector.shape_cast %get3A_35 : vector<1x64x128xf32> to vector<64x128xf32>
    %dot_general3A_37 = arith.constant dense<0.000000e+00> : vector<1449x128xf32>
    %dot_general3A_38 = tpu.matmul %slice3A_31, %get3A_36, %dot_general3A_37 {dimension_numbers = #tpu.dot_dimension_numbers<[1], [0], [0], [1], [0, 0, 1, 1], [], []>, transpose_lhs_hint = false} : vector<1449x64xf32>, vector<64x128xf32>, vector<1449x128xf32> -> vector<1449x128xf32>
    %add3A_39 = arith.addf %add3A_30, %dot_general3A_38 : vector<1449x128xf32>
    %slice3A_40 = vector.extract_strided_slice %reshape3A {offsets = [4, 0], sizes = [1449, 64], strides = [1, 1]} : vector<1456x64xf32> to vector<1449x64xf32>
    %get3A_41 = arith.constant 4 : index
    %get3A_42 = arith.constant 0 : index
    %get3A_43 = arith.constant 0 : index
    %get3A_44 = vector.load %arg2[%get3A_41, %get3A_42, %get3A_43] : memref<8x64x128xf32, #tpu.memory_space<vmem>>, vector<1x64x128xf32>
    %get3A_45 = vector.shape_cast %get3A_44 : vector<1x64x128xf32> to vector<64x128xf32>
    %dot_general3A_46 = arith.constant dense<0.000000e+00> : vector<1449x128xf32>
    %dot_general3A_47 = tpu.matmul %slice3A_40, %get3A_45, %dot_general3A_46 {dimension_numbers = #tpu.dot_dimension_numbers<[1], [0], [0], [1], [0, 0, 1, 1], [], []>, transpose_lhs_hint = false} : vector<1449x64xf32>, vector<64x128xf32>, vector<1449x128xf32> -> vector<1449x128xf32>
    %add3A_48 = arith.addf %add3A_39, %dot_general3A_47 : vector<1449x128xf32>
    %slice3A_49 = vector.extract_strided_slice %reshape3A {offsets = [5, 0], sizes = [1449, 64], strides = [1, 1]} : vector<1456x64xf32> to vector<1449x64xf32>
    %get3A_50 = arith.constant 5 : index
    %get3A_51 = arith.constant 0 : index
    %get3A_52 = arith.constant 0 : index
    %get3A_53 = vector.load %arg2[%get3A_50, %get3A_51, %get3A_52] : memref<8x64x128xf32, #tpu.memory_space<vmem>>, vector<1x64x128xf32>
    %get3A_54 = vector.shape_cast %get3A_53 : vector<1x64x128xf32> to vector<64x128xf32>
    %dot_general3A_55 = arith.constant dense<0.000000e+00> : vector<1449x128xf32>
    %dot_general3A_56 = tpu.matmul %slice3A_49, %get3A_54, %dot_general3A_55 {dimension_numbers = #tpu.dot_dimension_numbers<[1], [0], [0], [1], [0, 0, 1, 1], [], []>, transpose_lhs_hint = false} : vector<1449x64xf32>, vector<64x128xf32>, vector<1449x128xf32> -> vector<1449x128xf32>
    %add3A_57 = arith.addf %add3A_48, %dot_general3A_56 : vector<1449x128xf32>
    %slice3A_58 = vector.extract_strided_slice %reshape3A {offsets = [6, 0], sizes = [1449, 64], strides = [1, 1]} : vector<1456x64xf32> to vector<1449x64xf32>
    %get3A_59 = arith.constant 6 : index
    %get3A_60 = arith.constant 0 : index
    %get3A_61 = arith.constant 0 : index
    %get3A_62 = vector.load %arg2[%get3A_59, %get3A_60, %get3A_61] : memref<8x64x128xf32, #tpu.memory_space<vmem>>, vector<1x64x128xf32>
    %get3A_63 = vector.shape_cast %get3A_62 : vector<1x64x128xf32> to vector<64x128xf32>
    %dot_general3A_64 = arith.constant dense<0.000000e+00> : vector<1449x128xf32>
    %dot_general3A_65 = tpu.matmul %slice3A_58, %get3A_63, %dot_general3A_64 {dimension_numbers = #tpu.dot_dimension_numbers<[1], [0], [0], [1], [0, 0, 1, 1], [], []>, transpose_lhs_hint = false} : vector<1449x64xf32>, vector<64x128xf32>, vector<1449x128xf32> -> vector<1449x128xf32>
    %add3A_66 = arith.addf %add3A_57, %dot_general3A_65 : vector<1449x128xf32>
    %slice3A_67 = vector.extract_strided_slice %reshape3A {offsets = [7, 0], sizes = [1449, 64], strides = [1, 1]} : vector<1456x64xf32> to vector<1449x64xf32>
    %get3A_68 = arith.constant 7 : index
    %get3A_69 = arith.constant 0 : index
    %get3A_70 = arith.constant 0 : index
    %get3A_71 = vector.load %arg2[%get3A_68, %get3A_69, %get3A_70] : memref<8x64x128xf32, #tpu.memory_space<vmem>>, vector<1x64x128xf32>
    %get3A_72 = vector.shape_cast %get3A_71 : vector<1x64x128xf32> to vector<64x128xf32>
    %dot_general3A_73 = arith.constant dense<0.000000e+00> : vector<1449x128xf32>
    %dot_general3A_74 = tpu.matmul %slice3A_67, %get3A_72, %dot_general3A_73 {dimension_numbers = #tpu.dot_dimension_numbers<[1], [0], [0], [1], [0, 0, 1, 1], [], []>, transpose_lhs_hint = false} : vector<1449x64xf32>, vector<64x128xf32>, vector<1449x128xf32> -> vector<1449x128xf32>
    %add3A_75 = arith.addf %add3A_66, %dot_general3A_74 : vector<1449x128xf32>
    %max3A = arith.constant 0.000000e+00 : f32
    %max3A_76 = vector.broadcast %max3A : f32 to vector<1449x128xf32>
    %max3A_77 = arith.maximumf %add3A_75, %max3A_76 : vector<1449x128xf32>
    %reshape3A_78 = vector.shape_cast %max3A_77 : vector<1449x128xf32> to vector<483x3x128xf32>
    %reduce_max3A = arith.constant dense<0xFF800000> : vector<483x128xf32>
    %reduce_max3A_79 = vector.multi_reduction <maximumf>, %reshape3A_78, %reduce_max3A [1] : vector<483x3x128xf32> to vector<483x128xf32>
    %broadcast_in_dim3A = vector.shape_cast %reduce_max3A_79 : vector<483x128xf32> to vector<1x483x128xf32>
    %swap3A = arith.constant 0 : index
    %swap3A_80 = arith.constant 0 : index
    %swap3A_81 = arith.constant 0 : index
    %swap3A_82 = vector.load %arg4[%swap3A, %swap3A_80, %swap3A_81] : memref<1x483x128xf32, #tpu.memory_space<vmem>>, vector<1x483x128xf32>
    tpu.vector_store %arg4[%swap3A, %swap3A_80, %swap3A_81], %broadcast_in_dim3A {strides = array<i32>} : memref<1x483x128xf32, #tpu.memory_space<vmem>>, vector<1x483x128xf32>,
    return
  }
  func.func @transform_0(%arg0: i32) -> (i32, i32, i32) {
    %c0_i32 = arith.constant 0 : i32
    %c0_i32_0 = arith.constant 0 : i32
    %c0_i32_1 = arith.constant 0 : i32
    return %arg0, %c0_i32, %c0_i32_0 : i32, i32, i32
  }
  func.func @transform_1(%arg0: i32) -> (i32, i32, i32) {
    %c0_i32 = arith.constant 0 : i32
    %c0_i32_0 = arith.constant 0 : i32
    %c0_i32_1 = arith.constant 0 : i32
    %c0_i32_2 = arith.constant 0 : i32
    return %c0_i32, %c0_i32_0, %c0_i32_1 : i32, i32, i32
  }
  func.func @transform_2(%arg0: i32) -> (i32, i32) {
    %c0_i32 = arith.constant 0 : i32
    %c0_i32_0 = arith.constant 0 : i32
    %c0_i32_1 = arith.constant 0 : i32
    return %c0_i32, %c0_i32_0 : i32, i32
  }
  func.func @transform_3(%arg0: i32) -> (i32, i32, i32) {
    %c0_i32 = arith.constant 0 : i32
    %c0_i32_0 = arith.constant 0 : i32
    %c0_i32_1 = arith.constant 0 : i32
    return %arg0, %c0_i32, %c0_i32_0 : i32, i32, i32
  }
}

module attributes {stable_mosaic.version = 14 : i64} {
  func.func @body(%arg0: i32, %arg1: memref<64x8832xf32, #tpu.memory_space<vmem>>, %arg2: memref<8832x128xf32, #tpu.memory_space<vmem>>, %arg3: memref<1x128xf32, #tpu.memory_space<vmem>>, %arg4: memref<64x128xf32, #tpu.memory_space<vmem>>) attributes {dimension_semantics = [#tpu.dimension_semantics<arbitrary>], iteration_bounds = array<i64: 7>, scalar_prefetch = 0 : i64, scratch_operands = 0 : i64, tpu.core_type = #tpu.core_type<tc>, window_params = [{transform_indices = @transform_0, window_bounds = array<i64: 64, 8832>}, {transform_indices = @transform_1, window_bounds = array<i64: 8832, 128>}, {pipeline_mode = #tpu.pipeline_mode<synchronous>, transform_indices = @transform_2, window_bounds = array<i64: 1, 128>}, {pipeline_mode = #tpu.pipeline_mode<synchronous>, transform_indices = @transform_3, window_bounds = array<i64: 64, 128>}]} {
    %eq3A = arith.constant 0 : i32
    %eq3A_0 = arith.cmpi eq, %arg0, %eq3A : i32
    %convert_element_type3A = arith.extui %eq3A_0 : i1 to i32
    %cond3A = arith.constant 0 : i32
    %cond3A_1 = arith.cmpi ne, %convert_element_type3A, %cond3A : i32
    scf.if %cond3A_1 {
      %get3A_13 = arith.constant 0 : index
      %get3A_14 = arith.constant 0 : index
      %get3A_15 = vector.load %arg3[%get3A_13, %get3A_14] : memref<1x128xf32, #tpu.memory_space<vmem>>, vector<1x128xf32>
      %broadcast_in_dim3A = vector.shape_cast %get3A_15 : vector<1x128xf32> to vector<1x128xf32>
      %broadcast_in_dim3A_16 = vector.broadcast %broadcast_in_dim3A : vector<1x128xf32> to vector<64x128xf32>
      %swap3A_17 = arith.constant 0 : index
      %swap3A_18 = arith.constant 0 : index
      %swap3A_19 = vector.load %arg4[%swap3A_17, %swap3A_18] : memref<64x128xf32, #tpu.memory_space<vmem>>, vector<64x128xf32>
      tpu.vector_store %arg4[%swap3A_17, %swap3A_18], %broadcast_in_dim3A_16 {strides = array<i32>} : memref<64x128xf32, #tpu.memory_space<vmem>>, vector<64x128xf32>,
    } else {
    }
    %get3A = arith.constant 0 : index
    %get3A_2 = arith.constant 0 : index
    %get3A_3 = vector.load %arg4[%get3A, %get3A_2] : memref<64x128xf32, #tpu.memory_space<vmem>>, vector<64x128xf32>
    %get3A_4 = arith.constant 0 : index
    %get3A_5 = arith.constant 0 : index
    %get3A_6 = vector.load %arg1[%get3A_4, %get3A_5] : memref<64x8832xf32, #tpu.memory_space<vmem>>, vector<64x8832xf32>
    %get3A_7 = arith.constant 0 : index
    %get3A_8 = arith.constant 0 : index
    %get3A_9 = vector.load %arg2[%get3A_7, %get3A_8] : memref<8832x128xf32, #tpu.memory_space<vmem>>, vector<8832x128xf32>
    %dot_general3A = arith.constant dense<0.000000e+00> : vector<64x128xf32>
    %dot_general3A_10 = tpu.matmul %get3A_6, %get3A_9, %dot_general3A {dimension_numbers = #tpu.dot_dimension_numbers<[1], [0], [0], [1], [0, 0, 1, 1], [], []>, transpose_lhs_hint = false} : vector<64x8832xf32>, vector<8832x128xf32>, vector<64x128xf32> -> vector<64x128xf32>
    %add3A = arith.addf %get3A_3, %dot_general3A_10 : vector<64x128xf32>
    %swap3A = arith.constant 0 : index
    %swap3A_11 = arith.constant 0 : index
    %swap3A_12 = vector.load %arg4[%swap3A, %swap3A_11] : memref<64x128xf32, #tpu.memory_space<vmem>>, vector<64x128xf32>
    tpu.vector_store %arg4[%swap3A, %swap3A_11], %add3A {strides = array<i32>} : memref<64x128xf32, #tpu.memory_space<vmem>>, vector<64x128xf32>,
    return
  }
  func.func @transform_0(%arg0: i32) -> (i32, i32) {
    %c0_i32 = arith.constant 0 : i32
    %c0_i32_0 = arith.constant 0 : i32
    return %c0_i32, %arg0 : i32, i32
  }
  func.func @transform_1(%arg0: i32) -> (i32, i32) {
    %c0_i32 = arith.constant 0 : i32
    %c0_i32_0 = arith.constant 0 : i32
    return %arg0, %c0_i32 : i32, i32
  }
  func.func @transform_2(%arg0: i32) -> (i32, i32) {
    %c0_i32 = arith.constant 0 : i32
    %c0_i32_0 = arith.constant 0 : i32
    %c0_i32_1 = arith.constant 0 : i32
    return %c0_i32, %c0_i32_0 : i32, i32
  }
  func.func @transform_3(%arg0: i32) -> (i32, i32) {
    %c0_i32 = arith.constant 0 : i32
    %c0_i32_0 = arith.constant 0 : i32
    %c0_i32_1 = arith.constant 0 : i32
    return %c0_i32, %c0_i32_0 : i32, i32
  }
}

module attributes {stable_mosaic.version = 14 : i64} {
  func.func @body(%arg0: i32, %arg1: memref<2x400x128xf32, #tpu.memory_space<vmem>>, %arg2: memref<400x1xf32, #tpu.memory_space<vmem>>, %arg3: memref<400x256xf32, #tpu.memory_space<vmem>>, %arg4: memref<256x512xf32, #tpu.memory_space<vmem>>, %arg5: memref<256x512xf32, #tpu.memory_space<vmem>>, %arg6: memref<1x512xf32, #tpu.memory_space<vmem>>, %arg7: memref<400x512xf32, #tpu.memory_space<vmem>>) attributes {dimension_semantics = [#tpu.dimension_semantics<arbitrary>], iteration_bounds = array<i64: 25>, scalar_prefetch = 0 : i64, scratch_operands = 0 : i64, tpu.core_type = #tpu.core_type<tc>, window_params = [{transform_indices = @transform_0, window_bounds = array<i64: 2, 400, 128>}, {transform_indices = @transform_1, window_bounds = array<i64: 400, 1>}, {transform_indices = @transform_2, window_bounds = array<i64: 400, 256>}, {pipeline_mode = #tpu.pipeline_mode<synchronous>, transform_indices = @transform_3, window_bounds = array<i64: 256, 512>}, {pipeline_mode = #tpu.pipeline_mode<synchronous>, transform_indices = @transform_4, window_bounds = array<i64: 256, 512>}, {pipeline_mode = #tpu.pipeline_mode<synchronous>, transform_indices = @transform_5, window_bounds = array<i64: 1, 512>}, {transform_indices = @transform_6, window_bounds = array<i64: 400, 512>}]} {
    %get3A = arith.constant 0 : index
    %get3A_0 = arith.constant 0 : index
    %get3A_1 = vector.load %arg2[%get3A, %get3A_0] : memref<400x1xf32, #tpu.memory_space<vmem>>, vector<400x1xf32>
    %get3A_2 = arith.constant 0 : index
    %get3A_3 = arith.constant 0 : index
    %get3A_4 = arith.constant 0 : index
    %get3A_5 = vector.load %arg1[%get3A_2, %get3A_3, %get3A_4] : memref<2x400x128xf32, #tpu.memory_space<vmem>>, vector<1x400x128xf32>
    %get3A_6 = vector.shape_cast %get3A_5 : vector<1x400x128xf32> to vector<400x128xf32>
    %mul3A = vector.broadcast %get3A_1 : vector<400x1xf32> to vector<400x128xf32>
    %mul3A_7 = arith.mulf %get3A_6, %mul3A : vector<400x128xf32>
    %get3A_8 = arith.constant 1 : index
    %get3A_9 = arith.constant 0 : index
    %get3A_10 = arith.constant 0 : index
    %get3A_11 = vector.load %arg1[%get3A_8, %get3A_9, %get3A_10] : memref<2x400x128xf32, #tpu.memory_space<vmem>>, vector<1x400x128xf32>
    %get3A_12 = vector.shape_cast %get3A_11 : vector<1x400x128xf32> to vector<400x128xf32>
    %mul3A_13 = vector.broadcast %get3A_1 : vector<400x1xf32> to vector<400x128xf32>
    %mul3A_14 = arith.mulf %get3A_12, %mul3A_13 : vector<400x128xf32>
    %concatenate3A = tpu.concatenate %mul3A_7, %mul3A_14 in 1 : vector<400x128xf32>, vector<400x128xf32> -> vector<400x256xf32>
    %get3A_15 = arith.constant 0 : index
    %get3A_16 = arith.constant 0 : index
    %get3A_17 = vector.load %arg4[%get3A_15, %get3A_16] : memref<256x512xf32, #tpu.memory_space<vmem>>, vector<256x512xf32>
    %dot_general3A = arith.constant dense<0.000000e+00> : vector<400x512xf32>
    %dot_general3A_18 = tpu.matmul %concatenate3A, %get3A_17, %dot_general3A {dimension_numbers = #tpu.dot_dimension_numbers<[1], [0], [0], [1], [0, 0, 1, 1], [], []>, transpose_lhs_hint = false} : vector<400x256xf32>, vector<256x512xf32>, vector<400x512xf32> -> vector<400x512xf32>
    %get3A_19 = arith.constant 0 : index
    %get3A_20 = arith.constant 0 : index
    %get3A_21 = vector.load %arg3[%get3A_19, %get3A_20] : memref<400x256xf32, #tpu.memory_space<vmem>>, vector<400x256xf32>
    %get3A_22 = arith.constant 0 : index
    %get3A_23 = arith.constant 0 : index
    %get3A_24 = vector.load %arg5[%get3A_22, %get3A_23] : memref<256x512xf32, #tpu.memory_space<vmem>>, vector<256x512xf32>
    %dot_general3A_25 = arith.constant dense<0.000000e+00> : vector<400x512xf32>
    %dot_general3A_26 = tpu.matmul %get3A_21, %get3A_24, %dot_general3A_25 {dimension_numbers = #tpu.dot_dimension_numbers<[1], [0], [0], [1], [0, 0, 1, 1], [], []>, transpose_lhs_hint = false} : vector<400x256xf32>, vector<256x512xf32>, vector<400x512xf32> -> vector<400x512xf32>
    %add3A = arith.addf %dot_general3A_18, %dot_general3A_26 : vector<400x512xf32>
    %get3A_27 = arith.constant 0 : index
    %get3A_28 = arith.constant 0 : index
    %get3A_29 = vector.load %arg6[%get3A_27, %get3A_28] : memref<1x512xf32, #tpu.memory_space<vmem>>, vector<1x512xf32>
    %add3A_30 = vector.broadcast %get3A_29 : vector<1x512xf32> to vector<400x512xf32>
    %add3A_31 = arith.addf %add3A, %add3A_30 : vector<400x512xf32>
    %max3A = arith.constant 0.000000e+00 : f32
    %max3A_32 = vector.broadcast %max3A : f32 to vector<400x512xf32>
    %max3A_33 = arith.maximumf %add3A_31, %max3A_32 : vector<400x512xf32>
    %swap3A = arith.constant 0 : index
    %swap3A_34 = arith.constant 0 : index
    %swap3A_35 = vector.load %arg7[%swap3A, %swap3A_34] : memref<400x512xf32, #tpu.memory_space<vmem>>, vector<400x512xf32>
    tpu.vector_store %arg7[%swap3A, %swap3A_34], %max3A_33 {strides = array<i32>} : memref<400x512xf32, #tpu.memory_space<vmem>>, vector<400x512xf32>,
    return
  }
  func.func @transform_0(%arg0: i32) -> (i32, i32, i32) {
    %c0_i32 = arith.constant 0 : i32
    %c0_i32_0 = arith.constant 0 : i32
    %c0_i32_1 = arith.constant 0 : i32
    return %c0_i32, %arg0, %c0_i32_0 : i32, i32, i32
  }
  func.func @transform_1(%arg0: i32) -> (i32, i32) {
    %c0_i32 = arith.constant 0 : i32
    %c0_i32_0 = arith.constant 0 : i32
    return %arg0, %c0_i32 : i32, i32
  }
  func.func @transform_2(%arg0: i32) -> (i32, i32) {
    %c0_i32 = arith.constant 0 : i32
    %c0_i32_0 = arith.constant 0 : i32
    return %arg0, %c0_i32 : i32, i32
  }
  func.func @transform_3(%arg0: i32) -> (i32, i32) {
    %c0_i32 = arith.constant 0 : i32
    %c0_i32_0 = arith.constant 0 : i32
    %c0_i32_1 = arith.constant 0 : i32
    return %c0_i32, %c0_i32_0 : i32, i32
  }
  func.func @transform_4(%arg0: i32) -> (i32, i32) {
    %c0_i32 = arith.constant 0 : i32
    %c0_i32_0 = arith.constant 0 : i32
    %c0_i32_1 = arith.constant 0 : i32
    return %c0_i32, %c0_i32_0 : i32, i32
  }
  func.func @transform_5(%arg0: i32) -> (i32, i32) {
    %c0_i32 = arith.constant 0 : i32
    %c0_i32_0 = arith.constant 0 : i32
    %c0_i32_1 = arith.constant 0 : i32
    return %c0_i32, %c0_i32_0 : i32, i32
  }
  func.func @transform_6(%arg0: i32) -> (i32, i32) {
    %c0_i32 = arith.constant 0 : i32
    %c0_i32_0 = arith.constant 0 : i32
    return %arg0, %c0_i32 : i32, i32
  }
}

module attributes {stable_mosaic.version = 14 : i64} {
  func.func @body(%arg0: i32, %arg1: memref<400x512xf32, #tpu.memory_space<vmem>>, %arg2: memref<400x1xi32, #tpu.memory_space<vmem>>, %arg3: memref<64x512xf32, #tpu.memory_space<vmem>>) attributes {dimension_semantics = [#tpu.dimension_semantics<arbitrary>], iteration_bounds = array<i64: 25>, scalar_prefetch = 0 : i64, scratch_operands = 0 : i64, tpu.core_type = #tpu.core_type<tc>, window_params = [{transform_indices = @transform_0, window_bounds = array<i64: 400, 512>}, {transform_indices = @transform_1, window_bounds = array<i64: 400, 1>}, {pipeline_mode = #tpu.pipeline_mode<synchronous>, transform_indices = @transform_2, window_bounds = array<i64: 64, 512>}]} {
    %eq3A = arith.constant 0 : i32
    %eq3A_0 = arith.cmpi eq, %arg0, %eq3A : i32
    %convert_element_type3A = arith.extui %eq3A_0 : i1 to i32
    %cond3A = arith.constant 0 : i32
    %cond3A_1 = arith.cmpi ne, %convert_element_type3A, %cond3A : i32
    scf.if %cond3A_1 {
      %broadcast_in_dim3A = arith.constant 0xFF800000 : f32
      %broadcast_in_dim3A_24 = vector.broadcast %broadcast_in_dim3A : f32 to vector<64x512xf32>
      %swap3A = arith.constant 0 : index
      %swap3A_25 = arith.constant 0 : index
      %swap3A_26 = vector.load %arg3[%swap3A, %swap3A_25] : memref<64x512xf32, #tpu.memory_space<vmem>>, vector<64x512xf32>
      tpu.vector_store %arg3[%swap3A, %swap3A_25], %broadcast_in_dim3A_24 {strides = array<i32>} : memref<64x512xf32, #tpu.memory_space<vmem>>, vector<64x512xf32>,
    } else {
    }
    %get3A = arith.constant 0 : index
    %get3A_2 = arith.constant 0 : index
    %get3A_3 = vector.load %arg2[%get3A, %get3A_2] : memref<400x1xi32, #tpu.memory_space<vmem>>, vector<1x1xi32>
    %get3A_4 = vector.extract %get3A_3[0, 0] : i32 from vector<1x1xi32>
    %get3A_5 = arith.constant 399 : index
    %get3A_6 = arith.constant 0 : index
    %get3A_7 = vector.load %arg2[%get3A_5, %get3A_6] : memref<400x1xi32, #tpu.memory_space<vmem>>, vector<1x1xi32>
    %get3A_8 = vector.extract %get3A_7[0, 0] : i32 from vector<1x1xi32>
    %get3A_9 = arith.constant 0 : index
    %get3A_10 = arith.constant 0 : index
    %get3A_11 = vector.load %arg1[%get3A_9, %get3A_10] : memref<400x512xf32, #tpu.memory_space<vmem>>, vector<400x512xf32>
    %get3A_12 = arith.constant 0 : index
    %get3A_13 = arith.constant 0 : index
    %get3A_14 = vector.load %arg2[%get3A_12, %get3A_13] : memref<400x1xi32, #tpu.memory_space<vmem>>, vector<400x1xi32>
    %add3A = arith.constant 1 : i32
    %add3A_15 = arith.addi %get3A_8, %add3A : i32
    %while3A = arith.constant 0 : i32
    %while3A_16 = arith.subi %add3A_15, %get3A_4 : i32
    %while3A_17 = arith.addi %get3A_4, %while3A_16 : i32
    %while3A_18 = arith.constant 1 : i32
    %while3A_19 = arith.divsi %while3A_16, %while3A_18 : i32
    %while3A_20 = arith.muli %while3A_19, %while3A_18 : i32
    %while3A_21 = arith.addi %get3A_4, %while3A_20 : i32
    %while3A_22 = arith.constant 1 : i32
    scf.for %while3A_24 = %get3A_4 to %while3A_21 step %while3A_22  : i32 {
      %eq3A_25 = vector.broadcast %while3A_24 : i32 to vector<400x1xi32>
      %eq3A_26 = arith.cmpi eq, %get3A_14, %eq3A_25 : vector<400x1xi32>
      %jit3A = arith.constant 0xFF800000 : f32
      %broadcast_in_dim3A = vector.shape_cast %eq3A_26 : vector<400x1xi1> to vector<400x1xi1>
      %broadcast_in_dim3A_27 = vector.broadcast %broadcast_in_dim3A : vector<400x1xi1> to vector<400x512xi1>
      %broadcast_in_dim3A_28 = vector.broadcast %jit3A : f32 to vector<400x512xf32>
      %select_n3A = arith.select %broadcast_in_dim3A_27, %get3A_11, %broadcast_in_dim3A_28 : vector<400x512xi1>, vector<400x512xf32>
      %reduce_max3A = arith.constant dense<0xFF800000> : vector<512xf32>
      %reduce_max3A_29 = vector.multi_reduction <maximumf>, %select_n3A, %reduce_max3A [0] : vector<400x512xf32> to vector<512xf32>
      %broadcast_in_dim3A_30 = vector.shape_cast %reduce_max3A_29 : vector<512xf32> to vector<1x512xf32>
      %get3A_31 = arith.index_cast %while3A_24 : i32 to index
      %get3A_32 = arith.constant 0 : index
      %get3A_33 = vector.load %arg3[%get3A_31, %get3A_32] : memref<64x512xf32, #tpu.memory_space<vmem>>, vector<1x512xf32>
      %max3A = arith.maximumf %get3A_33, %broadcast_in_dim3A_30 : vector<1x512xf32>
      %swap3A = arith.index_cast %while3A_24 : i32 to index
      %swap3A_34 = arith.constant 0 : index
      %swap3A_35 = vector.load %arg3[%swap3A, %swap3A_34] : memref<64x512xf32, #tpu.memory_space<vmem>>, vector<1x512xf32>
      tpu.vector_store %arg3[%swap3A, %swap3A_34], %max3A {strides = array<i32>} : memref<64x512xf32, #tpu.memory_space<vmem>>, vector<1x512xf32>,
    }
    %while3A_23 = arith.constant 1 : i32
    scf.for %while3A_24 = %while3A_21 to %while3A_17 step %while3A_23  : i32 {
      %eq3A_25 = vector.broadcast %while3A_24 : i32 to vector<400x1xi32>
      %eq3A_26 = arith.cmpi eq, %get3A_14, %eq3A_25 : vector<400x1xi32>
      %jit3A = arith.constant 0xFF800000 : f32
      %broadcast_in_dim3A = vector.shape_cast %eq3A_26 : vector<400x1xi1> to vector<400x1xi1>
      %broadcast_in_dim3A_27 = vector.broadcast %broadcast_in_dim3A : vector<400x1xi1> to vector<400x512xi1>
      %broadcast_in_dim3A_28 = vector.broadcast %jit3A : f32 to vector<400x512xf32>
      %select_n3A = arith.select %broadcast_in_dim3A_27, %get3A_11, %broadcast_in_dim3A_28 : vector<400x512xi1>, vector<400x512xf32>
      %reduce_max3A = arith.constant dense<0xFF800000> : vector<512xf32>
      %reduce_max3A_29 = vector.multi_reduction <maximumf>, %select_n3A, %reduce_max3A [0] : vector<400x512xf32> to vector<512xf32>
      %broadcast_in_dim3A_30 = vector.shape_cast %reduce_max3A_29 : vector<512xf32> to vector<1x512xf32>
      %get3A_31 = arith.index_cast %while3A_24 : i32 to index
      %get3A_32 = arith.constant 0 : index
      %get3A_33 = vector.load %arg3[%get3A_31, %get3A_32] : memref<64x512xf32, #tpu.memory_space<vmem>>, vector<1x512xf32>
      %max3A = arith.maximumf %get3A_33, %broadcast_in_dim3A_30 : vector<1x512xf32>
      %swap3A = arith.index_cast %while3A_24 : i32 to index
      %swap3A_34 = arith.constant 0 : index
      %swap3A_35 = vector.load %arg3[%swap3A, %swap3A_34] : memref<64x512xf32, #tpu.memory_space<vmem>>, vector<1x512xf32>
      tpu.vector_store %arg3[%swap3A, %swap3A_34], %max3A {strides = array<i32>} : memref<64x512xf32, #tpu.memory_space<vmem>>, vector<1x512xf32>,
    }
    return
  }
  func.func @transform_0(%arg0: i32) -> (i32, i32) {
    %c0_i32 = arith.constant 0 : i32
    %c0_i32_0 = arith.constant 0 : i32
    return %arg0, %c0_i32 : i32, i32
  }
  func.func @transform_1(%arg0: i32) -> (i32, i32) {
    %c0_i32 = arith.constant 0 : i32
    %c0_i32_0 = arith.constant 0 : i32
    return %arg0, %c0_i32 : i32, i32
  }
  func.func @transform_2(%arg0: i32) -> (i32, i32) {
    %c0_i32 = arith.constant 0 : i32
    %c0_i32_0 = arith.constant 0 : i32
    %c0_i32_1 = arith.constant 0 : i32
    return %c0_i32, %c0_i32_0 : i32, i32
  }
}

module attributes {stable_mosaic.version = 14 : i64} {
  func.func @body(%arg0: memref<64x512xf32, #tpu.memory_space<vmem>>, %arg1: memref<64x128xf32, #tpu.memory_space<vmem>>, %arg2: memref<512x1024xf32, #tpu.memory_space<vmem>>, %arg3: memref<1x1024xf32, #tpu.memory_space<vmem>>, %arg4: memref<1024x128xf32, #tpu.memory_space<vmem>>, %arg5: memref<1x128xf32, #tpu.memory_space<vmem>>, %arg6: memref<256x1024xf32, #tpu.memory_space<vmem>>, %arg7: memref<1x1024xf32, #tpu.memory_space<vmem>>, %arg8: memref<1024x128xf32, #tpu.memory_space<vmem>>, %arg9: memref<1x128xf32, #tpu.memory_space<vmem>>, %arg10: memref<128x1xf32, #tpu.memory_space<vmem>>, %arg11: memref<1x1xf32, #tpu.memory_space<vmem>>, %arg12: memref<64x1xf32, #tpu.memory_space<vmem>>) attributes {dimension_semantics = [], scalar_prefetch = 0 : i64, scratch_operands = 0 : i64, tpu.core_type = #tpu.core_type<tc>} {
    %get3A = arith.constant 0 : index
    %get3A_0 = arith.constant 0 : index
    %get3A_1 = vector.load %arg0[%get3A, %get3A_0] : memref<64x512xf32, #tpu.memory_space<vmem>>, vector<64x512xf32>
    %get3A_2 = arith.constant 0 : index
    %get3A_3 = arith.constant 0 : index
    %get3A_4 = vector.load %arg2[%get3A_2, %get3A_3] : memref<512x1024xf32, #tpu.memory_space<vmem>>, vector<512x1024xf32>
    %dot_general3A = arith.constant dense<0.000000e+00> : vector<64x1024xf32>
    %dot_general3A_5 = tpu.matmul %get3A_1, %get3A_4, %dot_general3A {dimension_numbers = #tpu.dot_dimension_numbers<[1], [0], [0], [1], [0, 0, 1, 1], [], []>, transpose_lhs_hint = false} : vector<64x512xf32>, vector<512x1024xf32>, vector<64x1024xf32> -> vector<64x1024xf32>
    %get3A_6 = arith.constant 0 : index
    %get3A_7 = arith.constant 0 : index
    %get3A_8 = vector.load %arg3[%get3A_6, %get3A_7] : memref<1x1024xf32, #tpu.memory_space<vmem>>, vector<1x1024xf32>
    %add3A = vector.broadcast %get3A_8 : vector<1x1024xf32> to vector<64x1024xf32>
    %add3A_9 = arith.addf %dot_general3A_5, %add3A : vector<64x1024xf32>
    %max3A = arith.constant 0.000000e+00 : f32
    %max3A_10 = vector.broadcast %max3A : f32 to vector<64x1024xf32>
    %max3A_11 = arith.maximumf %add3A_9, %max3A_10 : vector<64x1024xf32>
    %get3A_12 = arith.constant 0 : index
    %get3A_13 = arith.constant 0 : index
    %get3A_14 = vector.load %arg4[%get3A_12, %get3A_13] : memref<1024x128xf32, #tpu.memory_space<vmem>>, vector<1024x128xf32>
    %dot_general3A_15 = arith.constant dense<0.000000e+00> : vector<64x128xf32>
    %dot_general3A_16 = tpu.matmul %max3A_11, %get3A_14, %dot_general3A_15 {dimension_numbers = #tpu.dot_dimension_numbers<[1], [0], [0], [1], [0, 0, 1, 1], [], []>, transpose_lhs_hint = false} : vector<64x1024xf32>, vector<1024x128xf32>, vector<64x128xf32> -> vector<64x128xf32>
    %get3A_17 = arith.constant 0 : index
    %get3A_18 = arith.constant 0 : index
    %get3A_19 = vector.load %arg5[%get3A_17, %get3A_18] : memref<1x128xf32, #tpu.memory_space<vmem>>, vector<1x128xf32>
    %add3A_20 = vector.broadcast %get3A_19 : vector<1x128xf32> to vector<64x128xf32>
    %add3A_21 = arith.addf %dot_general3A_16, %add3A_20 : vector<64x128xf32>
    %get3A_22 = arith.constant 0 : index
    %get3A_23 = arith.constant 0 : index
    %get3A_24 = vector.load %arg1[%get3A_22, %get3A_23] : memref<64x128xf32, #tpu.memory_space<vmem>>, vector<64x128xf32>
    %concatenate3A = tpu.concatenate %add3A_21, %get3A_24 in 1 : vector<64x128xf32>, vector<64x128xf32> -> vector<64x256xf32>
    %get3A_25 = arith.constant 0 : index
    %get3A_26 = arith.constant 0 : index
    %get3A_27 = vector.load %arg6[%get3A_25, %get3A_26] : memref<256x1024xf32, #tpu.memory_space<vmem>>, vector<256x1024xf32>
    %dot_general3A_28 = arith.constant dense<0.000000e+00> : vector<64x1024xf32>
    %dot_general3A_29 = tpu.matmul %concatenate3A, %get3A_27, %dot_general3A_28 {dimension_numbers = #tpu.dot_dimension_numbers<[1], [0], [0], [1], [0, 0, 1, 1], [], []>, transpose_lhs_hint = false} : vector<64x256xf32>, vector<256x1024xf32>, vector<64x1024xf32> -> vector<64x1024xf32>
    %get3A_30 = arith.constant 0 : index
    %get3A_31 = arith.constant 0 : index
    %get3A_32 = vector.load %arg7[%get3A_30, %get3A_31] : memref<1x1024xf32, #tpu.memory_space<vmem>>, vector<1x1024xf32>
    %add3A_33 = vector.broadcast %get3A_32 : vector<1x1024xf32> to vector<64x1024xf32>
    %add3A_34 = arith.addf %dot_general3A_29, %add3A_33 : vector<64x1024xf32>
    %max3A_35 = arith.constant 0.000000e+00 : f32
    %max3A_36 = vector.broadcast %max3A_35 : f32 to vector<64x1024xf32>
    %max3A_37 = arith.maximumf %add3A_34, %max3A_36 : vector<64x1024xf32>
    %get3A_38 = arith.constant 0 : index
    %get3A_39 = arith.constant 0 : index
    %get3A_40 = vector.load %arg8[%get3A_38, %get3A_39] : memref<1024x128xf32, #tpu.memory_space<vmem>>, vector<1024x128xf32>
    %dot_general3A_41 = arith.constant dense<0.000000e+00> : vector<64x128xf32>
    %dot_general3A_42 = tpu.matmul %max3A_37, %get3A_40, %dot_general3A_41 {dimension_numbers = #tpu.dot_dimension_numbers<[1], [0], [0], [1], [0, 0, 1, 1], [], []>, transpose_lhs_hint = false} : vector<64x1024xf32>, vector<1024x128xf32>, vector<64x128xf32> -> vector<64x128xf32>
    %get3A_43 = arith.constant 0 : index
    %get3A_44 = arith.constant 0 : index
    %get3A_45 = vector.load %arg9[%get3A_43, %get3A_44] : memref<1x128xf32, #tpu.memory_space<vmem>>, vector<1x128xf32>
    %add3A_46 = vector.broadcast %get3A_45 : vector<1x128xf32> to vector<64x128xf32>
    %add3A_47 = arith.addf %dot_general3A_42, %add3A_46 : vector<64x128xf32>
    %max3A_48 = arith.constant 0.000000e+00 : f32
    %max3A_49 = vector.broadcast %max3A_48 : f32 to vector<64x128xf32>
    %max3A_50 = arith.maximumf %add3A_47, %max3A_49 : vector<64x128xf32>
    %get3A_51 = arith.constant 0 : index
    %get3A_52 = arith.constant 0 : index
    %get3A_53 = vector.load %arg10[%get3A_51, %get3A_52] : memref<128x1xf32, #tpu.memory_space<vmem>>, vector<128x1xf32>
    %dot_general3A_54 = arith.constant dense<0.000000e+00> : vector<64x1xf32>
    %dot_general3A_55 = tpu.matmul %max3A_50, %get3A_53, %dot_general3A_54 {dimension_numbers = #tpu.dot_dimension_numbers<[1], [0], [0], [1], [0, 0, 1, 1], [], []>, transpose_lhs_hint = false} : vector<64x128xf32>, vector<128x1xf32>, vector<64x1xf32> -> vector<64x1xf32>
    %get3A_56 = arith.constant 0 : index
    %get3A_57 = arith.constant 0 : index
    %get3A_58 = vector.load %arg11[%get3A_56, %get3A_57] : memref<1x1xf32, #tpu.memory_space<vmem>>, vector<1x1xf32>
    %add3A_59 = vector.broadcast %get3A_58 : vector<1x1xf32> to vector<64x1xf32>
    %add3A_60 = arith.addf %dot_general3A_55, %add3A_59 : vector<64x1xf32>
    %logistic3A = arith.negf %add3A_60 : vector<64x1xf32>
    %logistic3A_61 = math.exp %logistic3A : vector<64x1xf32>
    %logistic3A_62 = arith.constant 1.000000e+00 : f32
    %logistic3A_63 = vector.broadcast %logistic3A_62 : f32 to vector<64x1xf32>
    %logistic3A_64 = arith.addf %logistic3A_63, %logistic3A_61 : vector<64x1xf32>
    %logistic3A_65 = arith.divf %logistic3A_63, %logistic3A_64 : vector<64x1xf32>
    %swap3A = arith.constant 0 : index
    %swap3A_66 = arith.constant 0 : index
    %swap3A_67 = vector.load %arg12[%swap3A, %swap3A_66] : memref<64x1xf32, #tpu.memory_space<vmem>>, vector<64x1xf32>
    tpu.vector_store %arg12[%swap3A, %swap3A_66], %logistic3A_65 {strides = array<i32>} : memref<64x1xf32, #tpu.memory_space<vmem>>, vector<64x1xf32>,
    return
  }
}

</mosaic_0001>

<sc_bundles>
// kernel: kernel.14.cloned.1.call-start
scs
__scs_entry_jumppad:
0x0: {  	(pc) =	sbr.rel $0x88, $3  }
0x1: {  	(tag) =	ssettag $0x0;
	lr =	simm.s32 $0x1  }
0x2: {  	[smem:$0x3F82] =	sst lr;
	_ =	strace $0xD0000000  }
0x3: {  	_ = 	snop  }
0x4: {  	_ = 	snop  }
0x5: {  	_ = 	snop  }
0x6: {  	_ = 	snop  }
0x7: {  	_ = 	snop  }
__scs_overlays_trampoline_lowered:
0x8: {  	[smem:$0x3F91] =	sst s0  }
0x9: {  	[smem:$0x3F92] =	sst s1  }
0xa: {  	[smem:$0x3F93] =	sst s2  }
0xb: {  	[smem:$0x3F94] =	sst s3  }
0xc: {  	[smem:$0x3F95] =	sst s4  }
0xd: {  	[smem:$0x3F96] =	sst s5  }
0xe: {  	[smem:$0x3F97] =	sst s6  }
0xf: {  	[smem:$0x3F98] =	sst s7  }
0x10: {  	[smem:$0x3F99] =	sst s8  }
0x11: {  	[smem:$0x3F9A] =	sst s9;
	s0 =	simm.s32 @!p0 $0x0  }
0x12: {  	s1 =	sld [smem:$0x3F80];
	s0 =	simm.s32 @p0 $0x1  }
0x13: {  	[smem:$0x3F9B] =	sst s0;
	s0 =	simm.s32 @!p1 $0x0  }
0x14: {  	s2 =	sld [smem:$0x3F7F];
	s0 =	simm.s32 @p1 $0x1  }
0x15: {  	[smem:$0x3F9C] =	sst s0;
	s0 =	simm.s32 @!p2 $0x0  }
0x16: {  	s3 =	sld [smem:$0x3FDB];
	s0 =	simm.s32 @p2 $0x1  }
0x17: {  	s4 =	simm.s32 $0x1BF5;
	[smem:$0x3F9E] =	sst s0  }
0x18: {  	s0 =	sld [smem:$0x3F81];
	_ =	swait.ge [sflag:s4], $0x0  }
0x19: {  	s7 =	sld [smem:$0x3F82]  }
0x1a: {  	s8 =	sadd.s32 $0xFFFFE003, lr  }
0x1b: {  	s9 =	sadd.s32 $0xFFFFFEF7, lr;
	s5 =	simm.s32 $0xFFFFFFFF;
	p2 =	slt.u32 s8, $0xFFFFF086  }
0x1c: {  	p1 =	slt.u32 s9, $0xF7A;
	s5 =	simm.s32 @!p2 $0x0  }
0x1d: {  	s5 =	simm.s32 @p1 $0x1;
	p0 =	seq.s32 s7, s2  }
0x1e: {  	s7 =	smul.u32 @!p0 $0xF7A, s2;
	p2 =	seq.s32 @!p0 s5, $0x0  }
0x1f: {  	s9 =	smul.u32 $0xF7A, s1;
	s8 =	simm.s32 @!p0 $0x1BF5;
	p2 =	por !p2, p0  }
0x20: {  	[sflag:s8] =	ssyncset.s32 @!p0 $0xFFFFF086;
	s6 =	sadd.s32 @!p0 s3, s7;
	s7 =	simm.s32 @!p0 $0x108  }
0x21: {  	s3 =	sadd.s32 s3, s9;
	s6 =	sadd.s32 @!p0 $0x88, s6;
	s7 =	simm.s32 @p2 $0x1082  }
0x22: {  	[simem:s7], [sflag:s8] =	dma.local @!p0 [hbm:s6], $0xF7A  }
0x23: {  	s9 =	sor.u32 $0xD0000000, s2;
	s6 =	simm.s32 $0x108;
	_ =	swait.ge @!p0 [sflag:s8], $0x0  }
0x24: {  	s3 =	sadd.s32 $0x88, s3;
	s6 =	simm.s32 @!p1 $0x1082;
	[sflag:s4] =	ssyncset.s32 $0xFFFFF086  }
0x25: {  	[simem:s6], [sflag:s4] =	dma.local [hbm:s3], $0xF7A  }
0x26: {  	[smem:$0x3F82] =	sst s1;
	(tag) =	ssettag s2;
	_ =	strace s9  }
0x27: {  	s1 =	sld [smem:$0x3F92]  }
0x28: {  	s2 =	sld [smem:$0x3F93]  }
0x29: {  	s4 =	sld [smem:$0x3F95]  }
0x2a: {  	p0 =	seq.s32 s5, $0x0;
	s5 =	sld [smem:$0x3F96]  }
0x2b: {  	s6 =	sld [smem:$0x3F97]  }
0x2c: {  	s7 =	sld [smem:$0x3F98]  }
0x2d: {  	s3 =	simm.s32 $0x108;
	s8 =	sld [smem:$0x3F99]  }
0x2e: {  	s3 =	simm.s32 @!p0 $0x1082;
	s9 =	sld [smem:$0x3F9A]  }
0x2f: {  	lr =	sadd.s32 s0, s3;
	s0 =	sld [smem:$0x3F91]  }
0x30: {  	s3 =	sld [smem:$0x3F94]  }
0x31: {  	[smem:$0x3F9D] =	sst s10  }
0x32: {  	s10 =	sld [smem:$0x3F9B];
	_ =	sdelay $0x3  }
0x33: {  	p0 =	seq.s32 s10, $0x1;
	s10 =	sld [smem:$0x3F9D];
	_ =	sdelay $0x3  }
0x34: {  	[smem:$0x3F9D] =	sst s10  }
0x35: {  	s10 =	sld [smem:$0x3F9C];
	_ =	sdelay $0x3  }
0x36: {  	p1 =	seq.s32 s10, $0x1;
	s10 =	sld [smem:$0x3F9D];
	_ =	sdelay $0x3  }
0x37: {  	[smem:$0x3F9D] =	sst s10  }
0x38: {  	s10 =	sld [smem:$0x3F9E]  }
0x39: {  	_ = 	snop;
	(pc) =	sbr.ind lr, $3  }
0x3a: {  	_ = 	snop  }
0x3b: {  	_ = 	snop  }
0x3c: {  	p2 =	seq.s32 s10, $0x1;
	s10 =	sld [smem:$0x3F9D]  }
0x3d: {  	_ =	shalt  }
0x3e: {  	_ =	shalt  }
0x3f: {  	_ =	shalt  }
0x40: {  	_ =	shalt  }
0x41: {  	_ =	shalt  }
0x42: {  	_ =	shalt  }
0x43: {  	_ =	shalt  }
0x44: {  	_ =	shalt  }
0x45: {  	_ =	shalt  }
0x46: {  	_ =	shalt  }
0x47: {  	_ =	shalt  }
0x48: {  	_ =	shalt  }
0x49: {  	_ =	shalt  }
0x4a: {  	_ =	shalt  }
0x4b: {  	_ =	shalt  }
0x4c: {  	_ =	shalt  }
0x4d: {  	_ =	shalt  }
0x4e: {  	_ =	shalt  }
0x4f: {  	_ =	shalt  }
0x50: {  	_ =	shalt  }
0x51: {  	_ =	shalt  }
0x52: {  	_ =	shalt  }
0x53: {  	_ =	shalt  }
0x54: {  	_ =	shalt  }
0x55: {  	_ =	shalt  }
0x56: {  	_ =	shalt  }
0x57: {  	_ =	shalt  }
0x58: {  	_ =	shalt  }
0x59: {  	_ =	shalt  }
0x5a: {  	_ =	shalt  }
0x5b: {  	_ =	shalt  }
0x5c: {  	_ =	shalt  }
0x5d: {  	_ =	shalt  }
0x5e: {  	_ =	shalt  }
0x5f: {  	_ =	shalt  }
0x60: {  	_ =	shalt  }
0x61: {  	_ =	shalt  }
0x62: {  	_ =	shalt  }
0x63: {  	_ =	shalt  }
0x64: {  	_ =	shalt  }
0x65: {  	_ =	shalt  }
0x66: {  	_ =	shalt  }
0x67: {  	_ =	shalt  }
0x68: {  	_ =	shalt  }
0x69: {  	_ =	shalt  }
0x6a: {  	_ =	shalt  }
0x6b: {  	_ =	shalt  }
0x6c: {  	_ =	shalt  }
0x6d: {  	_ =	shalt  }
0x6e: {  	_ =	shalt  }
0x6f: {  	_ =	shalt  }
0x70: {  	_ =	shalt  }
0x71: {  	_ =	shalt  }
0x72: {  	_ =	shalt  }
0x73: {  	_ =	shalt  }
0x74: {  	_ =	shalt  }
0x75: {  	_ =	shalt  }
0x76: {  	_ =	shalt  }
0x77: {  	_ =	shalt  }
0x78: {  	_ =	shalt  }
0x79: {  	_ =	shalt  }
0x7a: {  	_ =	shalt  }
0x7b: {  	_ =	shalt  }
0x7c: {  	_ =	shalt  }
0x7d: {  	_ =	shalt  }
0x7e: {  	_ =	shalt  }
0x7f: {  	_ =	shalt  }
0x80: {  	_ =	shalt  }
0x81: {  	_ =	shalt  }
0x82: {  	_ =	shalt  }
0x83: {  	_ =	shalt  }
0x84: {  	_ =	shalt  }
0x85: {  	_ =	shalt  }
0x86: {  	_ =	shalt  }
0x87: {  	_ =	shalt  }
.Lfunc_end0:
.L_simem_size_0:
called_computation_lowered:
.L_overlay_start_0:
0x88: {  	s2 =	sld [smem:$0x3FD9]  }
0x89: {  	s3 =	sld [smem:$0x3FFE];
	_ =	sdelay $0x1  }
0x8a: {  	s1 =	srdreg.scid  }
0x8b: {  	s0 =	sand.u32 $0x1, s1  }
0x8c: {  	s17 =	sshll.u32 s0, $0xA;
	s2 =	sadd.s32 s3, s2  }
0x8d: {  	s2 =	sadd.s32 s2, s17  }
0x8e: {  	[smem:$0x3FA9] =	sst s2  }
0x8f: {  	_ = 	snop  }
0x90: {  	s2 =	sld [smem:$0x3FC9];
	(tm) =	ssettm $0x1  }
0x91: {  	s18 =	sld [smem:$0x3FFB];
	_ =	sdelay $0x3  }
0x92: {  	_ =	strace s18  }
0x93: {  	s3 =	sld [smem:$0x3FFC];
	_ =	sdelay $0x3  }
0x94: {  	_ =	strace s3  }
0x95: {  	s3 =	sld [smem:$0x3FFD];
	_ =	sdelay $0x3  }
0x96: {  	_ =	strace s3  }
0x97: {  	_ =	strace $0x8FFFFFFF  }
0x98: {  	s19 =	sld [smem:$0x3FDB];
	_ =	sdelay $0x1  }
0x99: {  	s4 =	simm.s32 $_scs_section_size  }
0x9a: {  	s5 =	simm.s32 $_size__tile_overlayer_lowered;
	s6 =	simm.s32 $_tile_overlayer_lowered  }
0x9b: {  	s22 =	simm.s32 $0x1BFF;
	s21 =	sshll.u32 s6, $0x1;
	s3 =	sadd.s32 s4, s19  }
0x9c: {  	s7 =	simm.s32 $0x0;
	s20 =	sshll.u32 s5, $0x1;
	s5 =	sadd.s32 s21, s3  }
0x9d: {  	[timem:s7], [sflag:s22] =	dma.local [hbm:s5], s20  }
0x9e: {  	_ =	swait.ge [sflag:s22], s20  }
0x9f: {  	s4 =	ssub.s32 $0x0, s20;
	[sflag:s22] =	ssyncset.done $0x0  }
0xa0: {  	[sflag:s22] =	ssyncadd.s32 s4;
	_ =	sdelay $0x1  }
0xa1: {  	s23 =	simm.s32 $0x1B8B  }
0xa2: {  	_ =	swait.ge [sflag:s23], $0x1  }
0xa3: {  	[sflag:s23] =	ssyncset.done $0x0  }
0xa4: {  	s25 =	simm.s32 $0x1B8E;
	s24 =	sld [smem:$0x3FFE];
	[sflag:s23] =	ssyncadd.s32 $0xFFFFFFFF  }
0xa5: {  	s26 =	simm.s32 $execute0_lowered;
	[smem:$0x3FD2] =	sst s25  }
0xa6: {  	s5 =	sshll.u32 s26, $0x1;
	_ =	strace $0x80000046;
	[dreg:$0x1] =	wrdreg $0xFFFFFFFF  }
0xa7: {  	s28 =	simm.s32 $_size_execute0_lowered;
	s3 =	sadd.s32 s3, s5;
	[dreg:$0x0] =	wrdreg $0x0  }
0xa8: {  	s5 =	sshll.u32 s28, $0x1;
	[dreg:$0x2] =	wrdreg s3  }
0xa9: {  	[dreg:$0x3] =	wrdreg s5  }
0xaa: {  	[dreg:$0x4] =	wrdreg $0xC0  }
0xab: {  	_ =	task [dreg:s7], $0x5FFFF  }
0xac: {  	[dreg:$0x1] =	wrdreg $0xFFFFFFFF  }
0xad: {  	[dreg:$0x0] =	wrdreg $0x60  }
0xae: {  	[dreg:$0x2] =	wrdreg s2  }
0xaf: {  	[dreg:$0x3] =	wrdreg s24  }
0xb0: {  	[dreg:$0x4] =	wrdreg $0x0  }
0xb1: {  	[dreg:$0x5] =	wrdreg $0x1C1400  }
0xb2: {  	[dreg:$0x6] =	wrdreg $0x9  }
0xb3: {  	_ =	task.clear_ibuf [dreg:s7], $0x7FFFF;
	_ =	strace $0x90000046  }
0xb4: {  	s29 =	simm.s32 $0x9;
	_ =	strace $0x80000048  }
0xb5: {  	_ =	swait.ge [sflag:s29], $0x1  }
0xb6: {  	[sflag:s29] =	ssyncadd.s32 $0xFFFFFFFF  }
0xb7: {  	_ =	strace $0x90000048  }
0xb8: {  	_ =	sfence  }
0xb9: {  	s30 =	sld [smem:$0x0];
	_ =	sdelay $0x2  }
0xba: {  	s31 =	sshll.u32 s1, $0xD;
	s1 =	sshrl.u32 s1, $0x2  }
0xbb: {  	s3 =	sand.u32 $0x4000, s31;
	s1 =	sadd.s32 s1, s30  }
0xbc: {  	s0 =	sor.u32 s3, s0;
	s1 =	sshll.u32 s1, $0x11  }
0xbd: {  	s0 =	sor.u32 s1, s0  }
0xbe: {  	s0 =	sadd.s32 $0x8F2B, s0  }
0xbf: {  	[sflag:s0] =	ssyncadd.remote.s32 $0x1  }
0xc0: {  	_ =	sfence.sel $0xFFFF  }
0xc1: {  	[dreg:$0x0] =	wrdreg $0xFFFFFFFF;
	(pc) =	sbr.abs _section_cstart, $3  }
0xc2: {  	[dreg:$0x1] =	wrdreg $0xFFFFFFFF  }
0xc3: {  	_ =	task.clear_ibuf [dreg:s7], $0x2FFFF;
	_ =	strace $0x9FFFFFFF  }
0xc4: {  	(tm) =	ssettm $0x7FFFFFFF  }
0xc5: {  	_ =	shalt  }
tec
execute0_lowered:
.L_overlay_start_1:
0x0: {  	(tag) =	ssettag $0x1  }
0x1: {  	s1 =	rddreg [dreg:$0x0]  }
0x2: {  	s0 =	srdreg.scid;
	s20 =	stileid.u32  }
0x3: {  	s5 =	rddreg [dreg:$0x1];
	s7 =	smul.u32 $0x5000, s20  }
0x4: {  	s2 =	rddreg [dreg:$0x2];
	s6 =	sand.u32 $0x1, s0;
	s0 =	smul.u32 $0x3E8, s20  }
0x5: {  	s3 =	rddreg [dreg:$0x3];
	s4 =	simm.s32 $0x0;
	s11 =	smul.u32 $0x1F400, s20  }
0x6: {  	s28 =	simm.s32 $0x13C40;
	s31 =	simm.s32 $0x0;
	s8 =	smul.u32 $0x2800, s6  }
0x7: {  	[smem:$0x7FF] =	sst s4;
	s10 =	sadd.s32 $0x1C400, s5;
	s21 =	smul.u32 $0x2710, s6  }
0x8: {  	p0 =	sgt.u32 s20, $0x9;
	s9 =	smul.u32 $0x138800, s6;
	s6 =	ssub.s32 $0x2, s6  }
0x9: {  	s12 =	sshll.u32 s0, $0x7;
	s14 =	sshrl.u32 s6, $0x1;
	s7 =	sadd.s32 s8, s7  }
0xa: {  	s8 =	sadd.s32 s0, s21;
	s13 =	sadd.s32 $0x4000, s12;
	s11 =	sadd.s32 s11, s9  }
0xb: {  	s6 =	ssub.s32 s6, s14;
	s17 =	sadd.s32 $0x10000, s12;
	s21 =	sadd.s32 $0x18000, s12  }
0xc: {  	s7 =	sshrl.u32 s7, $0x3;
	s15 =	sadd.s32 s9, s13;
	s11 =	sshrl.u32 s11, $0x3  }
0xd: {  	s18 =	sadd.s32 s9, s17;
	s8 =	sshrl.u32 s8, $0x3;
	s22 =	sshrl.u32 s15, $0x3  }
0xe: {  	s11 =	sadd.s32 s10, s11;
	s15 =	sadd.s32 $0xC000, s12;
	s26 =	sshrl.u32 s18, $0x3  }
0xf: {  	s18 =	sadd.s32 $0x14000, s12;
	s7 =	sadd.s32 s7, s5;
	[dreg:$0x5] =	wrdreg s11  }
0x10: {  	s23 =	sadd.s32 s10, s22;
	s11 =	sadd.s32 $0x8000, s12;
	s16 =	sadd.s32 s9, s15  }
0x11: {  	s19 =	sadd.s32 s9, s18;
	s12 =	sadd.s32 $0x1C000, s12;
	[dreg:$0x6] =	wrdreg s23  }
0x12: {  	s24 =	sadd.s32 s9, s11;
	s25 =	sshrl.u32 s16, $0x3;
	s16 =	sadd.s32 s10, s26  }
0x13: {  	s14 =	sshrl.u32 s24, $0x3;
	[dreg:$0x9] =	wrdreg s16;
	s16 =	sshrl.u32 s19, $0x3  }
0x14: {  	s19 =	sadd.s32 s9, s21;
	s9 =	sadd.s32 s9, s12;
	s14 =	sadd.s32 s10, s14  }
0x15: {  	s24 =	smul.u32 $0xFA0, s20;
	s16 =	sadd.s32 s10, s16;
	[dreg:$0x7] =	wrdreg s14  }
0x16: {  	s22 =	sshrl.u32 s19, $0x3;
	s14 =	sadd.s32 s10, s25;
	[dreg:$0xa] =	wrdreg s16  }
0x17: {  	s9 =	sshrl.u32 s9, $0x3;
	s16 =	sadd.s32 s10, s22;
	[dreg:$0x8] =	wrdreg s14  }
0x18: {  	s8 =	sadd.s32 s8, s5;
	s9 =	sadd.s32 s10, s9;
	[dreg:$0xb] =	wrdreg s16  }
0x19: {  	s10 =	sshrl.u32 s24, $0x2;
	s25 =	sadd.s32 $0x1B000, s5;
	[dreg:$0xc] =	wrdreg s9  }
0x1a: {  	s5 =	sadd.s32 $0x1B800, s5;
	_ =	strace $0x80000047;
	[dreg:$0xd] =	wrdreg s25  }
0x1b: {  	s0 =	sadd.s32 s0, s3;
	s26 =	sadd.s32 s10, s3;
	[dreg:$0xe] =	wrdreg s5  }
0x1c: {  	s29 =	sadd.s32 $0x11000, s7;
	s10 =	sadd.s32 s11, s2;
	[dreg:$0xf] =	wrdreg s26  }
0x1d: {  	s30 =	sadd.s32 $0x7000, s7;
	s11 =	sadd.s32 s15, s2;
	[dreg:$0x11] =	wrdreg s10  }
0x1e: {  	s23 =	smul.u32 $0x7D000, s20;
	s15 =	sadd.s32 s18, s2;
	[dreg:$0x12] =	wrdreg s11  }
0x1f: {  	s20 =	simm.s32 $0x180C0;
	s18 =	sadd.s32 s12, s2;
	[dreg:$0x14] =	wrdreg s15  }
0x20: {  	s19 =	sadd.s32 $0x1BA00, s8;
	s9 =	sshrl.u32 s23, $0x2;
	[dreg:$0x16] =	wrdreg s18  }
0x21: {  	s12 =	simm.s32 $0x13CC0;
	s14 =	simm.s32 $0x13AC0;
	[dreg:$0x17] =	wrdreg s0  }
0x22: {  	s16 =	sadd.s32 s9, s2;
	s9 =	sadd.s32 s13, s2;
	[dreg:$0x18] =	wrdreg s19  }
0x23: {  	s13 =	sadd.s32 s17, s2;
	s17 =	sadd.s32 s21, s2;
	[dreg:$0x10] =	wrdreg s9  }
0x24: {  	s21 =	smax.u32 s6, $0x1;
	s10 =	simm.s32 $0x3;
	[dreg:$0x13] =	wrdreg s13  }
0x25: {  	s18 =	simm.s32 $0x140C0;
	s19 =	simm.s32 $0x13940;
	[dreg:$0x15] =	wrdreg s17  }
0x26: {  	s15 =	simm.s32 $0x13B40;
	[dreg:$0x19] =	wrdreg s21;
	s22 =	sadd.s32 $0x4000, s16  }
0x27: {  	s23 =	sadd.s32 $0x8000, s16;
	s24 =	sadd.s32 $0xC000, s16;
	s25 =	sadd.s32 $0x10000, s16  }
0x28: {  	s26 =	sadd.s32 $0x14000, s16;
	s7 =	sadd.s32 $0x18000, s16;
	[dreg:$0x1a] =	wrdreg s22  }
.Ltmp0:
0x29: {  	s8 =	sadd.s32 $0x1C000, s16;
	[dreg:$0x1b] =	wrdreg s23;
	(pc) =	sbr.rel .LBB2_1-.Ltmp0, $4  }
0x2a: {  	s9 =	simm.s32 $0x138C0;
	s13 =	simm.s32 $0x80;
	[dreg:$0x1c] =	wrdreg s24  }
0x2b: {  	s21 =	simm.s32 $0x1;
	s17 =	simm.s32 $0x13BC0;
	[dreg:$0x1d] =	wrdreg s25  }
0x2c: {  	[dreg:$0x1e] =	wrdreg s26;
	s22 =	simm.s32 $0x1C0C0;
	s23 =	simm.s32 $0x1C3B8  }
0x2d: {  	v0 =	vimm.f32 $1.000000000e+00;
	s24 =	simm.s32 $0x139C0;
	s25 =	simm.s32 $0x2;
	s26 =	simm.s32 $0x13A40  }
.LBB2_5:
0x2e: {  	s31 =	sadd.s32 $0x1, s31;
	s0 =	rddreg [dreg:$0x19]  }
0x2f: {  	p1 =	sne.s32 s31, s0  }
.Ltmp1:
0x30: {  	_ = 	snop;
	(pc) =	sbr.rel @!p1 .LBB2_6-.Ltmp1, $1  }
0x31: {  	_ =	sdelay $0x3  }
.LBB2_1:
0x32: {  	s11 =	simm.s32 @!p0 $0x0;
	s0 =	simm.s32 @!p0 $0x140C0;
	s5 =	rddreg [dreg:$0xd]  }
0x33: {  	[tilespmem:s0], [sflag:$0x3] =	stream.linear.gather @!p0 [hbm4b:s5+s11], $0x4000, $0x38;
	[tilespmem:$0x1C838] =	vst v63  }
0x34: {  	s5 =	simm.s32 @!p0 $0x3  }
0x35: {  	_ =	swait.ge @!p0 [sflag:s5], $0x4000  }
0x36: {  	[sflag:s5] =	ssyncset.done @!p0 $0x0  }
0x37: {  	[sflag:s5] =	ssyncadd.s32 @!p0 $0xFFFFC000  }
0x38: {  	[spmem:s16] =	stream.linear.scatter @!p0 [tilespmem:s0], [sflag:$0x3], $0x4000, $0x38;
	[tilespmem:$0x1C838] =	vst v63  }
0x39: {  	_ =	swait.ge @!p0 [sflag:s5], $0x4000  }
0x3a: {  	[sflag:s5] =	ssyncset.done @!p0 $0x0  }
0x3b: {  	s6 =	rddreg [dreg:$0x1a];
	[sflag:s5] =	ssyncadd.s32 @!p0 $0xFFFFC000  }
0x3c: {  	[spmem:s6] =	stream.linear.scatter @!p0 [tilespmem:s0], [sflag:$0x3], $0x4000, $0x38;
	[tilespmem:$0x1C838] =	vst v63  }
0x3d: {  	_ =	swait.ge @!p0 [sflag:s5], $0x4000  }
0x3e: {  	[sflag:s5] =	ssyncset.done @!p0 $0x0  }
0x3f: {  	s6 =	rddreg [dreg:$0x1b];
	[sflag:s5] =	ssyncadd.s32 @!p0 $0xFFFFC000  }
0x40: {  	[spmem:s6] =	stream.linear.scatter @!p0 [tilespmem:s0], [sflag:$0x3], $0x4000, $0x38;
	[tilespmem:$0x1C838] =	vst v63  }
0x41: {  	_ =	swait.ge @!p0 [sflag:s5], $0x4000  }
0x42: {  	[sflag:s5] =	ssyncset.done @!p0 $0x0  }
0x43: {  	s6 =	rddreg [dreg:$0x1c];
	[sflag:s5] =	ssyncadd.s32 @!p0 $0xFFFFC000  }
0x44: {  	[spmem:s6] =	stream.linear.scatter @!p0 [tilespmem:s0], [sflag:$0x3], $0x4000, $0x38;
	[tilespmem:$0x1C838] =	vst v63  }
0x45: {  	_ =	swait.ge @!p0 [sflag:s5], $0x4000  }
0x46: {  	[sflag:s5] =	ssyncset.done @!p0 $0x0  }
0x47: {  	s6 =	rddreg [dreg:$0x1d];
	[sflag:s5] =	ssyncadd.s32 @!p0 $0xFFFFC000  }
0x48: {  	[spmem:s6] =	stream.linear.scatter @!p0 [tilespmem:s0], [sflag:$0x3], $0x4000, $0x38;
	[tilespmem:$0x1C838] =	vst v63  }
0x49: {  	_ =	swait.ge @!p0 [sflag:s5], $0x4000  }
0x4a: {  	[sflag:s5] =	ssyncset.done @!p0 $0x0  }
0x4b: {  	s6 =	rddreg [dreg:$0x1e];
	[sflag:s5] =	ssyncadd.s32 @!p0 $0xFFFFC000  }
0x4c: {  	[spmem:s6] =	stream.linear.scatter @!p0 [tilespmem:s0], [sflag:$0x3], $0x4000, $0x38;
	[tilespmem:$0x1C838] =	vst v63  }
0x4d: {  	_ =	swait.ge @!p0 [sflag:s5], $0x4000  }
0x4e: {  	[sflag:s5] =	ssyncset.done @!p0 $0x0  }
0x4f: {  	[sflag:s5] =	ssyncadd.s32 @!p0 $0xFFFFC000  }
0x50: {  	[spmem:s7] =	stream.linear.scatter @!p0 [tilespmem:s0], [sflag:$0x3], $0x4000, $0x38;
	[tilespmem:$0x1C838] =	vst v63  }
0x51: {  	_ =	swait.ge @!p0 [sflag:s5], $0x4000  }
0x52: {  	[sflag:s5] =	ssyncset.done @!p0 $0x0  }
0x53: {  	[sflag:s5] =	ssyncadd.s32 @!p0 $0xFFFFC000  }
0x54: {  	[spmem:s8] =	stream.linear.scatter @!p0 [tilespmem:s0], [sflag:$0x3], $0x3400, $0x38;
	[tilespmem:$0x1C838] =	vst v63  }
0x55: {  	_ =	swait.ge @!p0 [sflag:s5], $0x3400  }
0x56: {  	[sflag:s5] =	ssyncset.done @!p0 $0x0  }
0x57: {  	s0 =	simm.s32 @!p0 $0x1C438;
	s6 =	rddreg [dreg:$0xe];
	[sflag:s5] =	ssyncadd.s32 @!p0 $0xFFFFCC00  }
0x58: {  	[tilespmem:s0], [sflag:$0x3] =	stream.linear.gather @!p0 [hbm4b:s6+s11], $0x400, $0x38;
	[tilespmem:$0x1C838] =	vst v63  }
0x59: {  	_ =	swait.ge @!p0 [sflag:s5], $0x400  }
0x5a: {  	[sflag:s5] =	ssyncset.done @!p0 $0x0  }
0x5b: {  	s6 =	rddreg [dreg:$0xf];
	[sflag:s5] =	ssyncadd.s32 @!p0 $0xFFFFFC00  }
0x5c: {  	[spmem:s6] =	stream.linear.scatter @!p0 [tilespmem:s0], [sflag:$0x3], $0x3E8, $0x38;
	[tilespmem:$0x1C838] =	vst v63  }
0x5d: {  	_ =	swait.ge @!p0 [sflag:s5], $0x3E8  }
0x5e: {  	[sflag:s5] =	ssyncset.done @!p0 $0x0  }
0x5f: {  	[sflag:s5] =	ssyncadd.s32 @!p0 $0xFFFFFC18  }
0x60: {  	[tilespmem:$0x1C3B8] =	vst v0  }
0x61: {  	[tilespmem:$0x1C3C8] =	vst v0  }
0x62: {  	[tilespmem:$0x1C3D8] =	vst v0  }
0x63: {  	[tilespmem:$0x1C3E8] =	vst v0  }
0x64: {  	[tilespmem:$0x1C3F8] =	vst v0  }
0x65: {  	[tilespmem:$0x1C408] =	vst v0  }
0x66: {  	[tilespmem:$0x1C418] =	vst v0  }
0x67: {  	[tilespmem:$0x1C428] =	vst v0  }
0x68: {  	s11 =	simm.s32 $0x0;
	[bflag:$0x0] =	sbarrier.arrive $0xFFFF  }
.LBB2_2:
0x69: {  	s0 =	sadd.s32 s11, s30  }
0x6a: {  	[tilespmem:s9], [sflag:$0x3] =	stream.linear.gather [hbm4b:s0+s4], $0x400, $0x38;
	[tilespmem:$0x1C838] =	vst v63  }
0x6b: {  	_ =	swait.ge [sflag:s10], $0x400  }
0x6c: {  	[sflag:s10] =	ssyncset.done $0x0  }
0x6d: {  	s6 =	sadd.s32 s11, s29;
	[sflag:s10] =	ssyncadd.s32 $0xFFFFFC00  }
0x6e: {  	[tilespmem:s12], [sflag:$0x3] =	stream.linear.gather [hbm4b:s6+s4], $0x400, $0x38;
	[tilespmem:$0x1C838] =	vst v63  }
0x6f: {  	_ =	swait.ge [sflag:s10], $0x400  }
0x70: {  	[sflag:s10] =	ssyncset.done $0x0  }
0x71: {  	[sflag:s10] =	ssyncadd.s32 $0xFFFFFC00  }
0x72: {  	[tilespmem:s18], [sflag:$0x1] =	stream.indirect.gather [hbm4b:s1+s13], $0x80, s9, s13, $0xb8;
	[tilespmem:$0x1C838] =	vst v63  }
0x73: {  	_ = 	snop  }
0x74: {  	[tilespmem:s20], [sflag:$0x2] =	stream.indirect.gather [hbm4b:s1+s13], $0x80, s19, s13, $0xb8;
	[tilespmem:$0x1C838] =	vst v63  }
0x75: {  	v1 =	vld [tilespmem:$0x13CC0]  }
0x76: {  	v2 =	vld [tilespmem:$0x13CD0]  }
0x77: {  	v3 =	vld [tilespmem:$0x13CE0]  }
0x78: {  	v4 =	vld [tilespmem:$0x13CF0]  }
0x79: {  	v5 =	vld [tilespmem:$0x13D00]  }
0x7a: {  	[tilespmem:$0x1C0C0] =	vst v1;
	v1 =	vld [tilespmem:$0x13D10]  }
0x7b: {  	[tilespmem:$0x1C0D0] =	vst v2;
	v2 =	vld [tilespmem:$0x13D20]  }
0x7c: {  	[tilespmem:$0x1C0E0] =	vst v3;
	v3 =	vld [tilespmem:$0x13D30]  }
0x7d: {  	[tilespmem:$0x1C0F0] =	vst v4  }
0x7e: {  	[tilespmem:$0x1C100] =	vst v5  }
0x7f: {  	[tilespmem:$0x1C110] =	vst v1  }
0x80: {  	[tilespmem:$0x1C120] =	vst v2  }
0x81: {  	[tilespmem:$0x1C130] =	vst v3  }
0x82: {  	_ =	swait.ge [sflag:s21], $0x4000  }
0x83: {  	[sflag:s21] =	ssyncset.done $0x0  }
0x84: {  	[sflag:s21] =	ssyncadd.s32 $0xFFFFC000  }
0x85: {  	[spmem:s2] =	stream.indirect.scatter.add.f32 [tilespmem:s18], [sflag:$0x3], $0x80, s22, s13, $0xb8;
	[tilespmem:$0x1C838] =	vst v63  }
0x86: {  	_ =	swait.ge [sflag:s10], $0x4000  }
0x87: {  	[sflag:s10] =	ssyncset.done $0x0  }
0x88: {  	[sflag:s10] =	ssyncadd.s32 $0xFFFFC000  }
0x89: {  	[spmem:s3] =	stream.indirect.scatter.add.f32 [tilespmem:s23], [sflag:$0x3], $0x1, s22, s13, $0xb8;
	[tilespmem:$0x1C838] =	vst v63  }
0x8a: {  	_ =	swait.ge [sflag:s10], $0x80  }
0x8b: {  	[sflag:s10] =	ssyncset.done $0x0  }
0x8c: {  	[sflag:s10] =	ssyncadd.s32 $0xFFFFFF80  }
0x8d: {  	[tilespmem:s18], [sflag:$0x1] =	stream.indirect.gather [hbm4b:s1+s13], $0x80, s24, s13, $0xb8;
	[tilespmem:$0x1C838] =	vst v63  }
0x8e: {  	v1 =	vld [tilespmem:$0x13D40]  }
0x8f: {  	v2 =	vld [tilespmem:$0x13D50]  }
0x90: {  	v3 =	vld [tilespmem:$0x13D60]  }
0x91: {  	v50 =	vld [tilespmem:$0x13D70]  }
0x92: {  	v51 =	vld [tilespmem:$0x13D80]  }
0x93: {  	[tilespmem:$0x1C0C0] =	vst v1;
	v1 =	vld [tilespmem:$0x13D90]  }
0x94: {  	[tilespmem:$0x1C0D0] =	vst v2;
	v2 =	vld [tilespmem:$0x13DA0]  }
0x95: {  	[tilespmem:$0x1C0E0] =	vst v3;
	v3 =	vld [tilespmem:$0x13DB0]  }
0x96: {  	[tilespmem:$0x1C0F0] =	vst v50  }
0x97: {  	[tilespmem:$0x1C100] =	vst v51  }
0x98: {  	[tilespmem:$0x1C110] =	vst v1  }
0x99: {  	[tilespmem:$0x1C120] =	vst v2  }
0x9a: {  	[tilespmem:$0x1C130] =	vst v3  }
0x9b: {  	_ =	swait.ge [sflag:s25], $0x4000  }
0x9c: {  	[sflag:s25] =	ssyncset.done $0x0  }
0x9d: {  	[sflag:s25] =	ssyncadd.s32 $0xFFFFC000  }
0x9e: {  	[spmem:s2] =	stream.indirect.scatter.add.f32 [tilespmem:s20], [sflag:$0x3], $0x80, s22, s13, $0xb8;
	[tilespmem:$0x1C838] =	vst v63  }
0x9f: {  	_ =	swait.ge [sflag:s10], $0x4000  }
0xa0: {  	[sflag:s10] =	ssyncset.done $0x0  }
0xa1: {  	[sflag:s10] =	ssyncadd.s32 $0xFFFFC000  }
0xa2: {  	[spmem:s3] =	stream.indirect.scatter.add.f32 [tilespmem:s23], [sflag:$0x3], $0x1, s22, s13, $0xb8;
	[tilespmem:$0x1C838] =	vst v63  }
0xa3: {  	_ =	swait.ge [sflag:s10], $0x80  }
0xa4: {  	[sflag:s10] =	ssyncset.done $0x0  }
0xa5: {  	[sflag:s10] =	ssyncadd.s32 $0xFFFFFF80  }
0xa6: {  	[tilespmem:s20], [sflag:$0x2] =	stream.indirect.gather [hbm4b:s1+s13], $0x80, s26, s13, $0xb8;
	[tilespmem:$0x1C838] =	vst v63  }
0xa7: {  	v1 =	vld [tilespmem:$0x13DC0]  }
0xa8: {  	v2 =	vld [tilespmem:$0x13DD0]  }
0xa9: {  	v3 =	vld [tilespmem:$0x13DE0]  }
0xaa: {  	v52 =	vld [tilespmem:$0x13DF0]  }
0xab: {  	v53 =	vld [tilespmem:$0x13E00]  }
0xac: {  	[tilespmem:$0x1C0C0] =	vst v1;
	v1 =	vld [tilespmem:$0x13E10]  }
0xad: {  	[tilespmem:$0x1C0D0] =	vst v2;
	v2 =	vld [tilespmem:$0x13E20]  }
0xae: {  	[tilespmem:$0x1C0E0] =	vst v3;
	v3 =	vld [tilespmem:$0x13E30]  }
0xaf: {  	[tilespmem:$0x1C0F0] =	vst v52  }
0xb0: {  	[tilespmem:$0x1C100] =	vst v53  }
0xb1: {  	[tilespmem:$0x1C110] =	vst v1  }
0xb2: {  	[tilespmem:$0x1C120] =	vst v2  }
0xb3: {  	[tilespmem:$0x1C130] =	vst v3  }
0xb4: {  	_ =	swait.ge [sflag:s21], $0x4000  }
0xb5: {  	[sflag:s21] =	ssyncset.done $0x0  }
0xb6: {  	[sflag:s21] =	ssyncadd.s32 $0xFFFFC000  }
0xb7: {  	[spmem:s2] =	stream.indirect.scatter.add.f32 [tilespmem:s18], [sflag:$0x3], $0x80, s22, s13, $0xb8;
	[tilespmem:$0x1C838] =	vst v63  }
0xb8: {  	_ =	swait.ge [sflag:s10], $0x4000  }
0xb9: {  	[sflag:s10] =	ssyncset.done $0x0  }
0xba: {  	[sflag:s10] =	ssyncadd.s32 $0xFFFFC000  }
0xbb: {  	[spmem:s3] =	stream.indirect.scatter.add.f32 [tilespmem:s23], [sflag:$0x3], $0x1, s22, s13, $0xb8;
	[tilespmem:$0x1C838] =	vst v63  }
0xbc: {  	_ =	swait.ge [sflag:s10], $0x80  }
0xbd: {  	[sflag:s10] =	ssyncset.done $0x0  }
0xbe: {  	[sflag:s10] =	ssyncadd.s32 $0xFFFFFF80  }
0xbf: {  	[tilespmem:s18], [sflag:$0x1] =	stream.indirect.gather [hbm4b:s1+s13], $0x80, s14, s13, $0xb8;
	[tilespmem:$0x1C838] =	vst v63  }
0xc0: {  	v1 =	vld [tilespmem:$0x13E40]  }
0xc1: {  	v2 =	vld [tilespmem:$0x13E50]  }
0xc2: {  	v3 =	vld [tilespmem:$0x13E60]  }
0xc3: {  	v54 =	vld [tilespmem:$0x13E70]  }
0xc4: {  	v55 =	vld [tilespmem:$0x13E80]  }
0xc5: {  	[tilespmem:$0x1C0C0] =	vst v1;
	v1 =	vld [tilespmem:$0x13E90]  }
0xc6: {  	[tilespmem:$0x1C0D0] =	vst v2;
	v2 =	vld [tilespmem:$0x13EA0]  }
0xc7: {  	[tilespmem:$0x1C0E0] =	vst v3;
	v3 =	vld [tilespmem:$0x13EB0]  }
0xc8: {  	[tilespmem:$0x1C0F0] =	vst v54  }
0xc9: {  	[tilespmem:$0x1C100] =	vst v55  }
0xca: {  	[tilespmem:$0x1C110] =	vst v1  }
0xcb: {  	[tilespmem:$0x1C120] =	vst v2  }
0xcc: {  	[tilespmem:$0x1C130] =	vst v3  }
0xcd: {  	_ =	swait.ge [sflag:s25], $0x4000  }
0xce: {  	[sflag:s25] =	ssyncset.done $0x0  }
0xcf: {  	[sflag:s25] =	ssyncadd.s32 $0xFFFFC000  }
0xd0: {  	[spmem:s2] =	stream.indirect.scatter.add.f32 [tilespmem:s20], [sflag:$0x3], $0x80, s22, s13, $0xb8;
	[tilespmem:$0x1C838] =	vst v63  }
0xd1: {  	_ =	swait.ge [sflag:s10], $0x4000  }
0xd2: {  	[sflag:s10] =	ssyncset.done $0x0  }
0xd3: {  	[sflag:s10] =	ssyncadd.s32 $0xFFFFC000  }
0xd4: {  	[spmem:s3] =	stream.indirect.scatter.add.f32 [tilespmem:s23], [sflag:$0x3], $0x1, s22, s13, $0xb8;
	[tilespmem:$0x1C838] =	vst v63  }
0xd5: {  	_ =	swait.ge [sflag:s10], $0x80  }
0xd6: {  	[sflag:s10] =	ssyncset.done $0x0  }
0xd7: {  	[sflag:s10] =	ssyncadd.s32 $0xFFFFFF80  }
0xd8: {  	[tilespmem:s20], [sflag:$0x2] =	stream.indirect.gather [hbm4b:s1+s13], $0x80, s15, s13, $0xb8;
	[tilespmem:$0x1C838] =	vst v63  }
0xd9: {  	v1 =	vld [tilespmem:$0x13EC0]  }
0xda: {  	v2 =	vld [tilespmem:$0x13ED0]  }
0xdb: {  	v3 =	vld [tilespmem:$0x13EE0]  }
0xdc: {  	v56 =	vld [tilespmem:$0x13EF0]  }
0xdd: {  	v57 =	vld [tilespmem:$0x13F00]  }
0xde: {  	[tilespmem:$0x1C0C0] =	vst v1;
	v1 =	vld [tilespmem:$0x13F10]  }
0xdf: {  	[tilespmem:$0x1C0D0] =	vst v2;
	v2 =	vld [tilespmem:$0x13F20]  }
0xe0: {  	[tilespmem:$0x1C0E0] =	vst v3;
	v3 =	vld [tilespmem:$0x13F30]  }
0xe1: {  	[tilespmem:$0x1C0F0] =	vst v56  }
0xe2: {  	[tilespmem:$0x1C100] =	vst v57  }
0xe3: {  	[tilespmem:$0x1C110] =	vst v1  }
0xe4: {  	[tilespmem:$0x1C120] =	vst v2  }
0xe5: {  	[tilespmem:$0x1C130] =	vst v3  }
0xe6: {  	_ =	swait.ge [sflag:s21], $0x4000  }
0xe7: {  	[sflag:s21] =	ssyncset.done $0x0  }
0xe8: {  	[sflag:s21] =	ssyncadd.s32 $0xFFFFC000  }
0xe9: {  	[spmem:s2] =	stream.indirect.scatter.add.f32 [tilespmem:s18], [sflag:$0x3], $0x80, s22, s13, $0xb8;
	[tilespmem:$0x1C838] =	vst v63  }
0xea: {  	_ =	swait.ge [sflag:s10], $0x4000  }
0xeb: {  	[sflag:s10] =	ssyncset.done $0x0  }
0xec: {  	[sflag:s10] =	ssyncadd.s32 $0xFFFFC000  }
0xed: {  	[spmem:s3] =	stream.indirect.scatter.add.f32 [tilespmem:s23], [sflag:$0x3], $0x1, s22, s13, $0xb8;
	[tilespmem:$0x1C838] =	vst v63  }
0xee: {  	_ =	swait.ge [sflag:s10], $0x80  }
0xef: {  	[sflag:s10] =	ssyncset.done $0x0  }
0xf0: {  	[sflag:s10] =	ssyncadd.s32 $0xFFFFFF80  }
0xf1: {  	[tilespmem:s18], [sflag:$0x1] =	stream.indirect.gather [hbm4b:s1+s13], $0x80, s17, s13, $0xb8;
	[tilespmem:$0x1C838] =	vst v63  }
0xf2: {  	v1 =	vld [tilespmem:$0x13F40]  }
0xf3: {  	v2 =	vld [tilespmem:$0x13F50]  }
0xf4: {  	v3 =	vld [tilespmem:$0x13F60]  }
0xf5: {  	v58 =	vld [tilespmem:$0x13F70]  }
0xf6: {  	v59 =	vld [tilespmem:$0x13F80]  }
0xf7: {  	[tilespmem:$0x1C0C0] =	vst v1;
	v1 =	vld [tilespmem:$0x13F90]  }
0xf8: {  	[tilespmem:$0x1C0D0] =	vst v2;
	v2 =	vld [tilespmem:$0x13FA0]  }
0xf9: {  	[tilespmem:$0x1C0E0] =	vst v3;
	v3 =	vld [tilespmem:$0x13FB0]  }
0xfa: {  	[tilespmem:$0x1C0F0] =	vst v58  }
0xfb: {  	[tilespmem:$0x1C100] =	vst v59  }
0xfc: {  	[tilespmem:$0x1C110] =	vst v1  }
0xfd: {  	[tilespmem:$0x1C120] =	vst v2  }
0xfe: {  	[tilespmem:$0x1C130] =	vst v3  }
0xff: {  	_ =	swait.ge [sflag:s25], $0x4000  }
0x100: {  	[sflag:s25] =	ssyncset.done $0x0  }
0x101: {  	[sflag:s25] =	ssyncadd.s32 $0xFFFFC000  }
0x102: {  	[spmem:s2] =	stream.indirect.scatter.add.f32 [tilespmem:s20], [sflag:$0x3], $0x80, s22, s13, $0xb8;
	[tilespmem:$0x1C838] =	vst v63  }
0x103: {  	_ =	swait.ge [sflag:s10], $0x4000  }
0x104: {  	[sflag:s10] =	ssyncset.done $0x0  }
0x105: {  	[sflag:s10] =	ssyncadd.s32 $0xFFFFC000  }
0x106: {  	[spmem:s3] =	stream.indirect.scatter.add.f32 [tilespmem:s23], [sflag:$0x3], $0x1, s22, s13, $0xb8;
	[tilespmem:$0x1C838] =	vst v63  }
0x107: {  	_ =	swait.ge [sflag:s10], $0x80  }
0x108: {  	[sflag:s10] =	ssyncset.done $0x0  }
0x109: {  	[sflag:s10] =	ssyncadd.s32 $0xFFFFFF80  }
0x10a: {  	[tilespmem:s20], [sflag:$0x2] =	stream.indirect.gather [hbm4b:s1+s13], $0x80, s28, s13, $0xb8;
	[tilespmem:$0x1C838] =	vst v63  }
0x10b: {  	v1 =	vld [tilespmem:$0x13FC0]  }
0x10c: {  	v2 =	vld [tilespmem:$0x13FD0]  }
0x10d: {  	v3 =	vld [tilespmem:$0x13FE0]  }
0x10e: {  	v60 =	vld [tilespmem:$0x13FF0]  }
0x10f: {  	v61 =	vld [tilespmem:$0x14000]  }
0x110: {  	[tilespmem:$0x1C0C0] =	vst v1;
	v1 =	vld [tilespmem:$0x14010]  }
0x111: {  	[tilespmem:$0x1C0D0] =	vst v2;
	v2 =	vld [tilespmem:$0x14020]  }
0x112: {  	[tilespmem:$0x1C0E0] =	vst v3;
	v3 =	vld [tilespmem:$0x14030]  }
0x113: {  	[tilespmem:$0x1C0F0] =	vst v60  }
0x114: {  	[tilespmem:$0x1C100] =	vst v61  }
0x115: {  	[tilespmem:$0x1C110] =	vst v1  }
0x116: {  	[tilespmem:$0x1C120] =	vst v2  }
0x117: {  	[tilespmem:$0x1C130] =	vst v3  }
0x118: {  	_ =	swait.ge [sflag:s21], $0x4000  }
0x119: {  	[sflag:s21] =	ssyncset.done $0x0  }
0x11a: {  	[sflag:s21] =	ssyncadd.s32 $0xFFFFC000  }
0x11b: {  	[spmem:s2] =	stream.indirect.scatter.add.f32 [tilespmem:s18], [sflag:$0x3], $0x80, s22, s13, $0xb8;
	[tilespmem:$0x1C838] =	vst v63  }
0x11c: {  	_ =	swait.ge [sflag:s10], $0x4000  }
0x11d: {  	[sflag:s10] =	ssyncset.done $0x0  }
0x11e: {  	[sflag:s10] =	ssyncadd.s32 $0xFFFFC000  }
0x11f: {  	[spmem:s3] =	stream.indirect.scatter.add.f32 [tilespmem:s23], [sflag:$0x3], $0x1, s22, s13, $0xb8;
	[tilespmem:$0x1C838] =	vst v63  }
0x120: {  	_ =	swait.ge [sflag:s10], $0x80  }
0x121: {  	[sflag:s10] =	ssyncset.done $0x0  }
0x122: {  	[sflag:s10] =	ssyncadd.s32 $0xFFFFFF80  }
0x123: {  	v1 =	vld [tilespmem:$0x14040]  }
0x124: {  	v2 =	vld [tilespmem:$0x14050]  }
0x125: {  	v3 =	vld [tilespmem:$0x14060]  }
0x126: {  	v62 =	vld [tilespmem:$0x14070]  }
0x127: {  	v63 =	vld [tilespmem:$0x14080]  }
0x128: {  	[tilespmem:$0x1C0C0] =	vst v1;
	v1 =	vld [tilespmem:$0x14090]  }
0x129: {  	[tilespmem:$0x1C0D0] =	vst v2;
	v2 =	vld [tilespmem:$0x140A0]  }
0x12a: {  	[tilespmem:$0x1C0E0] =	vst v3;
	v3 =	vld [tilespmem:$0x140B0]  }
0x12b: {  	[tilespmem:$0x1C0F0] =	vst v62  }
0x12c: {  	[tilespmem:$0x1C100] =	vst v63  }
0x12d: {  	[tilespmem:$0x1C110] =	vst v1  }
0x12e: {  	[tilespmem:$0x1C120] =	vst v2  }
0x12f: {  	[tilespmem:$0x1C130] =	vst v3  }
0x130: {  	_ =	swait.ge [sflag:s25], $0x4000  }
0x131: {  	[sflag:s25] =	ssyncset.done $0x0  }
0x132: {  	[sflag:s25] =	ssyncadd.s32 $0xFFFFC000  }
0x133: {  	[spmem:s2] =	stream.indirect.scatter.add.f32 [tilespmem:s20], [sflag:$0x3], $0x80, s22, s13, $0xb8;
	[tilespmem:$0x1C838] =	vst v63  }
0x134: {  	_ =	swait.ge [sflag:s10], $0x4000  }
0x135: {  	p1 =	sne.s32 s11, $0x480;
	[sflag:s10] =	ssyncset.done $0x0  }
.Ltmp2:
0x136: {  	[sflag:s10] =	ssyncadd.s32 $0xFFFFC000;
	(pc) =	sbr.rel @p1 .LBB2_2-.Ltmp2, $4  }
0x137: {  	[spmem:s3] =	stream.indirect.scatter.add.f32 [tilespmem:s23], [sflag:$0x3], $0x1, s22, s13, $0xb8;
	[tilespmem:$0x1C838] =	vst v63  }
0x138: {  	_ =	swait.ge [sflag:s10], $0x80  }
0x139: {  	[sflag:s10] =	ssyncset.done $0x0  }
0x13a: {  	s11 =	sadd.s32 $0x80, s11;
	[sflag:s10] =	ssyncadd.s32 $0xFFFFFF80  }
.Ltmp3:
0x13b: {  	(pc) =	sbr.rel @p0 .LBB2_5-.Ltmp3, $2  }
0x13c: {  	_ =	sdelay $0x1  }
0x13d: {  	[bflag:$0x0] =	sbarrier.arrive $0xFFFF;
	_ =	sdelay $0x1  }
0x13e: {  	[tilespmem:s18], [sflag:$0x3] =	stream.linear.gather [spmem:s16], $0x4000, $0x38;
	[tilespmem:$0x1C838] =	vst v63  }
0x13f: {  	_ =	swait.ge [sflag:s10], $0x4000  }
0x140: {  	[sflag:s10] =	ssyncset.done $0x0  }
0x141: {  	s0 =	rddreg [dreg:$0x5];
	[sflag:s10] =	ssyncadd.s32 $0xFFFFC000  }
0x142: {  	[hbm4b:s0+s4] =	stream.linear.scatter [tilespmem:s18], [sflag:$0x3], $0x4000, $0x38;
	[tilespmem:$0x1C838] =	vst v63  }
0x143: {  	_ =	swait.ge [sflag:s10], $0x4000  }
0x144: {  	[sflag:s10] =	ssyncset.done $0x0  }
0x145: {  	s11 =	rddreg [dreg:$0x10];
	[sflag:s10] =	ssyncadd.s32 $0xFFFFC000  }
0x146: {  	[tilespmem:s18], [sflag:$0x3] =	stream.linear.gather [spmem:s11], $0x4000, $0x38;
	[tilespmem:$0x1C838] =	vst v63  }
0x147: {  	_ =	swait.ge [sflag:s10], $0x4000  }
0x148: {  	[sflag:s10] =	ssyncset.done $0x0  }
0x149: {  	s5 =	rddreg [dreg:$0x6];
	[sflag:s10] =	ssyncadd.s32 $0xFFFFC000  }
0x14a: {  	[hbm4b:s5+s4] =	stream.linear.scatter [tilespmem:s18], [sflag:$0x3], $0x4000, $0x38;
	[tilespmem:$0x1C838] =	vst v63  }
0x14b: {  	_ =	swait.ge [sflag:s10], $0x4000  }
0x14c: {  	[sflag:s10] =	ssyncset.done $0x0  }
0x14d: {  	s6 =	rddreg [dreg:$0x11];
	[sflag:s10] =	ssyncadd.s32 $0xFFFFC000  }
0x14e: {  	[tilespmem:s18], [sflag:$0x3] =	stream.linear.gather [spmem:s6], $0x4000, $0x38;
	[tilespmem:$0x1C838] =	vst v63  }
0x14f: {  	_ =	swait.ge [sflag:s10], $0x4000  }
0x150: {  	[sflag:s10] =	ssyncset.done $0x0  }
0x151: {  	s11 =	rddreg [dreg:$0x7];
	[sflag:s10] =	ssyncadd.s32 $0xFFFFC000  }
0x152: {  	[hbm4b:s11+s4] =	stream.linear.scatter [tilespmem:s18], [sflag:$0x3], $0x4000, $0x38;
	[tilespmem:$0x1C838] =	vst v63  }
0x153: {  	_ =	swait.ge [sflag:s10], $0x4000  }
0x154: {  	[sflag:s10] =	ssyncset.done $0x0  }
0x155: {  	s5 =	rddreg [dreg:$0x12];
	[sflag:s10] =	ssyncadd.s32 $0xFFFFC000  }
0x156: {  	[tilespmem:s18], [sflag:$0x3] =	stream.linear.gather [spmem:s5], $0x4000, $0x38;
	[tilespmem:$0x1C838] =	vst v63  }
0x157: {  	_ =	swait.ge [sflag:s10], $0x4000  }
0x158: {  	[sflag:s10] =	ssyncset.done $0x0  }
0x159: {  	s6 =	rddreg [dreg:$0x8];
	[sflag:s10] =	ssyncadd.s32 $0xFFFFC000  }
0x15a: {  	[hbm4b:s6+s4] =	stream.linear.scatter [tilespmem:s18], [sflag:$0x3], $0x4000, $0x38;
	[tilespmem:$0x1C838] =	vst v63  }
0x15b: {  	_ =	swait.ge [sflag:s10], $0x4000  }
0x15c: {  	[sflag:s10] =	ssyncset.done $0x0  }
0x15d: {  	s11 =	rddreg [dreg:$0x13];
	[sflag:s10] =	ssyncadd.s32 $0xFFFFC000  }
0x15e: {  	[tilespmem:s18], [sflag:$0x3] =	stream.linear.gather [spmem:s11], $0x4000, $0x38;
	[tilespmem:$0x1C838] =	vst v63  }
0x15f: {  	_ =	swait.ge [sflag:s10], $0x4000  }
0x160: {  	[sflag:s10] =	ssyncset.done $0x0  }
0x161: {  	s5 =	rddreg [dreg:$0x9];
	[sflag:s10] =	ssyncadd.s32 $0xFFFFC000  }
0x162: {  	[hbm4b:s5+s4] =	stream.linear.scatter [tilespmem:s18], [sflag:$0x3], $0x4000, $0x38;
	[tilespmem:$0x1C838] =	vst v63  }
0x163: {  	_ =	swait.ge [sflag:s10], $0x4000  }
0x164: {  	[sflag:s10] =	ssyncset.done $0x0  }
0x165: {  	s6 =	rddreg [dreg:$0x14];
	[sflag:s10] =	ssyncadd.s32 $0xFFFFC000  }
0x166: {  	[tilespmem:s18], [sflag:$0x3] =	stream.linear.gather [spmem:s6], $0x4000, $0x38;
	[tilespmem:$0x1C838] =	vst v63  }
0x167: {  	_ =	swait.ge [sflag:s10], $0x4000  }
0x168: {  	[sflag:s10] =	ssyncset.done $0x0  }
0x169: {  	s11 =	rddreg [dreg:$0xa];
	[sflag:s10] =	ssyncadd.s32 $0xFFFFC000  }
0x16a: {  	[hbm4b:s11+s4] =	stream.linear.scatter [tilespmem:s18], [sflag:$0x3], $0x4000, $0x38;
	[tilespmem:$0x1C838] =	vst v63  }
0x16b: {  	_ =	swait.ge [sflag:s10], $0x4000  }
0x16c: {  	[sflag:s10] =	ssyncset.done $0x0  }
0x16d: {  	s5 =	rddreg [dreg:$0x15];
	[sflag:s10] =	ssyncadd.s32 $0xFFFFC000  }
0x16e: {  	[tilespmem:s18], [sflag:$0x3] =	stream.linear.gather [spmem:s5], $0x4000, $0x38;
	[tilespmem:$0x1C838] =	vst v63  }
0x16f: {  	_ =	swait.ge [sflag:s10], $0x4000  }
0x170: {  	[sflag:s10] =	ssyncset.done $0x0  }
0x171: {  	s6 =	rddreg [dreg:$0xb];
	[sflag:s10] =	ssyncadd.s32 $0xFFFFC000  }
0x172: {  	[hbm4b:s6+s4] =	stream.linear.scatter [tilespmem:s18], [sflag:$0x3], $0x4000, $0x38;
	[tilespmem:$0x1C838] =	vst v63  }
0x173: {  	_ =	swait.ge [sflag:s10], $0x4000  }
0x174: {  	[sflag:s10] =	ssyncset.done $0x0  }
0x175: {  	s11 =	rddreg [dreg:$0x16];
	[sflag:s10] =	ssyncadd.s32 $0xFFFFC000  }
0x176: {  	[tilespmem:s18], [sflag:$0x3] =	stream.linear.gather [spmem:s11], $0x3400, $0x38;
	[tilespmem:$0x1C838] =	vst v63  }
0x177: {  	_ =	swait.ge [sflag:s10], $0x3400  }
0x178: {  	[sflag:s10] =	ssyncset.done $0x0  }
0x179: {  	s5 =	rddreg [dreg:$0xc];
	[sflag:s10] =	ssyncadd.s32 $0xFFFFCC00  }
0x17a: {  	[hbm4b:s5+s4] =	stream.linear.scatter [tilespmem:s18], [sflag:$0x3], $0x3400, $0x38;
	[tilespmem:$0x1C838] =	vst v63  }
0x17b: {  	_ =	swait.ge [sflag:s10], $0x3400  }
0x17c: {  	[sflag:s10] =	ssyncset.done $0x0  }
0x17d: {  	s5 =	simm.s32 $0x1C438;
	s6 =	rddreg [dreg:$0x17];
	[sflag:s10] =	ssyncadd.s32 $0xFFFFCC00  }
0x17e: {  	[tilespmem:s5], [sflag:$0x3] =	stream.linear.gather [spmem:s6], $0x3E8, $0x38;
	[tilespmem:$0x1C838] =	vst v63  }
0x17f: {  	_ =	swait.ge [sflag:s10], $0x3E8  }
0x180: {  	[sflag:s10] =	ssyncset.done $0x0  }
.Ltmp4:
0x181: {  	s11 =	rddreg [dreg:$0x18];
	[sflag:s10] =	ssyncadd.s32 $0xFFFFFC18;
	(pc) =	sbr.rel .LBB2_5-.Ltmp4, $4  }
0x182: {  	[hbm4b:s11+s4] =	stream.linear.scatter [tilespmem:s5], [sflag:$0x3], $0x3E8, $0x38;
	[tilespmem:$0x1C838] =	vst v63  }
0x183: {  	_ =	swait.ge [sflag:s10], $0x3E8  }
0x184: {  	[sflag:s10] =	ssyncset.done $0x0  }
0x185: {  	[sflag:s10] =	ssyncadd.s32 $0xFFFFFC18  }
.LBB2_6:
0x186: {  	_ =	sfence.sel $0x180000  }
0x187: {  	[bflag:$0x0] =	sbarrier.arrive $0xFFFF  }
0x188: {  	_ =	strace $0x90000047  }
0x189: {  	s0 =	stileid.u32;
	[bflag:$0x2] =	sbarrier.arrive $0xFFFF  }
0x18a: {  	p0 =	sne.s32 s0, $0x0;
	s0 =	rddreg [dreg:$0x4]  }
0x18b: {  	s0 =	sadd.s32 @!p0 $0x100000, s0  }
0x18c: {  	[sflag:s0] =	ssyncadd.tile.s32 @!p0 $0x1;
	_ =	shalt  }
.Lfunc_end2:
_tile_overlayer_lowered:
.L_overlay_start_2:
0x18d: {  	(tag) =	ssettag $0x2  }
0x18e: {  	s0 =	rddreg [dreg:$0x0];
	s2 =	stileid.u32  }
0x18f: {  	s1 =	rddreg [dreg:$0x1];
	p0 =	sne.s32 s2, $0x0  }
0x190: {  	s3 =	rddreg [dreg:$0x2];
	[bflag:$0x3] =	sbarrier.arrive $0xFFFF;
	s2 =	simm.s32 @!p0 $0x1C03  }
0x191: {  	[timem:s3], [sflag:s2] =	dma.local @!p0 [hbm:s0], s1  }
0x192: {  	s0 =	simm.s32 @!p0 $0x3  }
0x193: {  	_ =	swait.ge @!p0 [sflag:s0], s1  }
0x194: {  	s1 =	ssub.s32 @!p0 $0x0, s1;
	[sflag:s0] =	ssyncset.done @!p0 $0x0  }
0x195: {  	[sflag:s0] =	ssyncadd.s32 @!p0 s1  }
0x196: {  	[bflag:$0x3] =	sbarrier.arrive $0xFFFF  }
0x197: {  	_ =	shalt  }

// kernel: kernel.17.cloned.1.call-start
scs
__scs_entry_jumppad:
0x0: {  	(pc) =	sbr.rel $0x88, $3  }
0x1: {  	(tag) =	ssettag $0x0;
	lr =	simm.s32 $0x1  }
0x2: {  	[smem:$0x3F82] =	sst lr;
	_ =	strace $0xD0000000  }
0x3: {  	_ = 	snop  }
0x4: {  	_ = 	snop  }
0x5: {  	_ = 	snop  }
0x6: {  	_ = 	snop  }
0x7: {  	_ = 	snop  }
__scs_overlays_trampoline_lowered:
0x8: {  	[smem:$0x3F91] =	sst s0  }
0x9: {  	[smem:$0x3F92] =	sst s1  }
0xa: {  	[smem:$0x3F93] =	sst s2  }
0xb: {  	[smem:$0x3F94] =	sst s3  }
0xc: {  	[smem:$0x3F95] =	sst s4  }
0xd: {  	[smem:$0x3F96] =	sst s5  }
0xe: {  	[smem:$0x3F97] =	sst s6  }
0xf: {  	[smem:$0x3F98] =	sst s7  }
0x10: {  	[smem:$0x3F99] =	sst s8  }
0x11: {  	[smem:$0x3F9A] =	sst s9;
	s0 =	simm.s32 @!p0 $0x0  }
0x12: {  	s1 =	sld [smem:$0x3F80];
	s0 =	simm.s32 @p0 $0x1  }
0x13: {  	[smem:$0x3F9B] =	sst s0;
	s0 =	simm.s32 @!p1 $0x0  }
0x14: {  	s2 =	sld [smem:$0x3F7F];
	s0 =	simm.s32 @p1 $0x1  }
0x15: {  	[smem:$0x3F9C] =	sst s0;
	s0 =	simm.s32 @!p2 $0x0  }
0x16: {  	s3 =	sld [smem:$0x3FDB];
	s0 =	simm.s32 @p2 $0x1  }
0x17: {  	s4 =	simm.s32 $0x1BF5;
	[smem:$0x3F9E] =	sst s0  }
0x18: {  	s0 =	sld [smem:$0x3F81];
	_ =	swait.ge [sflag:s4], $0x0  }
0x19: {  	s7 =	sld [smem:$0x3F82]  }
0x1a: {  	s8 =	sadd.s32 $0xFFFFE003, lr  }
0x1b: {  	s9 =	sadd.s32 $0xFFFFFEF7, lr;
	s5 =	simm.s32 $0xFFFFFFFF;
	p2 =	slt.u32 s8, $0xFFFFF086  }
0x1c: {  	p1 =	slt.u32 s9, $0xF7A;
	s5 =	simm.s32 @!p2 $0x0  }
0x1d: {  	s5 =	simm.s32 @p1 $0x1;
	p0 =	seq.s32 s7, s2  }
0x1e: {  	s7 =	smul.u32 @!p0 $0xF7A, s2;
	p2 =	seq.s32 @!p0 s5, $0x0  }
0x1f: {  	s9 =	smul.u32 $0xF7A, s1;
	s8 =	simm.s32 @!p0 $0x1BF5;
	p2 =	por !p2, p0  }
0x20: {  	[sflag:s8] =	ssyncset.s32 @!p0 $0xFFFFF086;
	s6 =	sadd.s32 @!p0 s3, s7;
	s7 =	simm.s32 @!p0 $0x108  }
0x21: {  	s3 =	sadd.s32 s3, s9;
	s6 =	sadd.s32 @!p0 $0x88, s6;
	s7 =	simm.s32 @p2 $0x1082  }
0x22: {  	[simem:s7], [sflag:s8] =	dma.local @!p0 [hbm:s6], $0xF7A  }
0x23: {  	s9 =	sor.u32 $0xD0000000, s2;
	s6 =	simm.s32 $0x108;
	_ =	swait.ge @!p0 [sflag:s8], $0x0  }
0x24: {  	s3 =	sadd.s32 $0x88, s3;
	s6 =	simm.s32 @!p1 $0x1082;
	[sflag:s4] =	ssyncset.s32 $0xFFFFF086  }
0x25: {  	[simem:s6], [sflag:s4] =	dma.local [hbm:s3], $0xF7A  }
0x26: {  	[smem:$0x3F82] =	sst s1;
	(tag) =	ssettag s2;
	_ =	strace s9  }
0x27: {  	s1 =	sld [smem:$0x3F92]  }
0x28: {  	s2 =	sld [smem:$0x3F93]  }
0x29: {  	s4 =	sld [smem:$0x3F95]  }
0x2a: {  	p0 =	seq.s32 s5, $0x0;
	s5 =	sld [smem:$0x3F96]  }
0x2b: {  	s6 =	sld [smem:$0x3F97]  }
0x2c: {  	s7 =	sld [smem:$0x3F98]  }
0x2d: {  	s3 =	simm.s32 $0x108;
	s8 =	sld [smem:$0x3F99]  }
0x2e: {  	s3 =	simm.s32 @!p0 $0x1082;
	s9 =	sld [smem:$0x3F9A]  }
0x2f: {  	lr =	sadd.s32 s0, s3;
	s0 =	sld [smem:$0x3F91]  }
0x30: {  	s3 =	sld [smem:$0x3F94]  }
0x31: {  	[smem:$0x3F9D] =	sst s10  }
0x32: {  	s10 =	sld [smem:$0x3F9B];
	_ =	sdelay $0x3  }
0x33: {  	p0 =	seq.s32 s10, $0x1;
	s10 =	sld [smem:$0x3F9D];
	_ =	sdelay $0x3  }
0x34: {  	[smem:$0x3F9D] =	sst s10  }
0x35: {  	s10 =	sld [smem:$0x3F9C];
	_ =	sdelay $0x3  }
0x36: {  	p1 =	seq.s32 s10, $0x1;
	s10 =	sld [smem:$0x3F9D];
	_ =	sdelay $0x3  }
0x37: {  	[smem:$0x3F9D] =	sst s10  }
0x38: {  	s10 =	sld [smem:$0x3F9E]  }
0x39: {  	_ = 	snop;
	(pc) =	sbr.ind lr, $3  }
0x3a: {  	_ = 	snop  }
0x3b: {  	_ = 	snop  }
0x3c: {  	p2 =	seq.s32 s10, $0x1;
	s10 =	sld [smem:$0x3F9D]  }
0x3d: {  	_ =	shalt  }
0x3e: {  	_ =	shalt  }
0x3f: {  	_ =	shalt  }
0x40: {  	_ =	shalt  }
0x41: {  	_ =	shalt  }
0x42: {  	_ =	shalt  }
0x43: {  	_ =	shalt  }
0x44: {  	_ =	shalt  }
0x45: {  	_ =	shalt  }
0x46: {  	_ =	shalt  }
0x47: {  	_ =	shalt  }
0x48: {  	_ =	shalt  }
0x49: {  	_ =	shalt  }
0x4a: {  	_ =	shalt  }
0x4b: {  	_ =	shalt  }
0x4c: {  	_ =	shalt  }
0x4d: {  	_ =	shalt  }
0x4e: {  	_ =	shalt  }
0x4f: {  	_ =	shalt  }
0x50: {  	_ =	shalt  }
0x51: {  	_ =	shalt  }
0x52: {  	_ =	shalt  }
0x53: {  	_ =	shalt  }
0x54: {  	_ =	shalt  }
0x55: {  	_ =	shalt  }
0x56: {  	_ =	shalt  }
0x57: {  	_ =	shalt  }
0x58: {  	_ =	shalt  }
0x59: {  	_ =	shalt  }
0x5a: {  	_ =	shalt  }
0x5b: {  	_ =	shalt  }
0x5c: {  	_ =	shalt  }
0x5d: {  	_ =	shalt  }
0x5e: {  	_ =	shalt  }
0x5f: {  	_ =	shalt  }
0x60: {  	_ =	shalt  }
0x61: {  	_ =	shalt  }
0x62: {  	_ =	shalt  }
0x63: {  	_ =	shalt  }
0x64: {  	_ =	shalt  }
0x65: {  	_ =	shalt  }
0x66: {  	_ =	shalt  }
0x67: {  	_ =	shalt  }
0x68: {  	_ =	shalt  }
0x69: {  	_ =	shalt  }
0x6a: {  	_ =	shalt  }
0x6b: {  	_ =	shalt  }
0x6c: {  	_ =	shalt  }
0x6d: {  	_ =	shalt  }
0x6e: {  	_ =	shalt  }
0x6f: {  	_ =	shalt  }
0x70: {  	_ =	shalt  }
0x71: {  	_ =	shalt  }
0x72: {  	_ =	shalt  }
0x73: {  	_ =	shalt  }
0x74: {  	_ =	shalt  }
0x75: {  	_ =	shalt  }
0x76: {  	_ =	shalt  }
0x77: {  	_ =	shalt  }
0x78: {  	_ =	shalt  }
0x79: {  	_ =	shalt  }
0x7a: {  	_ =	shalt  }
0x7b: {  	_ =	shalt  }
0x7c: {  	_ =	shalt  }
0x7d: {  	_ =	shalt  }
0x7e: {  	_ =	shalt  }
0x7f: {  	_ =	shalt  }
0x80: {  	_ =	shalt  }
0x81: {  	_ =	shalt  }
0x82: {  	_ =	shalt  }
0x83: {  	_ =	shalt  }
0x84: {  	_ =	shalt  }
0x85: {  	_ =	shalt  }
0x86: {  	_ =	shalt  }
0x87: {  	_ =	shalt  }
.Lfunc_end0:
.L_simem_size_0:
called_computation.1_lowered:
.L_overlay_start_0:
0x88: {  	s2 =	sld [smem:$0x3FD9]  }
0x89: {  	s3 =	sld [smem:$0x3FFE];
	_ =	sdelay $0x1  }
0x8a: {  	s1 =	srdreg.scid  }
0x8b: {  	s0 =	sand.u32 $0x1, s1  }
0x8c: {  	s16 =	sshll.u32 s0, $0xA;
	s2 =	sadd.s32 s3, s2  }
0x8d: {  	s2 =	sadd.s32 s2, s16  }
0x8e: {  	[smem:$0x3FA9] =	sst s2  }
0x8f: {  	_ = 	snop  }
0x90: {  	(tm) =	ssettm $0x1  }
0x91: {  	s17 =	sld [smem:$0x3FFB];
	_ =	sdelay $0x3  }
0x92: {  	_ =	strace s17  }
0x93: {  	s2 =	sld [smem:$0x3FFC];
	_ =	sdelay $0x3  }
0x94: {  	_ =	strace s2  }
0x95: {  	s2 =	sld [smem:$0x3FFD];
	_ =	sdelay $0x3  }
0x96: {  	_ =	strace s2  }
0x97: {  	_ =	strace $0x8FFFFFFF  }
0x98: {  	s18 =	sld [smem:$0x3FDB];
	_ =	sdelay $0x1  }
0x99: {  	s19 =	simm.s32 $_scs_section_size  }
0x9a: {  	s4 =	simm.s32 $_size__tile_overlayer_lowered;
	s5 =	simm.s32 $_tile_overlayer_lowered  }
0x9b: {  	s22 =	simm.s32 $0x1BFF;
	s21 =	sshll.u32 s5, $0x1;
	s2 =	sadd.s32 s19, s18  }
0x9c: {  	s6 =	simm.s32 $0x0;
	s20 =	sshll.u32 s4, $0x1;
	s4 =	sadd.s32 s21, s2  }
0x9d: {  	[timem:s6], [sflag:s22] =	dma.local [hbm:s4], s20  }
0x9e: {  	_ =	swait.ge [sflag:s22], s20  }
0x9f: {  	s3 =	ssub.s32 $0x0, s20;
	[sflag:s22] =	ssyncset.done $0x0  }
0xa0: {  	[sflag:s22] =	ssyncadd.s32 s3;
	_ =	sdelay $0x1  }
0xa1: {  	s23 =	simm.s32 $0x1B8B  }
0xa2: {  	_ =	swait.ge [sflag:s23], $0x1  }
0xa3: {  	[sflag:s23] =	ssyncset.done $0x0  }
0xa4: {  	s25 =	simm.s32 $0x1B8E;
	s24 =	sld [smem:$0x3FFE];
	[sflag:s23] =	ssyncadd.s32 $0xFFFFFFFF  }
0xa5: {  	s26 =	simm.s32 $execute0_lowered;
	[smem:$0x3FD2] =	sst s25  }
0xa6: {  	s4 =	sshll.u32 s26, $0x1;
	_ =	strace $0x80000049;
	[dreg:$0x1] =	wrdreg $0xFFFFFFFF  }
0xa7: {  	s28 =	simm.s32 $_size_execute0_lowered;
	s2 =	sadd.s32 s2, s4;
	[dreg:$0x0] =	wrdreg $0x0  }
0xa8: {  	s4 =	sshll.u32 s28, $0x1;
	[dreg:$0x2] =	wrdreg s2  }
0xa9: {  	[dreg:$0x3] =	wrdreg s4  }
0xaa: {  	[dreg:$0x4] =	wrdreg $0xC0  }
0xab: {  	_ =	task [dreg:s6], $0x5FFFF  }
0xac: {  	[dreg:$0x1] =	wrdreg $0xFFFFFFFF  }
0xad: {  	[dreg:$0x0] =	wrdreg $0x60  }
0xae: {  	[dreg:$0x2] =	wrdreg s24  }
0xaf: {  	[dreg:$0x3] =	wrdreg $0x0  }
0xb0: {  	[dreg:$0x4] =	wrdreg $0x9  }
0xb1: {  	_ =	task.clear_ibuf [dreg:s6], $0x5FFFF;
	_ =	strace $0x90000049  }
0xb2: {  	s29 =	simm.s32 $0x9;
	_ =	strace $0x8000004B  }
0xb3: {  	_ =	swait.ge [sflag:s29], $0x1  }
0xb4: {  	[sflag:s29] =	ssyncadd.s32 $0xFFFFFFFF  }
0xb5: {  	_ =	strace $0x9000004B  }
0xb6: {  	_ =	sfence  }
0xb7: {  	s30 =	sld [smem:$0x0];
	_ =	sdelay $0x2  }
0xb8: {  	s31 =	sshll.u32 s1, $0xD;
	s1 =	sshrl.u32 s1, $0x2  }
0xb9: {  	s3 =	sand.u32 $0x4000, s31;
	s1 =	sadd.s32 s1, s30  }
0xba: {  	s0 =	sor.u32 s3, s0;
	s1 =	sshll.u32 s1, $0x11  }
0xbb: {  	s0 =	sor.u32 s1, s0  }
0xbc: {  	s0 =	sadd.s32 $0x8F2B, s0  }
0xbd: {  	[sflag:s0] =	ssyncadd.remote.s32 $0x1  }
0xbe: {  	_ =	sfence.sel $0xFFFF  }
0xbf: {  	[dreg:$0x0] =	wrdreg $0xFFFFFFFF;
	(pc) =	sbr.abs _section_cstart, $3  }
0xc0: {  	[dreg:$0x1] =	wrdreg $0xFFFFFFFF  }
0xc1: {  	_ =	task.clear_ibuf [dreg:s6], $0x2FFFF;
	_ =	strace $0x9FFFFFFF  }
0xc2: {  	(tm) =	ssettm $0x7FFFFFFF  }
0xc3: {  	_ =	shalt  }
tec
execute0_lowered:
.L_overlay_start_1:
0x0: {  	(tag) =	ssettag $0x1  }
0x1: {  	s0 =	rddreg [dreg:$0x0]  }
0x2: {  	s1 =	srdreg.scid;
	s12 =	stileid.u32  }
0x3: {  	s2 =	rddreg [dreg:$0x1];
	s4 =	smul.u32 $0x5000, s12  }
0x4: {  	s3 =	simm.s32 $0x0;
	s1 =	sand.u32 $0x1, s1;
	s6 =	smul.u32 $0x7D000, s12  }
0x5: {  	[smem:$0x7FF] =	sst s3;
	s8 =	smul.u32 $0x1F400, s12;
	s9 =	sadd.s32 $0x1B000, s0  }
0x6: {  	p0 =	sgt.u32 s12, $0x9;
	s12 =	simm.s32 $0x13940;
	s5 =	smul.u32 $0x2800, s1  }
0x7: {  	_ =	strace $0x8000004A;
	s7 =	smul.u32 $0x138800, s1;
	s1 =	ssub.s32 $0x2, s1  }
0x8: {  	[dreg:$0x3] =	wrdreg s9;
	s26 =	sshrl.u32 s1, $0x1;
	s6 =	sshrl.u32 s6, $0x2  }
0x9: {  	s13 =	sadd.s32 $0x8000, s8;
	s15 =	sadd.s32 $0xC000, s8;
	s18 =	sadd.s32 $0x10000, s8  }
0xa: {  	s20 =	sadd.s32 $0x14000, s8;
	s23 =	sadd.s32 $0x18000, s8;
	s5 =	sadd.s32 s5, s4  }
0xb: {  	s4 =	sadd.s32 $0x1BA00, s0;
	s1 =	ssub.s32 s1, s26;
	s10 =	sadd.s32 s8, s7  }
0xc: {  	s6 =	sadd.s32 s6, s2;
	s14 =	sadd.s32 s7, s13;
	s16 =	sadd.s32 s7, s15  }
0xd: {  	s19 =	sadd.s32 s7, s18;
	s21 =	sadd.s32 s20, s2;
	s22 =	sadd.s32 s7, s20  }
0xe: {  	s24 =	sadd.s32 s7, s23;
	s20 =	simm.s32 $0x13B40;
	s5 =	sshrl.u32 s5, $0x3  }
0xf: {  	s9 =	sshrl.u32 s10, $0x3;
	s10 =	sadd.s32 $0x4000, s8;
	s11 =	sadd.s32 $0x4000, s6  }
0x10: {  	s17 =	sshrl.u32 s16, $0x3;
	[dreg:$0xe] =	wrdreg s21;
	s8 =	sadd.s32 $0x1C000, s8  }
0x11: {  	s25 =	smax.u32 s1, $0x1;
	s26 =	sadd.s32 $0x8000, s6;
	s28 =	sadd.s32 $0xC000, s6  }
0x12: {  	s29 =	sadd.s32 $0x10000, s6;
	s30 =	sadd.s32 $0x14000, s6;
	s31 =	sadd.s32 $0x18000, s6  }
0x13: {  	s1 =	sadd.s32 $0x1C000, s6;
	s16 =	simm.s32 $0x139C0;
	s21 =	simm.s32 $0x13BC0  }
0x14: {  	s5 =	sadd.s32 s5, s0;
	s0 =	sadd.s32 $0x69E00, s0;
	[dreg:$0x4] =	wrdreg s11  }
0x15: {  	s11 =	sadd.s32 s7, s10;
	s10 =	sadd.s32 s10, s2;
	[dreg:$0x14] =	wrdreg s25  }
0x16: {  	s7 =	sadd.s32 s7, s8;
	s8 =	sadd.s32 s8, s2;
	[dreg:$0x15] =	wrdreg s26  }
0x17: {  	s9 =	sadd.s32 s0, s9;
	[dreg:$0x6] =	wrdreg s10;
	s10 =	sadd.s32 s13, s2  }
0x18: {  	s7 =	sshrl.u32 s7, $0x3;
	[dreg:$0x12] =	wrdreg s8;
	s25 =	sadd.s32 $0x7000, s5  }
0x19: {  	s8 =	simm.s32 $0x3;
	s13 =	simm.s32 $0x180C0;
	[dreg:$0x5] =	wrdreg s9  }
0x1a: {  	s9 =	sshrl.u32 s11, $0x3;
	[dreg:$0x8] =	wrdreg s10;
	s11 =	sadd.s32 s15, s2  }
0x1b: {  	s10 =	sadd.s32 s18, s2;
	s9 =	sadd.s32 s0, s9;
	[dreg:$0xa] =	wrdreg s11  }
0x1c: {  	s15 =	simm.s32 $0x1C0C0;
	[dreg:$0x7] =	wrdreg s9;
	s9 =	sshrl.u32 s14, $0x3  }
0x1d: {  	s18 =	simm.s32 $0x13A40;
	[dreg:$0xc] =	wrdreg s10;
	s9 =	sadd.s32 s0, s9  }
0x1e: {  	s10 =	sadd.s32 s23, s2;
	[dreg:$0x9] =	wrdreg s9;
	s9 =	sadd.s32 s0, s17  }
0x1f: {  	s11 =	simm.s32 $0x140C0;
	[dreg:$0xb] =	wrdreg s9;
	s9 =	sshrl.u32 s19, $0x3  }
0x20: {  	[dreg:$0x10] =	wrdreg s10;
	s10 =	simm.s32 $0x80;
	s9 =	sadd.s32 s0, s9  }
0x21: {  	s14 =	simm.s32 $0x1;
	[dreg:$0xd] =	wrdreg s9;
	s9 =	sshrl.u32 s22, $0x3  }
.Ltmp0:
0x22: {  	s17 =	simm.s32 $0x2;
	s9 =	sadd.s32 s0, s9;
	(pc) =	sbr.rel .LBB2_1-.Ltmp0, $4  }
0x23: {  	s19 =	simm.s32 $0x13AC0;
	[dreg:$0xf] =	wrdreg s9;
	s9 =	sshrl.u32 s24, $0x3  }
0x24: {  	s22 =	simm.s32 $0x13C40;
	s24 =	sadd.s32 $0x11000, s5;
	s9 =	sadd.s32 s0, s9  }
0x25: {  	s5 =	simm.s32 $0x0;
	s0 =	sadd.s32 s0, s7;
	[dreg:$0x11] =	wrdreg s9  }
0x26: {  	[dreg:$0x13] =	wrdreg s0;
	s0 =	simm.s32 $0x138C0;
	s9 =	simm.s32 $0x13CC0  }
.LBB2_5:
0x27: {  	s5 =	sadd.s32 $0x1, s5;
	s7 =	rddreg [dreg:$0x14]  }
0x28: {  	p1 =	sne.s32 s5, s7  }
.Ltmp1:
0x29: {  	_ = 	snop;
	(pc) =	sbr.rel @!p1 .LBB2_6-.Ltmp1, $1  }
0x2a: {  	_ =	sdelay $0x3  }
.LBB2_1:
0x2b: {  	s7 =	simm.s32 @!p0 $0x0;
	s23 =	simm.s32 @!p0 $0x140C0;
	s26 =	rddreg [dreg:$0x3]  }
0x2c: {  	[tilespmem:s23], [sflag:$0x3] =	stream.linear.gather @!p0 [hbm4b:s26+s7], $0x4000, $0x38;
	[tilespmem:$0x1C140] =	vst v63  }
0x2d: {  	s7 =	simm.s32 @!p0 $0x3  }
0x2e: {  	_ =	swait.ge @!p0 [sflag:s7], $0x4000  }
0x2f: {  	[sflag:s7] =	ssyncset.done @!p0 $0x0  }
0x30: {  	[sflag:s7] =	ssyncadd.s32 @!p0 $0xFFFFC000  }
0x31: {  	[spmem:s6] =	stream.linear.scatter @!p0 [tilespmem:s23], [sflag:$0x3], $0x4000, $0x38;
	[tilespmem:$0x1C140] =	vst v63  }
0x32: {  	_ =	swait.ge @!p0 [sflag:s7], $0x4000  }
0x33: {  	[sflag:s7] =	ssyncset.done @!p0 $0x0  }
0x34: {  	s26 =	rddreg [dreg:$0x4];
	[sflag:s7] =	ssyncadd.s32 @!p0 $0xFFFFC000  }
0x35: {  	[spmem:s26] =	stream.linear.scatter @!p0 [tilespmem:s23], [sflag:$0x3], $0x4000, $0x38;
	[tilespmem:$0x1C140] =	vst v63  }
0x36: {  	_ =	swait.ge @!p0 [sflag:s7], $0x4000  }
0x37: {  	[sflag:s7] =	ssyncset.done @!p0 $0x0  }
0x38: {  	s26 =	rddreg [dreg:$0x15];
	[sflag:s7] =	ssyncadd.s32 @!p0 $0xFFFFC000  }
0x39: {  	[spmem:s26] =	stream.linear.scatter @!p0 [tilespmem:s23], [sflag:$0x3], $0x4000, $0x38;
	[tilespmem:$0x1C140] =	vst v63  }
0x3a: {  	_ =	swait.ge @!p0 [sflag:s7], $0x4000  }
0x3b: {  	[sflag:s7] =	ssyncset.done @!p0 $0x0  }
0x3c: {  	[sflag:s7] =	ssyncadd.s32 @!p0 $0xFFFFC000  }
0x3d: {  	[spmem:s28] =	stream.linear.scatter @!p0 [tilespmem:s23], [sflag:$0x3], $0x4000, $0x38;
	[tilespmem:$0x1C140] =	vst v63  }
0x3e: {  	_ =	swait.ge @!p0 [sflag:s7], $0x4000  }
0x3f: {  	[sflag:s7] =	ssyncset.done @!p0 $0x0  }
0x40: {  	[sflag:s7] =	ssyncadd.s32 @!p0 $0xFFFFC000  }
0x41: {  	[spmem:s29] =	stream.linear.scatter @!p0 [tilespmem:s23], [sflag:$0x3], $0x4000, $0x38;
	[tilespmem:$0x1C140] =	vst v63  }
0x42: {  	_ =	swait.ge @!p0 [sflag:s7], $0x4000  }
0x43: {  	[sflag:s7] =	ssyncset.done @!p0 $0x0  }
0x44: {  	[sflag:s7] =	ssyncadd.s32 @!p0 $0xFFFFC000  }
0x45: {  	[spmem:s30] =	stream.linear.scatter @!p0 [tilespmem:s23], [sflag:$0x3], $0x4000, $0x38;
	[tilespmem:$0x1C140] =	vst v63  }
0x46: {  	_ =	swait.ge @!p0 [sflag:s7], $0x4000  }
0x47: {  	[sflag:s7] =	ssyncset.done @!p0 $0x0  }
0x48: {  	[sflag:s7] =	ssyncadd.s32 @!p0 $0xFFFFC000  }
0x49: {  	[spmem:s31] =	stream.linear.scatter @!p0 [tilespmem:s23], [sflag:$0x3], $0x4000, $0x38;
	[tilespmem:$0x1C140] =	vst v63  }
0x4a: {  	_ =	swait.ge @!p0 [sflag:s7], $0x4000  }
0x4b: {  	[sflag:s7] =	ssyncset.done @!p0 $0x0  }
0x4c: {  	[sflag:s7] =	ssyncadd.s32 @!p0 $0xFFFFC000  }
0x4d: {  	[spmem:s1] =	stream.linear.scatter @!p0 [tilespmem:s23], [sflag:$0x3], $0x3400, $0x38;
	[tilespmem:$0x1C140] =	vst v63  }
0x4e: {  	_ =	swait.ge @!p0 [sflag:s7], $0x3400  }
0x4f: {  	[sflag:s7] =	ssyncset.done @!p0 $0x0  }
0x50: {  	[sflag:s7] =	ssyncadd.s32 @!p0 $0xFFFFCC00  }
0x51: {  	s7 =	simm.s32 $0x0;
	[bflag:$0x0] =	sbarrier.arrive $0xFFFF  }
.LBB2_2:
0x52: {  	s23 =	sadd.s32 s7, s25  }
0x53: {  	[tilespmem:s0], [sflag:$0x3] =	stream.linear.gather [hbm4b:s23+s3], $0x400, $0x38;
	[tilespmem:$0x1C140] =	vst v63  }
0x54: {  	_ =	swait.ge [sflag:s8], $0x400  }
0x55: {  	[sflag:s8] =	ssyncset.done $0x0  }
0x56: {  	s26 =	sadd.s32 s7, s24;
	[sflag:s8] =	ssyncadd.s32 $0xFFFFFC00  }
0x57: {  	[tilespmem:s9], [sflag:$0x3] =	stream.linear.gather [hbm4b:s26+s3], $0x400, $0x38;
	[tilespmem:$0x1C140] =	vst v63  }
0x58: {  	_ =	swait.ge [sflag:s8], $0x400  }
0x59: {  	[sflag:s8] =	ssyncset.done $0x0  }
0x5a: {  	[sflag:s8] =	ssyncadd.s32 $0xFFFFFC00  }
0x5b: {  	[tilespmem:s11], [sflag:$0x1] =	stream.indirect.gather [hbm4b:s4+s10], $0x80, s0, s10, $0xb8;
	[tilespmem:$0x1C140] =	vst v63  }
0x5c: {  	_ = 	snop  }
0x5d: {  	[tilespmem:s13], [sflag:$0x2] =	stream.indirect.gather [hbm4b:s4+s10], $0x80, s12, s10, $0xb8;
	[tilespmem:$0x1C140] =	vst v63  }
0x5e: {  	v0 =	vld [tilespmem:$0x13CC0]  }
0x5f: {  	v1 =	vld [tilespmem:$0x13CD0]  }
0x60: {  	v2 =	vld [tilespmem:$0x13CE0]  }
0x61: {  	v3 =	vld [tilespmem:$0x13CF0]  }
0x62: {  	v4 =	vld [tilespmem:$0x13D00]  }
0x63: {  	v5 =	vld [tilespmem:$0x13D10];
	[tilespmem:$0x1C0C0] =	vst v0  }
0x64: {  	v6 =	vld [tilespmem:$0x13D20];
	[tilespmem:$0x1C0D0] =	vst v1  }
0x65: {  	v7 =	vld [tilespmem:$0x13D30];
	[tilespmem:$0x1C0E0] =	vst v2  }
0x66: {  	[tilespmem:$0x1C0F0] =	vst v3  }
0x67: {  	[tilespmem:$0x1C100] =	vst v4  }
0x68: {  	[tilespmem:$0x1C110] =	vst v5  }
0x69: {  	[tilespmem:$0x1C120] =	vst v6  }
0x6a: {  	[tilespmem:$0x1C130] =	vst v7  }
0x6b: {  	_ =	swait.ge [sflag:s14], $0x4000  }
0x6c: {  	[sflag:s14] =	ssyncset.done $0x0  }
0x6d: {  	[sflag:s14] =	ssyncadd.s32 $0xFFFFC000  }
0x6e: {  	[spmem:s2] =	stream.indirect.scatter.add.f32 [tilespmem:s11], [sflag:$0x3], $0x80, s15, s10, $0xb8;
	[tilespmem:$0x1C140] =	vst v63  }
0x6f: {  	_ =	swait.ge [sflag:s8], $0x4000  }
0x70: {  	[sflag:s8] =	ssyncset.done $0x0  }
0x71: {  	[sflag:s8] =	ssyncadd.s32 $0xFFFFC000  }
0x72: {  	[tilespmem:s11], [sflag:$0x1] =	stream.indirect.gather [hbm4b:s4+s10], $0x80, s16, s10, $0xb8;
	[tilespmem:$0x1C140] =	vst v63  }
0x73: {  	v8 =	vld [tilespmem:$0x13D40]  }
0x74: {  	v9 =	vld [tilespmem:$0x13D50]  }
0x75: {  	v10 =	vld [tilespmem:$0x13D60]  }
0x76: {  	v11 =	vld [tilespmem:$0x13D70]  }
0x77: {  	v12 =	vld [tilespmem:$0x13D80]  }
0x78: {  	v13 =	vld [tilespmem:$0x13D90];
	[tilespmem:$0x1C0C0] =	vst v8  }
0x79: {  	v14 =	vld [tilespmem:$0x13DA0];
	[tilespmem:$0x1C0D0] =	vst v9  }
0x7a: {  	v15 =	vld [tilespmem:$0x13DB0];
	[tilespmem:$0x1C0E0] =	vst v10  }
0x7b: {  	[tilespmem:$0x1C0F0] =	vst v11  }
0x7c: {  	[tilespmem:$0x1C100] =	vst v12  }
0x7d: {  	[tilespmem:$0x1C110] =	vst v13  }
0x7e: {  	[tilespmem:$0x1C120] =	vst v14  }
0x7f: {  	[tilespmem:$0x1C130] =	vst v15  }
0x80: {  	_ =	swait.ge [sflag:s17], $0x4000  }
0x81: {  	[sflag:s17] =	ssyncset.done $0x0  }
0x82: {  	[sflag:s17] =	ssyncadd.s32 $0xFFFFC000  }
0x83: {  	[spmem:s2] =	stream.indirect.scatter.add.f32 [tilespmem:s13], [sflag:$0x3], $0x80, s15, s10, $0xb8;
	[tilespmem:$0x1C140] =	vst v63  }
0x84: {  	_ =	swait.ge [sflag:s8], $0x4000  }
0x85: {  	[sflag:s8] =	ssyncset.done $0x0  }
0x86: {  	[sflag:s8] =	ssyncadd.s32 $0xFFFFC000  }
0x87: {  	[tilespmem:s13], [sflag:$0x2] =	stream.indirect.gather [hbm4b:s4+s10], $0x80, s18, s10, $0xb8;
	[tilespmem:$0x1C140] =	vst v63  }
0x88: {  	v16 =	vld [tilespmem:$0x13DC0]  }
0x89: {  	v17 =	vld [tilespmem:$0x13DD0]  }
0x8a: {  	v18 =	vld [tilespmem:$0x13DE0]  }
0x8b: {  	v19 =	vld [tilespmem:$0x13DF0]  }
0x8c: {  	v20 =	vld [tilespmem:$0x13E00]  }
0x8d: {  	v21 =	vld [tilespmem:$0x13E10];
	[tilespmem:$0x1C0C0] =	vst v16  }
0x8e: {  	v22 =	vld [tilespmem:$0x13E20];
	[tilespmem:$0x1C0D0] =	vst v17  }
0x8f: {  	v23 =	vld [tilespmem:$0x13E30];
	[tilespmem:$0x1C0E0] =	vst v18  }
0x90: {  	[tilespmem:$0x1C0F0] =	vst v19  }
0x91: {  	[tilespmem:$0x1C100] =	vst v20  }
0x92: {  	[tilespmem:$0x1C110] =	vst v21  }
0x93: {  	[tilespmem:$0x1C120] =	vst v22  }
0x94: {  	[tilespmem:$0x1C130] =	vst v23  }
0x95: {  	_ =	swait.ge [sflag:s14], $0x4000  }
0x96: {  	[sflag:s14] =	ssyncset.done $0x0  }
0x97: {  	[sflag:s14] =	ssyncadd.s32 $0xFFFFC000  }
0x98: {  	[spmem:s2] =	stream.indirect.scatter.add.f32 [tilespmem:s11], [sflag:$0x3], $0x80, s15, s10, $0xb8;
	[tilespmem:$0x1C140] =	vst v63  }
0x99: {  	_ =	swait.ge [sflag:s8], $0x4000  }
0x9a: {  	[sflag:s8] =	ssyncset.done $0x0  }
0x9b: {  	[sflag:s8] =	ssyncadd.s32 $0xFFFFC000  }
0x9c: {  	[tilespmem:s11], [sflag:$0x1] =	stream.indirect.gather [hbm4b:s4+s10], $0x80, s19, s10, $0xb8;
	[tilespmem:$0x1C140] =	vst v63  }
0x9d: {  	v24 =	vld [tilespmem:$0x13E40]  }
0x9e: {  	v25 =	vld [tilespmem:$0x13E50]  }
0x9f: {  	v26 =	vld [tilespmem:$0x13E60]  }
0xa0: {  	v27 =	vld [tilespmem:$0x13E70]  }
0xa1: {  	v28 =	vld [tilespmem:$0x13E80]  }
0xa2: {  	v29 =	vld [tilespmem:$0x13E90];
	[tilespmem:$0x1C0C0] =	vst v24  }
0xa3: {  	v30 =	vld [tilespmem:$0x13EA0];
	[tilespmem:$0x1C0D0] =	vst v25  }
0xa4: {  	v31 =	vld [tilespmem:$0x13EB0];
	[tilespmem:$0x1C0E0] =	vst v26  }
0xa5: {  	[tilespmem:$0x1C0F0] =	vst v27  }
0xa6: {  	[tilespmem:$0x1C100] =	vst v28  }
0xa7: {  	[tilespmem:$0x1C110] =	vst v29  }
0xa8: {  	[tilespmem:$0x1C120] =	vst v30  }
0xa9: {  	[tilespmem:$0x1C130] =	vst v31  }
0xaa: {  	_ =	swait.ge [sflag:s17], $0x4000  }
0xab: {  	[sflag:s17] =	ssyncset.done $0x0  }
0xac: {  	[sflag:s17] =	ssyncadd.s32 $0xFFFFC000  }
0xad: {  	[spmem:s2] =	stream.indirect.scatter.add.f32 [tilespmem:s13], [sflag:$0x3], $0x80, s15, s10, $0xb8;
	[tilespmem:$0x1C140] =	vst v63  }
0xae: {  	_ =	swait.ge [sflag:s8], $0x4000  }
0xaf: {  	[sflag:s8] =	ssyncset.done $0x0  }
0xb0: {  	[sflag:s8] =	ssyncadd.s32 $0xFFFFC000  }
0xb1: {  	[tilespmem:s13], [sflag:$0x2] =	stream.indirect.gather [hbm4b:s4+s10], $0x80, s20, s10, $0xb8;
	[tilespmem:$0x1C140] =	vst v63  }
0xb2: {  	v32 =	vld [tilespmem:$0x13EC0]  }
0xb3: {  	v33 =	vld [tilespmem:$0x13ED0]  }
0xb4: {  	v34 =	vld [tilespmem:$0x13EE0]  }
0xb5: {  	v35 =	vld [tilespmem:$0x13EF0]  }
0xb6: {  	v36 =	vld [tilespmem:$0x13F00]  }
0xb7: {  	v37 =	vld [tilespmem:$0x13F10];
	[tilespmem:$0x1C0C0] =	vst v32  }
0xb8: {  	v38 =	vld [tilespmem:$0x13F20];
	[tilespmem:$0x1C0D0] =	vst v33  }
0xb9: {  	v39 =	vld [tilespmem:$0x13F30];
	[tilespmem:$0x1C0E0] =	vst v34  }
0xba: {  	[tilespmem:$0x1C0F0] =	vst v35  }
0xbb: {  	[tilespmem:$0x1C100] =	vst v36  }
0xbc: {  	[tilespmem:$0x1C110] =	vst v37  }
0xbd: {  	[tilespmem:$0x1C120] =	vst v38  }
0xbe: {  	[tilespmem:$0x1C130] =	vst v39  }
0xbf: {  	_ =	swait.ge [sflag:s14], $0x4000  }
0xc0: {  	[sflag:s14] =	ssyncset.done $0x0  }
0xc1: {  	[sflag:s14] =	ssyncadd.s32 $0xFFFFC000  }
0xc2: {  	[spmem:s2] =	stream.indirect.scatter.add.f32 [tilespmem:s11], [sflag:$0x3], $0x80, s15, s10, $0xb8;
	[tilespmem:$0x1C140] =	vst v63  }
0xc3: {  	_ =	swait.ge [sflag:s8], $0x4000  }
0xc4: {  	[sflag:s8] =	ssyncset.done $0x0  }
0xc5: {  	[sflag:s8] =	ssyncadd.s32 $0xFFFFC000  }
0xc6: {  	[tilespmem:s11], [sflag:$0x1] =	stream.indirect.gather [hbm4b:s4+s10], $0x80, s21, s10, $0xb8;
	[tilespmem:$0x1C140] =	vst v63  }
0xc7: {  	v40 =	vld [tilespmem:$0x13F40]  }
0xc8: {  	v41 =	vld [tilespmem:$0x13F50]  }
0xc9: {  	v42 =	vld [tilespmem:$0x13F60]  }
0xca: {  	v43 =	vld [tilespmem:$0x13F70]  }
0xcb: {  	v44 =	vld [tilespmem:$0x13F80]  }
0xcc: {  	v45 =	vld [tilespmem:$0x13F90];
	[tilespmem:$0x1C0C0] =	vst v40  }
0xcd: {  	v46 =	vld [tilespmem:$0x13FA0];
	[tilespmem:$0x1C0D0] =	vst v41  }
0xce: {  	v47 =	vld [tilespmem:$0x13FB0];
	[tilespmem:$0x1C0E0] =	vst v42  }
0xcf: {  	[tilespmem:$0x1C0F0] =	vst v43  }
0xd0: {  	[tilespmem:$0x1C100] =	vst v44  }
0xd1: {  	[tilespmem:$0x1C110] =	vst v45  }
0xd2: {  	[tilespmem:$0x1C120] =	vst v46  }
0xd3: {  	[tilespmem:$0x1C130] =	vst v47  }
0xd4: {  	_ =	swait.ge [sflag:s17], $0x4000  }
0xd5: {  	[sflag:s17] =	ssyncset.done $0x0  }
0xd6: {  	[sflag:s17] =	ssyncadd.s32 $0xFFFFC000  }
0xd7: {  	[spmem:s2] =	stream.indirect.scatter.add.f32 [tilespmem:s13], [sflag:$0x3], $0x80, s15, s10, $0xb8;
	[tilespmem:$0x1C140] =	vst v63  }
0xd8: {  	_ =	swait.ge [sflag:s8], $0x4000  }
0xd9: {  	[sflag:s8] =	ssyncset.done $0x0  }
0xda: {  	[sflag:s8] =	ssyncadd.s32 $0xFFFFC000  }
0xdb: {  	[tilespmem:s13], [sflag:$0x2] =	stream.indirect.gather [hbm4b:s4+s10], $0x80, s22, s10, $0xb8;
	[tilespmem:$0x1C140] =	vst v63  }
0xdc: {  	v48 =	vld [tilespmem:$0x13FC0]  }
0xdd: {  	v49 =	vld [tilespmem:$0x13FD0]  }
0xde: {  	v50 =	vld [tilespmem:$0x13FE0]  }
0xdf: {  	v51 =	vld [tilespmem:$0x13FF0]  }
0xe0: {  	v52 =	vld [tilespmem:$0x14000]  }
0xe1: {  	v53 =	vld [tilespmem:$0x14010];
	[tilespmem:$0x1C0C0] =	vst v48  }
0xe2: {  	v54 =	vld [tilespmem:$0x14020];
	[tilespmem:$0x1C0D0] =	vst v49  }
0xe3: {  	v55 =	vld [tilespmem:$0x14030];
	[tilespmem:$0x1C0E0] =	vst v50  }
0xe4: {  	[tilespmem:$0x1C0F0] =	vst v51  }
0xe5: {  	[tilespmem:$0x1C100] =	vst v52  }
0xe6: {  	[tilespmem:$0x1C110] =	vst v53  }
0xe7: {  	[tilespmem:$0x1C120] =	vst v54  }
0xe8: {  	[tilespmem:$0x1C130] =	vst v55  }
0xe9: {  	_ =	swait.ge [sflag:s14], $0x4000  }
0xea: {  	[sflag:s14] =	ssyncset.done $0x0  }
0xeb: {  	[sflag:s14] =	ssyncadd.s32 $0xFFFFC000  }
0xec: {  	[spmem:s2] =	stream.indirect.scatter.add.f32 [tilespmem:s11], [sflag:$0x3], $0x80, s15, s10, $0xb8;
	[tilespmem:$0x1C140] =	vst v63  }
0xed: {  	_ =	swait.ge [sflag:s8], $0x4000  }
0xee: {  	[sflag:s8] =	ssyncset.done $0x0  }
0xef: {  	[sflag:s8] =	ssyncadd.s32 $0xFFFFC000  }
0xf0: {  	v56 =	vld [tilespmem:$0x14040]  }
0xf1: {  	v57 =	vld [tilespmem:$0x14050]  }
0xf2: {  	v58 =	vld [tilespmem:$0x14060]  }
0xf3: {  	v59 =	vld [tilespmem:$0x14070]  }
0xf4: {  	v60 =	vld [tilespmem:$0x14080]  }
0xf5: {  	v61 =	vld [tilespmem:$0x14090];
	[tilespmem:$0x1C0C0] =	vst v56  }
0xf6: {  	v62 =	vld [tilespmem:$0x140A0];
	[tilespmem:$0x1C0D0] =	vst v57  }
0xf7: {  	v63 =	vld [tilespmem:$0x140B0];
	[tilespmem:$0x1C0E0] =	vst v58  }
0xf8: {  	[tilespmem:$0x1C0F0] =	vst v59  }
0xf9: {  	[tilespmem:$0x1C100] =	vst v60  }
0xfa: {  	[tilespmem:$0x1C110] =	vst v61  }
0xfb: {  	[tilespmem:$0x1C120] =	vst v62  }
0xfc: {  	[tilespmem:$0x1C130] =	vst v63  }
0xfd: {  	_ =	swait.ge [sflag:s17], $0x4000  }
0xfe: {  	p1 =	sne.s32 s7, $0x480;
	[sflag:s17] =	ssyncset.done $0x0  }
.Ltmp2:
0xff: {  	[sflag:s17] =	ssyncadd.s32 $0xFFFFC000;
	(pc) =	sbr.rel @p1 .LBB2_2-.Ltmp2, $4  }
0x100: {  	[spmem:s2] =	stream.indirect.scatter.add.f32 [tilespmem:s13], [sflag:$0x3], $0x80, s15, s10, $0xb8;
	[tilespmem:$0x1C140] =	vst v63  }
0x101: {  	_ =	swait.ge [sflag:s8], $0x4000  }
0x102: {  	[sflag:s8] =	ssyncset.done $0x0  }
0x103: {  	s7 =	sadd.s32 $0x80, s7;
	[sflag:s8] =	ssyncadd.s32 $0xFFFFC000  }
.Ltmp3:
0x104: {  	(pc) =	sbr.rel @p0 .LBB2_5-.Ltmp3, $2  }
0x105: {  	_ =	sdelay $0x1  }
0x106: {  	[bflag:$0x0] =	sbarrier.arrive $0xFFFF;
	_ =	sdelay $0x1  }
0x107: {  	[tilespmem:s11], [sflag:$0x3] =	stream.linear.gather [spmem:s6], $0x4000, $0x38;
	[tilespmem:$0x1C140] =	vst v63  }
0x108: {  	_ =	swait.ge [sflag:s8], $0x4000  }
0x109: {  	[sflag:s8] =	ssyncset.done $0x0  }
0x10a: {  	s7 =	rddreg [dreg:$0x5];
	[sflag:s8] =	ssyncadd.s32 $0xFFFFC000  }
0x10b: {  	[hbm4b:s7+s3] =	stream.linear.scatter [tilespmem:s11], [sflag:$0x3], $0x4000, $0x38;
	[tilespmem:$0x1C140] =	vst v63  }
0x10c: {  	_ =	swait.ge [sflag:s8], $0x4000  }
0x10d: {  	[sflag:s8] =	ssyncset.done $0x0  }
0x10e: {  	s23 =	rddreg [dreg:$0x6];
	[sflag:s8] =	ssyncadd.s32 $0xFFFFC000  }
0x10f: {  	[tilespmem:s11], [sflag:$0x3] =	stream.linear.gather [spmem:s23], $0x4000, $0x38;
	[tilespmem:$0x1C140] =	vst v63  }
0x110: {  	_ =	swait.ge [sflag:s8], $0x4000  }
0x111: {  	[sflag:s8] =	ssyncset.done $0x0  }
0x112: {  	s26 =	rddreg [dreg:$0x7];
	[sflag:s8] =	ssyncadd.s32 $0xFFFFC000  }
0x113: {  	[hbm4b:s26+s3] =	stream.linear.scatter [tilespmem:s11], [sflag:$0x3], $0x4000, $0x38;
	[tilespmem:$0x1C140] =	vst v63  }
0x114: {  	_ =	swait.ge [sflag:s8], $0x4000  }
0x115: {  	[sflag:s8] =	ssyncset.done $0x0  }
0x116: {  	s23 =	rddreg [dreg:$0x8];
	[sflag:s8] =	ssyncadd.s32 $0xFFFFC000  }
0x117: {  	[tilespmem:s11], [sflag:$0x3] =	stream.linear.gather [spmem:s23], $0x4000, $0x38;
	[tilespmem:$0x1C140] =	vst v63  }
0x118: {  	_ =	swait.ge [sflag:s8], $0x4000  }
0x119: {  	[sflag:s8] =	ssyncset.done $0x0  }
0x11a: {  	s26 =	rddreg [dreg:$0x9];
	[sflag:s8] =	ssyncadd.s32 $0xFFFFC000  }
0x11b: {  	[hbm4b:s26+s3] =	stream.linear.scatter [tilespmem:s11], [sflag:$0x3], $0x4000, $0x38;
	[tilespmem:$0x1C140] =	vst v63  }
0x11c: {  	_ =	swait.ge [sflag:s8], $0x4000  }
0x11d: {  	[sflag:s8] =	ssyncset.done $0x0  }
0x11e: {  	s23 =	rddreg [dreg:$0xa];
	[sflag:s8] =	ssyncadd.s32 $0xFFFFC000  }
0x11f: {  	[tilespmem:s11], [sflag:$0x3] =	stream.linear.gather [spmem:s23], $0x4000, $0x38;
	[tilespmem:$0x1C140] =	vst v63  }
0x120: {  	_ =	swait.ge [sflag:s8], $0x4000  }
0x121: {  	[sflag:s8] =	ssyncset.done $0x0  }
0x122: {  	s26 =	rddreg [dreg:$0xb];
	[sflag:s8] =	ssyncadd.s32 $0xFFFFC000  }
0x123: {  	[hbm4b:s26+s3] =	stream.linear.scatter [tilespmem:s11], [sflag:$0x3], $0x4000, $0x38;
	[tilespmem:$0x1C140] =	vst v63  }
0x124: {  	_ =	swait.ge [sflag:s8], $0x4000  }
0x125: {  	[sflag:s8] =	ssyncset.done $0x0  }
0x126: {  	s23 =	rddreg [dreg:$0xc];
	[sflag:s8] =	ssyncadd.s32 $0xFFFFC000  }
0x127: {  	[tilespmem:s11], [sflag:$0x3] =	stream.linear.gather [spmem:s23], $0x4000, $0x38;
	[tilespmem:$0x1C140] =	vst v63  }
0x128: {  	_ =	swait.ge [sflag:s8], $0x4000  }
0x129: {  	[sflag:s8] =	ssyncset.done $0x0  }
0x12a: {  	s26 =	rddreg [dreg:$0xd];
	[sflag:s8] =	ssyncadd.s32 $0xFFFFC000  }
0x12b: {  	[hbm4b:s26+s3] =	stream.linear.scatter [tilespmem:s11], [sflag:$0x3], $0x4000, $0x38;
	[tilespmem:$0x1C140] =	vst v63  }
0x12c: {  	_ =	swait.ge [sflag:s8], $0x4000  }
0x12d: {  	[sflag:s8] =	ssyncset.done $0x0  }
0x12e: {  	s23 =	rddreg [dreg:$0xe];
	[sflag:s8] =	ssyncadd.s32 $0xFFFFC000  }
0x12f: {  	[tilespmem:s11], [sflag:$0x3] =	stream.linear.gather [spmem:s23], $0x4000, $0x38;
	[tilespmem:$0x1C140] =	vst v63  }
0x130: {  	_ =	swait.ge [sflag:s8], $0x4000  }
0x131: {  	[sflag:s8] =	ssyncset.done $0x0  }
0x132: {  	s26 =	rddreg [dreg:$0xf];
	[sflag:s8] =	ssyncadd.s32 $0xFFFFC000  }
0x133: {  	[hbm4b:s26+s3] =	stream.linear.scatter [tilespmem:s11], [sflag:$0x3], $0x4000, $0x38;
	[tilespmem:$0x1C140] =	vst v63  }
0x134: {  	_ =	swait.ge [sflag:s8], $0x4000  }
0x135: {  	[sflag:s8] =	ssyncset.done $0x0  }
0x136: {  	s23 =	rddreg [dreg:$0x10];
	[sflag:s8] =	ssyncadd.s32 $0xFFFFC000  }
0x137: {  	[tilespmem:s11], [sflag:$0x3] =	stream.linear.gather [spmem:s23], $0x4000, $0x38;
	[tilespmem:$0x1C140] =	vst v63  }
0x138: {  	_ =	swait.ge [sflag:s8], $0x4000  }
0x139: {  	[sflag:s8] =	ssyncset.done $0x0  }
0x13a: {  	s26 =	rddreg [dreg:$0x11];
	[sflag:s8] =	ssyncadd.s32 $0xFFFFC000  }
0x13b: {  	[hbm4b:s26+s3] =	stream.linear.scatter [tilespmem:s11], [sflag:$0x3], $0x4000, $0x38;
	[tilespmem:$0x1C140] =	vst v63  }
0x13c: {  	_ =	swait.ge [sflag:s8], $0x4000  }
0x13d: {  	[sflag:s8] =	ssyncset.done $0x0  }
0x13e: {  	s23 =	rddreg [dreg:$0x12];
	[sflag:s8] =	ssyncadd.s32 $0xFFFFC000  }
0x13f: {  	[tilespmem:s11], [sflag:$0x3] =	stream.linear.gather [spmem:s23], $0x3400, $0x38;
	[tilespmem:$0x1C140] =	vst v63  }
0x140: {  	_ =	swait.ge [sflag:s8], $0x3400  }
0x141: {  	[sflag:s8] =	ssyncset.done $0x0  }
.Ltmp4:
0x142: {  	s26 =	rddreg [dreg:$0x13];
	[sflag:s8] =	ssyncadd.s32 $0xFFFFCC00;
	(pc) =	sbr.rel .LBB2_5-.Ltmp4, $4  }
0x143: {  	[hbm4b:s26+s3] =	stream.linear.scatter [tilespmem:s11], [sflag:$0x3], $0x3400, $0x38;
	[tilespmem:$0x1C140] =	vst v63  }
0x144: {  	_ =	swait.ge [sflag:s8], $0x3400  }
0x145: {  	[sflag:s8] =	ssyncset.done $0x0  }
0x146: {  	[sflag:s8] =	ssyncadd.s32 $0xFFFFCC00  }
.LBB2_6:
0x147: {  	_ =	sfence.sel $0x180000  }
0x148: {  	[bflag:$0x0] =	sbarrier.arrive $0xFFFF  }
0x149: {  	_ =	strace $0x9000004A  }
0x14a: {  	s0 =	stileid.u32;
	[bflag:$0x2] =	sbarrier.arrive $0xFFFF  }
0x14b: {  	p0 =	sne.s32 s0, $0x0;
	s0 =	rddreg [dreg:$0x2]  }
0x14c: {  	s0 =	sadd.s32 @!p0 $0x100000, s0  }
0x14d: {  	[sflag:s0] =	ssyncadd.tile.s32 @!p0 $0x1;
	_ =	shalt  }
.Lfunc_end2:
_tile_overlayer_lowered:
.L_overlay_start_2:
0x14e: {  	(tag) =	ssettag $0x2  }
0x14f: {  	s0 =	rddreg [dreg:$0x0];
	s2 =	stileid.u32  }
0x150: {  	s1 =	rddreg [dreg:$0x1];
	p0 =	sne.s32 s2, $0x0  }
0x151: {  	s3 =	rddreg [dreg:$0x2];
	[bflag:$0x3] =	sbarrier.arrive $0xFFFF;
	s2 =	simm.s32 @!p0 $0x1C03  }
0x152: {  	[timem:s3], [sflag:s2] =	dma.local @!p0 [hbm:s0], s1  }
0x153: {  	s0 =	simm.s32 @!p0 $0x3  }
0x154: {  	_ =	swait.ge @!p0 [sflag:s0], s1  }
0x155: {  	s1 =	ssub.s32 @!p0 $0x0, s1;
	[sflag:s0] =	ssyncset.done @!p0 $0x0  }
0x156: {  	[sflag:s0] =	ssyncadd.s32 @!p0 s1  }
0x157: {  	[bflag:$0x3] =	sbarrier.arrive $0xFFFF  }
0x158: {  	_ =	shalt  }

// kernel: kernel.20.cloned.1.call-start
scs
__scs_entry_jumppad:
0x0: {  	(pc) =	sbr.rel $0x88, $3  }
0x1: {  	(tag) =	ssettag $0x0;
	lr =	simm.s32 $0x1  }
0x2: {  	[smem:$0x3F82] =	sst lr;
	_ =	strace $0xD0000000  }
0x3: {  	_ = 	snop  }
0x4: {  	_ = 	snop  }
0x5: {  	_ = 	snop  }
0x6: {  	_ = 	snop  }
0x7: {  	_ = 	snop  }
__scs_overlays_trampoline_lowered:
0x8: {  	[smem:$0x3F91] =	sst s0  }
0x9: {  	[smem:$0x3F92] =	sst s1  }
0xa: {  	[smem:$0x3F93] =	sst s2  }
0xb: {  	[smem:$0x3F94] =	sst s3  }
0xc: {  	[smem:$0x3F95] =	sst s4  }
0xd: {  	[smem:$0x3F96] =	sst s5  }
0xe: {  	[smem:$0x3F97] =	sst s6  }
0xf: {  	[smem:$0x3F98] =	sst s7  }
0x10: {  	[smem:$0x3F99] =	sst s8  }
0x11: {  	[smem:$0x3F9A] =	sst s9;
	s0 =	simm.s32 @!p0 $0x0  }
0x12: {  	s1 =	sld [smem:$0x3F80];
	s0 =	simm.s32 @p0 $0x1  }
0x13: {  	[smem:$0x3F9B] =	sst s0;
	s0 =	simm.s32 @!p1 $0x0  }
0x14: {  	s2 =	sld [smem:$0x3F7F];
	s0 =	simm.s32 @p1 $0x1  }
0x15: {  	[smem:$0x3F9C] =	sst s0;
	s0 =	simm.s32 @!p2 $0x0  }
0x16: {  	s3 =	sld [smem:$0x3FDB];
	s0 =	simm.s32 @p2 $0x1  }
0x17: {  	s4 =	simm.s32 $0x1BF5;
	[smem:$0x3F9E] =	sst s0  }
0x18: {  	s0 =	sld [smem:$0x3F81];
	_ =	swait.ge [sflag:s4], $0x0  }
0x19: {  	s7 =	sld [smem:$0x3F82]  }
0x1a: {  	s8 =	sadd.s32 $0xFFFFE003, lr  }
0x1b: {  	s9 =	sadd.s32 $0xFFFFFEF7, lr;
	s5 =	simm.s32 $0xFFFFFFFF;
	p2 =	slt.u32 s8, $0xFFFFF086  }
0x1c: {  	p1 =	slt.u32 s9, $0xF7A;
	s5 =	simm.s32 @!p2 $0x0  }
0x1d: {  	s5 =	simm.s32 @p1 $0x1;
	p0 =	seq.s32 s7, s2  }
0x1e: {  	s7 =	smul.u32 @!p0 $0xF7A, s2;
	p2 =	seq.s32 @!p0 s5, $0x0  }
0x1f: {  	s9 =	smul.u32 $0xF7A, s1;
	s8 =	simm.s32 @!p0 $0x1BF5;
	p2 =	por !p2, p0  }
0x20: {  	[sflag:s8] =	ssyncset.s32 @!p0 $0xFFFFF086;
	s6 =	sadd.s32 @!p0 s3, s7;
	s7 =	simm.s32 @!p0 $0x108  }
0x21: {  	s3 =	sadd.s32 s3, s9;
	s6 =	sadd.s32 @!p0 $0x88, s6;
	s7 =	simm.s32 @p2 $0x1082  }
0x22: {  	[simem:s7], [sflag:s8] =	dma.local @!p0 [hbm:s6], $0xF7A  }
0x23: {  	s9 =	sor.u32 $0xD0000000, s2;
	s6 =	simm.s32 $0x108;
	_ =	swait.ge @!p0 [sflag:s8], $0x0  }
0x24: {  	s3 =	sadd.s32 $0x88, s3;
	s6 =	simm.s32 @!p1 $0x1082;
	[sflag:s4] =	ssyncset.s32 $0xFFFFF086  }
0x25: {  	[simem:s6], [sflag:s4] =	dma.local [hbm:s3], $0xF7A  }
0x26: {  	[smem:$0x3F82] =	sst s1;
	(tag) =	ssettag s2;
	_ =	strace s9  }
0x27: {  	s1 =	sld [smem:$0x3F92]  }
0x28: {  	s2 =	sld [smem:$0x3F93]  }
0x29: {  	s4 =	sld [smem:$0x3F95]  }
0x2a: {  	p0 =	seq.s32 s5, $0x0;
	s5 =	sld [smem:$0x3F96]  }
0x2b: {  	s6 =	sld [smem:$0x3F97]  }
0x2c: {  	s7 =	sld [smem:$0x3F98]  }
0x2d: {  	s3 =	simm.s32 $0x108;
	s8 =	sld [smem:$0x3F99]  }
0x2e: {  	s3 =	simm.s32 @!p0 $0x1082;
	s9 =	sld [smem:$0x3F9A]  }
0x2f: {  	lr =	sadd.s32 s0, s3;
	s0 =	sld [smem:$0x3F91]  }
0x30: {  	s3 =	sld [smem:$0x3F94]  }
0x31: {  	[smem:$0x3F9D] =	sst s10  }
0x32: {  	s10 =	sld [smem:$0x3F9B];
	_ =	sdelay $0x3  }
0x33: {  	p0 =	seq.s32 s10, $0x1;
	s10 =	sld [smem:$0x3F9D];
	_ =	sdelay $0x3  }
0x34: {  	[smem:$0x3F9D] =	sst s10  }
0x35: {  	s10 =	sld [smem:$0x3F9C];
	_ =	sdelay $0x3  }
0x36: {  	p1 =	seq.s32 s10, $0x1;
	s10 =	sld [smem:$0x3F9D];
	_ =	sdelay $0x3  }
0x37: {  	[smem:$0x3F9D] =	sst s10  }
0x38: {  	s10 =	sld [smem:$0x3F9E]  }
0x39: {  	_ = 	snop;
	(pc) =	sbr.ind lr, $3  }
0x3a: {  	_ = 	snop  }
0x3b: {  	_ = 	snop  }
0x3c: {  	p2 =	seq.s32 s10, $0x1;
	s10 =	sld [smem:$0x3F9D]  }
0x3d: {  	_ =	shalt  }
0x3e: {  	_ =	shalt  }
0x3f: {  	_ =	shalt  }
0x40: {  	_ =	shalt  }
0x41: {  	_ =	shalt  }
0x42: {  	_ =	shalt  }
0x43: {  	_ =	shalt  }
0x44: {  	_ =	shalt  }
0x45: {  	_ =	shalt  }
0x46: {  	_ =	shalt  }
0x47: {  	_ =	shalt  }
0x48: {  	_ =	shalt  }
0x49: {  	_ =	shalt  }
0x4a: {  	_ =	shalt  }
0x4b: {  	_ =	shalt  }
0x4c: {  	_ =	shalt  }
0x4d: {  	_ =	shalt  }
0x4e: {  	_ =	shalt  }
0x4f: {  	_ =	shalt  }
0x50: {  	_ =	shalt  }
0x51: {  	_ =	shalt  }
0x52: {  	_ =	shalt  }
0x53: {  	_ =	shalt  }
0x54: {  	_ =	shalt  }
0x55: {  	_ =	shalt  }
0x56: {  	_ =	shalt  }
0x57: {  	_ =	shalt  }
0x58: {  	_ =	shalt  }
0x59: {  	_ =	shalt  }
0x5a: {  	_ =	shalt  }
0x5b: {  	_ =	shalt  }
0x5c: {  	_ =	shalt  }
0x5d: {  	_ =	shalt  }
0x5e: {  	_ =	shalt  }
0x5f: {  	_ =	shalt  }
0x60: {  	_ =	shalt  }
0x61: {  	_ =	shalt  }
0x62: {  	_ =	shalt  }
0x63: {  	_ =	shalt  }
0x64: {  	_ =	shalt  }
0x65: {  	_ =	shalt  }
0x66: {  	_ =	shalt  }
0x67: {  	_ =	shalt  }
0x68: {  	_ =	shalt  }
0x69: {  	_ =	shalt  }
0x6a: {  	_ =	shalt  }
0x6b: {  	_ =	shalt  }
0x6c: {  	_ =	shalt  }
0x6d: {  	_ =	shalt  }
0x6e: {  	_ =	shalt  }
0x6f: {  	_ =	shalt  }
0x70: {  	_ =	shalt  }
0x71: {  	_ =	shalt  }
0x72: {  	_ =	shalt  }
0x73: {  	_ =	shalt  }
0x74: {  	_ =	shalt  }
0x75: {  	_ =	shalt  }
0x76: {  	_ =	shalt  }
0x77: {  	_ =	shalt  }
0x78: {  	_ =	shalt  }
0x79: {  	_ =	shalt  }
0x7a: {  	_ =	shalt  }
0x7b: {  	_ =	shalt  }
0x7c: {  	_ =	shalt  }
0x7d: {  	_ =	shalt  }
0x7e: {  	_ =	shalt  }
0x7f: {  	_ =	shalt  }
0x80: {  	_ =	shalt  }
0x81: {  	_ =	shalt  }
0x82: {  	_ =	shalt  }
0x83: {  	_ =	shalt  }
0x84: {  	_ =	shalt  }
0x85: {  	_ =	shalt  }
0x86: {  	_ =	shalt  }
0x87: {  	_ =	shalt  }
.Lfunc_end0:
.L_simem_size_0:
called_computation.2_lowered:
.L_overlay_start_0:
0x88: {  	s2 =	sld [smem:$0x3FD9]  }
0x89: {  	s3 =	sld [smem:$0x3FFE];
	_ =	sdelay $0x1  }
0x8a: {  	s1 =	srdreg.scid  }
0x8b: {  	s0 =	sand.u32 $0x1, s1  }
0x8c: {  	s16 =	sshll.u32 s0, $0xA;
	s2 =	sadd.s32 s3, s2  }
0x8d: {  	s2 =	sadd.s32 s2, s16  }
0x8e: {  	[smem:$0x3FA9] =	sst s2  }
0x8f: {  	_ = 	snop  }
0x90: {  	(tm) =	ssettm $0x1  }
0x91: {  	s17 =	sld [smem:$0x3FFB];
	_ =	sdelay $0x3  }
0x92: {  	_ =	strace s17  }
0x93: {  	s2 =	sld [smem:$0x3FFC];
	_ =	sdelay $0x3  }
0x94: {  	_ =	strace s2  }
0x95: {  	s2 =	sld [smem:$0x3FFD];
	_ =	sdelay $0x3  }
0x96: {  	_ =	strace s2  }
0x97: {  	_ =	strace $0x8FFFFFFF  }
0x98: {  	s18 =	sld [smem:$0x3FDB];
	_ =	sdelay $0x1  }
0x99: {  	s19 =	simm.s32 $_scs_section_size  }
0x9a: {  	s4 =	simm.s32 $_size__tile_overlayer_lowered;
	s5 =	simm.s32 $_tile_overlayer_lowered  }
0x9b: {  	s22 =	simm.s32 $0x1BFF;
	s21 =	sshll.u32 s5, $0x1;
	s2 =	sadd.s32 s19, s18  }
0x9c: {  	s6 =	simm.s32 $0x0;
	s20 =	sshll.u32 s4, $0x1;
	s4 =	sadd.s32 s21, s2  }
0x9d: {  	[timem:s6], [sflag:s22] =	dma.local [hbm:s4], s20  }
0x9e: {  	_ =	swait.ge [sflag:s22], s20  }
0x9f: {  	s3 =	ssub.s32 $0x0, s20;
	[sflag:s22] =	ssyncset.done $0x0  }
0xa0: {  	[sflag:s22] =	ssyncadd.s32 s3;
	_ =	sdelay $0x1  }
0xa1: {  	s23 =	simm.s32 $0x1B8B  }
0xa2: {  	_ =	swait.ge [sflag:s23], $0x1  }
0xa3: {  	[sflag:s23] =	ssyncset.done $0x0  }
0xa4: {  	s25 =	simm.s32 $0x1B8E;
	s24 =	sld [smem:$0x3FFE];
	[sflag:s23] =	ssyncadd.s32 $0xFFFFFFFF  }
0xa5: {  	s26 =	simm.s32 $execute0_lowered;
	[smem:$0x3FD2] =	sst s25  }
0xa6: {  	s4 =	sshll.u32 s26, $0x1;
	_ =	strace $0x8000004C;
	[dreg:$0x1] =	wrdreg $0xFFFFFFFF  }
0xa7: {  	s28 =	simm.s32 $_size_execute0_lowered;
	s2 =	sadd.s32 s2, s4;
	[dreg:$0x0] =	wrdreg $0x0  }
0xa8: {  	s4 =	sshll.u32 s28, $0x1;
	[dreg:$0x2] =	wrdreg s2  }
0xa9: {  	[dreg:$0x3] =	wrdreg s4  }
0xaa: {  	[dreg:$0x4] =	wrdreg $0xC0  }
0xab: {  	_ =	task [dreg:s6], $0x5FFFF  }
0xac: {  	[dreg:$0x1] =	wrdreg $0xFFFFFFFF  }
0xad: {  	[dreg:$0x0] =	wrdreg $0x60  }
0xae: {  	[dreg:$0x2] =	wrdreg s24  }
0xaf: {  	[dreg:$0x3] =	wrdreg $0x0  }
0xb0: {  	[dreg:$0x4] =	wrdreg $0x9  }
0xb1: {  	_ =	task.clear_ibuf [dreg:s6], $0x5FFFF;
	_ =	strace $0x9000004C  }
0xb2: {  	s29 =	simm.s32 $0x9;
	_ =	strace $0x8000004E  }
0xb3: {  	_ =	swait.ge [sflag:s29], $0x1  }
0xb4: {  	[sflag:s29] =	ssyncadd.s32 $0xFFFFFFFF  }
0xb5: {  	_ =	strace $0x9000004E  }
0xb6: {  	_ =	sfence  }
0xb7: {  	s30 =	sld [smem:$0x0];
	_ =	sdelay $0x2  }
0xb8: {  	s31 =	sshll.u32 s1, $0xD;
	s1 =	sshrl.u32 s1, $0x2  }
0xb9: {  	s3 =	sand.u32 $0x4000, s31;
	s1 =	sadd.s32 s1, s30  }
0xba: {  	s0 =	sor.u32 s3, s0;
	s1 =	sshll.u32 s1, $0x11  }
0xbb: {  	s0 =	sor.u32 s1, s0  }
0xbc: {  	s0 =	sadd.s32 $0x8F2B, s0  }
0xbd: {  	[sflag:s0] =	ssyncadd.remote.s32 $0x1  }
0xbe: {  	_ =	sfence.sel $0xFFFF  }
0xbf: {  	[dreg:$0x0] =	wrdreg $0xFFFFFFFF;
	(pc) =	sbr.abs _section_cstart, $3  }
0xc0: {  	[dreg:$0x1] =	wrdreg $0xFFFFFFFF  }
0xc1: {  	_ =	task.clear_ibuf [dreg:s6], $0x2FFFF;
	_ =	strace $0x9FFFFFFF  }
0xc2: {  	(tm) =	ssettm $0x7FFFFFFF  }
0xc3: {  	_ =	shalt  }
tec
execute0_lowered:
.L_overlay_start_1:
0x0: {  	(tag) =	ssettag $0x1  }
0x1: {  	s0 =	rddreg [dreg:$0x0]  }
0x2: {  	s2 =	rddreg [dreg:$0x1]  }
0x3: {  	s3 =	simm.s32 $0x0;
	s14 =	stileid.u32;
	s5 =	srdreg.scid  }
0x4: {  	[smem:$0x7FF] =	sst s3;
	s1 =	smul.u32 $0xA00, s14;
	s4 =	sadd.s32 $0xCC000, s0  }
0x5: {  	s6 =	sand.u32 $0x1, s5;
	s7 =	smul.u32 $0x7D000, s14;
	s5 =	sadd.s32 $0x1BA00, s0  }
0x6: {  	s11 =	smul.u32 $0x1F400, s14;
	s12 =	sadd.s32 $0x1B000, s0;
	p1 =	sgt.u32 s14, $0x9  }
0x7: {  	s14 =	simm.s32 $0x180C0;
	_ =	strace $0x8000004D;
	s8 =	ssub.s32 $0x2, s6  }
0x8: {  	s9 =	smul.u32 $0x138800, s6;
	[dreg:$0x3] =	wrdreg s12;
	p0 =	seq.s32 s6, $0x1  }
0x9: {  	s1 =	sadd.s32 s1, s0;
	s10 =	sshrl.u32 s8, $0x1;
	s0 =	sadd.s32 $0xF3200, s0  }
0xa: {  	s7 =	sshrl.u32 s7, $0x2;
	s20 =	sadd.s32 $0x4000, s11;
	s24 =	sadd.s32 $0x8000, s11  }
0xb: {  	s26 =	sadd.s32 $0xC000, s11;
	s29 =	sadd.s32 $0x10000, s11;
	s18 =	sadd.s32 $0x14000, s11  }
0xc: {  	s8 =	ssub.s32 s8, s10;
	s19 =	sadd.s32 s11, s9;
	s7 =	sadd.s32 s7, s2  }
0xd: {  	s13 =	sadd.s32 s9, s20;
	s23 =	sadd.s32 s20, s2;
	s25 =	sadd.s32 s24, s2  }
0xe: {  	s28 =	sadd.s32 s9, s26;
	s15 =	sadd.s32 s9, s29;
	s17 =	sadd.s32 s29, s2  }
0xf: {  	s20 =	sadd.s32 $0x18000, s11;
	s11 =	sadd.s32 $0x1C000, s11;
	[dreg:$0x5] =	wrdreg s23  }
0x10: {  	s10 =	sshrl.u32 s19, $0x3;
	s22 =	sshrl.u32 s13, $0x3;
	[dreg:$0x7] =	wrdreg s25  }
0x11: {  	s12 =	sshrl.u32 s28, $0x3;
	s16 =	sshrl.u32 s15, $0x3;
	[dreg:$0xb] =	wrdreg s17  }
0x12: {  	s19 =	sadd.s32 s18, s2;
	s25 =	smax.u32 s8, $0x1;
	s28 =	sadd.s32 $0x8000, s7  }
0x13: {  	s29 =	sadd.s32 $0xC000, s7;
	s30 =	sadd.s32 $0x10000, s7;
	[dreg:$0xd] =	wrdreg s19  }
0x14: {  	s31 =	sadd.s32 $0x14000, s7;
	s8 =	simm.s32 $0x138C0;
	[dreg:$0x13] =	wrdreg s25  }
0x15: {  	s13 =	simm.s32 $0x13940;
	s15 =	simm.s32 $0x1;
	[dreg:$0x15] =	wrdreg s28  }
0x16: {  	s17 =	simm.s32 $0x139C0;
	s21 =	sadd.s32 s0, s10;
	[dreg:$0x16] =	wrdreg s29  }
0x17: {  	s6 =	sadd.s32 s0, s22;
	s10 =	sadd.s32 s26, s2;
	[dreg:$0x4] =	wrdreg s21  }
0x18: {  	s25 =	sadd.s32 $0xB8000, s1;
	s26 =	sadd.s32 $0x4000, s7;
	[dreg:$0x6] =	wrdreg s6  }
0x19: {  	s19 =	simm.s32 $0x13A40;
	s6 =	sadd.s32 s9, s24;
	[dreg:$0x9] =	wrdreg s10  }
0x1a: {  	s21 =	sadd.s32 s9, s20;
	s10 =	sadd.s32 s20, s2;
	[dreg:$0x14] =	wrdreg s26  }
0x1b: {  	s24 =	sadd.s32 s11, s2;
	s20 =	simm.s32 $0x13AC0;
	[dreg:$0xf] =	wrdreg s10  }
0x1c: {  	s6 =	sshrl.u32 s6, $0x3;
	s22 =	sshrl.u32 s21, $0x3;
	[dreg:$0x11] =	wrdreg s24  }
0x1d: {  	s24 =	sadd.s32 $0xC2000, s1;
	s1 =	sadd.s32 $0x1C000, s7;
	s6 =	sadd.s32 s0, s6  }
0x1e: {  	s10 =	simm.s32 $0x13CC0;
	[dreg:$0x8] =	wrdreg s6;
	s6 =	sadd.s32 s0, s12  }
0x1f: {  	s21 =	simm.s32 $0x13B40;
	[dreg:$0xa] =	wrdreg s6;
	s6 =	sadd.s32 s0, s16  }
0x20: {  	s12 =	simm.s32 $0x140C0;
	s16 =	simm.s32 $0x1C0C0;
	[dreg:$0xc] =	wrdreg s6  }
0x21: {  	s6 =	sadd.s32 s9, s18;
	s9 =	sadd.s32 s9, s11;
	s11 =	simm.s32 $0x80  }
.Ltmp0:
0x22: {  	s18 =	simm.s32 $0x2;
	s6 =	sshrl.u32 s6, $0x3;
	(pc) =	sbr.rel .LBB2_1-.Ltmp0, $4  }
0x23: {  	s23 =	sshrl.u32 s9, $0x3;
	s9 =	simm.s32 $0x3;
	s6 =	sadd.s32 s0, s6  }
0x24: {  	[dreg:$0xe] =	wrdreg s6;
	s6 =	sadd.s32 s0, s22;
	s0 =	sadd.s32 s0, s23  }
0x25: {  	s22 =	simm.s32 $0x13BC0;
	s23 =	simm.s32 $0x0;
	[dreg:$0x10] =	wrdreg s6  }
0x26: {  	[dreg:$0x12] =	wrdreg s0;
	s0 =	sadd.s32 $0x18000, s7;
	s6 =	simm.s32 $0x13C40  }
.LBB2_6:
0x27: {  	s23 =	sadd.s32 $0x1, s23;
	s26 =	rddreg [dreg:$0x13]  }
0x28: {  	p2 =	sne.s32 s23, s26  }
.Ltmp1:
0x29: {  	_ = 	snop;
	(pc) =	sbr.rel @!p2 .LBB2_7-.Ltmp1, $1  }
0x2a: {  	_ =	sdelay $0x3  }
.LBB2_1:
0x2b: {  	s26 =	simm.s32 @!p1 $0x0;
	s28 =	simm.s32 @!p1 $0x140C0;
	s29 =	rddreg [dreg:$0x3]  }
0x2c: {  	[tilespmem:s28], [sflag:$0x3] =	stream.linear.gather @!p1 [hbm4b:s29+s26], $0x4000, $0x38;
	[tilespmem:$0x1C140] =	vst v63  }
0x2d: {  	s26 =	simm.s32 @!p1 $0x3  }
0x2e: {  	_ =	swait.ge @!p1 [sflag:s26], $0x4000  }
0x2f: {  	[sflag:s26] =	ssyncset.done @!p1 $0x0  }
0x30: {  	[sflag:s26] =	ssyncadd.s32 @!p1 $0xFFFFC000  }
0x31: {  	[spmem:s7] =	stream.linear.scatter @!p1 [tilespmem:s28], [sflag:$0x3], $0x4000, $0x38;
	[tilespmem:$0x1C140] =	vst v63  }
0x32: {  	_ =	swait.ge @!p1 [sflag:s26], $0x4000  }
0x33: {  	[sflag:s26] =	ssyncset.done @!p1 $0x0  }
0x34: {  	s29 =	rddreg [dreg:$0x14];
	[sflag:s26] =	ssyncadd.s32 @!p1 $0xFFFFC000  }
0x35: {  	[spmem:s29] =	stream.linear.scatter @!p1 [tilespmem:s28], [sflag:$0x3], $0x4000, $0x38;
	[tilespmem:$0x1C140] =	vst v63  }
0x36: {  	_ =	swait.ge @!p1 [sflag:s26], $0x4000  }
0x37: {  	[sflag:s26] =	ssyncset.done @!p1 $0x0  }
0x38: {  	s29 =	rddreg [dreg:$0x15];
	[sflag:s26] =	ssyncadd.s32 @!p1 $0xFFFFC000  }
0x39: {  	[spmem:s29] =	stream.linear.scatter @!p1 [tilespmem:s28], [sflag:$0x3], $0x4000, $0x38;
	[tilespmem:$0x1C140] =	vst v63  }
0x3a: {  	_ =	swait.ge @!p1 [sflag:s26], $0x4000  }
0x3b: {  	[sflag:s26] =	ssyncset.done @!p1 $0x0  }
0x3c: {  	s29 =	rddreg [dreg:$0x16];
	[sflag:s26] =	ssyncadd.s32 @!p1 $0xFFFFC000  }
0x3d: {  	[spmem:s29] =	stream.linear.scatter @!p1 [tilespmem:s28], [sflag:$0x3], $0x4000, $0x38;
	[tilespmem:$0x1C140] =	vst v63  }
0x3e: {  	_ =	swait.ge @!p1 [sflag:s26], $0x4000  }
0x3f: {  	[sflag:s26] =	ssyncset.done @!p1 $0x0  }
0x40: {  	[sflag:s26] =	ssyncadd.s32 @!p1 $0xFFFFC000  }
0x41: {  	[spmem:s30] =	stream.linear.scatter @!p1 [tilespmem:s28], [sflag:$0x3], $0x4000, $0x38;
	[tilespmem:$0x1C140] =	vst v63  }
0x42: {  	_ =	swait.ge @!p1 [sflag:s26], $0x4000  }
0x43: {  	[sflag:s26] =	ssyncset.done @!p1 $0x0  }
0x44: {  	[sflag:s26] =	ssyncadd.s32 @!p1 $0xFFFFC000  }
0x45: {  	[spmem:s31] =	stream.linear.scatter @!p1 [tilespmem:s28], [sflag:$0x3], $0x4000, $0x38;
	[tilespmem:$0x1C140] =	vst v63  }
0x46: {  	_ =	swait.ge @!p1 [sflag:s26], $0x4000  }
0x47: {  	[sflag:s26] =	ssyncset.done @!p1 $0x0  }
0x48: {  	[sflag:s26] =	ssyncadd.s32 @!p1 $0xFFFFC000  }
0x49: {  	[spmem:s0] =	stream.linear.scatter @!p1 [tilespmem:s28], [sflag:$0x3], $0x4000, $0x38;
	[tilespmem:$0x1C140] =	vst v63  }
0x4a: {  	_ =	swait.ge @!p1 [sflag:s26], $0x4000  }
0x4b: {  	[sflag:s26] =	ssyncset.done @!p1 $0x0  }
0x4c: {  	[sflag:s26] =	ssyncadd.s32 @!p1 $0xFFFFC000  }
0x4d: {  	[spmem:s1] =	stream.linear.scatter @!p1 [tilespmem:s28], [sflag:$0x3], $0x3400, $0x38;
	[tilespmem:$0x1C140] =	vst v63  }
.Ltmp2:
0x4e: {  	_ =	swait.ge @!p1 [sflag:s26], $0x3400;
	(pc) =	sbr.rel @!p0 .LBB2_2-.Ltmp2, $4  }
0x4f: {  	[sflag:s26] =	ssyncset.done @!p1 $0x0  }
0x50: {  	[sflag:s26] =	ssyncadd.s32 @!p1 $0xFFFFCC00  }
0x51: {  	[bflag:$0x0] =	sbarrier.arrive $0xFFFF  }
0x52: {  	s28 =	simm.s32 $0x0;
	s26 =	simm.s32 $0x0  }
.LBB2_3:
0x53: {  	s26 =	sadd.s32 s28, s25  }
0x54: {  	[tilespmem:s8], [sflag:$0x3] =	stream.linear.gather [hbm4b:s26+s3], $0x400, $0x38;
	[tilespmem:$0x1C140] =	vst v63  }
0x55: {  	_ =	swait.ge [sflag:s9], $0x400  }
0x56: {  	[sflag:s9] =	ssyncset.done $0x0  }
0x57: {  	s29 =	sadd.s32 s28, s24;
	[sflag:s9] =	ssyncadd.s32 $0xFFFFFC00  }
0x58: {  	[tilespmem:s10], [sflag:$0x3] =	stream.linear.gather [hbm4b:s29+s3], $0x400, $0x38;
	[tilespmem:$0x1C140] =	vst v63  }
0x59: {  	_ =	swait.ge [sflag:s9], $0x400  }
0x5a: {  	[sflag:s9] =	ssyncset.done $0x0  }
0x5b: {  	[sflag:s9] =	ssyncadd.s32 $0xFFFFFC00  }
0x5c: {  	[tilespmem:s12], [sflag:$0x1] =	stream.indirect.gather [hbm4b:s5+s11], $0x80, s8, s11, $0xb8;
	[tilespmem:$0x1C140] =	vst v63  }
0x5d: {  	_ = 	snop  }
0x5e: {  	[tilespmem:s14], [sflag:$0x2] =	stream.indirect.gather [hbm4b:s5+s11], $0x80, s13, s11, $0xb8;
	[tilespmem:$0x1C140] =	vst v63  }
0x5f: {  	v0 =	vld [tilespmem:$0x13CC0]  }
0x60: {  	v1 =	vld [tilespmem:$0x13CD0]  }
0x61: {  	v2 =	vld [tilespmem:$0x13CE0]  }
0x62: {  	v3 =	vld [tilespmem:$0x13CF0]  }
0x63: {  	v4 =	vld [tilespmem:$0x13D00]  }
0x64: {  	v5 =	vld [tilespmem:$0x13D10];
	[tilespmem:$0x1C0C0] =	vst v0  }
0x65: {  	v6 =	vld [tilespmem:$0x13D20];
	[tilespmem:$0x1C0D0] =	vst v1  }
0x66: {  	v7 =	vld [tilespmem:$0x13D30];
	[tilespmem:$0x1C0E0] =	vst v2  }
0x67: {  	[tilespmem:$0x1C0F0] =	vst v3  }
0x68: {  	[tilespmem:$0x1C100] =	vst v4  }
0x69: {  	[tilespmem:$0x1C110] =	vst v5  }
0x6a: {  	[tilespmem:$0x1C120] =	vst v6  }
0x6b: {  	[tilespmem:$0x1C130] =	vst v7  }
0x6c: {  	_ =	swait.ge [sflag:s15], $0x4000  }
0x6d: {  	[sflag:s15] =	ssyncset.done $0x0  }
0x6e: {  	[sflag:s15] =	ssyncadd.s32 $0xFFFFC000  }
0x6f: {  	[spmem:s2] =	stream.indirect.scatter.add.f32 [tilespmem:s12], [sflag:$0x3], $0x80, s16, s11, $0xb8;
	[tilespmem:$0x1C140] =	vst v63  }
0x70: {  	_ =	swait.ge [sflag:s9], $0x4000  }
0x71: {  	[sflag:s9] =	ssyncset.done $0x0  }
0x72: {  	[sflag:s9] =	ssyncadd.s32 $0xFFFFC000  }
0x73: {  	[tilespmem:s12], [sflag:$0x1] =	stream.indirect.gather [hbm4b:s5+s11], $0x80, s17, s11, $0xb8;
	[tilespmem:$0x1C140] =	vst v63  }
0x74: {  	v8 =	vld [tilespmem:$0x13D40]  }
0x75: {  	v9 =	vld [tilespmem:$0x13D50]  }
0x76: {  	v10 =	vld [tilespmem:$0x13D60]  }
0x77: {  	v11 =	vld [tilespmem:$0x13D70]  }
0x78: {  	v12 =	vld [tilespmem:$0x13D80]  }
0x79: {  	v13 =	vld [tilespmem:$0x13D90];
	[tilespmem:$0x1C0C0] =	vst v8  }
0x7a: {  	v14 =	vld [tilespmem:$0x13DA0];
	[tilespmem:$0x1C0D0] =	vst v9  }
0x7b: {  	v15 =	vld [tilespmem:$0x13DB0];
	[tilespmem:$0x1C0E0] =	vst v10  }
0x7c: {  	[tilespmem:$0x1C0F0] =	vst v11  }
0x7d: {  	[tilespmem:$0x1C100] =	vst v12  }
0x7e: {  	[tilespmem:$0x1C110] =	vst v13  }
0x7f: {  	[tilespmem:$0x1C120] =	vst v14  }
0x80: {  	[tilespmem:$0x1C130] =	vst v15  }
0x81: {  	_ =	swait.ge [sflag:s18], $0x4000  }
0x82: {  	[sflag:s18] =	ssyncset.done $0x0  }
0x83: {  	[sflag:s18] =	ssyncadd.s32 $0xFFFFC000  }
0x84: {  	[spmem:s2] =	stream.indirect.scatter.add.f32 [tilespmem:s14], [sflag:$0x3], $0x80, s16, s11, $0xb8;
	[tilespmem:$0x1C140] =	vst v63  }
0x85: {  	_ =	swait.ge [sflag:s9], $0x4000  }
0x86: {  	[sflag:s9] =	ssyncset.done $0x0  }
0x87: {  	[sflag:s9] =	ssyncadd.s32 $0xFFFFC000  }
0x88: {  	[tilespmem:s14], [sflag:$0x2] =	stream.indirect.gather [hbm4b:s5+s11], $0x80, s19, s11, $0xb8;
	[tilespmem:$0x1C140] =	vst v63  }
0x89: {  	v16 =	vld [tilespmem:$0x13DC0]  }
0x8a: {  	v17 =	vld [tilespmem:$0x13DD0]  }
0x8b: {  	v18 =	vld [tilespmem:$0x13DE0]  }
0x8c: {  	v19 =	vld [tilespmem:$0x13DF0]  }
0x8d: {  	v20 =	vld [tilespmem:$0x13E00]  }
0x8e: {  	v21 =	vld [tilespmem:$0x13E10];
	[tilespmem:$0x1C0C0] =	vst v16  }
0x8f: {  	v22 =	vld [tilespmem:$0x13E20];
	[tilespmem:$0x1C0D0] =	vst v17  }
0x90: {  	v23 =	vld [tilespmem:$0x13E30];
	[tilespmem:$0x1C0E0] =	vst v18  }
0x91: {  	[tilespmem:$0x1C0F0] =	vst v19  }
0x92: {  	[tilespmem:$0x1C100] =	vst v20  }
0x93: {  	[tilespmem:$0x1C110] =	vst v21  }
0x94: {  	[tilespmem:$0x1C120] =	vst v22  }
0x95: {  	[tilespmem:$0x1C130] =	vst v23  }
0x96: {  	_ =	swait.ge [sflag:s15], $0x4000  }
0x97: {  	[sflag:s15] =	ssyncset.done $0x0  }
0x98: {  	[sflag:s15] =	ssyncadd.s32 $0xFFFFC000  }
0x99: {  	[spmem:s2] =	stream.indirect.scatter.add.f32 [tilespmem:s12], [sflag:$0x3], $0x80, s16, s11, $0xb8;
	[tilespmem:$0x1C140] =	vst v63  }
0x9a: {  	_ =	swait.ge [sflag:s9], $0x4000  }
0x9b: {  	[sflag:s9] =	ssyncset.done $0x0  }
0x9c: {  	[sflag:s9] =	ssyncadd.s32 $0xFFFFC000  }
0x9d: {  	[tilespmem:s12], [sflag:$0x1] =	stream.indirect.gather [hbm4b:s5+s11], $0x80, s20, s11, $0xb8;
	[tilespmem:$0x1C140] =	vst v63  }
0x9e: {  	v24 =	vld [tilespmem:$0x13E40]  }
0x9f: {  	v25 =	vld [tilespmem:$0x13E50]  }
0xa0: {  	v26 =	vld [tilespmem:$0x13E60]  }
0xa1: {  	v27 =	vld [tilespmem:$0x13E70]  }
0xa2: {  	v28 =	vld [tilespmem:$0x13E80]  }
0xa3: {  	v29 =	vld [tilespmem:$0x13E90];
	[tilespmem:$0x1C0C0] =	vst v24  }
0xa4: {  	v30 =	vld [tilespmem:$0x13EA0];
	[tilespmem:$0x1C0D0] =	vst v25  }
0xa5: {  	v31 =	vld [tilespmem:$0x13EB0];
	[tilespmem:$0x1C0E0] =	vst v26  }
0xa6: {  	[tilespmem:$0x1C0F0] =	vst v27  }
0xa7: {  	[tilespmem:$0x1C100] =	vst v28  }
0xa8: {  	[tilespmem:$0x1C110] =	vst v29  }
0xa9: {  	[tilespmem:$0x1C120] =	vst v30  }
0xaa: {  	[tilespmem:$0x1C130] =	vst v31  }
0xab: {  	_ =	swait.ge [sflag:s18], $0x4000  }
0xac: {  	[sflag:s18] =	ssyncset.done $0x0  }
0xad: {  	[sflag:s18] =	ssyncadd.s32 $0xFFFFC000  }
0xae: {  	[spmem:s2] =	stream.indirect.scatter.add.f32 [tilespmem:s14], [sflag:$0x3], $0x80, s16, s11, $0xb8;
	[tilespmem:$0x1C140] =	vst v63  }
0xaf: {  	_ =	swait.ge [sflag:s9], $0x4000  }
0xb0: {  	[sflag:s9] =	ssyncset.done $0x0  }
0xb1: {  	[sflag:s9] =	ssyncadd.s32 $0xFFFFC000  }
0xb2: {  	[tilespmem:s14], [sflag:$0x2] =	stream.indirect.gather [hbm4b:s5+s11], $0x80, s21, s11, $0xb8;
	[tilespmem:$0x1C140] =	vst v63  }
0xb3: {  	v32 =	vld [tilespmem:$0x13EC0]  }
0xb4: {  	v33 =	vld [tilespmem:$0x13ED0]  }
0xb5: {  	v34 =	vld [tilespmem:$0x13EE0]  }
0xb6: {  	v35 =	vld [tilespmem:$0x13EF0]  }
0xb7: {  	v36 =	vld [tilespmem:$0x13F00]  }
0xb8: {  	v37 =	vld [tilespmem:$0x13F10];
	[tilespmem:$0x1C0C0] =	vst v32  }
0xb9: {  	v38 =	vld [tilespmem:$0x13F20];
	[tilespmem:$0x1C0D0] =	vst v33  }
0xba: {  	v39 =	vld [tilespmem:$0x13F30];
	[tilespmem:$0x1C0E0] =	vst v34  }
0xbb: {  	[tilespmem:$0x1C0F0] =	vst v35  }
0xbc: {  	[tilespmem:$0x1C100] =	vst v36  }
0xbd: {  	[tilespmem:$0x1C110] =	vst v37  }
0xbe: {  	[tilespmem:$0x1C120] =	vst v38  }
0xbf: {  	[tilespmem:$0x1C130] =	vst v39  }
0xc0: {  	_ =	swait.ge [sflag:s15], $0x4000  }
0xc1: {  	[sflag:s15] =	ssyncset.done $0x0  }
0xc2: {  	[sflag:s15] =	ssyncadd.s32 $0xFFFFC000  }
0xc3: {  	[spmem:s2] =	stream.indirect.scatter.add.f32 [tilespmem:s12], [sflag:$0x3], $0x80, s16, s11, $0xb8;
	[tilespmem:$0x1C140] =	vst v63  }
0xc4: {  	_ =	swait.ge [sflag:s9], $0x4000  }
0xc5: {  	[sflag:s9] =	ssyncset.done $0x0  }
0xc6: {  	[sflag:s9] =	ssyncadd.s32 $0xFFFFC000  }
0xc7: {  	[tilespmem:s12], [sflag:$0x1] =	stream.indirect.gather [hbm4b:s5+s11], $0x80, s22, s11, $0xb8;
	[tilespmem:$0x1C140] =	vst v63  }
0xc8: {  	v40 =	vld [tilespmem:$0x13F40]  }
0xc9: {  	v41 =	vld [tilespmem:$0x13F50]  }
0xca: {  	v42 =	vld [tilespmem:$0x13F60]  }
0xcb: {  	v43 =	vld [tilespmem:$0x13F70]  }
0xcc: {  	v44 =	vld [tilespmem:$0x13F80]  }
0xcd: {  	v45 =	vld [tilespmem:$0x13F90];
	[tilespmem:$0x1C0C0] =	vst v40  }
0xce: {  	v46 =	vld [tilespmem:$0x13FA0];
	[tilespmem:$0x1C0D0] =	vst v41  }
0xcf: {  	v47 =	vld [tilespmem:$0x13FB0];
	[tilespmem:$0x1C0E0] =	vst v42  }
0xd0: {  	[tilespmem:$0x1C0F0] =	vst v43  }
0xd1: {  	[tilespmem:$0x1C100] =	vst v44  }
0xd2: {  	[tilespmem:$0x1C110] =	vst v45  }
0xd3: {  	[tilespmem:$0x1C120] =	vst v46  }
0xd4: {  	[tilespmem:$0x1C130] =	vst v47  }
0xd5: {  	_ =	swait.ge [sflag:s18], $0x4000  }
0xd6: {  	[sflag:s18] =	ssyncset.done $0x0  }
0xd7: {  	[sflag:s18] =	ssyncadd.s32 $0xFFFFC000  }
0xd8: {  	[spmem:s2] =	stream.indirect.scatter.add.f32 [tilespmem:s14], [sflag:$0x3], $0x80, s16, s11, $0xb8;
	[tilespmem:$0x1C140] =	vst v63  }
0xd9: {  	_ =	swait.ge [sflag:s9], $0x4000  }
0xda: {  	[sflag:s9] =	ssyncset.done $0x0  }
0xdb: {  	[sflag:s9] =	ssyncadd.s32 $0xFFFFC000  }
0xdc: {  	[tilespmem:s14], [sflag:$0x2] =	stream.indirect.gather [hbm4b:s5+s11], $0x80, s6, s11, $0xb8;
	[tilespmem:$0x1C140] =	vst v63  }
0xdd: {  	v48 =	vld [tilespmem:$0x13FC0]  }
0xde: {  	v49 =	vld [tilespmem:$0x13FD0]  }
0xdf: {  	v50 =	vld [tilespmem:$0x13FE0]  }
0xe0: {  	v51 =	vld [tilespmem:$0x13FF0]  }
0xe1: {  	v52 =	vld [tilespmem:$0x14000]  }
0xe2: {  	v53 =	vld [tilespmem:$0x14010];
	[tilespmem:$0x1C0C0] =	vst v48  }
0xe3: {  	v54 =	vld [tilespmem:$0x14020];
	[tilespmem:$0x1C0D0] =	vst v49  }
0xe4: {  	v55 =	vld [tilespmem:$0x14030];
	[tilespmem:$0x1C0E0] =	vst v50  }
0xe5: {  	[tilespmem:$0x1C0F0] =	vst v51  }
0xe6: {  	[tilespmem:$0x1C100] =	vst v52  }
0xe7: {  	[tilespmem:$0x1C110] =	vst v53  }
0xe8: {  	[tilespmem:$0x1C120] =	vst v54  }
0xe9: {  	[tilespmem:$0x1C130] =	vst v55  }
0xea: {  	_ =	swait.ge [sflag:s15], $0x4000  }
0xeb: {  	[sflag:s15] =	ssyncset.done $0x0  }
0xec: {  	[sflag:s15] =	ssyncadd.s32 $0xFFFFC000  }
0xed: {  	[spmem:s2] =	stream.indirect.scatter.add.f32 [tilespmem:s12], [sflag:$0x3], $0x80, s16, s11, $0xb8;
	[tilespmem:$0x1C140] =	vst v63  }
0xee: {  	_ =	swait.ge [sflag:s9], $0x4000  }
0xef: {  	[sflag:s9] =	ssyncset.done $0x0  }
0xf0: {  	[sflag:s9] =	ssyncadd.s32 $0xFFFFC000  }
0xf1: {  	v56 =	vld [tilespmem:$0x14040]  }
0xf2: {  	v57 =	vld [tilespmem:$0x14050]  }
0xf3: {  	v58 =	vld [tilespmem:$0x14060]  }
0xf4: {  	v59 =	vld [tilespmem:$0x14070]  }
0xf5: {  	v60 =	vld [tilespmem:$0x14080]  }
0xf6: {  	v61 =	vld [tilespmem:$0x14090];
	[tilespmem:$0x1C0C0] =	vst v56  }
0xf7: {  	v62 =	vld [tilespmem:$0x140A0];
	[tilespmem:$0x1C0D0] =	vst v57  }
0xf8: {  	v63 =	vld [tilespmem:$0x140B0];
	[tilespmem:$0x1C0E0] =	vst v58  }
0xf9: {  	[tilespmem:$0x1C0F0] =	vst v59  }
0xfa: {  	[tilespmem:$0x1C100] =	vst v60  }
0xfb: {  	[tilespmem:$0x1C110] =	vst v61  }
0xfc: {  	[tilespmem:$0x1C120] =	vst v62  }
0xfd: {  	[tilespmem:$0x1C130] =	vst v63  }
0xfe: {  	_ =	swait.ge [sflag:s18], $0x4000  }
0xff: {  	p2 =	sne.s32 s28, $0x980;
	[sflag:s18] =	ssyncset.done $0x0  }
.Ltmp3:
0x100: {  	[sflag:s18] =	ssyncadd.s32 $0xFFFFC000;
	(pc) =	sbr.rel @p2 .LBB2_3-.Ltmp3, $4  }
0x101: {  	[spmem:s2] =	stream.indirect.scatter.add.f32 [tilespmem:s14], [sflag:$0x3], $0x80, s16, s11, $0xb8;
	[tilespmem:$0x1C140] =	vst v63  }
0x102: {  	_ =	swait.ge [sflag:s9], $0x4000  }
0x103: {  	[sflag:s9] =	ssyncset.done $0x0  }
0x104: {  	s28 =	sadd.s32 $0x80, s28;
	[sflag:s9] =	ssyncadd.s32 $0xFFFFC000  }
.Ltmp4:
0x105: {  	_ = 	snop;
	(pc) =	sbr.rel .LBB2_4-.Ltmp4, $1  }
0x106: {  	_ =	sdelay $0x3  }
.LBB2_2:
0x107: {  	s28 =	sadd.s32 s26, s25  }
0x108: {  	[tilespmem:s8], [sflag:$0x3] =	stream.linear.gather [hbm4b:s28+s3], $0x400, $0x38;
	[tilespmem:$0x1C140] =	vst v63  }
0x109: {  	_ =	swait.ge [sflag:s9], $0x400  }
0x10a: {  	[sflag:s9] =	ssyncset.done $0x0  }
0x10b: {  	s29 =	sadd.s32 s26, s24;
	[sflag:s9] =	ssyncadd.s32 $0xFFFFFC00  }
0x10c: {  	[tilespmem:s10], [sflag:$0x3] =	stream.linear.gather [hbm4b:s29+s3], $0x400, $0x38;
	[tilespmem:$0x1C140] =	vst v63  }
0x10d: {  	_ =	swait.ge [sflag:s9], $0x400  }
0x10e: {  	[sflag:s9] =	ssyncset.done $0x0  }
0x10f: {  	[sflag:s9] =	ssyncadd.s32 $0xFFFFFC00  }
0x110: {  	[tilespmem:s12], [sflag:$0x1] =	stream.indirect.gather [hbm4b:s4+s11], $0x80, s8, s11, $0xb8;
	[tilespmem:$0x1C140] =	vst v63  }
0x111: {  	_ = 	snop  }
0x112: {  	[tilespmem:s14], [sflag:$0x2] =	stream.indirect.gather [hbm4b:s4+s11], $0x80, s13, s11, $0xb8;
	[tilespmem:$0x1C140] =	vst v63  }
0x113: {  	v0 =	vld [tilespmem:$0x13CC0]  }
0x114: {  	v1 =	vld [tilespmem:$0x13CD0]  }
0x115: {  	v2 =	vld [tilespmem:$0x13CE0]  }
0x116: {  	v3 =	vld [tilespmem:$0x13CF0]  }
0x117: {  	v4 =	vld [tilespmem:$0x13D00]  }
0x118: {  	v5 =	vld [tilespmem:$0x13D10];
	[tilespmem:$0x1C0C0] =	vst v0  }
0x119: {  	v6 =	vld [tilespmem:$0x13D20];
	[tilespmem:$0x1C0D0] =	vst v1  }
0x11a: {  	v7 =	vld [tilespmem:$0x13D30];
	[tilespmem:$0x1C0E0] =	vst v2  }
0x11b: {  	[tilespmem:$0x1C0F0] =	vst v3  }
0x11c: {  	[tilespmem:$0x1C100] =	vst v4  }
0x11d: {  	[tilespmem:$0x1C110] =	vst v5  }
0x11e: {  	[tilespmem:$0x1C120] =	vst v6  }
0x11f: {  	[tilespmem:$0x1C130] =	vst v7  }
0x120: {  	_ =	swait.ge [sflag:s15], $0x4000  }
0x121: {  	[sflag:s15] =	ssyncset.done $0x0  }
0x122: {  	[sflag:s15] =	ssyncadd.s32 $0xFFFFC000  }
0x123: {  	[spmem:s2] =	stream.indirect.scatter.add.f32 [tilespmem:s12], [sflag:$0x3], $0x80, s16, s11, $0xb8;
	[tilespmem:$0x1C140] =	vst v63  }
0x124: {  	_ =	swait.ge [sflag:s9], $0x4000  }
0x125: {  	[sflag:s9] =	ssyncset.done $0x0  }
0x126: {  	[sflag:s9] =	ssyncadd.s32 $0xFFFFC000  }
0x127: {  	[tilespmem:s12], [sflag:$0x1] =	stream.indirect.gather [hbm4b:s4+s11], $0x80, s17, s11, $0xb8;
	[tilespmem:$0x1C140] =	vst v63  }
0x128: {  	v8 =	vld [tilespmem:$0x13D40]  }
0x129: {  	v9 =	vld [tilespmem:$0x13D50]  }
0x12a: {  	v10 =	vld [tilespmem:$0x13D60]  }
0x12b: {  	v11 =	vld [tilespmem:$0x13D70]  }
0x12c: {  	v12 =	vld [tilespmem:$0x13D80]  }
0x12d: {  	v13 =	vld [tilespmem:$0x13D90];
	[tilespmem:$0x1C0C0] =	vst v8  }
0x12e: {  	v14 =	vld [tilespmem:$0x13DA0];
	[tilespmem:$0x1C0D0] =	vst v9  }
0x12f: {  	v15 =	vld [tilespmem:$0x13DB0];
	[tilespmem:$0x1C0E0] =	vst v10  }
0x130: {  	[tilespmem:$0x1C0F0] =	vst v11  }
0x131: {  	[tilespmem:$0x1C100] =	vst v12  }
0x132: {  	[tilespmem:$0x1C110] =	vst v13  }
0x133: {  	[tilespmem:$0x1C120] =	vst v14  }
0x134: {  	[tilespmem:$0x1C130] =	vst v15  }
0x135: {  	_ =	swait.ge [sflag:s18], $0x4000  }
0x136: {  	[sflag:s18] =	ssyncset.done $0x0  }
0x137: {  	[sflag:s18] =	ssyncadd.s32 $0xFFFFC000  }
0x138: {  	[spmem:s2] =	stream.indirect.scatter.add.f32 [tilespmem:s14], [sflag:$0x3], $0x80, s16, s11, $0xb8;
	[tilespmem:$0x1C140] =	vst v63  }
0x139: {  	_ =	swait.ge [sflag:s9], $0x4000  }
0x13a: {  	[sflag:s9] =	ssyncset.done $0x0  }
0x13b: {  	[sflag:s9] =	ssyncadd.s32 $0xFFFFC000  }
0x13c: {  	[tilespmem:s14], [sflag:$0x2] =	stream.indirect.gather [hbm4b:s4+s11], $0x80, s19, s11, $0xb8;
	[tilespmem:$0x1C140] =	vst v63  }
0x13d: {  	v16 =	vld [tilespmem:$0x13DC0]  }
0x13e: {  	v17 =	vld [tilespmem:$0x13DD0]  }
0x13f: {  	v18 =	vld [tilespmem:$0x13DE0]  }
0x140: {  	v19 =	vld [tilespmem:$0x13DF0]  }
0x141: {  	v20 =	vld [tilespmem:$0x13E00]  }
0x142: {  	v21 =	vld [tilespmem:$0x13E10];
	[tilespmem:$0x1C0C0] =	vst v16  }
0x143: {  	v22 =	vld [tilespmem:$0x13E20];
	[tilespmem:$0x1C0D0] =	vst v17  }
0x144: {  	v23 =	vld [tilespmem:$0x13E30];
	[tilespmem:$0x1C0E0] =	vst v18  }
0x145: {  	[tilespmem:$0x1C0F0] =	vst v19  }
0x146: {  	[tilespmem:$0x1C100] =	vst v20  }
0x147: {  	[tilespmem:$0x1C110] =	vst v21  }
0x148: {  	[tilespmem:$0x1C120] =	vst v22  }
0x149: {  	[tilespmem:$0x1C130] =	vst v23  }
0x14a: {  	_ =	swait.ge [sflag:s15], $0x4000  }
0x14b: {  	[sflag:s15] =	ssyncset.done $0x0  }
0x14c: {  	[sflag:s15] =	ssyncadd.s32 $0xFFFFC000  }
0x14d: {  	[spmem:s2] =	stream.indirect.scatter.add.f32 [tilespmem:s12], [sflag:$0x3], $0x80, s16, s11, $0xb8;
	[tilespmem:$0x1C140] =	vst v63  }
0x14e: {  	_ =	swait.ge [sflag:s9], $0x4000  }
0x14f: {  	[sflag:s9] =	ssyncset.done $0x0  }
0x150: {  	[sflag:s9] =	ssyncadd.s32 $0xFFFFC000  }
0x151: {  	[tilespmem:s12], [sflag:$0x1] =	stream.indirect.gather [hbm4b:s4+s11], $0x80, s20, s11, $0xb8;
	[tilespmem:$0x1C140] =	vst v63  }
0x152: {  	v24 =	vld [tilespmem:$0x13E40]  }
0x153: {  	v25 =	vld [tilespmem:$0x13E50]  }
0x154: {  	v26 =	vld [tilespmem:$0x13E60]  }
0x155: {  	v27 =	vld [tilespmem:$0x13E70]  }
0x156: {  	v28 =	vld [tilespmem:$0x13E80]  }
0x157: {  	v29 =	vld [tilespmem:$0x13E90];
	[tilespmem:$0x1C0C0] =	vst v24  }
0x158: {  	v30 =	vld [tilespmem:$0x13EA0];
	[tilespmem:$0x1C0D0] =	vst v25  }
0x159: {  	v31 =	vld [tilespmem:$0x13EB0];
	[tilespmem:$0x1C0E0] =	vst v26  }
0x15a: {  	[tilespmem:$0x1C0F0] =	vst v27  }
0x15b: {  	[tilespmem:$0x1C100] =	vst v28  }
0x15c: {  	[tilespmem:$0x1C110] =	vst v29  }
0x15d: {  	[tilespmem:$0x1C120] =	vst v30  }
0x15e: {  	[tilespmem:$0x1C130] =	vst v31  }
0x15f: {  	_ =	swait.ge [sflag:s18], $0x4000  }
0x160: {  	[sflag:s18] =	ssyncset.done $0x0  }
0x161: {  	[sflag:s18] =	ssyncadd.s32 $0xFFFFC000  }
0x162: {  	[spmem:s2] =	stream.indirect.scatter.add.f32 [tilespmem:s14], [sflag:$0x3], $0x80, s16, s11, $0xb8;
	[tilespmem:$0x1C140] =	vst v63  }
0x163: {  	_ =	swait.ge [sflag:s9], $0x4000  }
0x164: {  	[sflag:s9] =	ssyncset.done $0x0  }
0x165: {  	[sflag:s9] =	ssyncadd.s32 $0xFFFFC000  }
0x166: {  	[tilespmem:s14], [sflag:$0x2] =	stream.indirect.gather [hbm4b:s4+s11], $0x80, s21, s11, $0xb8;
	[tilespmem:$0x1C140] =	vst v63  }
0x167: {  	v32 =	vld [tilespmem:$0x13EC0]  }
0x168: {  	v33 =	vld [tilespmem:$0x13ED0]  }
0x169: {  	v34 =	vld [tilespmem:$0x13EE0]  }
0x16a: {  	v35 =	vld [tilespmem:$0x13EF0]  }
0x16b: {  	v36 =	vld [tilespmem:$0x13F00]  }
0x16c: {  	v37 =	vld [tilespmem:$0x13F10];
	[tilespmem:$0x1C0C0] =	vst v32  }
0x16d: {  	v38 =	vld [tilespmem:$0x13F20];
	[tilespmem:$0x1C0D0] =	vst v33  }
0x16e: {  	v39 =	vld [tilespmem:$0x13F30];
	[tilespmem:$0x1C0E0] =	vst v34  }
0x16f: {  	[tilespmem:$0x1C0F0] =	vst v35  }
0x170: {  	[tilespmem:$0x1C100] =	vst v36  }
0x171: {  	[tilespmem:$0x1C110] =	vst v37  }
0x172: {  	[tilespmem:$0x1C120] =	vst v38  }
0x173: {  	[tilespmem:$0x1C130] =	vst v39  }
0x174: {  	_ =	swait.ge [sflag:s15], $0x4000  }
0x175: {  	[sflag:s15] =	ssyncset.done $0x0  }
0x176: {  	[sflag:s15] =	ssyncadd.s32 $0xFFFFC000  }
0x177: {  	[spmem:s2] =	stream.indirect.scatter.add.f32 [tilespmem:s12], [sflag:$0x3], $0x80, s16, s11, $0xb8;
	[tilespmem:$0x1C140] =	vst v63  }
0x178: {  	_ =	swait.ge [sflag:s9], $0x4000  }
0x179: {  	[sflag:s9] =	ssyncset.done $0x0  }
0x17a: {  	[sflag:s9] =	ssyncadd.s32 $0xFFFFC000  }
0x17b: {  	[tilespmem:s12], [sflag:$0x1] =	stream.indirect.gather [hbm4b:s4+s11], $0x80, s22, s11, $0xb8;
	[tilespmem:$0x1C140] =	vst v63  }
0x17c: {  	v40 =	vld [tilespmem:$0x13F40]  }
0x17d: {  	v41 =	vld [tilespmem:$0x13F50]  }
0x17e: {  	v42 =	vld [tilespmem:$0x13F60]  }
0x17f: {  	v43 =	vld [tilespmem:$0x13F70]  }
0x180: {  	v44 =	vld [tilespmem:$0x13F80]  }
0x181: {  	v45 =	vld [tilespmem:$0x13F90];
	[tilespmem:$0x1C0C0] =	vst v40  }
0x182: {  	v46 =	vld [tilespmem:$0x13FA0];
	[tilespmem:$0x1C0D0] =	vst v41  }
0x183: {  	v47 =	vld [tilespmem:$0x13FB0];
	[tilespmem:$0x1C0E0] =	vst v42  }
0x184: {  	[tilespmem:$0x1C0F0] =	vst v43  }
0x185: {  	[tilespmem:$0x1C100] =	vst v44  }
0x186: {  	[tilespmem:$0x1C110] =	vst v45  }
0x187: {  	[tilespmem:$0x1C120] =	vst v46  }
0x188: {  	[tilespmem:$0x1C130] =	vst v47  }
0x189: {  	_ =	swait.ge [sflag:s18], $0x4000  }
0x18a: {  	[sflag:s18] =	ssyncset.done $0x0  }
0x18b: {  	[sflag:s18] =	ssyncadd.s32 $0xFFFFC000  }
0x18c: {  	[spmem:s2] =	stream.indirect.scatter.add.f32 [tilespmem:s14], [sflag:$0x3], $0x80, s16, s11, $0xb8;
	[tilespmem:$0x1C140] =	vst v63  }
0x18d: {  	_ =	swait.ge [sflag:s9], $0x4000  }
0x18e: {  	[sflag:s9] =	ssyncset.done $0x0  }
0x18f: {  	[sflag:s9] =	ssyncadd.s32 $0xFFFFC000  }
0x190: {  	[tilespmem:s14], [sflag:$0x2] =	stream.indirect.gather [hbm4b:s4+s11], $0x80, s6, s11, $0xb8;
	[tilespmem:$0x1C140] =	vst v63  }
0x191: {  	v48 =	vld [tilespmem:$0x13FC0]  }
0x192: {  	v49 =	vld [tilespmem:$0x13FD0]  }
0x193: {  	v50 =	vld [tilespmem:$0x13FE0]  }
0x194: {  	v51 =	vld [tilespmem:$0x13FF0]  }
0x195: {  	v52 =	vld [tilespmem:$0x14000]  }
0x196: {  	v53 =	vld [tilespmem:$0x14010];
	[tilespmem:$0x1C0C0] =	vst v48  }
0x197: {  	v54 =	vld [tilespmem:$0x14020];
	[tilespmem:$0x1C0D0] =	vst v49  }
0x198: {  	v55 =	vld [tilespmem:$0x14030];
	[tilespmem:$0x1C0E0] =	vst v50  }
0x199: {  	[tilespmem:$0x1C0F0] =	vst v51  }
0x19a: {  	[tilespmem:$0x1C100] =	vst v52  }
0x19b: {  	[tilespmem:$0x1C110] =	vst v53  }
0x19c: {  	[tilespmem:$0x1C120] =	vst v54  }
0x19d: {  	[tilespmem:$0x1C130] =	vst v55  }
0x19e: {  	_ =	swait.ge [sflag:s15], $0x4000  }
0x19f: {  	[sflag:s15] =	ssyncset.done $0x0  }
0x1a0: {  	[sflag:s15] =	ssyncadd.s32 $0xFFFFC000  }
0x1a1: {  	[spmem:s2] =	stream.indirect.scatter.add.f32 [tilespmem:s12], [sflag:$0x3], $0x80, s16, s11, $0xb8;
	[tilespmem:$0x1C140] =	vst v63  }
0x1a2: {  	_ =	swait.ge [sflag:s9], $0x4000  }
0x1a3: {  	[sflag:s9] =	ssyncset.done $0x0  }
0x1a4: {  	[sflag:s9] =	ssyncadd.s32 $0xFFFFC000  }
0x1a5: {  	v56 =	vld [tilespmem:$0x14040]  }
0x1a6: {  	v57 =	vld [tilespmem:$0x14050]  }
0x1a7: {  	v58 =	vld [tilespmem:$0x14060]  }
0x1a8: {  	v59 =	vld [tilespmem:$0x14070]  }
0x1a9: {  	v60 =	vld [tilespmem:$0x14080]  }
0x1aa: {  	v61 =	vld [tilespmem:$0x14090];
	[tilespmem:$0x1C0C0] =	vst v56  }
0x1ab: {  	v62 =	vld [tilespmem:$0x140A0];
	[tilespmem:$0x1C0D0] =	vst v57  }
0x1ac: {  	v63 =	vld [tilespmem:$0x140B0];
	[tilespmem:$0x1C0E0] =	vst v58  }
0x1ad: {  	[tilespmem:$0x1C0F0] =	vst v59  }
0x1ae: {  	[tilespmem:$0x1C100] =	vst v60  }
0x1af: {  	[tilespmem:$0x1C110] =	vst v61  }
0x1b0: {  	[tilespmem:$0x1C120] =	vst v62  }
0x1b1: {  	[tilespmem:$0x1C130] =	vst v63  }
0x1b2: {  	_ =	swait.ge [sflag:s18], $0x4000  }
0x1b3: {  	p2 =	seq.s32 s26, $0x980;
	[sflag:s18] =	ssyncset.done $0x0  }
.Ltmp5:
0x1b4: {  	[sflag:s18] =	ssyncadd.s32 $0xFFFFC000;
	(pc) =	sbr.rel @!p2 .LBB2_2-.Ltmp5, $4  }
0x1b5: {  	[spmem:s2] =	stream.indirect.scatter.add.f32 [tilespmem:s14], [sflag:$0x3], $0x80, s16, s11, $0xb8;
	[tilespmem:$0x1C140] =	vst v63  }
0x1b6: {  	_ =	swait.ge [sflag:s9], $0x4000  }
0x1b7: {  	[sflag:s9] =	ssyncset.done $0x0  }
0x1b8: {  	s26 =	sadd.s32 $0x80, s26;
	[sflag:s9] =	ssyncadd.s32 $0xFFFFC000  }
.LBB2_4:
.Ltmp6:
0x1b9: {  	(pc) =	sbr.rel @p1 .LBB2_6-.Ltmp6, $2  }
0x1ba: {  	_ =	sdelay $0x1  }
0x1bb: {  	[bflag:$0x0] =	sbarrier.arrive $0xFFFF;
	_ =	sdelay $0x1  }
0x1bc: {  	[tilespmem:s12], [sflag:$0x3] =	stream.linear.gather [spmem:s7], $0x4000, $0x38;
	[tilespmem:$0x1C140] =	vst v63  }
0x1bd: {  	_ =	swait.ge [sflag:s9], $0x4000  }
0x1be: {  	[sflag:s9] =	ssyncset.done $0x0  }
0x1bf: {  	s26 =	rddreg [dreg:$0x4];
	[sflag:s9] =	ssyncadd.s32 $0xFFFFC000  }
0x1c0: {  	[hbm4b:s26+s3] =	stream.linear.scatter [tilespmem:s12], [sflag:$0x3], $0x4000, $0x38;
	[tilespmem:$0x1C140] =	vst v63  }
0x1c1: {  	_ =	swait.ge [sflag:s9], $0x4000  }
0x1c2: {  	[sflag:s9] =	ssyncset.done $0x0  }
0x1c3: {  	s28 =	rddreg [dreg:$0x5];
	[sflag:s9] =	ssyncadd.s32 $0xFFFFC000  }
0x1c4: {  	[tilespmem:s12], [sflag:$0x3] =	stream.linear.gather [spmem:s28], $0x4000, $0x38;
	[tilespmem:$0x1C140] =	vst v63  }
0x1c5: {  	_ =	swait.ge [sflag:s9], $0x4000  }
0x1c6: {  	[sflag:s9] =	ssyncset.done $0x0  }
0x1c7: {  	s29 =	rddreg [dreg:$0x6];
	[sflag:s9] =	ssyncadd.s32 $0xFFFFC000  }
0x1c8: {  	[hbm4b:s29+s3] =	stream.linear.scatter [tilespmem:s12], [sflag:$0x3], $0x4000, $0x38;
	[tilespmem:$0x1C140] =	vst v63  }
0x1c9: {  	_ =	swait.ge [sflag:s9], $0x4000  }
0x1ca: {  	[sflag:s9] =	ssyncset.done $0x0  }
0x1cb: {  	s28 =	rddreg [dreg:$0x7];
	[sflag:s9] =	ssyncadd.s32 $0xFFFFC000  }
0x1cc: {  	[tilespmem:s12], [sflag:$0x3] =	stream.linear.gather [spmem:s28], $0x4000, $0x38;
	[tilespmem:$0x1C140] =	vst v63  }
0x1cd: {  	_ =	swait.ge [sflag:s9], $0x4000  }
0x1ce: {  	[sflag:s9] =	ssyncset.done $0x0  }
0x1cf: {  	s29 =	rddreg [dreg:$0x8];
	[sflag:s9] =	ssyncadd.s32 $0xFFFFC000  }
0x1d0: {  	[hbm4b:s29+s3] =	stream.linear.scatter [tilespmem:s12], [sflag:$0x3], $0x4000, $0x38;
	[tilespmem:$0x1C140] =	vst v63  }
0x1d1: {  	_ =	swait.ge [sflag:s9], $0x4000  }
0x1d2: {  	[sflag:s9] =	ssyncset.done $0x0  }
0x1d3: {  	s28 =	rddreg [dreg:$0x9];
	[sflag:s9] =	ssyncadd.s32 $0xFFFFC000  }
0x1d4: {  	[tilespmem:s12], [sflag:$0x3] =	stream.linear.gather [spmem:s28], $0x4000, $0x38;
	[tilespmem:$0x1C140] =	vst v63  }
0x1d5: {  	_ =	swait.ge [sflag:s9], $0x4000  }
0x1d6: {  	[sflag:s9] =	ssyncset.done $0x0  }
0x1d7: {  	s29 =	rddreg [dreg:$0xa];
	[sflag:s9] =	ssyncadd.s32 $0xFFFFC000  }
0x1d8: {  	[hbm4b:s29+s3] =	stream.linear.scatter [tilespmem:s12], [sflag:$0x3], $0x4000, $0x38;
	[tilespmem:$0x1C140] =	vst v63  }
0x1d9: {  	_ =	swait.ge [sflag:s9], $0x4000  }
0x1da: {  	[sflag:s9] =	ssyncset.done $0x0  }
0x1db: {  	s28 =	rddreg [dreg:$0xb];
	[sflag:s9] =	ssyncadd.s32 $0xFFFFC000  }
0x1dc: {  	[tilespmem:s12], [sflag:$0x3] =	stream.linear.gather [spmem:s28], $0x4000, $0x38;
	[tilespmem:$0x1C140] =	vst v63  }
0x1dd: {  	_ =	swait.ge [sflag:s9], $0x4000  }
0x1de: {  	[sflag:s9] =	ssyncset.done $0x0  }
0x1df: {  	s29 =	rddreg [dreg:$0xc];
	[sflag:s9] =	ssyncadd.s32 $0xFFFFC000  }
0x1e0: {  	[hbm4b:s29+s3] =	stream.linear.scatter [tilespmem:s12], [sflag:$0x3], $0x4000, $0x38;
	[tilespmem:$0x1C140] =	vst v63  }
0x1e1: {  	_ =	swait.ge [sflag:s9], $0x4000  }
0x1e2: {  	[sflag:s9] =	ssyncset.done $0x0  }
0x1e3: {  	s28 =	rddreg [dreg:$0xd];
	[sflag:s9] =	ssyncadd.s32 $0xFFFFC000  }
0x1e4: {  	[tilespmem:s12], [sflag:$0x3] =	stream.linear.gather [spmem:s28], $0x4000, $0x38;
	[tilespmem:$0x1C140] =	vst v63  }
0x1e5: {  	_ =	swait.ge [sflag:s9], $0x4000  }
0x1e6: {  	[sflag:s9] =	ssyncset.done $0x0  }
0x1e7: {  	s29 =	rddreg [dreg:$0xe];
	[sflag:s9] =	ssyncadd.s32 $0xFFFFC000  }
0x1e8: {  	[hbm4b:s29+s3] =	stream.linear.scatter [tilespmem:s12], [sflag:$0x3], $0x4000, $0x38;
	[tilespmem:$0x1C140] =	vst v63  }
0x1e9: {  	_ =	swait.ge [sflag:s9], $0x4000  }
0x1ea: {  	[sflag:s9] =	ssyncset.done $0x0  }
0x1eb: {  	s28 =	rddreg [dreg:$0xf];
	[sflag:s9] =	ssyncadd.s32 $0xFFFFC000  }
0x1ec: {  	[tilespmem:s12], [sflag:$0x3] =	stream.linear.gather [spmem:s28], $0x4000, $0x38;
	[tilespmem:$0x1C140] =	vst v63  }
0x1ed: {  	_ =	swait.ge [sflag:s9], $0x4000  }
0x1ee: {  	[sflag:s9] =	ssyncset.done $0x0  }
0x1ef: {  	s29 =	rddreg [dreg:$0x10];
	[sflag:s9] =	ssyncadd.s32 $0xFFFFC000  }
0x1f0: {  	[hbm4b:s29+s3] =	stream.linear.scatter [tilespmem:s12], [sflag:$0x3], $0x4000, $0x38;
	[tilespmem:$0x1C140] =	vst v63  }
0x1f1: {  	_ =	swait.ge [sflag:s9], $0x4000  }
0x1f2: {  	[sflag:s9] =	ssyncset.done $0x0  }
0x1f3: {  	s28 =	rddreg [dreg:$0x11];
	[sflag:s9] =	ssyncadd.s32 $0xFFFFC000  }
0x1f4: {  	[tilespmem:s12], [sflag:$0x3] =	stream.linear.gather [spmem:s28], $0x3400, $0x38;
	[tilespmem:$0x1C140] =	vst v63  }
0x1f5: {  	_ =	swait.ge [sflag:s9], $0x3400  }
0x1f6: {  	[sflag:s9] =	ssyncset.done $0x0  }
.Ltmp7:
0x1f7: {  	s29 =	rddreg [dreg:$0x12];
	[sflag:s9] =	ssyncadd.s32 $0xFFFFCC00;
	(pc) =	sbr.rel .LBB2_6-.Ltmp7, $4  }
0x1f8: {  	[hbm4b:s29+s3] =	stream.linear.scatter [tilespmem:s12], [sflag:$0x3], $0x3400, $0x38;
	[tilespmem:$0x1C140] =	vst v63  }
0x1f9: {  	_ =	swait.ge [sflag:s9], $0x3400  }
0x1fa: {  	[sflag:s9] =	ssyncset.done $0x0  }
0x1fb: {  	[sflag:s9] =	ssyncadd.s32 $0xFFFFCC00  }
.LBB2_7:
0x1fc: {  	_ =	sfence.sel $0x180000  }
0x1fd: {  	[bflag:$0x0] =	sbarrier.arrive $0xFFFF  }
0x1fe: {  	_ =	strace $0x9000004D  }
0x1ff: {  	s0 =	stileid.u32;
	[bflag:$0x2] =	sbarrier.arrive $0xFFFF  }
0x200: {  	p0 =	sne.s32 s0, $0x0;
	s0 =	rddreg [dreg:$0x2]  }
0x201: {  	s0 =	sadd.s32 @!p0 $0x100000, s0  }
0x202: {  	[sflag:s0] =	ssyncadd.tile.s32 @!p0 $0x1;
	_ =	shalt  }
.Lfunc_end2:
_tile_overlayer_lowered:
.L_overlay_start_2:
0x203: {  	(tag) =	ssettag $0x2  }
0x204: {  	s0 =	rddreg [dreg:$0x0];
	s2 =	stileid.u32  }
0x205: {  	s1 =	rddreg [dreg:$0x1];
	p0 =	sne.s32 s2, $0x0  }
0x206: {  	s3 =	rddreg [dreg:$0x2];
	[bflag:$0x3] =	sbarrier.arrive $0xFFFF;
	s2 =	simm.s32 @!p0 $0x1C03  }
0x207: {  	[timem:s3], [sflag:s2] =	dma.local @!p0 [hbm:s0], s1  }
0x208: {  	s0 =	simm.s32 @!p0 $0x3  }
0x209: {  	_ =	swait.ge @!p0 [sflag:s0], s1  }
0x20a: {  	s1 =	ssub.s32 @!p0 $0x0, s1;
	[sflag:s0] =	ssyncset.done @!p0 $0x0  }
0x20b: {  	[sflag:s0] =	ssyncadd.s32 @!p0 s1  }
0x20c: {  	[bflag:$0x3] =	sbarrier.arrive $0xFFFF  }
0x20d: {  	_ =	shalt  }

</sc_bundles>
